<compile_context>
chip_gen: v7x
topology: tpu7x:2x2x1
jax: 0.10.2.dev20260603
libtpu: 0.0.44.dev20260713+nightly
codegen_flags: <defaults>
</compile_context>

<pallas_src>
import functools

import jax
import jax.numpy as jnp
from jax import lax
from jax.experimental import pallas as pl
from jax.experimental.pallas import tpu as pltpu
from jax.experimental.pallas import tpu_sc as plsc

N = 100000
E = 3200000
D = 7
H = 16
OUT = 32
T = 7

NC = 2
NS = 16
L = 128
K = 4
TOTAL_ROWS = E // L
U0 = 97
U0_EXTRA = 10
U1 = 97
U1_EXTRA = 11
C0_UNITS = U0 * NS + U0_EXTRA
assert C0_UNITS + U1 * NS + U1_EXTRA == TOTAL_ROWS // (2 * K)
BLK = 2048
N_PAD = 100096
GRID = -(-N_PAD // BLK)
NP8 = N_PAD // 8
TILE_ROWS = N_PAD // NS
ZROWS = TILE_ROWS // 8


def _typed_transform_body(x_ref, nt_ref, w_ref, o_ref):
    i = pl.program_id(0)
    xb = x_ref[...]
    tb = nt_ref[...]
    acc = jnp.zeros((BLK, H), jnp.float32)
    for t in range(T):
        yt = jnp.dot(xb, w_ref[t], preferred_element_type=jnp.float32)
        acc = acc + jnp.where(tb == t, yt, 0.0)
    row = i * BLK + lax.broadcasted_iota(jnp.int32, (BLK, 1), 0)
    o_ref[...] = jnp.where(row < N, acc, 0.0)


def _typed_transform(x, node_types, W_src):
    return pl.pallas_call(
        _typed_transform_body,
        grid=(GRID,),
        in_specs=[
            pl.BlockSpec((BLK, D), lambda i: (i, 0)),
            pl.BlockSpec((BLK, 1), lambda i: (i, 0)),
            pl.BlockSpec((T, D, H), lambda i: (0, 0, 0)),
        ],
        out_specs=pl.BlockSpec((BLK, H), lambda i: (i, 0)),
        out_shape=jax.ShapeDtypeStruct((N_PAD, H), jnp.float32),
    )(x, node_types.reshape(N, 1), W_src)


def _combine_body(pp_ref, b_ref, o_ref):
    pp = pp_ref[...]
    o_ref[...] = jax.nn.leaky_relu(pp[:NP8] + pp[NP8:] + b_ref[...])


def _combine(parts, b128):
    h128 = pl.pallas_call(
        _combine_body,
        grid=(1,),
        in_specs=[
            pl.BlockSpec((2 * NP8, 128), lambda i: (0, 0)),
            pl.BlockSpec((1, 128), lambda i: (0, 0)),
        ],
        out_specs=pl.BlockSpec((NP8, 128), lambda i: (0, 0)),
        out_shape=jax.ShapeDtypeStruct((NP8, 128), jnp.float32),
    )(parts.reshape(2 * NP8, 128), b128)
    return h128.reshape(N_PAD, H)


def _final_body(pp_ref, wh_ref, bh_ref, wo_ref, bo_ref, wl_ref, bl_ref, o_ref):
    pp = pp_ref[...]
    z = pp[:NP8] + pp[NP8:]
    u = jax.nn.leaky_relu(
        jnp.dot(z, wh_ref[...], preferred_element_type=jnp.float32) + bh_ref[...])
    row = lax.broadcasted_iota(jnp.int32, (NP8, 1), 0)
    u = jnp.where(row < N // 8, u, 0.0)
    s = jnp.sum(u, axis=0, keepdims=True)
    m = sum(s[:, 16 * g:16 * g + 16] for g in range(8)) / N
    g = jax.nn.sigmoid(
        jnp.dot(m, wo_ref[...], preferred_element_type=jnp.float32) + bo_ref[...])
    o_ref[...] = jax.nn.sigmoid(
        jnp.dot(g, wl_ref[...], preferred_element_type=jnp.float32) + bl_ref[...])


def _final(parts, W128, b128h, W_out, b_out, W_log, b_log):
    return pl.pallas_call(
        _final_body,
        grid=(1,),
        in_specs=[
            pl.BlockSpec((2 * NP8, 128), lambda i: (0, 0)),
            pl.BlockSpec((128, 128), lambda i: (0, 0)),
            pl.BlockSpec((1, 128), lambda i: (0, 0)),
            pl.BlockSpec((H, OUT), lambda i: (0, 0)),
            pl.BlockSpec((1, OUT), lambda i: (0, 0)),
            pl.BlockSpec((OUT, 1), lambda i: (0, 0)),
            pl.BlockSpec((1, 1), lambda i: (0, 0)),
        ],
        out_specs=pl.BlockSpec((1, 1), lambda i: (0, 0)),
        out_shape=jax.ShapeDtypeStruct((1, 1), jnp.float32),
    )(parts.reshape(2 * NP8, 128), W128, b128h, W_out, b_out.reshape(1, OUT),
      W_log, b_log.reshape(1, 1))


def _sc_pass_kernel(ei_hbm, tab_hbm, out_hbm,
                    sidx, didx, rows, zbuf, acc,
                    isem0, isem1, gsem0, gsem1):
    c = lax.axis_index("c")
    s = lax.axis_index("s")

    def zfill(i, carry):
        zbuf[i, :] = jnp.zeros((H,), jnp.float32)
        return carry
    lax.fori_loop(0, ZROWS, zfill, 0)
    tile_base = s * TILE_ROWS
    for q in range(TILE_ROWS // ZROWS):
        pltpu.sync_copy(zbuf, acc.at[pl.ds(tile_base + q * ZROWS, ZROWS), :])
    plsc.subcore_barrier()

    base_units = jnp.where(c == 0, s * U0 + jnp.minimum(s, U0_EXTRA),
                           C0_UNITS + s * U1 + jnp.minimum(s, U1_EXTRA))
    units = jnp.where(c == 0, U0 + (s < U0_EXTRA).astype(jnp.int32),
                      U1 + (s < U1_EXTRA).astype(jnp.int32))
    base_row = base_units * (2 * K)
    nchunks = units * 2
    isems = (isem0, isem1)
    gsems = (gsem0, gsem1)

    def idx_copies(chunk_id, b, isem):
        r0 = base_row + chunk_id * K
        return (
            pltpu.make_async_copy(ei_hbm.at[0, pl.ds(r0, K), :], sidx.at[b], isem),
            pltpu.make_async_copy(ei_hbm.at[1, pl.ds(r0, K), :], didx.at[b], isem),
        )

    def gather_copies(b, gsem):
        return [pltpu.make_async_copy(tab_hbm.at[sidx.at[b, j]],
                                      rows.at[b, j], gsem)
                for j in range(K)]

    def scatter_chunk(b):
        for j in range(K):
            pltpu.sync_copy(rows.at[b, j], acc.at[didx.at[b, j]], add=True)

    for cp in idx_copies(0, 0, isem0):
        cp.start()

    def pair(go, carry):
        for b in range(2):
            cid = 2 * go + b
            for cp in idx_copies(cid, b, isems[b]):
                cp.wait()
            for cp in gather_copies(b, gsems[b]):
                cp.start()
            if b == 0:
                @pl.when(go > 0)
                def _():
                    for cp in gather_copies(1, gsems[1]):
                        cp.wait()
                    scatter_chunk(1)
            else:
                for cp in gather_copies(0, gsems[0]):
                    cp.wait()
                scatter_chunk(0)
            if b == 0:
                for cp in idx_copies(cid + 1, 1, isems[1]):
                    cp.start()
            else:
                @pl.when(cid + 1 < nchunks)
                def _():
                    for cp in idx_copies(cid + 1, 0, isems[0]):
                        cp.start()
        return carry
    lax.fori_loop(0, nchunks // 2, pair, 0)
    for cp in gather_copies(1, gsems[1]):
        cp.wait()
    scatter_chunk(1)
    plsc.subcore_barrier()

    out_off = c * N_PAD + tile_base
    pltpu.sync_copy(acc.at[pl.ds(tile_base, TILE_ROWS), :],
                    out_hbm.at[pl.ds(out_off, TILE_ROWS), :])


def _sc_pass(ei3, table):
    mesh = plsc.VectorSubcoreMesh(core_axis_name="c", subcore_axis_name="s")
    k = functools.partial(
        pl.kernel,
        out_type=jax.ShapeDtypeStruct((NC * N_PAD, H), jnp.float32),
        mesh=mesh,
        scratch_types=[
            pltpu.VMEM((2, K, L), jnp.int32),
            pltpu.VMEM((2, K, L), jnp.int32),
            pltpu.VMEM((2, K, L, H), jnp.float32),
            pltpu.VMEM((ZROWS, H), jnp.float32),
            pltpu.VMEM_SHARED((N_PAD, H), jnp.float32),
            pltpu.SemaphoreType.DMA,
            pltpu.SemaphoreType.DMA,
            pltpu.SemaphoreType.DMA,
            pltpu.SemaphoreType.DMA,
        ],
        compiler_params=pltpu.CompilerParams(use_tc_tiling_on_sc=False),
    )(_sc_pass_kernel)
    return k(ei3, table)


def kernel(x, edge_index, node_types, W_src, b_src, W_hid, b_hid,
           W_out, b_out, W_log, b_log):
    ei3 = edge_index.reshape(2, TOTAL_ROWS, L)
    b128s = jnp.tile(b_src, 8).reshape(1, 128)
    W128 = jnp.kron(jnp.eye(8, dtype=jnp.float32), W_hid)
    b128h = jnp.tile(b_hid, 8).reshape(1, 128)

    y = _typed_transform(x, node_types, W_src)
    parts1 = _sc_pass(ei3, y)
    h1 = _combine(parts1, b128s)
    parts2 = _sc_pass(ei3, h1)
    return _final(parts2, W128, b128h, W_out, b_out, W_log, b_log)

# --- scband reference (transcript-rebuilt; emitter-appended) ---
"""Pipeline reference for scband-het-gcn-11-21199958573675 (READ-ONLY COPY).

The authoritative reference and input builder live on the scoring server;
editing this copy changes nothing except your own understanding.
"""

import jax, jax.numpy as jnp
import numpy as np

N = 100000
E = 3200000
D = 7
H = 16
OUT = 32
T = 7


def setup_inputs(seed: int = 0) -> dict:
    key = jax.random.key(seed)
    ks = jax.random.split(key, 12)
    x = jax.random.normal(ks[0], (N, D), dtype=jnp.float32)
    edge_index = jax.random.randint(ks[1], (2, E), 0, N, dtype=jnp.int32)
    node_types = jax.random.randint(ks[2], (N,), 0, T, dtype=jnp.int32)
    # learned parameters (per-source-type conv, hidden conv, output proj, final logistic)
    W_src = jax.random.normal(ks[3], (T, D, H), dtype=jnp.float32) * 0.1
    b_src = jnp.zeros((H,), dtype=jnp.float32)
    W_hid = jax.random.normal(ks[4], (H, H), dtype=jnp.float32) * 0.1
    b_hid = jnp.zeros((H,), dtype=jnp.float32)
    W_out = jax.random.normal(ks[5], (H, OUT), dtype=jnp.float32) * 0.1
    b_out = jnp.zeros((OUT,), dtype=jnp.float32)
    W_log = jax.random.normal(ks[6], (OUT, 1), dtype=jnp.float32) * 0.1
    b_log = jnp.full((1,), 0.1, dtype=jnp.float32)
    return {"x": x, "edge_index": edge_index, "node_types": node_types,
            "W_src": W_src, "b_src": b_src, "W_hid": W_hid, "b_hid": b_hid,
            "W_out": W_out, "b_out": b_out, "W_log": W_log, "b_log": b_log}


def reference(x, edge_index, node_types, W_src, b_src, W_hid, b_hid, W_out, b_out, W_log, b_log):
    src = edge_index[0]
    dst = edge_index[1]
    n = x.shape[0]
    msgs = x[src]                      # gather: [E, D]
    src_t = node_types[src]            # gather: [E]
    # HetGCNConv: segregate messages by source neighbour type, per-type transform, sum
    h = jnp.zeros((n, W_src.shape[2]), dtype=x.dtype)
    for t in range(W_src.shape[0]):
        mask = (src_t == t).astype(x.dtype)[:, None]
        agg = jnp.zeros((n, x.shape[1]), dtype=x.dtype).at[dst].add(msgs * mask)  # scatter-add
        h = h + agg @ W_src[t]
    h = jax.nn.leaky_relu(h + b_src)
    # hidden conv layer (num_hidden_conv_layers=1)
    agg = jnp.zeros((n, h.shape[1]), dtype=h.dtype).at[dst].add(h[src])
    h = jax.nn.leaky_relu(agg @ W_hid + b_hid)
    # output projection + graph readout (mean over nodes)
    out_nodes = h @ W_out + b_out      # [N, OUT]
    g = jnp.mean(out_nodes, axis=0)    # [OUT]
    g = jax.nn.sigmoid(g)
    # final_logistic: Linear(OUT, 1) + Sigmoid; _out shape [batch=1, 1]
    logit = jax.nn.sigmoid(g @ W_log + b_log)
    return logit.reshape(1, 1)

if __name__ == "__main__":
    import jax
    _d = setup_inputs()
    print(jax.jit(kernel)(*tuple(_d.values())))

</pallas_src>

<mosaic_0001>
#map = affine_map<(d0, d1) -> (0, 0, 0)>
#map1 = affine_map<(d0, d1) -> (0, 0)>
module attributes {stable_mosaic.version = 14 : i64} {
  func.func @_sc_pass_kernel(%arg0: i32, %arg1: i32, %arg2: memref<2x25000x128xi32, #tpu.memory_space<hbm>>, %arg3: memref<100096x16xf32, #tpu.memory_space<hbm>>, %arg4: memref<200192x16xf32, #tpu.memory_space<hbm>>, %arg5: memref<2x4x128xi32, #tpu.memory_space<vmem>>, %arg6: memref<2x4x128xi32, #tpu.memory_space<vmem>>, %arg7: memref<2x4x128x16xf32, #tpu.memory_space<vmem>>, %arg8: memref<782x16xf32, #tpu.memory_space<vmem>>, %arg9: memref<100096x16xf32, #tpu.memory_space<vmem_shared>>, %arg10: memref<!tpu.dma_semaphore, #tpu.memory_space<semaphore_mem>>, %arg11: memref<!tpu.dma_semaphore, #tpu.memory_space<semaphore_mem>>, %arg12: memref<!tpu.dma_semaphore, #tpu.memory_space<semaphore_mem>>, %arg13: memref<!tpu.dma_semaphore, #tpu.memory_space<semaphore_mem>>) attributes {dimension_semantics = [#tpu.dimension_semantics<core_parallel>, #tpu.dimension_semantics<subcore_parallel>], iteration_bounds = array<i64: 2, 16>, scalar_prefetch = 0 : i64, scratch_operands = 9 : i64, tpu.core_type = #tpu.core_type<sc_vector_subcore>, window_params = [{transform_indices = #map}, {transform_indices = #map1}, {transform_indices = #map1}]} {
    %scan3A = arith.constant 0 : i32
    %scan3A_0 = arith.constant 0 : i32
    %scan3A_1 = arith.constant 782 : i32
    %scan3A_2 = arith.addi %scan3A_0, %scan3A_1 : i32
    %scan3A_3 = arith.constant 1 : i32
    scf.for %scan3A_181 = %scan3A_0 to %scan3A_2 step %scan3A_3  : i32 {
      %broadcast_in_dim3A = arith.constant 0.000000e+00 : f32
      %broadcast_in_dim3A_182 = vector.broadcast %broadcast_in_dim3A : f32 to vector<16xf32>
      %swap3A = arith.index_cast %scan3A_181 : i32 to index
      %swap3A_183 = arith.constant 0 : index
      %swap3A_184 = tpu.vector_load %arg8[%swap3A, %swap3A_183] {strides = array<i32>} : memref<782x16xf32, #tpu.memory_space<vmem>>, vector<1x16xf32>,
      %swap3A_185 = vector.shape_cast %swap3A_184 : vector<1x16xf32> to vector<16xf32>
      %swap3A_186 = vector.shape_cast %broadcast_in_dim3A_182 : vector<16xf32> to vector<1x16xf32>
      tpu.vector_store %arg8[%swap3A, %swap3A_183], %swap3A_186 {strides = array<i32>} : memref<782x16xf32, #tpu.memory_space<vmem>>, vector<1x16xf32>,
    }
    %scan3A_4 = arith.constant 782 : i32
    %mul3A = arith.constant 6256 : i32
    %mul3A_5 = arith.muli %arg1, %mul3A : i32
    %add3A = arith.constant 0 : i32
    %add3A_6 = arith.addi %mul3A_5, %add3A : i32
    "tpu.region"() ({
      %run_scoped3A_181 = tpu.sem_alloc : memref<!tpu.dma_semaphore, #tpu.memory_space<semaphore_mem>>
      %dma_start3A_182 = arith.constant 0 : i32
      %dma_start3A_183 = tpu.memref_slice %arg9[%add3A_6, %dma_start3A_182] : memref<100096x16xf32, #tpu.memory_space<vmem_shared>> -> memref<782x16xf32, #tpu.memory_space<vmem_shared>>
      %dma_start3A_184 = arith.constant 0 : i32
      %dma_start3A_185 = tpu.memref_slice %arg9[%add3A_6, %dma_start3A_184] : memref<100096x16xf32, #tpu.memory_space<vmem_shared>> -> memref<782x16xf32, #tpu.memory_space<vmem_shared>>
      tpu.enqueue_dma source(%arg8 : memref<782x16xf32, #tpu.memory_space<vmem>>) target(%dma_start3A_185 : memref<782x16xf32, #tpu.memory_space<vmem_shared>>) target_semaphore(%run_scoped3A_181 : memref<!tpu.dma_semaphore, #tpu.memory_space<semaphore_mem>>)
      %dma_wait3A_186 = arith.constant 0 : i32
      %dma_wait3A_187 = tpu.memref_slice %arg9[%add3A_6, %dma_wait3A_186] : memref<100096x16xf32, #tpu.memory_space<vmem_shared>> -> memref<782x16xf32, #tpu.memory_space<vmem_shared>>
      %dma_wait3A_188 = arith.constant 0 : i32
      %dma_wait3A_189 = tpu.memref_slice %arg9[%add3A_6, %dma_wait3A_188] : memref<100096x16xf32, #tpu.memory_space<vmem_shared>> -> memref<782x16xf32, #tpu.memory_space<vmem_shared>>
      tpu.wait_dma2 semaphore(%run_scoped3A_181 : memref<!tpu.dma_semaphore, #tpu.memory_space<semaphore_mem>>) src(%arg8 : memref<782x16xf32, #tpu.memory_space<vmem>>) dst(%dma_wait3A_189 : memref<782x16xf32, #tpu.memory_space<vmem_shared>>)
      tpu.yield
    }) : () -> ()
    %add3A_7 = arith.constant 782 : i32
    %add3A_8 = arith.addi %mul3A_5, %add3A_7 : i32
    "tpu.region"() ({
      %run_scoped3A_181 = tpu.sem_alloc : memref<!tpu.dma_semaphore, #tpu.memory_space<semaphore_mem>>
      %dma_start3A_182 = arith.constant 0 : i32
      %dma_start3A_183 = tpu.memref_slice %arg9[%add3A_8, %dma_start3A_182] : memref<100096x16xf32, #tpu.memory_space<vmem_shared>> -> memref<782x16xf32, #tpu.memory_space<vmem_shared>>
      %dma_start3A_184 = arith.constant 0 : i32
      %dma_start3A_185 = tpu.memref_slice %arg9[%add3A_8, %dma_start3A_184] : memref<100096x16xf32, #tpu.memory_space<vmem_shared>> -> memref<782x16xf32, #tpu.memory_space<vmem_shared>>
      tpu.enqueue_dma source(%arg8 : memref<782x16xf32, #tpu.memory_space<vmem>>) target(%dma_start3A_185 : memref<782x16xf32, #tpu.memory_space<vmem_shared>>) target_semaphore(%run_scoped3A_181 : memref<!tpu.dma_semaphore, #tpu.memory_space<semaphore_mem>>)
      %dma_wait3A_186 = arith.constant 0 : i32
      %dma_wait3A_187 = tpu.memref_slice %arg9[%add3A_8, %dma_wait3A_186] : memref<100096x16xf32, #tpu.memory_space<vmem_shared>> -> memref<782x16xf32, #tpu.memory_space<vmem_shared>>
      %dma_wait3A_188 = arith.constant 0 : i32
      %dma_wait3A_189 = tpu.memref_slice %arg9[%add3A_8, %dma_wait3A_188] : memref<100096x16xf32, #tpu.memory_space<vmem_shared>> -> memref<782x16xf32, #tpu.memory_space<vmem_shared>>
      tpu.wait_dma2 semaphore(%run_scoped3A_181 : memref<!tpu.dma_semaphore, #tpu.memory_space<semaphore_mem>>) src(%arg8 : memref<782x16xf32, #tpu.memory_space<vmem>>) dst(%dma_wait3A_189 : memref<782x16xf32, #tpu.memory_space<vmem_shared>>)
      tpu.yield
    }) : () -> ()
    %add3A_9 = arith.constant 1564 : i32
    %add3A_10 = arith.addi %mul3A_5, %add3A_9 : i32
    "tpu.region"() ({
      %run_scoped3A_181 = tpu.sem_alloc : memref<!tpu.dma_semaphore, #tpu.memory_space<semaphore_mem>>
      %dma_start3A_182 = arith.constant 0 : i32
      %dma_start3A_183 = tpu.memref_slice %arg9[%add3A_10, %dma_start3A_182] : memref<100096x16xf32, #tpu.memory_space<vmem_shared>> -> memref<782x16xf32, #tpu.memory_space<vmem_shared>>
      %dma_start3A_184 = arith.constant 0 : i32
      %dma_start3A_185 = tpu.memref_slice %arg9[%add3A_10, %dma_start3A_184] : memref<100096x16xf32, #tpu.memory_space<vmem_shared>> -> memref<782x16xf32, #tpu.memory_space<vmem_shared>>
      tpu.enqueue_dma source(%arg8 : memref<782x16xf32, #tpu.memory_space<vmem>>) target(%dma_start3A_185 : memref<782x16xf32, #tpu.memory_space<vmem_shared>>) target_semaphore(%run_scoped3A_181 : memref<!tpu.dma_semaphore, #tpu.memory_space<semaphore_mem>>)
      %dma_wait3A_186 = arith.constant 0 : i32
      %dma_wait3A_187 = tpu.memref_slice %arg9[%add3A_10, %dma_wait3A_186] : memref<100096x16xf32, #tpu.memory_space<vmem_shared>> -> memref<782x16xf32, #tpu.memory_space<vmem_shared>>
      %dma_wait3A_188 = arith.constant 0 : i32
      %dma_wait3A_189 = tpu.memref_slice %arg9[%add3A_10, %dma_wait3A_188] : memref<100096x16xf32, #tpu.memory_space<vmem_shared>> -> memref<782x16xf32, #tpu.memory_space<vmem_shared>>
      tpu.wait_dma2 semaphore(%run_scoped3A_181 : memref<!tpu.dma_semaphore, #tpu.memory_space<semaphore_mem>>) src(%arg8 : memref<782x16xf32, #tpu.memory_space<vmem>>) dst(%dma_wait3A_189 : memref<782x16xf32, #tpu.memory_space<vmem_shared>>)
      tpu.yield
    }) : () -> ()
    %add3A_11 = arith.constant 2346 : i32
    %add3A_12 = arith.addi %mul3A_5, %add3A_11 : i32
    "tpu.region"() ({
      %run_scoped3A_181 = tpu.sem_alloc : memref<!tpu.dma_semaphore, #tpu.memory_space<semaphore_mem>>
      %dma_start3A_182 = arith.constant 0 : i32
      %dma_start3A_183 = tpu.memref_slice %arg9[%add3A_12, %dma_start3A_182] : memref<100096x16xf32, #tpu.memory_space<vmem_shared>> -> memref<782x16xf32, #tpu.memory_space<vmem_shared>>
      %dma_start3A_184 = arith.constant 0 : i32
      %dma_start3A_185 = tpu.memref_slice %arg9[%add3A_12, %dma_start3A_184] : memref<100096x16xf32, #tpu.memory_space<vmem_shared>> -> memref<782x16xf32, #tpu.memory_space<vmem_shared>>
      tpu.enqueue_dma source(%arg8 : memref<782x16xf32, #tpu.memory_space<vmem>>) target(%dma_start3A_185 : memref<782x16xf32, #tpu.memory_space<vmem_shared>>) target_semaphore(%run_scoped3A_181 : memref<!tpu.dma_semaphore, #tpu.memory_space<semaphore_mem>>)
      %dma_wait3A_186 = arith.constant 0 : i32
      %dma_wait3A_187 = tpu.memref_slice %arg9[%add3A_12, %dma_wait3A_186] : memref<100096x16xf32, #tpu.memory_space<vmem_shared>> -> memref<782x16xf32, #tpu.memory_space<vmem_shared>>
      %dma_wait3A_188 = arith.constant 0 : i32
      %dma_wait3A_189 = tpu.memref_slice %arg9[%add3A_12, %dma_wait3A_188] : memref<100096x16xf32, #tpu.memory_space<vmem_shared>> -> memref<782x16xf32, #tpu.memory_space<vmem_shared>>
      tpu.wait_dma2 semaphore(%run_scoped3A_181 : memref<!tpu.dma_semaphore, #tpu.memory_space<semaphore_mem>>) src(%arg8 : memref<782x16xf32, #tpu.memory_space<vmem>>) dst(%dma_wait3A_189 : memref<782x16xf32, #tpu.memory_space<vmem_shared>>)
      tpu.yield
    }) : () -> ()
    %add3A_13 = arith.constant 3128 : i32
    %add3A_14 = arith.addi %mul3A_5, %add3A_13 : i32
    "tpu.region"() ({
      %run_scoped3A_181 = tpu.sem_alloc : memref<!tpu.dma_semaphore, #tpu.memory_space<semaphore_mem>>
      %dma_start3A_182 = arith.constant 0 : i32
      %dma_start3A_183 = tpu.memref_slice %arg9[%add3A_14, %dma_start3A_182] : memref<100096x16xf32, #tpu.memory_space<vmem_shared>> -> memref<782x16xf32, #tpu.memory_space<vmem_shared>>
      %dma_start3A_184 = arith.constant 0 : i32
      %dma_start3A_185 = tpu.memref_slice %arg9[%add3A_14, %dma_start3A_184] : memref<100096x16xf32, #tpu.memory_space<vmem_shared>> -> memref<782x16xf32, #tpu.memory_space<vmem_shared>>
      tpu.enqueue_dma source(%arg8 : memref<782x16xf32, #tpu.memory_space<vmem>>) target(%dma_start3A_185 : memref<782x16xf32, #tpu.memory_space<vmem_shared>>) target_semaphore(%run_scoped3A_181 : memref<!tpu.dma_semaphore, #tpu.memory_space<semaphore_mem>>)
      %dma_wait3A_186 = arith.constant 0 : i32
      %dma_wait3A_187 = tpu.memref_slice %arg9[%add3A_14, %dma_wait3A_186] : memref<100096x16xf32, #tpu.memory_space<vmem_shared>> -> memref<782x16xf32, #tpu.memory_space<vmem_shared>>
      %dma_wait3A_188 = arith.constant 0 : i32
      %dma_wait3A_189 = tpu.memref_slice %arg9[%add3A_14, %dma_wait3A_188] : memref<100096x16xf32, #tpu.memory_space<vmem_shared>> -> memref<782x16xf32, #tpu.memory_space<vmem_shared>>
      tpu.wait_dma2 semaphore(%run_scoped3A_181 : memref<!tpu.dma_semaphore, #tpu.memory_space<semaphore_mem>>) src(%arg8 : memref<782x16xf32, #tpu.memory_space<vmem>>) dst(%dma_wait3A_189 : memref<782x16xf32, #tpu.memory_space<vmem_shared>>)
      tpu.yield
    }) : () -> ()
    %add3A_15 = arith.constant 3910 : i32
    %add3A_16 = arith.addi %mul3A_5, %add3A_15 : i32
    "tpu.region"() ({
      %run_scoped3A_181 = tpu.sem_alloc : memref<!tpu.dma_semaphore, #tpu.memory_space<semaphore_mem>>
      %dma_start3A_182 = arith.constant 0 : i32
      %dma_start3A_183 = tpu.memref_slice %arg9[%add3A_16, %dma_start3A_182] : memref<100096x16xf32, #tpu.memory_space<vmem_shared>> -> memref<782x16xf32, #tpu.memory_space<vmem_shared>>
      %dma_start3A_184 = arith.constant 0 : i32
      %dma_start3A_185 = tpu.memref_slice %arg9[%add3A_16, %dma_start3A_184] : memref<100096x16xf32, #tpu.memory_space<vmem_shared>> -> memref<782x16xf32, #tpu.memory_space<vmem_shared>>
      tpu.enqueue_dma source(%arg8 : memref<782x16xf32, #tpu.memory_space<vmem>>) target(%dma_start3A_185 : memref<782x16xf32, #tpu.memory_space<vmem_shared>>) target_semaphore(%run_scoped3A_181 : memref<!tpu.dma_semaphore, #tpu.memory_space<semaphore_mem>>)
      %dma_wait3A_186 = arith.constant 0 : i32
      %dma_wait3A_187 = tpu.memref_slice %arg9[%add3A_16, %dma_wait3A_186] : memref<100096x16xf32, #tpu.memory_space<vmem_shared>> -> memref<782x16xf32, #tpu.memory_space<vmem_shared>>
      %dma_wait3A_188 = arith.constant 0 : i32
      %dma_wait3A_189 = tpu.memref_slice %arg9[%add3A_16, %dma_wait3A_188] : memref<100096x16xf32, #tpu.memory_space<vmem_shared>> -> memref<782x16xf32, #tpu.memory_space<vmem_shared>>
      tpu.wait_dma2 semaphore(%run_scoped3A_181 : memref<!tpu.dma_semaphore, #tpu.memory_space<semaphore_mem>>) src(%arg8 : memref<782x16xf32, #tpu.memory_space<vmem>>) dst(%dma_wait3A_189 : memref<782x16xf32, #tpu.memory_space<vmem_shared>>)
      tpu.yield
    }) : () -> ()
    %add3A_17 = arith.constant 4692 : i32
    %add3A_18 = arith.addi %mul3A_5, %add3A_17 : i32
    "tpu.region"() ({
      %run_scoped3A_181 = tpu.sem_alloc : memref<!tpu.dma_semaphore, #tpu.memory_space<semaphore_mem>>
      %dma_start3A_182 = arith.constant 0 : i32
      %dma_start3A_183 = tpu.memref_slice %arg9[%add3A_18, %dma_start3A_182] : memref<100096x16xf32, #tpu.memory_space<vmem_shared>> -> memref<782x16xf32, #tpu.memory_space<vmem_shared>>
      %dma_start3A_184 = arith.constant 0 : i32
      %dma_start3A_185 = tpu.memref_slice %arg9[%add3A_18, %dma_start3A_184] : memref<100096x16xf32, #tpu.memory_space<vmem_shared>> -> memref<782x16xf32, #tpu.memory_space<vmem_shared>>
      tpu.enqueue_dma source(%arg8 : memref<782x16xf32, #tpu.memory_space<vmem>>) target(%dma_start3A_185 : memref<782x16xf32, #tpu.memory_space<vmem_shared>>) target_semaphore(%run_scoped3A_181 : memref<!tpu.dma_semaphore, #tpu.memory_space<semaphore_mem>>)
      %dma_wait3A_186 = arith.constant 0 : i32
      %dma_wait3A_187 = tpu.memref_slice %arg9[%add3A_18, %dma_wait3A_186] : memref<100096x16xf32, #tpu.memory_space<vmem_shared>> -> memref<782x16xf32, #tpu.memory_space<vmem_shared>>
      %dma_wait3A_188 = arith.constant 0 : i32
      %dma_wait3A_189 = tpu.memref_slice %arg9[%add3A_18, %dma_wait3A_188] : memref<100096x16xf32, #tpu.memory_space<vmem_shared>> -> memref<782x16xf32, #tpu.memory_space<vmem_shared>>
      tpu.wait_dma2 semaphore(%run_scoped3A_181 : memref<!tpu.dma_semaphore, #tpu.memory_space<semaphore_mem>>) src(%arg8 : memref<782x16xf32, #tpu.memory_space<vmem>>) dst(%dma_wait3A_189 : memref<782x16xf32, #tpu.memory_space<vmem_shared>>)
      tpu.yield
    }) : () -> ()
    %add3A_19 = arith.constant 5474 : i32
    %add3A_20 = arith.addi %mul3A_5, %add3A_19 : i32
    "tpu.region"() ({
      %run_scoped3A_181 = tpu.sem_alloc : memref<!tpu.dma_semaphore, #tpu.memory_space<semaphore_mem>>
      %dma_start3A_182 = arith.constant 0 : i32
      %dma_start3A_183 = tpu.memref_slice %arg9[%add3A_20, %dma_start3A_182] : memref<100096x16xf32, #tpu.memory_space<vmem_shared>> -> memref<782x16xf32, #tpu.memory_space<vmem_shared>>
      %dma_start3A_184 = arith.constant 0 : i32
      %dma_start3A_185 = tpu.memref_slice %arg9[%add3A_20, %dma_start3A_184] : memref<100096x16xf32, #tpu.memory_space<vmem_shared>> -> memref<782x16xf32, #tpu.memory_space<vmem_shared>>
      tpu.enqueue_dma source(%arg8 : memref<782x16xf32, #tpu.memory_space<vmem>>) target(%dma_start3A_185 : memref<782x16xf32, #tpu.memory_space<vmem_shared>>) target_semaphore(%run_scoped3A_181 : memref<!tpu.dma_semaphore, #tpu.memory_space<semaphore_mem>>)
      %dma_wait3A_186 = arith.constant 0 : i32
      %dma_wait3A_187 = tpu.memref_slice %arg9[%add3A_20, %dma_wait3A_186] : memref<100096x16xf32, #tpu.memory_space<vmem_shared>> -> memref<782x16xf32, #tpu.memory_space<vmem_shared>>
      %dma_wait3A_188 = arith.constant 0 : i32
      %dma_wait3A_189 = tpu.memref_slice %arg9[%add3A_20, %dma_wait3A_188] : memref<100096x16xf32, #tpu.memory_space<vmem_shared>> -> memref<782x16xf32, #tpu.memory_space<vmem_shared>>
      tpu.wait_dma2 semaphore(%run_scoped3A_181 : memref<!tpu.dma_semaphore, #tpu.memory_space<semaphore_mem>>) src(%arg8 : memref<782x16xf32, #tpu.memory_space<vmem>>) dst(%dma_wait3A_189 : memref<782x16xf32, #tpu.memory_space<vmem_shared>>)
      tpu.yield
    }) : () -> ()
    %barrier3A = arith.constant 0 : index
    tpu.barrier barrier_id(%barrier3A)
    %eq3A = arith.constant 0 : i32
    %eq3A_21 = arith.cmpi eq, %arg0, %eq3A : i32
    %mul3A_22 = arith.constant 97 : i32
    %mul3A_23 = arith.muli %arg1, %mul3A_22 : i32
    %min3A = arith.constant 10 : i32
    %min3A_24 = arith.minsi %arg1, %min3A : i32
    %add3A_25 = arith.addi %mul3A_23, %min3A_24 : i32
    %mul3A_26 = arith.constant 97 : i32
    %mul3A_27 = arith.muli %arg1, %mul3A_26 : i32
    %add3A_28 = arith.constant 1562 : i32
    %add3A_29 = arith.addi %add3A_28, %mul3A_27 : i32
    %min3A_30 = arith.constant 11 : i32
    %min3A_31 = arith.minsi %arg1, %min3A_30 : i32
    %add3A_32 = arith.addi %add3A_29, %min3A_31 : i32
    %select_n3A = arith.select %eq3A_21, %add3A_25, %add3A_32 : i32
    %eq3A_33 = arith.constant 0 : i32
    %eq3A_34 = arith.cmpi eq, %arg0, %eq3A_33 : i32
    %lt3A = arith.constant 10 : i32
    %lt3A_35 = arith.cmpi slt, %arg1, %lt3A : i32
    %convert_element_type3A = arith.extui %lt3A_35 : i1 to i32
    %add3A_36 = arith.constant 97 : i32
    %add3A_37 = arith.addi %add3A_36, %convert_element_type3A : i32
    %lt3A_38 = arith.constant 11 : i32
    %lt3A_39 = arith.cmpi slt, %arg1, %lt3A_38 : i32
    %convert_element_type3A_40 = arith.extui %lt3A_39 : i1 to i32
    %add3A_41 = arith.constant 97 : i32
    %add3A_42 = arith.addi %add3A_41, %convert_element_type3A_40 : i32
    %select_n3A_43 = arith.select %eq3A_34, %add3A_37, %add3A_42 : i32
    %mul3A_44 = arith.constant 8 : i32
    %mul3A_45 = arith.muli %select_n3A, %mul3A_44 : i32
    %mul3A_46 = arith.constant 2 : i32
    %mul3A_47 = arith.muli %select_n3A_43, %mul3A_46 : i32
    %add3A_48 = arith.constant 0 : i32
    %add3A_49 = arith.addi %mul3A_45, %add3A_48 : i32
    %dma_start3A = arith.constant 0 : i32
    %dma_start3A_50 = arith.constant 0 : i32
    %dma_start3A_51 = arith.constant 0 : i32
    %dma_start3A_52 = arith.constant 0 : i32
    %dma_start3A_53 = tpu.memref_slice %arg5[%dma_start3A_50, %dma_start3A_51, %dma_start3A_52] : memref<2x4x128xi32, #tpu.memory_space<vmem>> -> memref<1x4x128xi32, #tpu.memory_space<vmem>>
    %dma_start3A_54 = tpu.memref_squeeze %dma_start3A_53 : memref<1x4x128xi32, #tpu.memory_space<vmem>> -> memref<4x128xi32, #tpu.memory_space<vmem>>
    %dma_start3A_55 = arith.constant 0 : i32
    %dma_start3A_56 = tpu.memref_slice %arg2[%dma_start3A, %add3A_49, %dma_start3A_55] : memref<2x25000x128xi32, #tpu.memory_space<hbm>> -> memref<1x4x128xi32, #tpu.memory_space<hbm>>
    %dma_start3A_57 = tpu.memref_squeeze %dma_start3A_56 : memref<1x4x128xi32, #tpu.memory_space<hbm>> -> memref<4x128xi32, #tpu.memory_space<hbm>>
    %dma_start3A_58 = arith.constant 0 : i32
    %dma_start3A_59 = arith.constant 0 : i32
    %dma_start3A_60 = tpu.memref_slice %arg5[%dma_start3A_50, %dma_start3A_58, %dma_start3A_59] : memref<2x4x128xi32, #tpu.memory_space<vmem>> -> memref<1x4x128xi32, #tpu.memory_space<vmem>>
    %dma_start3A_61 = tpu.memref_squeeze %dma_start3A_60 : memref<1x4x128xi32, #tpu.memory_space<vmem>> -> memref<4x128xi32, #tpu.memory_space<vmem>>
    %dma_start3A_62 = arith.constant 0 : i32
    %dma_start3A_63 = tpu.memref_slice %arg2[%dma_start3A, %add3A_49, %dma_start3A_62] : memref<2x25000x128xi32, #tpu.memory_space<hbm>> -> memref<1x4x128xi32, #tpu.memory_space<hbm>>
    %dma_start3A_64 = tpu.memref_squeeze %dma_start3A_63 : memref<1x4x128xi32, #tpu.memory_space<hbm>> -> memref<4x128xi32, #tpu.memory_space<hbm>>
    tpu.enqueue_dma source(%dma_start3A_64 : memref<4x128xi32, #tpu.memory_space<hbm>>) target(%dma_start3A_61 : memref<4x128xi32, #tpu.memory_space<vmem>>) target_semaphore(%arg10 : memref<!tpu.dma_semaphore, #tpu.memory_space<semaphore_mem>>)
    %dma_start3A_65 = arith.constant 1 : i32
    %dma_start3A_66 = arith.constant 0 : i32
    %dma_start3A_67 = arith.constant 0 : i32
    %dma_start3A_68 = arith.constant 0 : i32
    %dma_start3A_69 = tpu.memref_slice %arg6[%dma_start3A_66, %dma_start3A_67, %dma_start3A_68] : memref<2x4x128xi32, #tpu.memory_space<vmem>> -> memref<1x4x128xi32, #tpu.memory_space<vmem>>
    %dma_start3A_70 = tpu.memref_squeeze %dma_start3A_69 : memref<1x4x128xi32, #tpu.memory_space<vmem>> -> memref<4x128xi32, #tpu.memory_space<vmem>>
    %dma_start3A_71 = arith.constant 0 : i32
    %dma_start3A_72 = tpu.memref_slice %arg2[%dma_start3A_65, %add3A_49, %dma_start3A_71] : memref<2x25000x128xi32, #tpu.memory_space<hbm>> -> memref<1x4x128xi32, #tpu.memory_space<hbm>>
    %dma_start3A_73 = tpu.memref_squeeze %dma_start3A_72 : memref<1x4x128xi32, #tpu.memory_space<hbm>> -> memref<4x128xi32, #tpu.memory_space<hbm>>
    %dma_start3A_74 = arith.constant 0 : i32
    %dma_start3A_75 = arith.constant 0 : i32
    %dma_start3A_76 = tpu.memref_slice %arg6[%dma_start3A_66, %dma_start3A_74, %dma_start3A_75] : memref<2x4x128xi32, #tpu.memory_space<vmem>> -> memref<1x4x128xi32, #tpu.memory_space<vmem>>
    %dma_start3A_77 = tpu.memref_squeeze %dma_start3A_76 : memref<1x4x128xi32, #tpu.memory_space<vmem>> -> memref<4x128xi32, #tpu.memory_space<vmem>>
    %dma_start3A_78 = arith.constant 0 : i32
    %dma_start3A_79 = tpu.memref_slice %arg2[%dma_start3A_65, %add3A_49, %dma_start3A_78] : memref<2x25000x128xi32, #tpu.memory_space<hbm>> -> memref<1x4x128xi32, #tpu.memory_space<hbm>>
    %dma_start3A_80 = tpu.memref_squeeze %dma_start3A_79 : memref<1x4x128xi32, #tpu.memory_space<hbm>> -> memref<4x128xi32, #tpu.memory_space<hbm>>
    tpu.enqueue_dma source(%dma_start3A_80 : memref<4x128xi32, #tpu.memory_space<hbm>>) target(%dma_start3A_77 : memref<4x128xi32, #tpu.memory_space<vmem>>) target_semaphore(%arg10 : memref<!tpu.dma_semaphore, #tpu.memory_space<semaphore_mem>>)
    %jit3A = arith.constant 2 : i32
    %div3A = arith.divsi %mul3A_47, %jit3A : i32
    %sign3A = arith.constant 0 : i32
    %sign3A_81 = arith.cmpi sgt, %mul3A_47, %sign3A : i32
    %sign3A_82 = arith.extui %sign3A_81 : i1 to i32
    %sign3A_83 = arith.constant 0 : i32
    %sign3A_84 = arith.cmpi slt, %mul3A_47, %sign3A_83 : i32
    %sign3A_85 = arith.extui %sign3A_84 : i1 to i32
    %sign3A_86 = arith.subi %sign3A_82, %sign3A_85 : i32
    %sign3A_87 = arith.constant 0 : i32
    %sign3A_88 = arith.cmpi sgt, %jit3A, %sign3A_87 : i32
    %sign3A_89 = arith.extui %sign3A_88 : i1 to i32
    %sign3A_90 = arith.constant 0 : i32
    %sign3A_91 = arith.cmpi slt, %jit3A, %sign3A_90 : i32
    %sign3A_92 = arith.extui %sign3A_91 : i1 to i32
    %sign3A_93 = arith.subi %sign3A_89, %sign3A_92 : i32
    %ne3A = arith.cmpi ne, %sign3A_86, %sign3A_93 : i32
    %rem3A = arith.remsi %mul3A_47, %jit3A : i32
    %ne3A_94 = arith.constant 0 : i32
    %ne3A_95 = arith.cmpi ne, %rem3A, %ne3A_94 : i32
    %and3A = arith.andi %ne3A, %ne3A_95 : i1
    %sub3A = arith.constant 1 : i32
    %sub3A_96 = arith.subi %div3A, %sub3A : i32
    %select_n3A_97 = arith.select %and3A, %sub3A_96, %div3A : i32
    %while3A = arith.constant 0 : i32
    %while3A_98 = arith.constant 0 : i32
    %while3A_99 = arith.subi %select_n3A_97, %while3A_98 : i32
    %while3A_100 = arith.addi %while3A_98, %while3A_99 : i32
    %while3A_101 = arith.constant 1 : i32
    %while3A_102 = arith.divsi %while3A_99, %while3A_101 : i32
    %while3A_103 = arith.muli %while3A_102, %while3A_101 : i32
    %while3A_104 = arith.addi %while3A_98, %while3A_103 : i32
    %while3A_105 = arith.constant 1 : i32
    scf.for %while3A_181 = %while3A_98 to %while3A_104 step %while3A_105  : i32 {
      %mul3A_182 = arith.constant 2 : i32
      %mul3A_183 = arith.muli %mul3A_182, %while3A_181 : i32
      %add3A_184 = arith.constant 0 : i32
      %add3A_185 = arith.addi %mul3A_183, %add3A_184 : i32
      %mul3A_186 = arith.constant 4 : i32
      %mul3A_187 = arith.muli %add3A_185, %mul3A_186 : i32
      %add3A_188 = arith.addi %mul3A_45, %mul3A_187 : i32
      %dma_wait3A_189 = arith.constant 0 : i32
      %dma_wait3A_190 = arith.constant 0 : i32
      %dma_wait3A_191 = arith.constant 0 : i32
      %dma_wait3A_192 = arith.constant 0 : i32
      %dma_wait3A_193 = tpu.memref_slice %arg5[%dma_wait3A_190, %dma_wait3A_191, %dma_wait3A_192] : memref<2x4x128xi32, #tpu.memory_space<vmem>> -> memref<1x4x128xi32, #tpu.memory_space<vmem>>
      %dma_wait3A_194 = tpu.memref_squeeze %dma_wait3A_193 : memref<1x4x128xi32, #tpu.memory_space<vmem>> -> memref<4x128xi32, #tpu.memory_space<vmem>>
      %dma_wait3A_195 = arith.constant 0 : i32
      %dma_wait3A_196 = tpu.memref_slice %arg2[%dma_wait3A_189, %add3A_188, %dma_wait3A_195] : memref<2x25000x128xi32, #tpu.memory_space<hbm>> -> memref<1x4x128xi32, #tpu.memory_space<hbm>>
      %dma_wait3A_197 = tpu.memref_squeeze %dma_wait3A_196 : memref<1x4x128xi32, #tpu.memory_space<hbm>> -> memref<4x128xi32, #tpu.memory_space<hbm>>
      %dma_wait3A_198 = arith.constant 0 : i32
      %dma_wait3A_199 = arith.constant 0 : i32
      %dma_wait3A_200 = tpu.memref_slice %arg5[%dma_wait3A_190, %dma_wait3A_198, %dma_wait3A_199] : memref<2x4x128xi32, #tpu.memory_space<vmem>> -> memref<1x4x128xi32, #tpu.memory_space<vmem>>
      %dma_wait3A_201 = tpu.memref_squeeze %dma_wait3A_200 : memref<1x4x128xi32, #tpu.memory_space<vmem>> -> memref<4x128xi32, #tpu.memory_space<vmem>>
      %dma_wait3A_202 = arith.constant 0 : i32
      %dma_wait3A_203 = tpu.memref_slice %arg2[%dma_wait3A_189, %add3A_188, %dma_wait3A_202] : memref<2x25000x128xi32, #tpu.memory_space<hbm>> -> memref<1x4x128xi32, #tpu.memory_space<hbm>>
      %dma_wait3A_204 = tpu.memref_squeeze %dma_wait3A_203 : memref<1x4x128xi32, #tpu.memory_space<hbm>> -> memref<4x128xi32, #tpu.memory_space<hbm>>
      tpu.wait_dma2 semaphore(%arg10 : memref<!tpu.dma_semaphore, #tpu.memory_space<semaphore_mem>>) src(%dma_wait3A_204 : memref<4x128xi32, #tpu.memory_space<hbm>>) dst(%dma_wait3A_201 : memref<4x128xi32, #tpu.memory_space<vmem>>)
      %dma_wait3A_205 = arith.constant 1 : i32
      %dma_wait3A_206 = arith.constant 0 : i32
      %dma_wait3A_207 = arith.constant 0 : i32
      %dma_wait3A_208 = arith.constant 0 : i32
      %dma_wait3A_209 = tpu.memref_slice %arg6[%dma_wait3A_206, %dma_wait3A_207, %dma_wait3A_208] : memref<2x4x128xi32, #tpu.memory_space<vmem>> -> memref<1x4x128xi32, #tpu.memory_space<vmem>>
      %dma_wait3A_210 = tpu.memref_squeeze %dma_wait3A_209 : memref<1x4x128xi32, #tpu.memory_space<vmem>> -> memref<4x128xi32, #tpu.memory_space<vmem>>
      %dma_wait3A_211 = arith.constant 0 : i32
      %dma_wait3A_212 = tpu.memref_slice %arg2[%dma_wait3A_205, %add3A_188, %dma_wait3A_211] : memref<2x25000x128xi32, #tpu.memory_space<hbm>> -> memref<1x4x128xi32, #tpu.memory_space<hbm>>
      %dma_wait3A_213 = tpu.memref_squeeze %dma_wait3A_212 : memref<1x4x128xi32, #tpu.memory_space<hbm>> -> memref<4x128xi32, #tpu.memory_space<hbm>>
      %dma_wait3A_214 = arith.constant 0 : i32
      %dma_wait3A_215 = arith.constant 0 : i32
      %dma_wait3A_216 = tpu.memref_slice %arg6[%dma_wait3A_206, %dma_wait3A_214, %dma_wait3A_215] : memref<2x4x128xi32, #tpu.memory_space<vmem>> -> memref<1x4x128xi32, #tpu.memory_space<vmem>>
      %dma_wait3A_217 = tpu.memref_squeeze %dma_wait3A_216 : memref<1x4x128xi32, #tpu.memory_space<vmem>> -> memref<4x128xi32, #tpu.memory_space<vmem>>
      %dma_wait3A_218 = arith.constant 0 : i32
      %dma_wait3A_219 = tpu.memref_slice %arg2[%dma_wait3A_205, %add3A_188, %dma_wait3A_218] : memref<2x25000x128xi32, #tpu.memory_space<hbm>> -> memref<1x4x128xi32, #tpu.memory_space<hbm>>
      %dma_wait3A_220 = tpu.memref_squeeze %dma_wait3A_219 : memref<1x4x128xi32, #tpu.memory_space<hbm>> -> memref<4x128xi32, #tpu.memory_space<hbm>>
      tpu.wait_dma2 semaphore(%arg10 : memref<!tpu.dma_semaphore, #tpu.memory_space<semaphore_mem>>) src(%dma_wait3A_220 : memref<4x128xi32, #tpu.memory_space<hbm>>) dst(%dma_wait3A_217 : memref<4x128xi32, #tpu.memory_space<vmem>>)
      %dma_start3A_221 = arith.constant 0 : i32
      %dma_start3A_222 = arith.constant 0 : i32
      %dma_start3A_223 = arith.constant 0 : i32
      %dma_start3A_224 = arith.constant 0 : i32
      %dma_start3A_225 = arith.constant 0 : i32
      %dma_start3A_226 = arith.constant 0 : i32
      %dma_start3A_227 = tpu.memref_slice %arg7[%dma_start3A_223, %dma_start3A_224, %dma_start3A_225, %dma_start3A_226] : memref<2x4x128x16xf32, #tpu.memory_space<vmem>> -> memref<1x1x128x16xf32, #tpu.memory_space<vmem>>
      %dma_start3A_228 = tpu.memref_squeeze %dma_start3A_227 : memref<1x1x128x16xf32, #tpu.memory_space<vmem>> -> memref<128x16xf32, #tpu.memory_space<vmem>>
      %dma_start3A_229 = arith.constant 0 : i32
      %dma_start3A_230 = tpu.memref_slice %arg5[%dma_start3A_221, %dma_start3A_222, %dma_start3A_229] : memref<2x4x128xi32, #tpu.memory_space<vmem>> -> memref<1x1x128xi32, #tpu.memory_space<vmem>>
      %dma_start3A_231 = tpu.memref_squeeze %dma_start3A_230 : memref<1x1x128xi32, #tpu.memory_space<vmem>> -> memref<128xi32, #tpu.memory_space<vmem>>
      %dma_start3A_232 = arith.constant 0 : i32
      %dma_start3A_233 = arith.constant 0 : i32
      %dma_start3A_234 = tpu.memref_slice %arg3[%dma_start3A_232, %dma_start3A_233] : memref<100096x16xf32, #tpu.memory_space<hbm>> -> memref<100096x16xf32, #tpu.memory_space<hbm>>
      tpu.enqueue_indirect_dma source(%dma_start3A_234 : memref<100096x16xf32, #tpu.memory_space<hbm>>) target(%dma_start3A_228 : memref<128x16xf32, #tpu.memory_space<vmem>>) offsets(%dma_start3A_231 : memref<128xi32, #tpu.memory_space<vmem>>) semaphore(%arg12 : memref<!tpu.dma_semaphore, #tpu.memory_space<semaphore_mem>>)
      %dma_start3A_235 = arith.constant 0 : i32
      %dma_start3A_236 = arith.constant 1 : i32
      %dma_start3A_237 = arith.constant 0 : i32
      %dma_start3A_238 = arith.constant 1 : i32
      %dma_start3A_239 = arith.constant 0 : i32
      %dma_start3A_240 = arith.constant 0 : i32
      %dma_start3A_241 = tpu.memref_slice %arg7[%dma_start3A_237, %dma_start3A_238, %dma_start3A_239, %dma_start3A_240] : memref<2x4x128x16xf32, #tpu.memory_space<vmem>> -> memref<1x1x128x16xf32, #tpu.memory_space<vmem>>
      %dma_start3A_242 = tpu.memref_squeeze %dma_start3A_241 : memref<1x1x128x16xf32, #tpu.memory_space<vmem>> -> memref<128x16xf32, #tpu.memory_space<vmem>>
      %dma_start3A_243 = arith.constant 0 : i32
      %dma_start3A_244 = tpu.memref_slice %arg5[%dma_start3A_235, %dma_start3A_236, %dma_start3A_243] : memref<2x4x128xi32, #tpu.memory_space<vmem>> -> memref<1x1x128xi32, #tpu.memory_space<vmem>>
      %dma_start3A_245 = tpu.memref_squeeze %dma_start3A_244 : memref<1x1x128xi32, #tpu.memory_space<vmem>> -> memref<128xi32, #tpu.memory_space<vmem>>
      %dma_start3A_246 = arith.constant 0 : i32
      %dma_start3A_247 = arith.constant 0 : i32
      %dma_start3A_248 = tpu.memref_slice %arg3[%dma_start3A_246, %dma_start3A_247] : memref<100096x16xf32, #tpu.memory_space<hbm>> -> memref<100096x16xf32, #tpu.memory_space<hbm>>
      tpu.enqueue_indirect_dma source(%dma_start3A_248 : memref<100096x16xf32, #tpu.memory_space<hbm>>) target(%dma_start3A_242 : memref<128x16xf32, #tpu.memory_space<vmem>>) offsets(%dma_start3A_245 : memref<128xi32, #tpu.memory_space<vmem>>) semaphore(%arg12 : memref<!tpu.dma_semaphore, #tpu.memory_space<semaphore_mem>>)
      %dma_start3A_249 = arith.constant 0 : i32
      %dma_start3A_250 = arith.constant 2 : i32
      %dma_start3A_251 = arith.constant 0 : i32
      %dma_start3A_252 = arith.constant 2 : i32
      %dma_start3A_253 = arith.constant 0 : i32
      %dma_start3A_254 = arith.constant 0 : i32
      %dma_start3A_255 = tpu.memref_slice %arg7[%dma_start3A_251, %dma_start3A_252, %dma_start3A_253, %dma_start3A_254] : memref<2x4x128x16xf32, #tpu.memory_space<vmem>> -> memref<1x1x128x16xf32, #tpu.memory_space<vmem>>
      %dma_start3A_256 = tpu.memref_squeeze %dma_start3A_255 : memref<1x1x128x16xf32, #tpu.memory_space<vmem>> -> memref<128x16xf32, #tpu.memory_space<vmem>>
      %dma_start3A_257 = arith.constant 0 : i32
      %dma_start3A_258 = tpu.memref_slice %arg5[%dma_start3A_249, %dma_start3A_250, %dma_start3A_257] : memref<2x4x128xi32, #tpu.memory_space<vmem>> -> memref<1x1x128xi32, #tpu.memory_space<vmem>>
      %dma_start3A_259 = tpu.memref_squeeze %dma_start3A_258 : memref<1x1x128xi32, #tpu.memory_space<vmem>> -> memref<128xi32, #tpu.memory_space<vmem>>
      %dma_start3A_260 = arith.constant 0 : i32
      %dma_start3A_261 = arith.constant 0 : i32
      %dma_start3A_262 = tpu.memref_slice %arg3[%dma_start3A_260, %dma_start3A_261] : memref<100096x16xf32, #tpu.memory_space<hbm>> -> memref<100096x16xf32, #tpu.memory_space<hbm>>
      tpu.enqueue_indirect_dma source(%dma_start3A_262 : memref<100096x16xf32, #tpu.memory_space<hbm>>) target(%dma_start3A_256 : memref<128x16xf32, #tpu.memory_space<vmem>>) offsets(%dma_start3A_259 : memref<128xi32, #tpu.memory_space<vmem>>) semaphore(%arg12 : memref<!tpu.dma_semaphore, #tpu.memory_space<semaphore_mem>>)
      %dma_start3A_263 = arith.constant 0 : i32
      %dma_start3A_264 = arith.constant 3 : i32
      %dma_start3A_265 = arith.constant 0 : i32
      %dma_start3A_266 = arith.constant 3 : i32
      %dma_start3A_267 = arith.constant 0 : i32
      %dma_start3A_268 = arith.constant 0 : i32
      %dma_start3A_269 = tpu.memref_slice %arg7[%dma_start3A_265, %dma_start3A_266, %dma_start3A_267, %dma_start3A_268] : memref<2x4x128x16xf32, #tpu.memory_space<vmem>> -> memref<1x1x128x16xf32, #tpu.memory_space<vmem>>
      %dma_start3A_270 = tpu.memref_squeeze %dma_start3A_269 : memref<1x1x128x16xf32, #tpu.memory_space<vmem>> -> memref<128x16xf32, #tpu.memory_space<vmem>>
      %dma_start3A_271 = arith.constant 0 : i32
      %dma_start3A_272 = tpu.memref_slice %arg5[%dma_start3A_263, %dma_start3A_264, %dma_start3A_271] : memref<2x4x128xi32, #tpu.memory_space<vmem>> -> memref<1x1x128xi32, #tpu.memory_space<vmem>>
      %dma_start3A_273 = tpu.memref_squeeze %dma_start3A_272 : memref<1x1x128xi32, #tpu.memory_space<vmem>> -> memref<128xi32, #tpu.memory_space<vmem>>
      %dma_start3A_274 = arith.constant 0 : i32
      %dma_start3A_275 = arith.constant 0 : i32
      %dma_start3A_276 = tpu.memref_slice %arg3[%dma_start3A_274, %dma_start3A_275] : memref<100096x16xf32, #tpu.memory_space<hbm>> -> memref<100096x16xf32, #tpu.memory_space<hbm>>
      tpu.enqueue_indirect_dma source(%dma_start3A_276 : memref<100096x16xf32, #tpu.memory_space<hbm>>) target(%dma_start3A_270 : memref<128x16xf32, #tpu.memory_space<vmem>>) offsets(%dma_start3A_273 : memref<128xi32, #tpu.memory_space<vmem>>) semaphore(%arg12 : memref<!tpu.dma_semaphore, #tpu.memory_space<semaphore_mem>>)
      %gt3A = arith.constant 0 : i32
      %gt3A_277 = arith.cmpi sgt, %while3A_181, %gt3A : i32
      %convert_element_type3A_278 = arith.extui %gt3A_277 : i1 to i32
      %cond3A = arith.constant 0 : i32
      %cond3A_279 = arith.cmpi ne, %convert_element_type3A_278, %cond3A : i32
      scf.if %cond3A_279 {
        %dma_wait3A_490 = arith.constant 1 : i32
        %dma_wait3A_491 = arith.constant 0 : i32
        %dma_wait3A_492 = arith.constant 1 : i32
        %dma_wait3A_493 = arith.constant 0 : i32
        %dma_wait3A_494 = arith.constant 0 : i32
        %dma_wait3A_495 = arith.constant 0 : i32
        %dma_wait3A_496 = tpu.memref_slice %arg7[%dma_wait3A_492, %dma_wait3A_493, %dma_wait3A_494, %dma_wait3A_495] : memref<2x4x128x16xf32, #tpu.memory_space<vmem>> -> memref<1x1x128x16xf32, #tpu.memory_space<vmem>>
        %dma_wait3A_497 = tpu.memref_squeeze %dma_wait3A_496 : memref<1x1x128x16xf32, #tpu.memory_space<vmem>> -> memref<128x16xf32, #tpu.memory_space<vmem>>
        %dma_wait3A_498 = arith.constant 0 : i32
        %dma_wait3A_499 = tpu.memref_slice %arg5[%dma_wait3A_490, %dma_wait3A_491, %dma_wait3A_498] : memref<2x4x128xi32, #tpu.memory_space<vmem>> -> memref<1x1x128xi32, #tpu.memory_space<vmem>>
        %dma_wait3A_500 = tpu.memref_squeeze %dma_wait3A_499 : memref<1x1x128xi32, #tpu.memory_space<vmem>> -> memref<128xi32, #tpu.memory_space<vmem>>
        %dma_wait3A_501 = arith.constant 0 : i32
        %dma_wait3A_502 = arith.constant 0 : i32
        %dma_wait3A_503 = tpu.memref_slice %arg3[%dma_wait3A_501, %dma_wait3A_502] : memref<100096x16xf32, #tpu.memory_space<hbm>> -> memref<100096x16xf32, #tpu.memory_space<hbm>>
        tpu.wait_indirect_dma semaphore(%arg13 : memref<!tpu.dma_semaphore, #tpu.memory_space<semaphore_mem>>) src(%dma_wait3A_503 : memref<100096x16xf32, #tpu.memory_space<hbm>>) dst(%dma_wait3A_497 : memref<128x16xf32, #tpu.memory_space<vmem>>)
        %dma_wait3A_504 = arith.constant 1 : i32
        %dma_wait3A_505 = arith.constant 1 : i32
        %dma_wait3A_506 = arith.constant 1 : i32
        %dma_wait3A_507 = arith.constant 1 : i32
        %dma_wait3A_508 = arith.constant 0 : i32
        %dma_wait3A_509 = arith.constant 0 : i32
        %dma_wait3A_510 = tpu.memref_slice %arg7[%dma_wait3A_506, %dma_wait3A_507, %dma_wait3A_508, %dma_wait3A_509] : memref<2x4x128x16xf32, #tpu.memory_space<vmem>> -> memref<1x1x128x16xf32, #tpu.memory_space<vmem>>
        %dma_wait3A_511 = tpu.memref_squeeze %dma_wait3A_510 : memref<1x1x128x16xf32, #tpu.memory_space<vmem>> -> memref<128x16xf32, #tpu.memory_space<vmem>>
        %dma_wait3A_512 = arith.constant 0 : i32
        %dma_wait3A_513 = tpu.memref_slice %arg5[%dma_wait3A_504, %dma_wait3A_505, %dma_wait3A_512] : memref<2x4x128xi32, #tpu.memory_space<vmem>> -> memref<1x1x128xi32, #tpu.memory_space<vmem>>
        %dma_wait3A_514 = tpu.memref_squeeze %dma_wait3A_513 : memref<1x1x128xi32, #tpu.memory_space<vmem>> -> memref<128xi32, #tpu.memory_space<vmem>>
        %dma_wait3A_515 = arith.constant 0 : i32
        %dma_wait3A_516 = arith.constant 0 : i32
        %dma_wait3A_517 = tpu.memref_slice %arg3[%dma_wait3A_515, %dma_wait3A_516] : memref<100096x16xf32, #tpu.memory_space<hbm>> -> memref<100096x16xf32, #tpu.memory_space<hbm>>
        tpu.wait_indirect_dma semaphore(%arg13 : memref<!tpu.dma_semaphore, #tpu.memory_space<semaphore_mem>>) src(%dma_wait3A_517 : memref<100096x16xf32, #tpu.memory_space<hbm>>) dst(%dma_wait3A_511 : memref<128x16xf32, #tpu.memory_space<vmem>>)
        %dma_wait3A_518 = arith.constant 1 : i32
        %dma_wait3A_519 = arith.constant 2 : i32
        %dma_wait3A_520 = arith.constant 1 : i32
        %dma_wait3A_521 = arith.constant 2 : i32
        %dma_wait3A_522 = arith.constant 0 : i32
        %dma_wait3A_523 = arith.constant 0 : i32
        %dma_wait3A_524 = tpu.memref_slice %arg7[%dma_wait3A_520, %dma_wait3A_521, %dma_wait3A_522, %dma_wait3A_523] : memref<2x4x128x16xf32, #tpu.memory_space<vmem>> -> memref<1x1x128x16xf32, #tpu.memory_space<vmem>>
        %dma_wait3A_525 = tpu.memref_squeeze %dma_wait3A_524 : memref<1x1x128x16xf32, #tpu.memory_space<vmem>> -> memref<128x16xf32, #tpu.memory_space<vmem>>
        %dma_wait3A_526 = arith.constant 0 : i32
        %dma_wait3A_527 = tpu.memref_slice %arg5[%dma_wait3A_518, %dma_wait3A_519, %dma_wait3A_526] : memref<2x4x128xi32, #tpu.memory_space<vmem>> -> memref<1x1x128xi32, #tpu.memory_space<vmem>>
        %dma_wait3A_528 = tpu.memref_squeeze %dma_wait3A_527 : memref<1x1x128xi32, #tpu.memory_space<vmem>> -> memref<128xi32, #tpu.memory_space<vmem>>
        %dma_wait3A_529 = arith.constant 0 : i32
        %dma_wait3A_530 = arith.constant 0 : i32
        %dma_wait3A_531 = tpu.memref_slice %arg3[%dma_wait3A_529, %dma_wait3A_530] : memref<100096x16xf32, #tpu.memory_space<hbm>> -> memref<100096x16xf32, #tpu.memory_space<hbm>>
        tpu.wait_indirect_dma semaphore(%arg13 : memref<!tpu.dma_semaphore, #tpu.memory_space<semaphore_mem>>) src(%dma_wait3A_531 : memref<100096x16xf32, #tpu.memory_space<hbm>>) dst(%dma_wait3A_525 : memref<128x16xf32, #tpu.memory_space<vmem>>)
        %dma_wait3A_532 = arith.constant 1 : i32
        %dma_wait3A_533 = arith.constant 3 : i32
        %dma_wait3A_534 = arith.constant 1 : i32
        %dma_wait3A_535 = arith.constant 3 : i32
        %dma_wait3A_536 = arith.constant 0 : i32
        %dma_wait3A_537 = arith.constant 0 : i32
        %dma_wait3A_538 = tpu.memref_slice %arg7[%dma_wait3A_534, %dma_wait3A_535, %dma_wait3A_536, %dma_wait3A_537] : memref<2x4x128x16xf32, #tpu.memory_space<vmem>> -> memref<1x1x128x16xf32, #tpu.memory_space<vmem>>
        %dma_wait3A_539 = tpu.memref_squeeze %dma_wait3A_538 : memref<1x1x128x16xf32, #tpu.memory_space<vmem>> -> memref<128x16xf32, #tpu.memory_space<vmem>>
        %dma_wait3A_540 = arith.constant 0 : i32
        %dma_wait3A_541 = tpu.memref_slice %arg5[%dma_wait3A_532, %dma_wait3A_533, %dma_wait3A_540] : memref<2x4x128xi32, #tpu.memory_space<vmem>> -> memref<1x1x128xi32, #tpu.memory_space<vmem>>
        %dma_wait3A_542 = tpu.memref_squeeze %dma_wait3A_541 : memref<1x1x128xi32, #tpu.memory_space<vmem>> -> memref<128xi32, #tpu.memory_space<vmem>>
        %dma_wait3A_543 = arith.constant 0 : i32
        %dma_wait3A_544 = arith.constant 0 : i32
        %dma_wait3A_545 = tpu.memref_slice %arg3[%dma_wait3A_543, %dma_wait3A_544] : memref<100096x16xf32, #tpu.memory_space<hbm>> -> memref<100096x16xf32, #tpu.memory_space<hbm>>
        tpu.wait_indirect_dma semaphore(%arg13 : memref<!tpu.dma_semaphore, #tpu.memory_space<semaphore_mem>>) src(%dma_wait3A_545 : memref<100096x16xf32, #tpu.memory_space<hbm>>) dst(%dma_wait3A_539 : memref<128x16xf32, #tpu.memory_space<vmem>>)
        %run_scoped3A_546 = arith.constant 1 : i32
        %run_scoped3A_547 = arith.constant 0 : i32
        %run_scoped3A_548 = arith.constant 1 : i32
        %run_scoped3A_549 = arith.constant 0 : i32
        "tpu.region"() ({
          %run_scoped3A_562 = tpu.sem_alloc : memref<!tpu.dma_semaphore, #tpu.memory_space<semaphore_mem>>
          %dma_start3A_563 = arith.constant 0 : i32
          %dma_start3A_564 = arith.constant 0 : i32
          %dma_start3A_565 = tpu.memref_slice %arg7[%run_scoped3A_546, %run_scoped3A_547, %dma_start3A_563, %dma_start3A_564] : memref<2x4x128x16xf32, #tpu.memory_space<vmem>> -> memref<1x1x128x16xf32, #tpu.memory_space<vmem>>
          %dma_start3A_566 = tpu.memref_squeeze %dma_start3A_565 : memref<1x1x128x16xf32, #tpu.memory_space<vmem>> -> memref<128x16xf32, #tpu.memory_space<vmem>>
          %dma_start3A_567 = arith.constant 0 : i32
          %dma_start3A_568 = tpu.memref_slice %arg6[%run_scoped3A_548, %run_scoped3A_549, %dma_start3A_567] : memref<2x4x128xi32, #tpu.memory_space<vmem>> -> memref<1x1x128xi32, #tpu.memory_space<vmem>>
          %dma_start3A_569 = tpu.memref_squeeze %dma_start3A_568 : memref<1x1x128xi32, #tpu.memory_space<vmem>> -> memref<128xi32, #tpu.memory_space<vmem>>
          %dma_start3A_570 = arith.constant 0 : i32
          %dma_start3A_571 = arith.constant 0 : i32
          %dma_start3A_572 = tpu.memref_slice %arg9[%dma_start3A_570, %dma_start3A_571] : memref<100096x16xf32, #tpu.memory_space<vmem_shared>> -> memref<100096x16xf32, #tpu.memory_space<vmem_shared>>
          tpu.enqueue_indirect_dma source(%dma_start3A_566 : memref<128x16xf32, #tpu.memory_space<vmem>>) target(%dma_start3A_572 : memref<100096x16xf32, #tpu.memory_space<vmem_shared>>) offsets(%dma_start3A_569 : memref<128xi32, #tpu.memory_space<vmem>>) semaphore(%run_scoped3A_562 : memref<!tpu.dma_semaphore, #tpu.memory_space<semaphore_mem>>) {add = true}
          %dma_wait3A_573 = arith.constant 0 : i32
          %dma_wait3A_574 = arith.constant 0 : i32
          %dma_wait3A_575 = tpu.memref_slice %arg7[%run_scoped3A_546, %run_scoped3A_547, %dma_wait3A_573, %dma_wait3A_574] : memref<2x4x128x16xf32, #tpu.memory_space<vmem>> -> memref<1x1x128x16xf32, #tpu.memory_space<vmem>>
          %dma_wait3A_576 = tpu.memref_squeeze %dma_wait3A_575 : memref<1x1x128x16xf32, #tpu.memory_space<vmem>> -> memref<128x16xf32, #tpu.memory_space<vmem>>
          %dma_wait3A_577 = arith.constant 0 : i32
          %dma_wait3A_578 = tpu.memref_slice %arg6[%run_scoped3A_548, %run_scoped3A_549, %dma_wait3A_577] : memref<2x4x128xi32, #tpu.memory_space<vmem>> -> memref<1x1x128xi32, #tpu.memory_space<vmem>>
          %dma_wait3A_579 = tpu.memref_squeeze %dma_wait3A_578 : memref<1x1x128xi32, #tpu.memory_space<vmem>> -> memref<128xi32, #tpu.memory_space<vmem>>
          %dma_wait3A_580 = arith.constant 0 : i32
          %dma_wait3A_581 = arith.constant 0 : i32
          %dma_wait3A_582 = tpu.memref_slice %arg9[%dma_wait3A_580, %dma_wait3A_581] : memref<100096x16xf32, #tpu.memory_space<vmem_shared>> -> memref<100096x16xf32, #tpu.memory_space<vmem_shared>>
          tpu.wait_indirect_dma semaphore(%run_scoped3A_562 : memref<!tpu.dma_semaphore, #tpu.memory_space<semaphore_mem>>) src(%dma_wait3A_576 : memref<128x16xf32, #tpu.memory_space<vmem>>) dst(%dma_wait3A_582 : memref<100096x16xf32, #tpu.memory_space<vmem_shared>>)
          tpu.yield
        }) : () -> ()
        %run_scoped3A_550 = arith.constant 1 : i32
        %run_scoped3A_551 = arith.constant 1 : i32
        %run_scoped3A_552 = arith.constant 1 : i32
        %run_scoped3A_553 = arith.constant 1 : i32
        "tpu.region"() ({
          %run_scoped3A_562 = tpu.sem_alloc : memref<!tpu.dma_semaphore, #tpu.memory_space<semaphore_mem>>
          %dma_start3A_563 = arith.constant 0 : i32
          %dma_start3A_564 = arith.constant 0 : i32
          %dma_start3A_565 = tpu.memref_slice %arg7[%run_scoped3A_550, %run_scoped3A_551, %dma_start3A_563, %dma_start3A_564] : memref<2x4x128x16xf32, #tpu.memory_space<vmem>> -> memref<1x1x128x16xf32, #tpu.memory_space<vmem>>
          %dma_start3A_566 = tpu.memref_squeeze %dma_start3A_565 : memref<1x1x128x16xf32, #tpu.memory_space<vmem>> -> memref<128x16xf32, #tpu.memory_space<vmem>>
          %dma_start3A_567 = arith.constant 0 : i32
          %dma_start3A_568 = tpu.memref_slice %arg6[%run_scoped3A_552, %run_scoped3A_553, %dma_start3A_567] : memref<2x4x128xi32, #tpu.memory_space<vmem>> -> memref<1x1x128xi32, #tpu.memory_space<vmem>>
          %dma_start3A_569 = tpu.memref_squeeze %dma_start3A_568 : memref<1x1x128xi32, #tpu.memory_space<vmem>> -> memref<128xi32, #tpu.memory_space<vmem>>
          %dma_start3A_570 = arith.constant 0 : i32
          %dma_start3A_571 = arith.constant 0 : i32
          %dma_start3A_572 = tpu.memref_slice %arg9[%dma_start3A_570, %dma_start3A_571] : memref<100096x16xf32, #tpu.memory_space<vmem_shared>> -> memref<100096x16xf32, #tpu.memory_space<vmem_shared>>
          tpu.enqueue_indirect_dma source(%dma_start3A_566 : memref<128x16xf32, #tpu.memory_space<vmem>>) target(%dma_start3A_572 : memref<100096x16xf32, #tpu.memory_space<vmem_shared>>) offsets(%dma_start3A_569 : memref<128xi32, #tpu.memory_space<vmem>>) semaphore(%run_scoped3A_562 : memref<!tpu.dma_semaphore, #tpu.memory_space<semaphore_mem>>) {add = true}
          %dma_wait3A_573 = arith.constant 0 : i32
          %dma_wait3A_574 = arith.constant 0 : i32
          %dma_wait3A_575 = tpu.memref_slice %arg7[%run_scoped3A_550, %run_scoped3A_551, %dma_wait3A_573, %dma_wait3A_574] : memref<2x4x128x16xf32, #tpu.memory_space<vmem>> -> memref<1x1x128x16xf32, #tpu.memory_space<vmem>>
          %dma_wait3A_576 = tpu.memref_squeeze %dma_wait3A_575 : memref<1x1x128x16xf32, #tpu.memory_space<vmem>> -> memref<128x16xf32, #tpu.memory_space<vmem>>
          %dma_wait3A_577 = arith.constant 0 : i32
          %dma_wait3A_578 = tpu.memref_slice %arg6[%run_scoped3A_552, %run_scoped3A_553, %dma_wait3A_577] : memref<2x4x128xi32, #tpu.memory_space<vmem>> -> memref<1x1x128xi32, #tpu.memory_space<vmem>>
          %dma_wait3A_579 = tpu.memref_squeeze %dma_wait3A_578 : memref<1x1x128xi32, #tpu.memory_space<vmem>> -> memref<128xi32, #tpu.memory_space<vmem>>
          %dma_wait3A_580 = arith.constant 0 : i32
          %dma_wait3A_581 = arith.constant 0 : i32
          %dma_wait3A_582 = tpu.memref_slice %arg9[%dma_wait3A_580, %dma_wait3A_581] : memref<100096x16xf32, #tpu.memory_space<vmem_shared>> -> memref<100096x16xf32, #tpu.memory_space<vmem_shared>>
          tpu.wait_indirect_dma semaphore(%run_scoped3A_562 : memref<!tpu.dma_semaphore, #tpu.memory_space<semaphore_mem>>) src(%dma_wait3A_576 : memref<128x16xf32, #tpu.memory_space<vmem>>) dst(%dma_wait3A_582 : memref<100096x16xf32, #tpu.memory_space<vmem_shared>>)
          tpu.yield
        }) : () -> ()
        %run_scoped3A_554 = arith.constant 1 : i32
        %run_scoped3A_555 = arith.constant 2 : i32
        %run_scoped3A_556 = arith.constant 1 : i32
        %run_scoped3A_557 = arith.constant 2 : i32
        "tpu.region"() ({
          %run_scoped3A_562 = tpu.sem_alloc : memref<!tpu.dma_semaphore, #tpu.memory_space<semaphore_mem>>
          %dma_start3A_563 = arith.constant 0 : i32
          %dma_start3A_564 = arith.constant 0 : i32
          %dma_start3A_565 = tpu.memref_slice %arg7[%run_scoped3A_554, %run_scoped3A_555, %dma_start3A_563, %dma_start3A_564] : memref<2x4x128x16xf32, #tpu.memory_space<vmem>> -> memref<1x1x128x16xf32, #tpu.memory_space<vmem>>
          %dma_start3A_566 = tpu.memref_squeeze %dma_start3A_565 : memref<1x1x128x16xf32, #tpu.memory_space<vmem>> -> memref<128x16xf32, #tpu.memory_space<vmem>>
          %dma_start3A_567 = arith.constant 0 : i32
          %dma_start3A_568 = tpu.memref_slice %arg6[%run_scoped3A_556, %run_scoped3A_557, %dma_start3A_567] : memref<2x4x128xi32, #tpu.memory_space<vmem>> -> memref<1x1x128xi32, #tpu.memory_space<vmem>>
          %dma_start3A_569 = tpu.memref_squeeze %dma_start3A_568 : memref<1x1x128xi32, #tpu.memory_space<vmem>> -> memref<128xi32, #tpu.memory_space<vmem>>
          %dma_start3A_570 = arith.constant 0 : i32
          %dma_start3A_571 = arith.constant 0 : i32
          %dma_start3A_572 = tpu.memref_slice %arg9[%dma_start3A_570, %dma_start3A_571] : memref<100096x16xf32, #tpu.memory_space<vmem_shared>> -> memref<100096x16xf32, #tpu.memory_space<vmem_shared>>
          tpu.enqueue_indirect_dma source(%dma_start3A_566 : memref<128x16xf32, #tpu.memory_space<vmem>>) target(%dma_start3A_572 : memref<100096x16xf32, #tpu.memory_space<vmem_shared>>) offsets(%dma_start3A_569 : memref<128xi32, #tpu.memory_space<vmem>>) semaphore(%run_scoped3A_562 : memref<!tpu.dma_semaphore, #tpu.memory_space<semaphore_mem>>) {add = true}
          %dma_wait3A_573 = arith.constant 0 : i32
          %dma_wait3A_574 = arith.constant 0 : i32
          %dma_wait3A_575 = tpu.memref_slice %arg7[%run_scoped3A_554, %run_scoped3A_555, %dma_wait3A_573, %dma_wait3A_574] : memref<2x4x128x16xf32, #tpu.memory_space<vmem>> -> memref<1x1x128x16xf32, #tpu.memory_space<vmem>>
          %dma_wait3A_576 = tpu.memref_squeeze %dma_wait3A_575 : memref<1x1x128x16xf32, #tpu.memory_space<vmem>> -> memref<128x16xf32, #tpu.memory_space<vmem>>
          %dma_wait3A_577 = arith.constant 0 : i32
          %dma_wait3A_578 = tpu.memref_slice %arg6[%run_scoped3A_556, %run_scoped3A_557, %dma_wait3A_577] : memref<2x4x128xi32, #tpu.memory_space<vmem>> -> memref<1x1x128xi32, #tpu.memory_space<vmem>>
          %dma_wait3A_579 = tpu.memref_squeeze %dma_wait3A_578 : memref<1x1x128xi32, #tpu.memory_space<vmem>> -> memref<128xi32, #tpu.memory_space<vmem>>
          %dma_wait3A_580 = arith.constant 0 : i32
          %dma_wait3A_581 = arith.constant 0 : i32
          %dma_wait3A_582 = tpu.memref_slice %arg9[%dma_wait3A_580, %dma_wait3A_581] : memref<100096x16xf32, #tpu.memory_space<vmem_shared>> -> memref<100096x16xf32, #tpu.memory_space<vmem_shared>>
          tpu.wait_indirect_dma semaphore(%run_scoped3A_562 : memref<!tpu.dma_semaphore, #tpu.memory_space<semaphore_mem>>) src(%dma_wait3A_576 : memref<128x16xf32, #tpu.memory_space<vmem>>) dst(%dma_wait3A_582 : memref<100096x16xf32, #tpu.memory_space<vmem_shared>>)
          tpu.yield
        }) : () -> ()
        %run_scoped3A_558 = arith.constant 1 : i32
        %run_scoped3A_559 = arith.constant 3 : i32
        %run_scoped3A_560 = arith.constant 1 : i32
        %run_scoped3A_561 = arith.constant 3 : i32
        "tpu.region"() ({
          %run_scoped3A_562 = tpu.sem_alloc : memref<!tpu.dma_semaphore, #tpu.memory_space<semaphore_mem>>
          %dma_start3A_563 = arith.constant 0 : i32
          %dma_start3A_564 = arith.constant 0 : i32
          %dma_start3A_565 = tpu.memref_slice %arg7[%run_scoped3A_558, %run_scoped3A_559, %dma_start3A_563, %dma_start3A_564] : memref<2x4x128x16xf32, #tpu.memory_space<vmem>> -> memref<1x1x128x16xf32, #tpu.memory_space<vmem>>
          %dma_start3A_566 = tpu.memref_squeeze %dma_start3A_565 : memref<1x1x128x16xf32, #tpu.memory_space<vmem>> -> memref<128x16xf32, #tpu.memory_space<vmem>>
          %dma_start3A_567 = arith.constant 0 : i32
          %dma_start3A_568 = tpu.memref_slice %arg6[%run_scoped3A_560, %run_scoped3A_561, %dma_start3A_567] : memref<2x4x128xi32, #tpu.memory_space<vmem>> -> memref<1x1x128xi32, #tpu.memory_space<vmem>>
          %dma_start3A_569 = tpu.memref_squeeze %dma_start3A_568 : memref<1x1x128xi32, #tpu.memory_space<vmem>> -> memref<128xi32, #tpu.memory_space<vmem>>
          %dma_start3A_570 = arith.constant 0 : i32
          %dma_start3A_571 = arith.constant 0 : i32
          %dma_start3A_572 = tpu.memref_slice %arg9[%dma_start3A_570, %dma_start3A_571] : memref<100096x16xf32, #tpu.memory_space<vmem_shared>> -> memref<100096x16xf32, #tpu.memory_space<vmem_shared>>
          tpu.enqueue_indirect_dma source(%dma_start3A_566 : memref<128x16xf32, #tpu.memory_space<vmem>>) target(%dma_start3A_572 : memref<100096x16xf32, #tpu.memory_space<vmem_shared>>) offsets(%dma_start3A_569 : memref<128xi32, #tpu.memory_space<vmem>>) semaphore(%run_scoped3A_562 : memref<!tpu.dma_semaphore, #tpu.memory_space<semaphore_mem>>) {add = true}
          %dma_wait3A_573 = arith.constant 0 : i32
          %dma_wait3A_574 = arith.constant 0 : i32
          %dma_wait3A_575 = tpu.memref_slice %arg7[%run_scoped3A_558, %run_scoped3A_559, %dma_wait3A_573, %dma_wait3A_574] : memref<2x4x128x16xf32, #tpu.memory_space<vmem>> -> memref<1x1x128x16xf32, #tpu.memory_space<vmem>>
          %dma_wait3A_576 = tpu.memref_squeeze %dma_wait3A_575 : memref<1x1x128x16xf32, #tpu.memory_space<vmem>> -> memref<128x16xf32, #tpu.memory_space<vmem>>
          %dma_wait3A_577 = arith.constant 0 : i32
          %dma_wait3A_578 = tpu.memref_slice %arg6[%run_scoped3A_560, %run_scoped3A_561, %dma_wait3A_577] : memref<2x4x128xi32, #tpu.memory_space<vmem>> -> memref<1x1x128xi32, #tpu.memory_space<vmem>>
          %dma_wait3A_579 = tpu.memref_squeeze %dma_wait3A_578 : memref<1x1x128xi32, #tpu.memory_space<vmem>> -> memref<128xi32, #tpu.memory_space<vmem>>
          %dma_wait3A_580 = arith.constant 0 : i32
          %dma_wait3A_581 = arith.constant 0 : i32
          %dma_wait3A_582 = tpu.memref_slice %arg9[%dma_wait3A_580, %dma_wait3A_581] : memref<100096x16xf32, #tpu.memory_space<vmem_shared>> -> memref<100096x16xf32, #tpu.memory_space<vmem_shared>>
          tpu.wait_indirect_dma semaphore(%run_scoped3A_562 : memref<!tpu.dma_semaphore, #tpu.memory_space<semaphore_mem>>) src(%dma_wait3A_576 : memref<128x16xf32, #tpu.memory_space<vmem>>) dst(%dma_wait3A_582 : memref<100096x16xf32, #tpu.memory_space<vmem_shared>>)
          tpu.yield
        }) : () -> ()
      } else {
      }
      %add3A_280 = arith.constant 1 : i32
      %add3A_281 = arith.addi %add3A_185, %add3A_280 : i32
      %mul3A_282 = arith.constant 4 : i32
      %mul3A_283 = arith.muli %add3A_281, %mul3A_282 : i32
      %add3A_284 = arith.addi %mul3A_45, %mul3A_283 : i32
      %dma_start3A_285 = arith.constant 0 : i32
      %dma_start3A_286 = arith.constant 1 : i32
      %dma_start3A_287 = arith.constant 0 : i32
      %dma_start3A_288 = arith.constant 0 : i32
      %dma_start3A_289 = tpu.memref_slice %arg5[%dma_start3A_286, %dma_start3A_287, %dma_start3A_288] : memref<2x4x128xi32, #tpu.memory_space<vmem>> -> memref<1x4x128xi32, #tpu.memory_space<vmem>>
      %dma_start3A_290 = tpu.memref_squeeze %dma_start3A_289 : memref<1x4x128xi32, #tpu.memory_space<vmem>> -> memref<4x128xi32, #tpu.memory_space<vmem>>
      %dma_start3A_291 = arith.constant 0 : i32
      %dma_start3A_292 = tpu.memref_slice %arg2[%dma_start3A_285, %add3A_284, %dma_start3A_291] : memref<2x25000x128xi32, #tpu.memory_space<hbm>> -> memref<1x4x128xi32, #tpu.memory_space<hbm>>
      %dma_start3A_293 = tpu.memref_squeeze %dma_start3A_292 : memref<1x4x128xi32, #tpu.memory_space<hbm>> -> memref<4x128xi32, #tpu.memory_space<hbm>>
      %dma_start3A_294 = arith.constant 0 : i32
      %dma_start3A_295 = arith.constant 0 : i32
      %dma_start3A_296 = tpu.memref_slice %arg5[%dma_start3A_286, %dma_start3A_294, %dma_start3A_295] : memref<2x4x128xi32, #tpu.memory_space<vmem>> -> memref<1x4x128xi32, #tpu.memory_space<vmem>>
      %dma_start3A_297 = tpu.memref_squeeze %dma_start3A_296 : memref<1x4x128xi32, #tpu.memory_space<vmem>> -> memref<4x128xi32, #tpu.memory_space<vmem>>
      %dma_start3A_298 = arith.constant 0 : i32
      %dma_start3A_299 = tpu.memref_slice %arg2[%dma_start3A_285, %add3A_284, %dma_start3A_298] : memref<2x25000x128xi32, #tpu.memory_space<hbm>> -> memref<1x4x128xi32, #tpu.memory_space<hbm>>
      %dma_start3A_300 = tpu.memref_squeeze %dma_start3A_299 : memref<1x4x128xi32, #tpu.memory_space<hbm>> -> memref<4x128xi32, #tpu.memory_space<hbm>>
      tpu.enqueue_dma source(%dma_start3A_300 : memref<4x128xi32, #tpu.memory_space<hbm>>) target(%dma_start3A_297 : memref<4x128xi32, #tpu.memory_space<vmem>>) target_semaphore(%arg11 : memref<!tpu.dma_semaphore, #tpu.memory_space<semaphore_mem>>)
      %dma_start3A_301 = arith.constant 1 : i32
      %dma_start3A_302 = arith.constant 1 : i32
      %dma_start3A_303 = arith.constant 0 : i32
      %dma_start3A_304 = arith.constant 0 : i32
      %dma_start3A_305 = tpu.memref_slice %arg6[%dma_start3A_302, %dma_start3A_303, %dma_start3A_304] : memref<2x4x128xi32, #tpu.memory_space<vmem>> -> memref<1x4x128xi32, #tpu.memory_space<vmem>>
      %dma_start3A_306 = tpu.memref_squeeze %dma_start3A_305 : memref<1x4x128xi32, #tpu.memory_space<vmem>> -> memref<4x128xi32, #tpu.memory_space<vmem>>
      %dma_start3A_307 = arith.constant 0 : i32
      %dma_start3A_308 = tpu.memref_slice %arg2[%dma_start3A_301, %add3A_284, %dma_start3A_307] : memref<2x25000x128xi32, #tpu.memory_space<hbm>> -> memref<1x4x128xi32, #tpu.memory_space<hbm>>
      %dma_start3A_309 = tpu.memref_squeeze %dma_start3A_308 : memref<1x4x128xi32, #tpu.memory_space<hbm>> -> memref<4x128xi32, #tpu.memory_space<hbm>>
      %dma_start3A_310 = arith.constant 0 : i32
      %dma_start3A_311 = arith.constant 0 : i32
      %dma_start3A_312 = tpu.memref_slice %arg6[%dma_start3A_302, %dma_start3A_310, %dma_start3A_311] : memref<2x4x128xi32, #tpu.memory_space<vmem>> -> memref<1x4x128xi32, #tpu.memory_space<vmem>>
      %dma_start3A_313 = tpu.memref_squeeze %dma_start3A_312 : memref<1x4x128xi32, #tpu.memory_space<vmem>> -> memref<4x128xi32, #tpu.memory_space<vmem>>
      %dma_start3A_314 = arith.constant 0 : i32
      %dma_start3A_315 = tpu.memref_slice %arg2[%dma_start3A_301, %add3A_284, %dma_start3A_314] : memref<2x25000x128xi32, #tpu.memory_space<hbm>> -> memref<1x4x128xi32, #tpu.memory_space<hbm>>
      %dma_start3A_316 = tpu.memref_squeeze %dma_start3A_315 : memref<1x4x128xi32, #tpu.memory_space<hbm>> -> memref<4x128xi32, #tpu.memory_space<hbm>>
      tpu.enqueue_dma source(%dma_start3A_316 : memref<4x128xi32, #tpu.memory_space<hbm>>) target(%dma_start3A_313 : memref<4x128xi32, #tpu.memory_space<vmem>>) target_semaphore(%arg11 : memref<!tpu.dma_semaphore, #tpu.memory_space<semaphore_mem>>)
      %mul3A_317 = arith.constant 2 : i32
      %mul3A_318 = arith.muli %mul3A_317, %while3A_181 : i32
      %add3A_319 = arith.constant 1 : i32
      %add3A_320 = arith.addi %mul3A_318, %add3A_319 : i32
      %mul3A_321 = arith.constant 4 : i32
      %mul3A_322 = arith.muli %add3A_320, %mul3A_321 : i32
      %add3A_323 = arith.addi %mul3A_45, %mul3A_322 : i32
      %dma_wait3A_324 = arith.constant 0 : i32
      %dma_wait3A_325 = arith.constant 1 : i32
      %dma_wait3A_326 = arith.constant 0 : i32
      %dma_wait3A_327 = arith.constant 0 : i32
      %dma_wait3A_328 = tpu.memref_slice %arg5[%dma_wait3A_325, %dma_wait3A_326, %dma_wait3A_327] : memref<2x4x128xi32, #tpu.memory_space<vmem>> -> memref<1x4x128xi32, #tpu.memory_space<vmem>>
      %dma_wait3A_329 = tpu.memref_squeeze %dma_wait3A_328 : memref<1x4x128xi32, #tpu.memory_space<vmem>> -> memref<4x128xi32, #tpu.memory_space<vmem>>
      %dma_wait3A_330 = arith.constant 0 : i32
      %dma_wait3A_331 = tpu.memref_slice %arg2[%dma_wait3A_324, %add3A_323, %dma_wait3A_330] : memref<2x25000x128xi32, #tpu.memory_space<hbm>> -> memref<1x4x128xi32, #tpu.memory_space<hbm>>
      %dma_wait3A_332 = tpu.memref_squeeze %dma_wait3A_331 : memref<1x4x128xi32, #tpu.memory_space<hbm>> -> memref<4x128xi32, #tpu.memory_space<hbm>>
      %dma_wait3A_333 = arith.constant 0 : i32
      %dma_wait3A_334 = arith.constant 0 : i32
      %dma_wait3A_335 = tpu.memref_slice %arg5[%dma_wait3A_325, %dma_wait3A_333, %dma_wait3A_334] : memref<2x4x128xi32, #tpu.memory_space<vmem>> -> memref<1x4x128xi32, #tpu.memory_space<vmem>>
      %dma_wait3A_336 = tpu.memref_squeeze %dma_wait3A_335 : memref<1x4x128xi32, #tpu.memory_space<vmem>> -> memref<4x128xi32, #tpu.memory_space<vmem>>
      %dma_wait3A_337 = arith.constant 0 : i32
      %dma_wait3A_338 = tpu.memref_slice %arg2[%dma_wait3A_324, %add3A_323, %dma_wait3A_337] : memref<2x25000x128xi32, #tpu.memory_space<hbm>> -> memref<1x4x128xi32, #tpu.memory_space<hbm>>
      %dma_wait3A_339 = tpu.memref_squeeze %dma_wait3A_338 : memref<1x4x128xi32, #tpu.memory_space<hbm>> -> memref<4x128xi32, #tpu.memory_space<hbm>>
      tpu.wait_dma2 semaphore(%arg11 : memref<!tpu.dma_semaphore, #tpu.memory_space<semaphore_mem>>) src(%dma_wait3A_339 : memref<4x128xi32, #tpu.memory_space<hbm>>) dst(%dma_wait3A_336 : memref<4x128xi32, #tpu.memory_space<vmem>>)
      %dma_wait3A_340 = arith.constant 1 : i32
      %dma_wait3A_341 = arith.constant 1 : i32
      %dma_wait3A_342 = arith.constant 0 : i32
      %dma_wait3A_343 = arith.constant 0 : i32
      %dma_wait3A_344 = tpu.memref_slice %arg6[%dma_wait3A_341, %dma_wait3A_342, %dma_wait3A_343] : memref<2x4x128xi32, #tpu.memory_space<vmem>> -> memref<1x4x128xi32, #tpu.memory_space<vmem>>
      %dma_wait3A_345 = tpu.memref_squeeze %dma_wait3A_344 : memref<1x4x128xi32, #tpu.memory_space<vmem>> -> memref<4x128xi32, #tpu.memory_space<vmem>>
      %dma_wait3A_346 = arith.constant 0 : i32
      %dma_wait3A_347 = tpu.memref_slice %arg2[%dma_wait3A_340, %add3A_323, %dma_wait3A_346] : memref<2x25000x128xi32, #tpu.memory_space<hbm>> -> memref<1x4x128xi32, #tpu.memory_space<hbm>>
      %dma_wait3A_348 = tpu.memref_squeeze %dma_wait3A_347 : memref<1x4x128xi32, #tpu.memory_space<hbm>> -> memref<4x128xi32, #tpu.memory_space<hbm>>
      %dma_wait3A_349 = arith.constant 0 : i32
      %dma_wait3A_350 = arith.constant 0 : i32
      %dma_wait3A_351 = tpu.memref_slice %arg6[%dma_wait3A_341, %dma_wait3A_349, %dma_wait3A_350] : memref<2x4x128xi32, #tpu.memory_space<vmem>> -> memref<1x4x128xi32, #tpu.memory_space<vmem>>
      %dma_wait3A_352 = tpu.memref_squeeze %dma_wait3A_351 : memref<1x4x128xi32, #tpu.memory_space<vmem>> -> memref<4x128xi32, #tpu.memory_space<vmem>>
      %dma_wait3A_353 = arith.constant 0 : i32
      %dma_wait3A_354 = tpu.memref_slice %arg2[%dma_wait3A_340, %add3A_323, %dma_wait3A_353] : memref<2x25000x128xi32, #tpu.memory_space<hbm>> -> memref<1x4x128xi32, #tpu.memory_space<hbm>>
      %dma_wait3A_355 = tpu.memref_squeeze %dma_wait3A_354 : memref<1x4x128xi32, #tpu.memory_space<hbm>> -> memref<4x128xi32, #tpu.memory_space<hbm>>
      tpu.wait_dma2 semaphore(%arg11 : memref<!tpu.dma_semaphore, #tpu.memory_space<semaphore_mem>>) src(%dma_wait3A_355 : memref<4x128xi32, #tpu.memory_space<hbm>>) dst(%dma_wait3A_352 : memref<4x128xi32, #tpu.memory_space<vmem>>)
      %dma_start3A_356 = arith.constant 1 : i32
      %dma_start3A_357 = arith.constant 0 : i32
      %dma_start3A_358 = arith.constant 1 : i32
      %dma_start3A_359 = arith.constant 0 : i32
      %dma_start3A_360 = arith.constant 0 : i32
      %dma_start3A_361 = arith.constant 0 : i32
      %dma_start3A_362 = tpu.memref_slice %arg7[%dma_start3A_358, %dma_start3A_359, %dma_start3A_360, %dma_start3A_361] : memref<2x4x128x16xf32, #tpu.memory_space<vmem>> -> memref<1x1x128x16xf32, #tpu.memory_space<vmem>>
      %dma_start3A_363 = tpu.memref_squeeze %dma_start3A_362 : memref<1x1x128x16xf32, #tpu.memory_space<vmem>> -> memref<128x16xf32, #tpu.memory_space<vmem>>
      %dma_start3A_364 = arith.constant 0 : i32
      %dma_start3A_365 = tpu.memref_slice %arg5[%dma_start3A_356, %dma_start3A_357, %dma_start3A_364] : memref<2x4x128xi32, #tpu.memory_space<vmem>> -> memref<1x1x128xi32, #tpu.memory_space<vmem>>
      %dma_start3A_366 = tpu.memref_squeeze %dma_start3A_365 : memref<1x1x128xi32, #tpu.memory_space<vmem>> -> memref<128xi32, #tpu.memory_space<vmem>>
      %dma_start3A_367 = arith.constant 0 : i32
      %dma_start3A_368 = arith.constant 0 : i32
      %dma_start3A_369 = tpu.memref_slice %arg3[%dma_start3A_367, %dma_start3A_368] : memref<100096x16xf32, #tpu.memory_space<hbm>> -> memref<100096x16xf32, #tpu.memory_space<hbm>>
      tpu.enqueue_indirect_dma source(%dma_start3A_369 : memref<100096x16xf32, #tpu.memory_space<hbm>>) target(%dma_start3A_363 : memref<128x16xf32, #tpu.memory_space<vmem>>) offsets(%dma_start3A_366 : memref<128xi32, #tpu.memory_space<vmem>>) semaphore(%arg13 : memref<!tpu.dma_semaphore, #tpu.memory_space<semaphore_mem>>)
      %dma_start3A_370 = arith.constant 1 : i32
      %dma_start3A_371 = arith.constant 1 : i32
      %dma_start3A_372 = arith.constant 1 : i32
      %dma_start3A_373 = arith.constant 1 : i32
      %dma_start3A_374 = arith.constant 0 : i32
      %dma_start3A_375 = arith.constant 0 : i32
      %dma_start3A_376 = tpu.memref_slice %arg7[%dma_start3A_372, %dma_start3A_373, %dma_start3A_374, %dma_start3A_375] : memref<2x4x128x16xf32, #tpu.memory_space<vmem>> -> memref<1x1x128x16xf32, #tpu.memory_space<vmem>>
      %dma_start3A_377 = tpu.memref_squeeze %dma_start3A_376 : memref<1x1x128x16xf32, #tpu.memory_space<vmem>> -> memref<128x16xf32, #tpu.memory_space<vmem>>
      %dma_start3A_378 = arith.constant 0 : i32
      %dma_start3A_379 = tpu.memref_slice %arg5[%dma_start3A_370, %dma_start3A_371, %dma_start3A_378] : memref<2x4x128xi32, #tpu.memory_space<vmem>> -> memref<1x1x128xi32, #tpu.memory_space<vmem>>
      %dma_start3A_380 = tpu.memref_squeeze %dma_start3A_379 : memref<1x1x128xi32, #tpu.memory_space<vmem>> -> memref<128xi32, #tpu.memory_space<vmem>>
      %dma_start3A_381 = arith.constant 0 : i32
      %dma_start3A_382 = arith.constant 0 : i32
      %dma_start3A_383 = tpu.memref_slice %arg3[%dma_start3A_381, %dma_start3A_382] : memref<100096x16xf32, #tpu.memory_space<hbm>> -> memref<100096x16xf32, #tpu.memory_space<hbm>>
      tpu.enqueue_indirect_dma source(%dma_start3A_383 : memref<100096x16xf32, #tpu.memory_space<hbm>>) target(%dma_start3A_377 : memref<128x16xf32, #tpu.memory_space<vmem>>) offsets(%dma_start3A_380 : memref<128xi32, #tpu.memory_space<vmem>>) semaphore(%arg13 : memref<!tpu.dma_semaphore, #tpu.memory_space<semaphore_mem>>)
      %dma_start3A_384 = arith.constant 1 : i32
      %dma_start3A_385 = arith.constant 2 : i32
      %dma_start3A_386 = arith.constant 1 : i32
      %dma_start3A_387 = arith.constant 2 : i32
      %dma_start3A_388 = arith.constant 0 : i32
      %dma_start3A_389 = arith.constant 0 : i32
      %dma_start3A_390 = tpu.memref_slice %arg7[%dma_start3A_386, %dma_start3A_387, %dma_start3A_388, %dma_start3A_389] : memref<2x4x128x16xf32, #tpu.memory_space<vmem>> -> memref<1x1x128x16xf32, #tpu.memory_space<vmem>>
      %dma_start3A_391 = tpu.memref_squeeze %dma_start3A_390 : memref<1x1x128x16xf32, #tpu.memory_space<vmem>> -> memref<128x16xf32, #tpu.memory_space<vmem>>
      %dma_start3A_392 = arith.constant 0 : i32
      %dma_start3A_393 = tpu.memref_slice %arg5[%dma_start3A_384, %dma_start3A_385, %dma_start3A_392] : memref<2x4x128xi32, #tpu.memory_space<vmem>> -> memref<1x1x128xi32, #tpu.memory_space<vmem>>
      %dma_start3A_394 = tpu.memref_squeeze %dma_start3A_393 : memref<1x1x128xi32, #tpu.memory_space<vmem>> -> memref<128xi32, #tpu.memory_space<vmem>>
      %dma_start3A_395 = arith.constant 0 : i32
      %dma_start3A_396 = arith.constant 0 : i32
      %dma_start3A_397 = tpu.memref_slice %arg3[%dma_start3A_395, %dma_start3A_396] : memref<100096x16xf32, #tpu.memory_space<hbm>> -> memref<100096x16xf32, #tpu.memory_space<hbm>>
      tpu.enqueue_indirect_dma source(%dma_start3A_397 : memref<100096x16xf32, #tpu.memory_space<hbm>>) target(%dma_start3A_391 : memref<128x16xf32, #tpu.memory_space<vmem>>) offsets(%dma_start3A_394 : memref<128xi32, #tpu.memory_space<vmem>>) semaphore(%arg13 : memref<!tpu.dma_semaphore, #tpu.memory_space<semaphore_mem>>)
      %dma_start3A_398 = arith.constant 1 : i32
      %dma_start3A_399 = arith.constant 3 : i32
      %dma_start3A_400 = arith.constant 1 : i32
      %dma_start3A_401 = arith.constant 3 : i32
      %dma_start3A_402 = arith.constant 0 : i32
      %dma_start3A_403 = arith.constant 0 : i32
      %dma_start3A_404 = tpu.memref_slice %arg7[%dma_start3A_400, %dma_start3A_401, %dma_start3A_402, %dma_start3A_403] : memref<2x4x128x16xf32, #tpu.memory_space<vmem>> -> memref<1x1x128x16xf32, #tpu.memory_space<vmem>>
      %dma_start3A_405 = tpu.memref_squeeze %dma_start3A_404 : memref<1x1x128x16xf32, #tpu.memory_space<vmem>> -> memref<128x16xf32, #tpu.memory_space<vmem>>
      %dma_start3A_406 = arith.constant 0 : i32
      %dma_start3A_407 = tpu.memref_slice %arg5[%dma_start3A_398, %dma_start3A_399, %dma_start3A_406] : memref<2x4x128xi32, #tpu.memory_space<vmem>> -> memref<1x1x128xi32, #tpu.memory_space<vmem>>
      %dma_start3A_408 = tpu.memref_squeeze %dma_start3A_407 : memref<1x1x128xi32, #tpu.memory_space<vmem>> -> memref<128xi32, #tpu.memory_space<vmem>>
      %dma_start3A_409 = arith.constant 0 : i32
      %dma_start3A_410 = arith.constant 0 : i32
      %dma_start3A_411 = tpu.memref_slice %arg3[%dma_start3A_409, %dma_start3A_410] : memref<100096x16xf32, #tpu.memory_space<hbm>> -> memref<100096x16xf32, #tpu.memory_space<hbm>>
      tpu.enqueue_indirect_dma source(%dma_start3A_411 : memref<100096x16xf32, #tpu.memory_space<hbm>>) target(%dma_start3A_405 : memref<128x16xf32, #tpu.memory_space<vmem>>) offsets(%dma_start3A_408 : memref<128xi32, #tpu.memory_space<vmem>>) semaphore(%arg13 : memref<!tpu.dma_semaphore, #tpu.memory_space<semaphore_mem>>)
      %dma_wait3A_412 = arith.constant 0 : i32
      %dma_wait3A_413 = arith.constant 0 : i32
      %dma_wait3A_414 = arith.constant 0 : i32
      %dma_wait3A_415 = arith.constant 0 : i32
      %dma_wait3A_416 = arith.constant 0 : i32
      %dma_wait3A_417 = arith.constant 0 : i32
      %dma_wait3A_418 = tpu.memref_slice %arg7[%dma_wait3A_414, %dma_wait3A_415, %dma_wait3A_416, %dma_wait3A_417] : memref<2x4x128x16xf32, #tpu.memory_space<vmem>> -> memref<1x1x128x16xf32, #tpu.memory_space<vmem>>
      %dma_wait3A_419 = tpu.memref_squeeze %dma_wait3A_418 : memref<1x1x128x16xf32, #tpu.memory_space<vmem>> -> memref<128x16xf32, #tpu.memory_space<vmem>>
      %dma_wait3A_420 = arith.constant 0 : i32
      %dma_wait3A_421 = tpu.memref_slice %arg5[%dma_wait3A_412, %dma_wait3A_413, %dma_wait3A_420] : memref<2x4x128xi32, #tpu.memory_space<vmem>> -> memref<1x1x128xi32, #tpu.memory_space<vmem>>
      %dma_wait3A_422 = tpu.memref_squeeze %dma_wait3A_421 : memref<1x1x128xi32, #tpu.memory_space<vmem>> -> memref<128xi32, #tpu.memory_space<vmem>>
      %dma_wait3A_423 = arith.constant 0 : i32
      %dma_wait3A_424 = arith.constant 0 : i32
      %dma_wait3A_425 = tpu.memref_slice %arg3[%dma_wait3A_423, %dma_wait3A_424] : memref<100096x16xf32, #tpu.memory_space<hbm>> -> memref<100096x16xf32, #tpu.memory_space<hbm>>
      tpu.wait_indirect_dma semaphore(%arg12 : memref<!tpu.dma_semaphore, #tpu.memory_space<semaphore_mem>>) src(%dma_wait3A_425 : memref<100096x16xf32, #tpu.memory_space<hbm>>) dst(%dma_wait3A_419 : memref<128x16xf32, #tpu.memory_space<vmem>>)
      %dma_wait3A_426 = arith.constant 0 : i32
      %dma_wait3A_427 = arith.constant 1 : i32
      %dma_wait3A_428 = arith.constant 0 : i32
      %dma_wait3A_429 = arith.constant 1 : i32
      %dma_wait3A_430 = arith.constant 0 : i32
      %dma_wait3A_431 = arith.constant 0 : i32
      %dma_wait3A_432 = tpu.memref_slice %arg7[%dma_wait3A_428, %dma_wait3A_429, %dma_wait3A_430, %dma_wait3A_431] : memref<2x4x128x16xf32, #tpu.memory_space<vmem>> -> memref<1x1x128x16xf32, #tpu.memory_space<vmem>>
      %dma_wait3A_433 = tpu.memref_squeeze %dma_wait3A_432 : memref<1x1x128x16xf32, #tpu.memory_space<vmem>> -> memref<128x16xf32, #tpu.memory_space<vmem>>
      %dma_wait3A_434 = arith.constant 0 : i32
      %dma_wait3A_435 = tpu.memref_slice %arg5[%dma_wait3A_426, %dma_wait3A_427, %dma_wait3A_434] : memref<2x4x128xi32, #tpu.memory_space<vmem>> -> memref<1x1x128xi32, #tpu.memory_space<vmem>>
      %dma_wait3A_436 = tpu.memref_squeeze %dma_wait3A_435 : memref<1x1x128xi32, #tpu.memory_space<vmem>> -> memref<128xi32, #tpu.memory_space<vmem>>
      %dma_wait3A_437 = arith.constant 0 : i32
      %dma_wait3A_438 = arith.constant 0 : i32
      %dma_wait3A_439 = tpu.memref_slice %arg3[%dma_wait3A_437, %dma_wait3A_438] : memref<100096x16xf32, #tpu.memory_space<hbm>> -> memref<100096x16xf32, #tpu.memory_space<hbm>>
      tpu.wait_indirect_dma semaphore(%arg12 : memref<!tpu.dma_semaphore, #tpu.memory_space<semaphore_mem>>) src(%dma_wait3A_439 : memref<100096x16xf32, #tpu.memory_space<hbm>>) dst(%dma_wait3A_433 : memref<128x16xf32, #tpu.memory_space<vmem>>)
      %dma_wait3A_440 = arith.constant 0 : i32
      %dma_wait3A_441 = arith.constant 2 : i32
      %dma_wait3A_442 = arith.constant 0 : i32
      %dma_wait3A_443 = arith.constant 2 : i32
      %dma_wait3A_444 = arith.constant 0 : i32
      %dma_wait3A_445 = arith.constant 0 : i32
      %dma_wait3A_446 = tpu.memref_slice %arg7[%dma_wait3A_442, %dma_wait3A_443, %dma_wait3A_444, %dma_wait3A_445] : memref<2x4x128x16xf32, #tpu.memory_space<vmem>> -> memref<1x1x128x16xf32, #tpu.memory_space<vmem>>
      %dma_wait3A_447 = tpu.memref_squeeze %dma_wait3A_446 : memref<1x1x128x16xf32, #tpu.memory_space<vmem>> -> memref<128x16xf32, #tpu.memory_space<vmem>>
      %dma_wait3A_448 = arith.constant 0 : i32
      %dma_wait3A_449 = tpu.memref_slice %arg5[%dma_wait3A_440, %dma_wait3A_441, %dma_wait3A_448] : memref<2x4x128xi32, #tpu.memory_space<vmem>> -> memref<1x1x128xi32, #tpu.memory_space<vmem>>
      %dma_wait3A_450 = tpu.memref_squeeze %dma_wait3A_449 : memref<1x1x128xi32, #tpu.memory_space<vmem>> -> memref<128xi32, #tpu.memory_space<vmem>>
      %dma_wait3A_451 = arith.constant 0 : i32
      %dma_wait3A_452 = arith.constant 0 : i32
      %dma_wait3A_453 = tpu.memref_slice %arg3[%dma_wait3A_451, %dma_wait3A_452] : memref<100096x16xf32, #tpu.memory_space<hbm>> -> memref<100096x16xf32, #tpu.memory_space<hbm>>
      tpu.wait_indirect_dma semaphore(%arg12 : memref<!tpu.dma_semaphore, #tpu.memory_space<semaphore_mem>>) src(%dma_wait3A_453 : memref<100096x16xf32, #tpu.memory_space<hbm>>) dst(%dma_wait3A_447 : memref<128x16xf32, #tpu.memory_space<vmem>>)
      %dma_wait3A_454 = arith.constant 0 : i32
      %dma_wait3A_455 = arith.constant 3 : i32
      %dma_wait3A_456 = arith.constant 0 : i32
      %dma_wait3A_457 = arith.constant 3 : i32
      %dma_wait3A_458 = arith.constant 0 : i32
      %dma_wait3A_459 = arith.constant 0 : i32
      %dma_wait3A_460 = tpu.memref_slice %arg7[%dma_wait3A_456, %dma_wait3A_457, %dma_wait3A_458, %dma_wait3A_459] : memref<2x4x128x16xf32, #tpu.memory_space<vmem>> -> memref<1x1x128x16xf32, #tpu.memory_space<vmem>>
      %dma_wait3A_461 = tpu.memref_squeeze %dma_wait3A_460 : memref<1x1x128x16xf32, #tpu.memory_space<vmem>> -> memref<128x16xf32, #tpu.memory_space<vmem>>
      %dma_wait3A_462 = arith.constant 0 : i32
      %dma_wait3A_463 = tpu.memref_slice %arg5[%dma_wait3A_454, %dma_wait3A_455, %dma_wait3A_462] : memref<2x4x128xi32, #tpu.memory_space<vmem>> -> memref<1x1x128xi32, #tpu.memory_space<vmem>>
      %dma_wait3A_464 = tpu.memref_squeeze %dma_wait3A_463 : memref<1x1x128xi32, #tpu.memory_space<vmem>> -> memref<128xi32, #tpu.memory_space<vmem>>
      %dma_wait3A_465 = arith.constant 0 : i32
      %dma_wait3A_466 = arith.constant 0 : i32
      %dma_wait3A_467 = tpu.memref_slice %arg3[%dma_wait3A_465, %dma_wait3A_466] : memref<100096x16xf32, #tpu.memory_space<hbm>> -> memref<100096x16xf32, #tpu.memory_space<hbm>>
      tpu.wait_indirect_dma semaphore(%arg12 : memref<!tpu.dma_semaphore, #tpu.memory_space<semaphore_mem>>) src(%dma_wait3A_467 : memref<100096x16xf32, #tpu.memory_space<hbm>>) dst(%dma_wait3A_461 : memref<128x16xf32, #tpu.memory_space<vmem>>)
      %run_scoped3A_468 = arith.constant 0 : i32
      %run_scoped3A_469 = arith.constant 0 : i32
      %run_scoped3A_470 = arith.constant 0 : i32
      %run_scoped3A_471 = arith.constant 0 : i32
      "tpu.region"() ({
        %run_scoped3A_490 = tpu.sem_alloc : memref<!tpu.dma_semaphore, #tpu.memory_space<semaphore_mem>>
        %dma_start3A_491 = arith.constant 0 : i32
        %dma_start3A_492 = arith.constant 0 : i32
        %dma_start3A_493 = tpu.memref_slice %arg7[%run_scoped3A_468, %run_scoped3A_469, %dma_start3A_491, %dma_start3A_492] : memref<2x4x128x16xf32, #tpu.memory_space<vmem>> -> memref<1x1x128x16xf32, #tpu.memory_space<vmem>>
        %dma_start3A_494 = tpu.memref_squeeze %dma_start3A_493 : memref<1x1x128x16xf32, #tpu.memory_space<vmem>> -> memref<128x16xf32, #tpu.memory_space<vmem>>
        %dma_start3A_495 = arith.constant 0 : i32
        %dma_start3A_496 = tpu.memref_slice %arg6[%run_scoped3A_470, %run_scoped3A_471, %dma_start3A_495] : memref<2x4x128xi32, #tpu.memory_space<vmem>> -> memref<1x1x128xi32, #tpu.memory_space<vmem>>
        %dma_start3A_497 = tpu.memref_squeeze %dma_start3A_496 : memref<1x1x128xi32, #tpu.memory_space<vmem>> -> memref<128xi32, #tpu.memory_space<vmem>>
        %dma_start3A_498 = arith.constant 0 : i32
        %dma_start3A_499 = arith.constant 0 : i32
        %dma_start3A_500 = tpu.memref_slice %arg9[%dma_start3A_498, %dma_start3A_499] : memref<100096x16xf32, #tpu.memory_space<vmem_shared>> -> memref<100096x16xf32, #tpu.memory_space<vmem_shared>>
        tpu.enqueue_indirect_dma source(%dma_start3A_494 : memref<128x16xf32, #tpu.memory_space<vmem>>) target(%dma_start3A_500 : memref<100096x16xf32, #tpu.memory_space<vmem_shared>>) offsets(%dma_start3A_497 : memref<128xi32, #tpu.memory_space<vmem>>) semaphore(%run_scoped3A_490 : memref<!tpu.dma_semaphore, #tpu.memory_space<semaphore_mem>>) {add = true}
        %dma_wait3A_501 = arith.constant 0 : i32
        %dma_wait3A_502 = arith.constant 0 : i32
        %dma_wait3A_503 = tpu.memref_slice %arg7[%run_scoped3A_468, %run_scoped3A_469, %dma_wait3A_501, %dma_wait3A_502] : memref<2x4x128x16xf32, #tpu.memory_space<vmem>> -> memref<1x1x128x16xf32, #tpu.memory_space<vmem>>
        %dma_wait3A_504 = tpu.memref_squeeze %dma_wait3A_503 : memref<1x1x128x16xf32, #tpu.memory_space<vmem>> -> memref<128x16xf32, #tpu.memory_space<vmem>>
        %dma_wait3A_505 = arith.constant 0 : i32
        %dma_wait3A_506 = tpu.memref_slice %arg6[%run_scoped3A_470, %run_scoped3A_471, %dma_wait3A_505] : memref<2x4x128xi32, #tpu.memory_space<vmem>> -> memref<1x1x128xi32, #tpu.memory_space<vmem>>
        %dma_wait3A_507 = tpu.memref_squeeze %dma_wait3A_506 : memref<1x1x128xi32, #tpu.memory_space<vmem>> -> memref<128xi32, #tpu.memory_space<vmem>>
        %dma_wait3A_508 = arith.constant 0 : i32
        %dma_wait3A_509 = arith.constant 0 : i32
        %dma_wait3A_510 = tpu.memref_slice %arg9[%dma_wait3A_508, %dma_wait3A_509] : memref<100096x16xf32, #tpu.memory_space<vmem_shared>> -> memref<100096x16xf32, #tpu.memory_space<vmem_shared>>
        tpu.wait_indirect_dma semaphore(%run_scoped3A_490 : memref<!tpu.dma_semaphore, #tpu.memory_space<semaphore_mem>>) src(%dma_wait3A_504 : memref<128x16xf32, #tpu.memory_space<vmem>>) dst(%dma_wait3A_510 : memref<100096x16xf32, #tpu.memory_space<vmem_shared>>)
        tpu.yield
      }) : () -> ()
      %run_scoped3A_472 = arith.constant 0 : i32
      %run_scoped3A_473 = arith.constant 1 : i32
      %run_scoped3A_474 = arith.constant 0 : i32
      %run_scoped3A_475 = arith.constant 1 : i32
      "tpu.region"() ({
        %run_scoped3A_490 = tpu.sem_alloc : memref<!tpu.dma_semaphore, #tpu.memory_space<semaphore_mem>>
        %dma_start3A_491 = arith.constant 0 : i32
        %dma_start3A_492 = arith.constant 0 : i32
        %dma_start3A_493 = tpu.memref_slice %arg7[%run_scoped3A_472, %run_scoped3A_473, %dma_start3A_491, %dma_start3A_492] : memref<2x4x128x16xf32, #tpu.memory_space<vmem>> -> memref<1x1x128x16xf32, #tpu.memory_space<vmem>>
        %dma_start3A_494 = tpu.memref_squeeze %dma_start3A_493 : memref<1x1x128x16xf32, #tpu.memory_space<vmem>> -> memref<128x16xf32, #tpu.memory_space<vmem>>
        %dma_start3A_495 = arith.constant 0 : i32
        %dma_start3A_496 = tpu.memref_slice %arg6[%run_scoped3A_474, %run_scoped3A_475, %dma_start3A_495] : memref<2x4x128xi32, #tpu.memory_space<vmem>> -> memref<1x1x128xi32, #tpu.memory_space<vmem>>
        %dma_start3A_497 = tpu.memref_squeeze %dma_start3A_496 : memref<1x1x128xi32, #tpu.memory_space<vmem>> -> memref<128xi32, #tpu.memory_space<vmem>>
        %dma_start3A_498 = arith.constant 0 : i32
        %dma_start3A_499 = arith.constant 0 : i32
        %dma_start3A_500 = tpu.memref_slice %arg9[%dma_start3A_498, %dma_start3A_499] : memref<100096x16xf32, #tpu.memory_space<vmem_shared>> -> memref<100096x16xf32, #tpu.memory_space<vmem_shared>>
        tpu.enqueue_indirect_dma source(%dma_start3A_494 : memref<128x16xf32, #tpu.memory_space<vmem>>) target(%dma_start3A_500 : memref<100096x16xf32, #tpu.memory_space<vmem_shared>>) offsets(%dma_start3A_497 : memref<128xi32, #tpu.memory_space<vmem>>) semaphore(%run_scoped3A_490 : memref<!tpu.dma_semaphore, #tpu.memory_space<semaphore_mem>>) {add = true}
        %dma_wait3A_501 = arith.constant 0 : i32
        %dma_wait3A_502 = arith.constant 0 : i32
        %dma_wait3A_503 = tpu.memref_slice %arg7[%run_scoped3A_472, %run_scoped3A_473, %dma_wait3A_501, %dma_wait3A_502] : memref<2x4x128x16xf32, #tpu.memory_space<vmem>> -> memref<1x1x128x16xf32, #tpu.memory_space<vmem>>
        %dma_wait3A_504 = tpu.memref_squeeze %dma_wait3A_503 : memref<1x1x128x16xf32, #tpu.memory_space<vmem>> -> memref<128x16xf32, #tpu.memory_space<vmem>>
        %dma_wait3A_505 = arith.constant 0 : i32
        %dma_wait3A_506 = tpu.memref_slice %arg6[%run_scoped3A_474, %run_scoped3A_475, %dma_wait3A_505] : memref<2x4x128xi32, #tpu.memory_space<vmem>> -> memref<1x1x128xi32, #tpu.memory_space<vmem>>
        %dma_wait3A_507 = tpu.memref_squeeze %dma_wait3A_506 : memref<1x1x128xi32, #tpu.memory_space<vmem>> -> memref<128xi32, #tpu.memory_space<vmem>>
        %dma_wait3A_508 = arith.constant 0 : i32
        %dma_wait3A_509 = arith.constant 0 : i32
        %dma_wait3A_510 = tpu.memref_slice %arg9[%dma_wait3A_508, %dma_wait3A_509] : memref<100096x16xf32, #tpu.memory_space<vmem_shared>> -> memref<100096x16xf32, #tpu.memory_space<vmem_shared>>
        tpu.wait_indirect_dma semaphore(%run_scoped3A_490 : memref<!tpu.dma_semaphore, #tpu.memory_space<semaphore_mem>>) src(%dma_wait3A_504 : memref<128x16xf32, #tpu.memory_space<vmem>>) dst(%dma_wait3A_510 : memref<100096x16xf32, #tpu.memory_space<vmem_shared>>)
        tpu.yield
      }) : () -> ()
      %run_scoped3A_476 = arith.constant 0 : i32
      %run_scoped3A_477 = arith.constant 2 : i32
      %run_scoped3A_478 = arith.constant 0 : i32
      %run_scoped3A_479 = arith.constant 2 : i32
      "tpu.region"() ({
        %run_scoped3A_490 = tpu.sem_alloc : memref<!tpu.dma_semaphore, #tpu.memory_space<semaphore_mem>>
        %dma_start3A_491 = arith.constant 0 : i32
        %dma_start3A_492 = arith.constant 0 : i32
        %dma_start3A_493 = tpu.memref_slice %arg7[%run_scoped3A_476, %run_scoped3A_477, %dma_start3A_491, %dma_start3A_492] : memref<2x4x128x16xf32, #tpu.memory_space<vmem>> -> memref<1x1x128x16xf32, #tpu.memory_space<vmem>>
        %dma_start3A_494 = tpu.memref_squeeze %dma_start3A_493 : memref<1x1x128x16xf32, #tpu.memory_space<vmem>> -> memref<128x16xf32, #tpu.memory_space<vmem>>
        %dma_start3A_495 = arith.constant 0 : i32
        %dma_start3A_496 = tpu.memref_slice %arg6[%run_scoped3A_478, %run_scoped3A_479, %dma_start3A_495] : memref<2x4x128xi32, #tpu.memory_space<vmem>> -> memref<1x1x128xi32, #tpu.memory_space<vmem>>
        %dma_start3A_497 = tpu.memref_squeeze %dma_start3A_496 : memref<1x1x128xi32, #tpu.memory_space<vmem>> -> memref<128xi32, #tpu.memory_space<vmem>>
        %dma_start3A_498 = arith.constant 0 : i32
        %dma_start3A_499 = arith.constant 0 : i32
        %dma_start3A_500 = tpu.memref_slice %arg9[%dma_start3A_498, %dma_start3A_499] : memref<100096x16xf32, #tpu.memory_space<vmem_shared>> -> memref<100096x16xf32, #tpu.memory_space<vmem_shared>>
        tpu.enqueue_indirect_dma source(%dma_start3A_494 : memref<128x16xf32, #tpu.memory_space<vmem>>) target(%dma_start3A_500 : memref<100096x16xf32, #tpu.memory_space<vmem_shared>>) offsets(%dma_start3A_497 : memref<128xi32, #tpu.memory_space<vmem>>) semaphore(%run_scoped3A_490 : memref<!tpu.dma_semaphore, #tpu.memory_space<semaphore_mem>>) {add = true}
        %dma_wait3A_501 = arith.constant 0 : i32
        %dma_wait3A_502 = arith.constant 0 : i32
        %dma_wait3A_503 = tpu.memref_slice %arg7[%run_scoped3A_476, %run_scoped3A_477, %dma_wait3A_501, %dma_wait3A_502] : memref<2x4x128x16xf32, #tpu.memory_space<vmem>> -> memref<1x1x128x16xf32, #tpu.memory_space<vmem>>
        %dma_wait3A_504 = tpu.memref_squeeze %dma_wait3A_503 : memref<1x1x128x16xf32, #tpu.memory_space<vmem>> -> memref<128x16xf32, #tpu.memory_space<vmem>>
        %dma_wait3A_505 = arith.constant 0 : i32
        %dma_wait3A_506 = tpu.memref_slice %arg6[%run_scoped3A_478, %run_scoped3A_479, %dma_wait3A_505] : memref<2x4x128xi32, #tpu.memory_space<vmem>> -> memref<1x1x128xi32, #tpu.memory_space<vmem>>
        %dma_wait3A_507 = tpu.memref_squeeze %dma_wait3A_506 : memref<1x1x128xi32, #tpu.memory_space<vmem>> -> memref<128xi32, #tpu.memory_space<vmem>>
        %dma_wait3A_508 = arith.constant 0 : i32
        %dma_wait3A_509 = arith.constant 0 : i32
        %dma_wait3A_510 = tpu.memref_slice %arg9[%dma_wait3A_508, %dma_wait3A_509] : memref<100096x16xf32, #tpu.memory_space<vmem_shared>> -> memref<100096x16xf32, #tpu.memory_space<vmem_shared>>
        tpu.wait_indirect_dma semaphore(%run_scoped3A_490 : memref<!tpu.dma_semaphore, #tpu.memory_space<semaphore_mem>>) src(%dma_wait3A_504 : memref<128x16xf32, #tpu.memory_space<vmem>>) dst(%dma_wait3A_510 : memref<100096x16xf32, #tpu.memory_space<vmem_shared>>)
        tpu.yield
      }) : () -> ()
      %run_scoped3A_480 = arith.constant 0 : i32
      %run_scoped3A_481 = arith.constant 3 : i32
      %run_scoped3A_482 = arith.constant 0 : i32
      %run_scoped3A_483 = arith.constant 3 : i32
      "tpu.region"() ({
        %run_scoped3A_490 = tpu.sem_alloc : memref<!tpu.dma_semaphore, #tpu.memory_space<semaphore_mem>>
        %dma_start3A_491 = arith.constant 0 : i32
        %dma_start3A_492 = arith.constant 0 : i32
        %dma_start3A_493 = tpu.memref_slice %arg7[%run_scoped3A_480, %run_scoped3A_481, %dma_start3A_491, %dma_start3A_492] : memref<2x4x128x16xf32, #tpu.memory_space<vmem>> -> memref<1x1x128x16xf32, #tpu.memory_space<vmem>>
        %dma_start3A_494 = tpu.memref_squeeze %dma_start3A_493 : memref<1x1x128x16xf32, #tpu.memory_space<vmem>> -> memref<128x16xf32, #tpu.memory_space<vmem>>
        %dma_start3A_495 = arith.constant 0 : i32
        %dma_start3A_496 = tpu.memref_slice %arg6[%run_scoped3A_482, %run_scoped3A_483, %dma_start3A_495] : memref<2x4x128xi32, #tpu.memory_space<vmem>> -> memref<1x1x128xi32, #tpu.memory_space<vmem>>
        %dma_start3A_497 = tpu.memref_squeeze %dma_start3A_496 : memref<1x1x128xi32, #tpu.memory_space<vmem>> -> memref<128xi32, #tpu.memory_space<vmem>>
        %dma_start3A_498 = arith.constant 0 : i32
        %dma_start3A_499 = arith.constant 0 : i32
        %dma_start3A_500 = tpu.memref_slice %arg9[%dma_start3A_498, %dma_start3A_499] : memref<100096x16xf32, #tpu.memory_space<vmem_shared>> -> memref<100096x16xf32, #tpu.memory_space<vmem_shared>>
        tpu.enqueue_indirect_dma source(%dma_start3A_494 : memref<128x16xf32, #tpu.memory_space<vmem>>) target(%dma_start3A_500 : memref<100096x16xf32, #tpu.memory_space<vmem_shared>>) offsets(%dma_start3A_497 : memref<128xi32, #tpu.memory_space<vmem>>) semaphore(%run_scoped3A_490 : memref<!tpu.dma_semaphore, #tpu.memory_space<semaphore_mem>>) {add = true}
        %dma_wait3A_501 = arith.constant 0 : i32
        %dma_wait3A_502 = arith.constant 0 : i32
        %dma_wait3A_503 = tpu.memref_slice %arg7[%run_scoped3A_480, %run_scoped3A_481, %dma_wait3A_501, %dma_wait3A_502] : memref<2x4x128x16xf32, #tpu.memory_space<vmem>> -> memref<1x1x128x16xf32, #tpu.memory_space<vmem>>
        %dma_wait3A_504 = tpu.memref_squeeze %dma_wait3A_503 : memref<1x1x128x16xf32, #tpu.memory_space<vmem>> -> memref<128x16xf32, #tpu.memory_space<vmem>>
        %dma_wait3A_505 = arith.constant 0 : i32
        %dma_wait3A_506 = tpu.memref_slice %arg6[%run_scoped3A_482, %run_scoped3A_483, %dma_wait3A_505] : memref<2x4x128xi32, #tpu.memory_space<vmem>> -> memref<1x1x128xi32, #tpu.memory_space<vmem>>
        %dma_wait3A_507 = tpu.memref_squeeze %dma_wait3A_506 : memref<1x1x128xi32, #tpu.memory_space<vmem>> -> memref<128xi32, #tpu.memory_space<vmem>>
        %dma_wait3A_508 = arith.constant 0 : i32
        %dma_wait3A_509 = arith.constant 0 : i32
        %dma_wait3A_510 = tpu.memref_slice %arg9[%dma_wait3A_508, %dma_wait3A_509] : memref<100096x16xf32, #tpu.memory_space<vmem_shared>> -> memref<100096x16xf32, #tpu.memory_space<vmem_shared>>
        tpu.wait_indirect_dma semaphore(%run_scoped3A_490 : memref<!tpu.dma_semaphore, #tpu.memory_space<semaphore_mem>>) src(%dma_wait3A_504 : memref<128x16xf32, #tpu.memory_space<vmem>>) dst(%dma_wait3A_510 : memref<100096x16xf32, #tpu.memory_space<vmem_shared>>)
        tpu.yield
      }) : () -> ()
      %add3A_484 = arith.constant 1 : i32
      %add3A_485 = arith.addi %add3A_320, %add3A_484 : i32
      %lt3A_486 = arith.cmpi slt, %add3A_485, %mul3A_47 : i32
      %convert_element_type3A_487 = arith.extui %lt3A_486 : i1 to i32
      %cond3A_488 = arith.constant 0 : i32
      %cond3A_489 = arith.cmpi ne, %convert_element_type3A_487, %cond3A_488 : i32
      scf.if %cond3A_489 {
        %add3A_490 = arith.constant 1 : i32
        %add3A_491 = arith.addi %add3A_320, %add3A_490 : i32
        %mul3A_492 = arith.constant 4 : i32
        %mul3A_493 = arith.muli %add3A_491, %mul3A_492 : i32
        %add3A_494 = arith.addi %mul3A_45, %mul3A_493 : i32
        %dma_start3A_495 = arith.constant 0 : i32
        %dma_start3A_496 = arith.constant 0 : i32
        %dma_start3A_497 = arith.constant 0 : i32
        %dma_start3A_498 = arith.constant 0 : i32
        %dma_start3A_499 = tpu.memref_slice %arg5[%dma_start3A_496, %dma_start3A_497, %dma_start3A_498] : memref<2x4x128xi32, #tpu.memory_space<vmem>> -> memref<1x4x128xi32, #tpu.memory_space<vmem>>
        %dma_start3A_500 = tpu.memref_squeeze %dma_start3A_499 : memref<1x4x128xi32, #tpu.memory_space<vmem>> -> memref<4x128xi32, #tpu.memory_space<vmem>>
        %dma_start3A_501 = arith.constant 0 : i32
        %dma_start3A_502 = tpu.memref_slice %arg2[%dma_start3A_495, %add3A_494, %dma_start3A_501] : memref<2x25000x128xi32, #tpu.memory_space<hbm>> -> memref<1x4x128xi32, #tpu.memory_space<hbm>>
        %dma_start3A_503 = tpu.memref_squeeze %dma_start3A_502 : memref<1x4x128xi32, #tpu.memory_space<hbm>> -> memref<4x128xi32, #tpu.memory_space<hbm>>
        %dma_start3A_504 = arith.constant 0 : i32
        %dma_start3A_505 = arith.constant 0 : i32
        %dma_start3A_506 = tpu.memref_slice %arg5[%dma_start3A_496, %dma_start3A_504, %dma_start3A_505] : memref<2x4x128xi32, #tpu.memory_space<vmem>> -> memref<1x4x128xi32, #tpu.memory_space<vmem>>
        %dma_start3A_507 = tpu.memref_squeeze %dma_start3A_506 : memref<1x4x128xi32, #tpu.memory_space<vmem>> -> memref<4x128xi32, #tpu.memory_space<vmem>>
        %dma_start3A_508 = arith.constant 0 : i32
        %dma_start3A_509 = tpu.memref_slice %arg2[%dma_start3A_495, %add3A_494, %dma_start3A_508] : memref<2x25000x128xi32, #tpu.memory_space<hbm>> -> memref<1x4x128xi32, #tpu.memory_space<hbm>>
        %dma_start3A_510 = tpu.memref_squeeze %dma_start3A_509 : memref<1x4x128xi32, #tpu.memory_space<hbm>> -> memref<4x128xi32, #tpu.memory_space<hbm>>
        tpu.enqueue_dma source(%dma_start3A_510 : memref<4x128xi32, #tpu.memory_space<hbm>>) target(%dma_start3A_507 : memref<4x128xi32, #tpu.memory_space<vmem>>) target_semaphore(%arg10 : memref<!tpu.dma_semaphore, #tpu.memory_space<semaphore_mem>>)
        %dma_start3A_511 = arith.constant 1 : i32
        %dma_start3A_512 = arith.constant 0 : i32
        %dma_start3A_513 = arith.constant 0 : i32
        %dma_start3A_514 = arith.constant 0 : i32
        %dma_start3A_515 = tpu.memref_slice %arg6[%dma_start3A_512, %dma_start3A_513, %dma_start3A_514] : memref<2x4x128xi32, #tpu.memory_space<vmem>> -> memref<1x4x128xi32, #tpu.memory_space<vmem>>
        %dma_start3A_516 = tpu.memref_squeeze %dma_start3A_515 : memref<1x4x128xi32, #tpu.memory_space<vmem>> -> memref<4x128xi32, #tpu.memory_space<vmem>>
        %dma_start3A_517 = arith.constant 0 : i32
        %dma_start3A_518 = tpu.memref_slice %arg2[%dma_start3A_511, %add3A_494, %dma_start3A_517] : memref<2x25000x128xi32, #tpu.memory_space<hbm>> -> memref<1x4x128xi32, #tpu.memory_space<hbm>>
        %dma_start3A_519 = tpu.memref_squeeze %dma_start3A_518 : memref<1x4x128xi32, #tpu.memory_space<hbm>> -> memref<4x128xi32, #tpu.memory_space<hbm>>
        %dma_start3A_520 = arith.constant 0 : i32
        %dma_start3A_521 = arith.constant 0 : i32
        %dma_start3A_522 = tpu.memref_slice %arg6[%dma_start3A_512, %dma_start3A_520, %dma_start3A_521] : memref<2x4x128xi32, #tpu.memory_space<vmem>> -> memref<1x4x128xi32, #tpu.memory_space<vmem>>
        %dma_start3A_523 = tpu.memref_squeeze %dma_start3A_522 : memref<1x4x128xi32, #tpu.memory_space<vmem>> -> memref<4x128xi32, #tpu.memory_space<vmem>>
        %dma_start3A_524 = arith.constant 0 : i32
        %dma_start3A_525 = tpu.memref_slice %arg2[%dma_start3A_511, %add3A_494, %dma_start3A_524] : memref<2x25000x128xi32, #tpu.memory_space<hbm>> -> memref<1x4x128xi32, #tpu.memory_space<hbm>>
        %dma_start3A_526 = tpu.memref_squeeze %dma_start3A_525 : memref<1x4x128xi32, #tpu.memory_space<hbm>> -> memref<4x128xi32, #tpu.memory_space<hbm>>
        tpu.enqueue_dma source(%dma_start3A_526 : memref<4x128xi32, #tpu.memory_space<hbm>>) target(%dma_start3A_523 : memref<4x128xi32, #tpu.memory_space<vmem>>) target_semaphore(%arg10 : memref<!tpu.dma_semaphore, #tpu.memory_space<semaphore_mem>>)
      } else {
      }
    }
    %while3A_106 = arith.constant 1 : i32
    scf.for %while3A_181 = %while3A_104 to %while3A_100 step %while3A_106  : i32 {
      %mul3A_182 = arith.constant 2 : i32
      %mul3A_183 = arith.muli %mul3A_182, %while3A_181 : i32
      %add3A_184 = arith.constant 0 : i32
      %add3A_185 = arith.addi %mul3A_183, %add3A_184 : i32
      %mul3A_186 = arith.constant 4 : i32
      %mul3A_187 = arith.muli %add3A_185, %mul3A_186 : i32
      %add3A_188 = arith.addi %mul3A_45, %mul3A_187 : i32
      %dma_wait3A_189 = arith.constant 0 : i32
      %dma_wait3A_190 = arith.constant 0 : i32
      %dma_wait3A_191 = arith.constant 0 : i32
      %dma_wait3A_192 = arith.constant 0 : i32
      %dma_wait3A_193 = tpu.memref_slice %arg5[%dma_wait3A_190, %dma_wait3A_191, %dma_wait3A_192] : memref<2x4x128xi32, #tpu.memory_space<vmem>> -> memref<1x4x128xi32, #tpu.memory_space<vmem>>
      %dma_wait3A_194 = tpu.memref_squeeze %dma_wait3A_193 : memref<1x4x128xi32, #tpu.memory_space<vmem>> -> memref<4x128xi32, #tpu.memory_space<vmem>>
      %dma_wait3A_195 = arith.constant 0 : i32
      %dma_wait3A_196 = tpu.memref_slice %arg2[%dma_wait3A_189, %add3A_188, %dma_wait3A_195] : memref<2x25000x128xi32, #tpu.memory_space<hbm>> -> memref<1x4x128xi32, #tpu.memory_space<hbm>>
      %dma_wait3A_197 = tpu.memref_squeeze %dma_wait3A_196 : memref<1x4x128xi32, #tpu.memory_space<hbm>> -> memref<4x128xi32, #tpu.memory_space<hbm>>
      %dma_wait3A_198 = arith.constant 0 : i32
      %dma_wait3A_199 = arith.constant 0 : i32
      %dma_wait3A_200 = tpu.memref_slice %arg5[%dma_wait3A_190, %dma_wait3A_198, %dma_wait3A_199] : memref<2x4x128xi32, #tpu.memory_space<vmem>> -> memref<1x4x128xi32, #tpu.memory_space<vmem>>
      %dma_wait3A_201 = tpu.memref_squeeze %dma_wait3A_200 : memref<1x4x128xi32, #tpu.memory_space<vmem>> -> memref<4x128xi32, #tpu.memory_space<vmem>>
      %dma_wait3A_202 = arith.constant 0 : i32
      %dma_wait3A_203 = tpu.memref_slice %arg2[%dma_wait3A_189, %add3A_188, %dma_wait3A_202] : memref<2x25000x128xi32, #tpu.memory_space<hbm>> -> memref<1x4x128xi32, #tpu.memory_space<hbm>>
      %dma_wait3A_204 = tpu.memref_squeeze %dma_wait3A_203 : memref<1x4x128xi32, #tpu.memory_space<hbm>> -> memref<4x128xi32, #tpu.memory_space<hbm>>
      tpu.wait_dma2 semaphore(%arg10 : memref<!tpu.dma_semaphore, #tpu.memory_space<semaphore_mem>>) src(%dma_wait3A_204 : memref<4x128xi32, #tpu.memory_space<hbm>>) dst(%dma_wait3A_201 : memref<4x128xi32, #tpu.memory_space<vmem>>)
      %dma_wait3A_205 = arith.constant 1 : i32
      %dma_wait3A_206 = arith.constant 0 : i32
      %dma_wait3A_207 = arith.constant 0 : i32
      %dma_wait3A_208 = arith.constant 0 : i32
      %dma_wait3A_209 = tpu.memref_slice %arg6[%dma_wait3A_206, %dma_wait3A_207, %dma_wait3A_208] : memref<2x4x128xi32, #tpu.memory_space<vmem>> -> memref<1x4x128xi32, #tpu.memory_space<vmem>>
      %dma_wait3A_210 = tpu.memref_squeeze %dma_wait3A_209 : memref<1x4x128xi32, #tpu.memory_space<vmem>> -> memref<4x128xi32, #tpu.memory_space<vmem>>
      %dma_wait3A_211 = arith.constant 0 : i32
      %dma_wait3A_212 = tpu.memref_slice %arg2[%dma_wait3A_205, %add3A_188, %dma_wait3A_211] : memref<2x25000x128xi32, #tpu.memory_space<hbm>> -> memref<1x4x128xi32, #tpu.memory_space<hbm>>
      %dma_wait3A_213 = tpu.memref_squeeze %dma_wait3A_212 : memref<1x4x128xi32, #tpu.memory_space<hbm>> -> memref<4x128xi32, #tpu.memory_space<hbm>>
      %dma_wait3A_214 = arith.constant 0 : i32
      %dma_wait3A_215 = arith.constant 0 : i32
      %dma_wait3A_216 = tpu.memref_slice %arg6[%dma_wait3A_206, %dma_wait3A_214, %dma_wait3A_215] : memref<2x4x128xi32, #tpu.memory_space<vmem>> -> memref<1x4x128xi32, #tpu.memory_space<vmem>>
      %dma_wait3A_217 = tpu.memref_squeeze %dma_wait3A_216 : memref<1x4x128xi32, #tpu.memory_space<vmem>> -> memref<4x128xi32, #tpu.memory_space<vmem>>
      %dma_wait3A_218 = arith.constant 0 : i32
      %dma_wait3A_219 = tpu.memref_slice %arg2[%dma_wait3A_205, %add3A_188, %dma_wait3A_218] : memref<2x25000x128xi32, #tpu.memory_space<hbm>> -> memref<1x4x128xi32, #tpu.memory_space<hbm>>
      %dma_wait3A_220 = tpu.memref_squeeze %dma_wait3A_219 : memref<1x4x128xi32, #tpu.memory_space<hbm>> -> memref<4x128xi32, #tpu.memory_space<hbm>>
      tpu.wait_dma2 semaphore(%arg10 : memref<!tpu.dma_semaphore, #tpu.memory_space<semaphore_mem>>) src(%dma_wait3A_220 : memref<4x128xi32, #tpu.memory_space<hbm>>) dst(%dma_wait3A_217 : memref<4x128xi32, #tpu.memory_space<vmem>>)
      %dma_start3A_221 = arith.constant 0 : i32
      %dma_start3A_222 = arith.constant 0 : i32
      %dma_start3A_223 = arith.constant 0 : i32
      %dma_start3A_224 = arith.constant 0 : i32
      %dma_start3A_225 = arith.constant 0 : i32
      %dma_start3A_226 = arith.constant 0 : i32
      %dma_start3A_227 = tpu.memref_slice %arg7[%dma_start3A_223, %dma_start3A_224, %dma_start3A_225, %dma_start3A_226] : memref<2x4x128x16xf32, #tpu.memory_space<vmem>> -> memref<1x1x128x16xf32, #tpu.memory_space<vmem>>
      %dma_start3A_228 = tpu.memref_squeeze %dma_start3A_227 : memref<1x1x128x16xf32, #tpu.memory_space<vmem>> -> memref<128x16xf32, #tpu.memory_space<vmem>>
      %dma_start3A_229 = arith.constant 0 : i32
      %dma_start3A_230 = tpu.memref_slice %arg5[%dma_start3A_221, %dma_start3A_222, %dma_start3A_229] : memref<2x4x128xi32, #tpu.memory_space<vmem>> -> memref<1x1x128xi32, #tpu.memory_space<vmem>>
      %dma_start3A_231 = tpu.memref_squeeze %dma_start3A_230 : memref<1x1x128xi32, #tpu.memory_space<vmem>> -> memref<128xi32, #tpu.memory_space<vmem>>
      %dma_start3A_232 = arith.constant 0 : i32
      %dma_start3A_233 = arith.constant 0 : i32
      %dma_start3A_234 = tpu.memref_slice %arg3[%dma_start3A_232, %dma_start3A_233] : memref<100096x16xf32, #tpu.memory_space<hbm>> -> memref<100096x16xf32, #tpu.memory_space<hbm>>
      tpu.enqueue_indirect_dma source(%dma_start3A_234 : memref<100096x16xf32, #tpu.memory_space<hbm>>) target(%dma_start3A_228 : memref<128x16xf32, #tpu.memory_space<vmem>>) offsets(%dma_start3A_231 : memref<128xi32, #tpu.memory_space<vmem>>) semaphore(%arg12 : memref<!tpu.dma_semaphore, #tpu.memory_space<semaphore_mem>>)
      %dma_start3A_235 = arith.constant 0 : i32
      %dma_start3A_236 = arith.constant 1 : i32
      %dma_start3A_237 = arith.constant 0 : i32
      %dma_start3A_238 = arith.constant 1 : i32
      %dma_start3A_239 = arith.constant 0 : i32
      %dma_start3A_240 = arith.constant 0 : i32
      %dma_start3A_241 = tpu.memref_slice %arg7[%dma_start3A_237, %dma_start3A_238, %dma_start3A_239, %dma_start3A_240] : memref<2x4x128x16xf32, #tpu.memory_space<vmem>> -> memref<1x1x128x16xf32, #tpu.memory_space<vmem>>
      %dma_start3A_242 = tpu.memref_squeeze %dma_start3A_241 : memref<1x1x128x16xf32, #tpu.memory_space<vmem>> -> memref<128x16xf32, #tpu.memory_space<vmem>>
      %dma_start3A_243 = arith.constant 0 : i32
      %dma_start3A_244 = tpu.memref_slice %arg5[%dma_start3A_235, %dma_start3A_236, %dma_start3A_243] : memref<2x4x128xi32, #tpu.memory_space<vmem>> -> memref<1x1x128xi32, #tpu.memory_space<vmem>>
      %dma_start3A_245 = tpu.memref_squeeze %dma_start3A_244 : memref<1x1x128xi32, #tpu.memory_space<vmem>> -> memref<128xi32, #tpu.memory_space<vmem>>
      %dma_start3A_246 = arith.constant 0 : i32
      %dma_start3A_247 = arith.constant 0 : i32
      %dma_start3A_248 = tpu.memref_slice %arg3[%dma_start3A_246, %dma_start3A_247] : memref<100096x16xf32, #tpu.memory_space<hbm>> -> memref<100096x16xf32, #tpu.memory_space<hbm>>
      tpu.enqueue_indirect_dma source(%dma_start3A_248 : memref<100096x16xf32, #tpu.memory_space<hbm>>) target(%dma_start3A_242 : memref<128x16xf32, #tpu.memory_space<vmem>>) offsets(%dma_start3A_245 : memref<128xi32, #tpu.memory_space<vmem>>) semaphore(%arg12 : memref<!tpu.dma_semaphore, #tpu.memory_space<semaphore_mem>>)
      %dma_start3A_249 = arith.constant 0 : i32
      %dma_start3A_250 = arith.constant 2 : i32
      %dma_start3A_251 = arith.constant 0 : i32
      %dma_start3A_252 = arith.constant 2 : i32
      %dma_start3A_253 = arith.constant 0 : i32
      %dma_start3A_254 = arith.constant 0 : i32
      %dma_start3A_255 = tpu.memref_slice %arg7[%dma_start3A_251, %dma_start3A_252, %dma_start3A_253, %dma_start3A_254] : memref<2x4x128x16xf32, #tpu.memory_space<vmem>> -> memref<1x1x128x16xf32, #tpu.memory_space<vmem>>
      %dma_start3A_256 = tpu.memref_squeeze %dma_start3A_255 : memref<1x1x128x16xf32, #tpu.memory_space<vmem>> -> memref<128x16xf32, #tpu.memory_space<vmem>>
      %dma_start3A_257 = arith.constant 0 : i32
      %dma_start3A_258 = tpu.memref_slice %arg5[%dma_start3A_249, %dma_start3A_250, %dma_start3A_257] : memref<2x4x128xi32, #tpu.memory_space<vmem>> -> memref<1x1x128xi32, #tpu.memory_space<vmem>>
      %dma_start3A_259 = tpu.memref_squeeze %dma_start3A_258 : memref<1x1x128xi32, #tpu.memory_space<vmem>> -> memref<128xi32, #tpu.memory_space<vmem>>
      %dma_start3A_260 = arith.constant 0 : i32
      %dma_start3A_261 = arith.constant 0 : i32
      %dma_start3A_262 = tpu.memref_slice %arg3[%dma_start3A_260, %dma_start3A_261] : memref<100096x16xf32, #tpu.memory_space<hbm>> -> memref<100096x16xf32, #tpu.memory_space<hbm>>
      tpu.enqueue_indirect_dma source(%dma_start3A_262 : memref<100096x16xf32, #tpu.memory_space<hbm>>) target(%dma_start3A_256 : memref<128x16xf32, #tpu.memory_space<vmem>>) offsets(%dma_start3A_259 : memref<128xi32, #tpu.memory_space<vmem>>) semaphore(%arg12 : memref<!tpu.dma_semaphore, #tpu.memory_space<semaphore_mem>>)
      %dma_start3A_263 = arith.constant 0 : i32
      %dma_start3A_264 = arith.constant 3 : i32
      %dma_start3A_265 = arith.constant 0 : i32
      %dma_start3A_266 = arith.constant 3 : i32
      %dma_start3A_267 = arith.constant 0 : i32
      %dma_start3A_268 = arith.constant 0 : i32
      %dma_start3A_269 = tpu.memref_slice %arg7[%dma_start3A_265, %dma_start3A_266, %dma_start3A_267, %dma_start3A_268] : memref<2x4x128x16xf32, #tpu.memory_space<vmem>> -> memref<1x1x128x16xf32, #tpu.memory_space<vmem>>
      %dma_start3A_270 = tpu.memref_squeeze %dma_start3A_269 : memref<1x1x128x16xf32, #tpu.memory_space<vmem>> -> memref<128x16xf32, #tpu.memory_space<vmem>>
      %dma_start3A_271 = arith.constant 0 : i32
      %dma_start3A_272 = tpu.memref_slice %arg5[%dma_start3A_263, %dma_start3A_264, %dma_start3A_271] : memref<2x4x128xi32, #tpu.memory_space<vmem>> -> memref<1x1x128xi32, #tpu.memory_space<vmem>>
      %dma_start3A_273 = tpu.memref_squeeze %dma_start3A_272 : memref<1x1x128xi32, #tpu.memory_space<vmem>> -> memref<128xi32, #tpu.memory_space<vmem>>
      %dma_start3A_274 = arith.constant 0 : i32
      %dma_start3A_275 = arith.constant 0 : i32
      %dma_start3A_276 = tpu.memref_slice %arg3[%dma_start3A_274, %dma_start3A_275] : memref<100096x16xf32, #tpu.memory_space<hbm>> -> memref<100096x16xf32, #tpu.memory_space<hbm>>
      tpu.enqueue_indirect_dma source(%dma_start3A_276 : memref<100096x16xf32, #tpu.memory_space<hbm>>) target(%dma_start3A_270 : memref<128x16xf32, #tpu.memory_space<vmem>>) offsets(%dma_start3A_273 : memref<128xi32, #tpu.memory_space<vmem>>) semaphore(%arg12 : memref<!tpu.dma_semaphore, #tpu.memory_space<semaphore_mem>>)
      %gt3A = arith.constant 0 : i32
      %gt3A_277 = arith.cmpi sgt, %while3A_181, %gt3A : i32
      %convert_element_type3A_278 = arith.extui %gt3A_277 : i1 to i32
      %cond3A = arith.constant 0 : i32
      %cond3A_279 = arith.cmpi ne, %convert_element_type3A_278, %cond3A : i32
      scf.if %cond3A_279 {
        %dma_wait3A_490 = arith.constant 1 : i32
        %dma_wait3A_491 = arith.constant 0 : i32
        %dma_wait3A_492 = arith.constant 1 : i32
        %dma_wait3A_493 = arith.constant 0 : i32
        %dma_wait3A_494 = arith.constant 0 : i32
        %dma_wait3A_495 = arith.constant 0 : i32
        %dma_wait3A_496 = tpu.memref_slice %arg7[%dma_wait3A_492, %dma_wait3A_493, %dma_wait3A_494, %dma_wait3A_495] : memref<2x4x128x16xf32, #tpu.memory_space<vmem>> -> memref<1x1x128x16xf32, #tpu.memory_space<vmem>>
        %dma_wait3A_497 = tpu.memref_squeeze %dma_wait3A_496 : memref<1x1x128x16xf32, #tpu.memory_space<vmem>> -> memref<128x16xf32, #tpu.memory_space<vmem>>
        %dma_wait3A_498 = arith.constant 0 : i32
        %dma_wait3A_499 = tpu.memref_slice %arg5[%dma_wait3A_490, %dma_wait3A_491, %dma_wait3A_498] : memref<2x4x128xi32, #tpu.memory_space<vmem>> -> memref<1x1x128xi32, #tpu.memory_space<vmem>>
        %dma_wait3A_500 = tpu.memref_squeeze %dma_wait3A_499 : memref<1x1x128xi32, #tpu.memory_space<vmem>> -> memref<128xi32, #tpu.memory_space<vmem>>
        %dma_wait3A_501 = arith.constant 0 : i32
        %dma_wait3A_502 = arith.constant 0 : i32
        %dma_wait3A_503 = tpu.memref_slice %arg3[%dma_wait3A_501, %dma_wait3A_502] : memref<100096x16xf32, #tpu.memory_space<hbm>> -> memref<100096x16xf32, #tpu.memory_space<hbm>>
        tpu.wait_indirect_dma semaphore(%arg13 : memref<!tpu.dma_semaphore, #tpu.memory_space<semaphore_mem>>) src(%dma_wait3A_503 : memref<100096x16xf32, #tpu.memory_space<hbm>>) dst(%dma_wait3A_497 : memref<128x16xf32, #tpu.memory_space<vmem>>)
        %dma_wait3A_504 = arith.constant 1 : i32
        %dma_wait3A_505 = arith.constant 1 : i32
        %dma_wait3A_506 = arith.constant 1 : i32
        %dma_wait3A_507 = arith.constant 1 : i32
        %dma_wait3A_508 = arith.constant 0 : i32
        %dma_wait3A_509 = arith.constant 0 : i32
        %dma_wait3A_510 = tpu.memref_slice %arg7[%dma_wait3A_506, %dma_wait3A_507, %dma_wait3A_508, %dma_wait3A_509] : memref<2x4x128x16xf32, #tpu.memory_space<vmem>> -> memref<1x1x128x16xf32, #tpu.memory_space<vmem>>
        %dma_wait3A_511 = tpu.memref_squeeze %dma_wait3A_510 : memref<1x1x128x16xf32, #tpu.memory_space<vmem>> -> memref<128x16xf32, #tpu.memory_space<vmem>>
        %dma_wait3A_512 = arith.constant 0 : i32
        %dma_wait3A_513 = tpu.memref_slice %arg5[%dma_wait3A_504, %dma_wait3A_505, %dma_wait3A_512] : memref<2x4x128xi32, #tpu.memory_space<vmem>> -> memref<1x1x128xi32, #tpu.memory_space<vmem>>
        %dma_wait3A_514 = tpu.memref_squeeze %dma_wait3A_513 : memref<1x1x128xi32, #tpu.memory_space<vmem>> -> memref<128xi32, #tpu.memory_space<vmem>>
        %dma_wait3A_515 = arith.constant 0 : i32
        %dma_wait3A_516 = arith.constant 0 : i32
        %dma_wait3A_517 = tpu.memref_slice %arg3[%dma_wait3A_515, %dma_wait3A_516] : memref<100096x16xf32, #tpu.memory_space<hbm>> -> memref<100096x16xf32, #tpu.memory_space<hbm>>
        tpu.wait_indirect_dma semaphore(%arg13 : memref<!tpu.dma_semaphore, #tpu.memory_space<semaphore_mem>>) src(%dma_wait3A_517 : memref<100096x16xf32, #tpu.memory_space<hbm>>) dst(%dma_wait3A_511 : memref<128x16xf32, #tpu.memory_space<vmem>>)
        %dma_wait3A_518 = arith.constant 1 : i32
        %dma_wait3A_519 = arith.constant 2 : i32
        %dma_wait3A_520 = arith.constant 1 : i32
        %dma_wait3A_521 = arith.constant 2 : i32
        %dma_wait3A_522 = arith.constant 0 : i32
        %dma_wait3A_523 = arith.constant 0 : i32
        %dma_wait3A_524 = tpu.memref_slice %arg7[%dma_wait3A_520, %dma_wait3A_521, %dma_wait3A_522, %dma_wait3A_523] : memref<2x4x128x16xf32, #tpu.memory_space<vmem>> -> memref<1x1x128x16xf32, #tpu.memory_space<vmem>>
        %dma_wait3A_525 = tpu.memref_squeeze %dma_wait3A_524 : memref<1x1x128x16xf32, #tpu.memory_space<vmem>> -> memref<128x16xf32, #tpu.memory_space<vmem>>
        %dma_wait3A_526 = arith.constant 0 : i32
        %dma_wait3A_527 = tpu.memref_slice %arg5[%dma_wait3A_518, %dma_wait3A_519, %dma_wait3A_526] : memref<2x4x128xi32, #tpu.memory_space<vmem>> -> memref<1x1x128xi32, #tpu.memory_space<vmem>>
        %dma_wait3A_528 = tpu.memref_squeeze %dma_wait3A_527 : memref<1x1x128xi32, #tpu.memory_space<vmem>> -> memref<128xi32, #tpu.memory_space<vmem>>
        %dma_wait3A_529 = arith.constant 0 : i32
        %dma_wait3A_530 = arith.constant 0 : i32
        %dma_wait3A_531 = tpu.memref_slice %arg3[%dma_wait3A_529, %dma_wait3A_530] : memref<100096x16xf32, #tpu.memory_space<hbm>> -> memref<100096x16xf32, #tpu.memory_space<hbm>>
        tpu.wait_indirect_dma semaphore(%arg13 : memref<!tpu.dma_semaphore, #tpu.memory_space<semaphore_mem>>) src(%dma_wait3A_531 : memref<100096x16xf32, #tpu.memory_space<hbm>>) dst(%dma_wait3A_525 : memref<128x16xf32, #tpu.memory_space<vmem>>)
        %dma_wait3A_532 = arith.constant 1 : i32
        %dma_wait3A_533 = arith.constant 3 : i32
        %dma_wait3A_534 = arith.constant 1 : i32
        %dma_wait3A_535 = arith.constant 3 : i32
        %dma_wait3A_536 = arith.constant 0 : i32
        %dma_wait3A_537 = arith.constant 0 : i32
        %dma_wait3A_538 = tpu.memref_slice %arg7[%dma_wait3A_534, %dma_wait3A_535, %dma_wait3A_536, %dma_wait3A_537] : memref<2x4x128x16xf32, #tpu.memory_space<vmem>> -> memref<1x1x128x16xf32, #tpu.memory_space<vmem>>
        %dma_wait3A_539 = tpu.memref_squeeze %dma_wait3A_538 : memref<1x1x128x16xf32, #tpu.memory_space<vmem>> -> memref<128x16xf32, #tpu.memory_space<vmem>>
        %dma_wait3A_540 = arith.constant 0 : i32
        %dma_wait3A_541 = tpu.memref_slice %arg5[%dma_wait3A_532, %dma_wait3A_533, %dma_wait3A_540] : memref<2x4x128xi32, #tpu.memory_space<vmem>> -> memref<1x1x128xi32, #tpu.memory_space<vmem>>
        %dma_wait3A_542 = tpu.memref_squeeze %dma_wait3A_541 : memref<1x1x128xi32, #tpu.memory_space<vmem>> -> memref<128xi32, #tpu.memory_space<vmem>>
        %dma_wait3A_543 = arith.constant 0 : i32
        %dma_wait3A_544 = arith.constant 0 : i32
        %dma_wait3A_545 = tpu.memref_slice %arg3[%dma_wait3A_543, %dma_wait3A_544] : memref<100096x16xf32, #tpu.memory_space<hbm>> -> memref<100096x16xf32, #tpu.memory_space<hbm>>
        tpu.wait_indirect_dma semaphore(%arg13 : memref<!tpu.dma_semaphore, #tpu.memory_space<semaphore_mem>>) src(%dma_wait3A_545 : memref<100096x16xf32, #tpu.memory_space<hbm>>) dst(%dma_wait3A_539 : memref<128x16xf32, #tpu.memory_space<vmem>>)
        %run_scoped3A_546 = arith.constant 1 : i32
        %run_scoped3A_547 = arith.constant 0 : i32
        %run_scoped3A_548 = arith.constant 1 : i32
        %run_scoped3A_549 = arith.constant 0 : i32
        "tpu.region"() ({
          %run_scoped3A_562 = tpu.sem_alloc : memref<!tpu.dma_semaphore, #tpu.memory_space<semaphore_mem>>
          %dma_start3A_563 = arith.constant 0 : i32
          %dma_start3A_564 = arith.constant 0 : i32
          %dma_start3A_565 = tpu.memref_slice %arg7[%run_scoped3A_546, %run_scoped3A_547, %dma_start3A_563, %dma_start3A_564] : memref<2x4x128x16xf32, #tpu.memory_space<vmem>> -> memref<1x1x128x16xf32, #tpu.memory_space<vmem>>
          %dma_start3A_566 = tpu.memref_squeeze %dma_start3A_565 : memref<1x1x128x16xf32, #tpu.memory_space<vmem>> -> memref<128x16xf32, #tpu.memory_space<vmem>>
          %dma_start3A_567 = arith.constant 0 : i32
          %dma_start3A_568 = tpu.memref_slice %arg6[%run_scoped3A_548, %run_scoped3A_549, %dma_start3A_567] : memref<2x4x128xi32, #tpu.memory_space<vmem>> -> memref<1x1x128xi32, #tpu.memory_space<vmem>>
          %dma_start3A_569 = tpu.memref_squeeze %dma_start3A_568 : memref<1x1x128xi32, #tpu.memory_space<vmem>> -> memref<128xi32, #tpu.memory_space<vmem>>
          %dma_start3A_570 = arith.constant 0 : i32
          %dma_start3A_571 = arith.constant 0 : i32
          %dma_start3A_572 = tpu.memref_slice %arg9[%dma_start3A_570, %dma_start3A_571] : memref<100096x16xf32, #tpu.memory_space<vmem_shared>> -> memref<100096x16xf32, #tpu.memory_space<vmem_shared>>
          tpu.enqueue_indirect_dma source(%dma_start3A_566 : memref<128x16xf32, #tpu.memory_space<vmem>>) target(%dma_start3A_572 : memref<100096x16xf32, #tpu.memory_space<vmem_shared>>) offsets(%dma_start3A_569 : memref<128xi32, #tpu.memory_space<vmem>>) semaphore(%run_scoped3A_562 : memref<!tpu.dma_semaphore, #tpu.memory_space<semaphore_mem>>) {add = true}
          %dma_wait3A_573 = arith.constant 0 : i32
          %dma_wait3A_574 = arith.constant 0 : i32
          %dma_wait3A_575 = tpu.memref_slice %arg7[%run_scoped3A_546, %run_scoped3A_547, %dma_wait3A_573, %dma_wait3A_574] : memref<2x4x128x16xf32, #tpu.memory_space<vmem>> -> memref<1x1x128x16xf32, #tpu.memory_space<vmem>>
          %dma_wait3A_576 = tpu.memref_squeeze %dma_wait3A_575 : memref<1x1x128x16xf32, #tpu.memory_space<vmem>> -> memref<128x16xf32, #tpu.memory_space<vmem>>
          %dma_wait3A_577 = arith.constant 0 : i32
          %dma_wait3A_578 = tpu.memref_slice %arg6[%run_scoped3A_548, %run_scoped3A_549, %dma_wait3A_577] : memref<2x4x128xi32, #tpu.memory_space<vmem>> -> memref<1x1x128xi32, #tpu.memory_space<vmem>>
          %dma_wait3A_579 = tpu.memref_squeeze %dma_wait3A_578 : memref<1x1x128xi32, #tpu.memory_space<vmem>> -> memref<128xi32, #tpu.memory_space<vmem>>
          %dma_wait3A_580 = arith.constant 0 : i32
          %dma_wait3A_581 = arith.constant 0 : i32
          %dma_wait3A_582 = tpu.memref_slice %arg9[%dma_wait3A_580, %dma_wait3A_581] : memref<100096x16xf32, #tpu.memory_space<vmem_shared>> -> memref<100096x16xf32, #tpu.memory_space<vmem_shared>>
          tpu.wait_indirect_dma semaphore(%run_scoped3A_562 : memref<!tpu.dma_semaphore, #tpu.memory_space<semaphore_mem>>) src(%dma_wait3A_576 : memref<128x16xf32, #tpu.memory_space<vmem>>) dst(%dma_wait3A_582 : memref<100096x16xf32, #tpu.memory_space<vmem_shared>>)
          tpu.yield
        }) : () -> ()
        %run_scoped3A_550 = arith.constant 1 : i32
        %run_scoped3A_551 = arith.constant 1 : i32
        %run_scoped3A_552 = arith.constant 1 : i32
        %run_scoped3A_553 = arith.constant 1 : i32
        "tpu.region"() ({
          %run_scoped3A_562 = tpu.sem_alloc : memref<!tpu.dma_semaphore, #tpu.memory_space<semaphore_mem>>
          %dma_start3A_563 = arith.constant 0 : i32
          %dma_start3A_564 = arith.constant 0 : i32
          %dma_start3A_565 = tpu.memref_slice %arg7[%run_scoped3A_550, %run_scoped3A_551, %dma_start3A_563, %dma_start3A_564] : memref<2x4x128x16xf32, #tpu.memory_space<vmem>> -> memref<1x1x128x16xf32, #tpu.memory_space<vmem>>
          %dma_start3A_566 = tpu.memref_squeeze %dma_start3A_565 : memref<1x1x128x16xf32, #tpu.memory_space<vmem>> -> memref<128x16xf32, #tpu.memory_space<vmem>>
          %dma_start3A_567 = arith.constant 0 : i32
          %dma_start3A_568 = tpu.memref_slice %arg6[%run_scoped3A_552, %run_scoped3A_553, %dma_start3A_567] : memref<2x4x128xi32, #tpu.memory_space<vmem>> -> memref<1x1x128xi32, #tpu.memory_space<vmem>>
          %dma_start3A_569 = tpu.memref_squeeze %dma_start3A_568 : memref<1x1x128xi32, #tpu.memory_space<vmem>> -> memref<128xi32, #tpu.memory_space<vmem>>
          %dma_start3A_570 = arith.constant 0 : i32
          %dma_start3A_571 = arith.constant 0 : i32
          %dma_start3A_572 = tpu.memref_slice %arg9[%dma_start3A_570, %dma_start3A_571] : memref<100096x16xf32, #tpu.memory_space<vmem_shared>> -> memref<100096x16xf32, #tpu.memory_space<vmem_shared>>
          tpu.enqueue_indirect_dma source(%dma_start3A_566 : memref<128x16xf32, #tpu.memory_space<vmem>>) target(%dma_start3A_572 : memref<100096x16xf32, #tpu.memory_space<vmem_shared>>) offsets(%dma_start3A_569 : memref<128xi32, #tpu.memory_space<vmem>>) semaphore(%run_scoped3A_562 : memref<!tpu.dma_semaphore, #tpu.memory_space<semaphore_mem>>) {add = true}
          %dma_wait3A_573 = arith.constant 0 : i32
          %dma_wait3A_574 = arith.constant 0 : i32
          %dma_wait3A_575 = tpu.memref_slice %arg7[%run_scoped3A_550, %run_scoped3A_551, %dma_wait3A_573, %dma_wait3A_574] : memref<2x4x128x16xf32, #tpu.memory_space<vmem>> -> memref<1x1x128x16xf32, #tpu.memory_space<vmem>>
          %dma_wait3A_576 = tpu.memref_squeeze %dma_wait3A_575 : memref<1x1x128x16xf32, #tpu.memory_space<vmem>> -> memref<128x16xf32, #tpu.memory_space<vmem>>
          %dma_wait3A_577 = arith.constant 0 : i32
          %dma_wait3A_578 = tpu.memref_slice %arg6[%run_scoped3A_552, %run_scoped3A_553, %dma_wait3A_577] : memref<2x4x128xi32, #tpu.memory_space<vmem>> -> memref<1x1x128xi32, #tpu.memory_space<vmem>>
          %dma_wait3A_579 = tpu.memref_squeeze %dma_wait3A_578 : memref<1x1x128xi32, #tpu.memory_space<vmem>> -> memref<128xi32, #tpu.memory_space<vmem>>
          %dma_wait3A_580 = arith.constant 0 : i32
          %dma_wait3A_581 = arith.constant 0 : i32
          %dma_wait3A_582 = tpu.memref_slice %arg9[%dma_wait3A_580, %dma_wait3A_581] : memref<100096x16xf32, #tpu.memory_space<vmem_shared>> -> memref<100096x16xf32, #tpu.memory_space<vmem_shared>>
          tpu.wait_indirect_dma semaphore(%run_scoped3A_562 : memref<!tpu.dma_semaphore, #tpu.memory_space<semaphore_mem>>) src(%dma_wait3A_576 : memref<128x16xf32, #tpu.memory_space<vmem>>) dst(%dma_wait3A_582 : memref<100096x16xf32, #tpu.memory_space<vmem_shared>>)
          tpu.yield
        }) : () -> ()
        %run_scoped3A_554 = arith.constant 1 : i32
        %run_scoped3A_555 = arith.constant 2 : i32
        %run_scoped3A_556 = arith.constant 1 : i32
        %run_scoped3A_557 = arith.constant 2 : i32
        "tpu.region"() ({
          %run_scoped3A_562 = tpu.sem_alloc : memref<!tpu.dma_semaphore, #tpu.memory_space<semaphore_mem>>
          %dma_start3A_563 = arith.constant 0 : i32
          %dma_start3A_564 = arith.constant 0 : i32
          %dma_start3A_565 = tpu.memref_slice %arg7[%run_scoped3A_554, %run_scoped3A_555, %dma_start3A_563, %dma_start3A_564] : memref<2x4x128x16xf32, #tpu.memory_space<vmem>> -> memref<1x1x128x16xf32, #tpu.memory_space<vmem>>
          %dma_start3A_566 = tpu.memref_squeeze %dma_start3A_565 : memref<1x1x128x16xf32, #tpu.memory_space<vmem>> -> memref<128x16xf32, #tpu.memory_space<vmem>>
          %dma_start3A_567 = arith.constant 0 : i32
          %dma_start3A_568 = tpu.memref_slice %arg6[%run_scoped3A_556, %run_scoped3A_557, %dma_start3A_567] : memref<2x4x128xi32, #tpu.memory_space<vmem>> -> memref<1x1x128xi32, #tpu.memory_space<vmem>>
          %dma_start3A_569 = tpu.memref_squeeze %dma_start3A_568 : memref<1x1x128xi32, #tpu.memory_space<vmem>> -> memref<128xi32, #tpu.memory_space<vmem>>
          %dma_start3A_570 = arith.constant 0 : i32
          %dma_start3A_571 = arith.constant 0 : i32
          %dma_start3A_572 = tpu.memref_slice %arg9[%dma_start3A_570, %dma_start3A_571] : memref<100096x16xf32, #tpu.memory_space<vmem_shared>> -> memref<100096x16xf32, #tpu.memory_space<vmem_shared>>
          tpu.enqueue_indirect_dma source(%dma_start3A_566 : memref<128x16xf32, #tpu.memory_space<vmem>>) target(%dma_start3A_572 : memref<100096x16xf32, #tpu.memory_space<vmem_shared>>) offsets(%dma_start3A_569 : memref<128xi32, #tpu.memory_space<vmem>>) semaphore(%run_scoped3A_562 : memref<!tpu.dma_semaphore, #tpu.memory_space<semaphore_mem>>) {add = true}
          %dma_wait3A_573 = arith.constant 0 : i32
          %dma_wait3A_574 = arith.constant 0 : i32
          %dma_wait3A_575 = tpu.memref_slice %arg7[%run_scoped3A_554, %run_scoped3A_555, %dma_wait3A_573, %dma_wait3A_574] : memref<2x4x128x16xf32, #tpu.memory_space<vmem>> -> memref<1x1x128x16xf32, #tpu.memory_space<vmem>>
          %dma_wait3A_576 = tpu.memref_squeeze %dma_wait3A_575 : memref<1x1x128x16xf32, #tpu.memory_space<vmem>> -> memref<128x16xf32, #tpu.memory_space<vmem>>
          %dma_wait3A_577 = arith.constant 0 : i32
          %dma_wait3A_578 = tpu.memref_slice %arg6[%run_scoped3A_556, %run_scoped3A_557, %dma_wait3A_577] : memref<2x4x128xi32, #tpu.memory_space<vmem>> -> memref<1x1x128xi32, #tpu.memory_space<vmem>>
          %dma_wait3A_579 = tpu.memref_squeeze %dma_wait3A_578 : memref<1x1x128xi32, #tpu.memory_space<vmem>> -> memref<128xi32, #tpu.memory_space<vmem>>
          %dma_wait3A_580 = arith.constant 0 : i32
          %dma_wait3A_581 = arith.constant 0 : i32
          %dma_wait3A_582 = tpu.memref_slice %arg9[%dma_wait3A_580, %dma_wait3A_581] : memref<100096x16xf32, #tpu.memory_space<vmem_shared>> -> memref<100096x16xf32, #tpu.memory_space<vmem_shared>>
          tpu.wait_indirect_dma semaphore(%run_scoped3A_562 : memref<!tpu.dma_semaphore, #tpu.memory_space<semaphore_mem>>) src(%dma_wait3A_576 : memref<128x16xf32, #tpu.memory_space<vmem>>) dst(%dma_wait3A_582 : memref<100096x16xf32, #tpu.memory_space<vmem_shared>>)
          tpu.yield
        }) : () -> ()
        %run_scoped3A_558 = arith.constant 1 : i32
        %run_scoped3A_559 = arith.constant 3 : i32
        %run_scoped3A_560 = arith.constant 1 : i32
        %run_scoped3A_561 = arith.constant 3 : i32
        "tpu.region"() ({
          %run_scoped3A_562 = tpu.sem_alloc : memref<!tpu.dma_semaphore, #tpu.memory_space<semaphore_mem>>
          %dma_start3A_563 = arith.constant 0 : i32
          %dma_start3A_564 = arith.constant 0 : i32
          %dma_start3A_565 = tpu.memref_slice %arg7[%run_scoped3A_558, %run_scoped3A_559, %dma_start3A_563, %dma_start3A_564] : memref<2x4x128x16xf32, #tpu.memory_space<vmem>> -> memref<1x1x128x16xf32, #tpu.memory_space<vmem>>
          %dma_start3A_566 = tpu.memref_squeeze %dma_start3A_565 : memref<1x1x128x16xf32, #tpu.memory_space<vmem>> -> memref<128x16xf32, #tpu.memory_space<vmem>>
          %dma_start3A_567 = arith.constant 0 : i32
          %dma_start3A_568 = tpu.memref_slice %arg6[%run_scoped3A_560, %run_scoped3A_561, %dma_start3A_567] : memref<2x4x128xi32, #tpu.memory_space<vmem>> -> memref<1x1x128xi32, #tpu.memory_space<vmem>>
          %dma_start3A_569 = tpu.memref_squeeze %dma_start3A_568 : memref<1x1x128xi32, #tpu.memory_space<vmem>> -> memref<128xi32, #tpu.memory_space<vmem>>
          %dma_start3A_570 = arith.constant 0 : i32
          %dma_start3A_571 = arith.constant 0 : i32
          %dma_start3A_572 = tpu.memref_slice %arg9[%dma_start3A_570, %dma_start3A_571] : memref<100096x16xf32, #tpu.memory_space<vmem_shared>> -> memref<100096x16xf32, #tpu.memory_space<vmem_shared>>
          tpu.enqueue_indirect_dma source(%dma_start3A_566 : memref<128x16xf32, #tpu.memory_space<vmem>>) target(%dma_start3A_572 : memref<100096x16xf32, #tpu.memory_space<vmem_shared>>) offsets(%dma_start3A_569 : memref<128xi32, #tpu.memory_space<vmem>>) semaphore(%run_scoped3A_562 : memref<!tpu.dma_semaphore, #tpu.memory_space<semaphore_mem>>) {add = true}
          %dma_wait3A_573 = arith.constant 0 : i32
          %dma_wait3A_574 = arith.constant 0 : i32
          %dma_wait3A_575 = tpu.memref_slice %arg7[%run_scoped3A_558, %run_scoped3A_559, %dma_wait3A_573, %dma_wait3A_574] : memref<2x4x128x16xf32, #tpu.memory_space<vmem>> -> memref<1x1x128x16xf32, #tpu.memory_space<vmem>>
          %dma_wait3A_576 = tpu.memref_squeeze %dma_wait3A_575 : memref<1x1x128x16xf32, #tpu.memory_space<vmem>> -> memref<128x16xf32, #tpu.memory_space<vmem>>
          %dma_wait3A_577 = arith.constant 0 : i32
          %dma_wait3A_578 = tpu.memref_slice %arg6[%run_scoped3A_560, %run_scoped3A_561, %dma_wait3A_577] : memref<2x4x128xi32, #tpu.memory_space<vmem>> -> memref<1x1x128xi32, #tpu.memory_space<vmem>>
          %dma_wait3A_579 = tpu.memref_squeeze %dma_wait3A_578 : memref<1x1x128xi32, #tpu.memory_space<vmem>> -> memref<128xi32, #tpu.memory_space<vmem>>
          %dma_wait3A_580 = arith.constant 0 : i32
          %dma_wait3A_581 = arith.constant 0 : i32
          %dma_wait3A_582 = tpu.memref_slice %arg9[%dma_wait3A_580, %dma_wait3A_581] : memref<100096x16xf32, #tpu.memory_space<vmem_shared>> -> memref<100096x16xf32, #tpu.memory_space<vmem_shared>>
          tpu.wait_indirect_dma semaphore(%run_scoped3A_562 : memref<!tpu.dma_semaphore, #tpu.memory_space<semaphore_mem>>) src(%dma_wait3A_576 : memref<128x16xf32, #tpu.memory_space<vmem>>) dst(%dma_wait3A_582 : memref<100096x16xf32, #tpu.memory_space<vmem_shared>>)
          tpu.yield
        }) : () -> ()
      } else {
      }
      %add3A_280 = arith.constant 1 : i32
      %add3A_281 = arith.addi %add3A_185, %add3A_280 : i32
      %mul3A_282 = arith.constant 4 : i32
      %mul3A_283 = arith.muli %add3A_281, %mul3A_282 : i32
      %add3A_284 = arith.addi %mul3A_45, %mul3A_283 : i32
      %dma_start3A_285 = arith.constant 0 : i32
      %dma_start3A_286 = arith.constant 1 : i32
      %dma_start3A_287 = arith.constant 0 : i32
      %dma_start3A_288 = arith.constant 0 : i32
      %dma_start3A_289 = tpu.memref_slice %arg5[%dma_start3A_286, %dma_start3A_287, %dma_start3A_288] : memref<2x4x128xi32, #tpu.memory_space<vmem>> -> memref<1x4x128xi32, #tpu.memory_space<vmem>>
      %dma_start3A_290 = tpu.memref_squeeze %dma_start3A_289 : memref<1x4x128xi32, #tpu.memory_space<vmem>> -> memref<4x128xi32, #tpu.memory_space<vmem>>
      %dma_start3A_291 = arith.constant 0 : i32
      %dma_start3A_292 = tpu.memref_slice %arg2[%dma_start3A_285, %add3A_284, %dma_start3A_291] : memref<2x25000x128xi32, #tpu.memory_space<hbm>> -> memref<1x4x128xi32, #tpu.memory_space<hbm>>
      %dma_start3A_293 = tpu.memref_squeeze %dma_start3A_292 : memref<1x4x128xi32, #tpu.memory_space<hbm>> -> memref<4x128xi32, #tpu.memory_space<hbm>>
      %dma_start3A_294 = arith.constant 0 : i32
      %dma_start3A_295 = arith.constant 0 : i32
      %dma_start3A_296 = tpu.memref_slice %arg5[%dma_start3A_286, %dma_start3A_294, %dma_start3A_295] : memref<2x4x128xi32, #tpu.memory_space<vmem>> -> memref<1x4x128xi32, #tpu.memory_space<vmem>>
      %dma_start3A_297 = tpu.memref_squeeze %dma_start3A_296 : memref<1x4x128xi32, #tpu.memory_space<vmem>> -> memref<4x128xi32, #tpu.memory_space<vmem>>
      %dma_start3A_298 = arith.constant 0 : i32
      %dma_start3A_299 = tpu.memref_slice %arg2[%dma_start3A_285, %add3A_284, %dma_start3A_298] : memref<2x25000x128xi32, #tpu.memory_space<hbm>> -> memref<1x4x128xi32, #tpu.memory_space<hbm>>
      %dma_start3A_300 = tpu.memref_squeeze %dma_start3A_299 : memref<1x4x128xi32, #tpu.memory_space<hbm>> -> memref<4x128xi32, #tpu.memory_space<hbm>>
      tpu.enqueue_dma source(%dma_start3A_300 : memref<4x128xi32, #tpu.memory_space<hbm>>) target(%dma_start3A_297 : memref<4x128xi32, #tpu.memory_space<vmem>>) target_semaphore(%arg11 : memref<!tpu.dma_semaphore, #tpu.memory_space<semaphore_mem>>)
      %dma_start3A_301 = arith.constant 1 : i32
      %dma_start3A_302 = arith.constant 1 : i32
      %dma_start3A_303 = arith.constant 0 : i32
      %dma_start3A_304 = arith.constant 0 : i32
      %dma_start3A_305 = tpu.memref_slice %arg6[%dma_start3A_302, %dma_start3A_303, %dma_start3A_304] : memref<2x4x128xi32, #tpu.memory_space<vmem>> -> memref<1x4x128xi32, #tpu.memory_space<vmem>>
      %dma_start3A_306 = tpu.memref_squeeze %dma_start3A_305 : memref<1x4x128xi32, #tpu.memory_space<vmem>> -> memref<4x128xi32, #tpu.memory_space<vmem>>
      %dma_start3A_307 = arith.constant 0 : i32
      %dma_start3A_308 = tpu.memref_slice %arg2[%dma_start3A_301, %add3A_284, %dma_start3A_307] : memref<2x25000x128xi32, #tpu.memory_space<hbm>> -> memref<1x4x128xi32, #tpu.memory_space<hbm>>
      %dma_start3A_309 = tpu.memref_squeeze %dma_start3A_308 : memref<1x4x128xi32, #tpu.memory_space<hbm>> -> memref<4x128xi32, #tpu.memory_space<hbm>>
      %dma_start3A_310 = arith.constant 0 : i32
      %dma_start3A_311 = arith.constant 0 : i32
      %dma_start3A_312 = tpu.memref_slice %arg6[%dma_start3A_302, %dma_start3A_310, %dma_start3A_311] : memref<2x4x128xi32, #tpu.memory_space<vmem>> -> memref<1x4x128xi32, #tpu.memory_space<vmem>>
      %dma_start3A_313 = tpu.memref_squeeze %dma_start3A_312 : memref<1x4x128xi32, #tpu.memory_space<vmem>> -> memref<4x128xi32, #tpu.memory_space<vmem>>
      %dma_start3A_314 = arith.constant 0 : i32
      %dma_start3A_315 = tpu.memref_slice %arg2[%dma_start3A_301, %add3A_284, %dma_start3A_314] : memref<2x25000x128xi32, #tpu.memory_space<hbm>> -> memref<1x4x128xi32, #tpu.memory_space<hbm>>
      %dma_start3A_316 = tpu.memref_squeeze %dma_start3A_315 : memref<1x4x128xi32, #tpu.memory_space<hbm>> -> memref<4x128xi32, #tpu.memory_space<hbm>>
      tpu.enqueue_dma source(%dma_start3A_316 : memref<4x128xi32, #tpu.memory_space<hbm>>) target(%dma_start3A_313 : memref<4x128xi32, #tpu.memory_space<vmem>>) target_semaphore(%arg11 : memref<!tpu.dma_semaphore, #tpu.memory_space<semaphore_mem>>)
      %mul3A_317 = arith.constant 2 : i32
      %mul3A_318 = arith.muli %mul3A_317, %while3A_181 : i32
      %add3A_319 = arith.constant 1 : i32
      %add3A_320 = arith.addi %mul3A_318, %add3A_319 : i32
      %mul3A_321 = arith.constant 4 : i32
      %mul3A_322 = arith.muli %add3A_320, %mul3A_321 : i32
      %add3A_323 = arith.addi %mul3A_45, %mul3A_322 : i32
      %dma_wait3A_324 = arith.constant 0 : i32
      %dma_wait3A_325 = arith.constant 1 : i32
      %dma_wait3A_326 = arith.constant 0 : i32
      %dma_wait3A_327 = arith.constant 0 : i32
      %dma_wait3A_328 = tpu.memref_slice %arg5[%dma_wait3A_325, %dma_wait3A_326, %dma_wait3A_327] : memref<2x4x128xi32, #tpu.memory_space<vmem>> -> memref<1x4x128xi32, #tpu.memory_space<vmem>>
      %dma_wait3A_329 = tpu.memref_squeeze %dma_wait3A_328 : memref<1x4x128xi32, #tpu.memory_space<vmem>> -> memref<4x128xi32, #tpu.memory_space<vmem>>
      %dma_wait3A_330 = arith.constant 0 : i32
      %dma_wait3A_331 = tpu.memref_slice %arg2[%dma_wait3A_324, %add3A_323, %dma_wait3A_330] : memref<2x25000x128xi32, #tpu.memory_space<hbm>> -> memref<1x4x128xi32, #tpu.memory_space<hbm>>
      %dma_wait3A_332 = tpu.memref_squeeze %dma_wait3A_331 : memref<1x4x128xi32, #tpu.memory_space<hbm>> -> memref<4x128xi32, #tpu.memory_space<hbm>>
      %dma_wait3A_333 = arith.constant 0 : i32
      %dma_wait3A_334 = arith.constant 0 : i32
      %dma_wait3A_335 = tpu.memref_slice %arg5[%dma_wait3A_325, %dma_wait3A_333, %dma_wait3A_334] : memref<2x4x128xi32, #tpu.memory_space<vmem>> -> memref<1x4x128xi32, #tpu.memory_space<vmem>>
      %dma_wait3A_336 = tpu.memref_squeeze %dma_wait3A_335 : memref<1x4x128xi32, #tpu.memory_space<vmem>> -> memref<4x128xi32, #tpu.memory_space<vmem>>
      %dma_wait3A_337 = arith.constant 0 : i32
      %dma_wait3A_338 = tpu.memref_slice %arg2[%dma_wait3A_324, %add3A_323, %dma_wait3A_337] : memref<2x25000x128xi32, #tpu.memory_space<hbm>> -> memref<1x4x128xi32, #tpu.memory_space<hbm>>
      %dma_wait3A_339 = tpu.memref_squeeze %dma_wait3A_338 : memref<1x4x128xi32, #tpu.memory_space<hbm>> -> memref<4x128xi32, #tpu.memory_space<hbm>>
      tpu.wait_dma2 semaphore(%arg11 : memref<!tpu.dma_semaphore, #tpu.memory_space<semaphore_mem>>) src(%dma_wait3A_339 : memref<4x128xi32, #tpu.memory_space<hbm>>) dst(%dma_wait3A_336 : memref<4x128xi32, #tpu.memory_space<vmem>>)
      %dma_wait3A_340 = arith.constant 1 : i32
      %dma_wait3A_341 = arith.constant 1 : i32
      %dma_wait3A_342 = arith.constant 0 : i32
      %dma_wait3A_343 = arith.constant 0 : i32
      %dma_wait3A_344 = tpu.memref_slice %arg6[%dma_wait3A_341, %dma_wait3A_342, %dma_wait3A_343] : memref<2x4x128xi32, #tpu.memory_space<vmem>> -> memref<1x4x128xi32, #tpu.memory_space<vmem>>
      %dma_wait3A_345 = tpu.memref_squeeze %dma_wait3A_344 : memref<1x4x128xi32, #tpu.memory_space<vmem>> -> memref<4x128xi32, #tpu.memory_space<vmem>>
      %dma_wait3A_346 = arith.constant 0 : i32
      %dma_wait3A_347 = tpu.memref_slice %arg2[%dma_wait3A_340, %add3A_323, %dma_wait3A_346] : memref<2x25000x128xi32, #tpu.memory_space<hbm>> -> memref<1x4x128xi32, #tpu.memory_space<hbm>>
      %dma_wait3A_348 = tpu.memref_squeeze %dma_wait3A_347 : memref<1x4x128xi32, #tpu.memory_space<hbm>> -> memref<4x128xi32, #tpu.memory_space<hbm>>
      %dma_wait3A_349 = arith.constant 0 : i32
      %dma_wait3A_350 = arith.constant 0 : i32
      %dma_wait3A_351 = tpu.memref_slice %arg6[%dma_wait3A_341, %dma_wait3A_349, %dma_wait3A_350] : memref<2x4x128xi32, #tpu.memory_space<vmem>> -> memref<1x4x128xi32, #tpu.memory_space<vmem>>
      %dma_wait3A_352 = tpu.memref_squeeze %dma_wait3A_351 : memref<1x4x128xi32, #tpu.memory_space<vmem>> -> memref<4x128xi32, #tpu.memory_space<vmem>>
      %dma_wait3A_353 = arith.constant 0 : i32
      %dma_wait3A_354 = tpu.memref_slice %arg2[%dma_wait3A_340, %add3A_323, %dma_wait3A_353] : memref<2x25000x128xi32, #tpu.memory_space<hbm>> -> memref<1x4x128xi32, #tpu.memory_space<hbm>>
      %dma_wait3A_355 = tpu.memref_squeeze %dma_wait3A_354 : memref<1x4x128xi32, #tpu.memory_space<hbm>> -> memref<4x128xi32, #tpu.memory_space<hbm>>
      tpu.wait_dma2 semaphore(%arg11 : memref<!tpu.dma_semaphore, #tpu.memory_space<semaphore_mem>>) src(%dma_wait3A_355 : memref<4x128xi32, #tpu.memory_space<hbm>>) dst(%dma_wait3A_352 : memref<4x128xi32, #tpu.memory_space<vmem>>)
      %dma_start3A_356 = arith.constant 1 : i32
      %dma_start3A_357 = arith.constant 0 : i32
      %dma_start3A_358 = arith.constant 1 : i32
      %dma_start3A_359 = arith.constant 0 : i32
      %dma_start3A_360 = arith.constant 0 : i32
      %dma_start3A_361 = arith.constant 0 : i32
      %dma_start3A_362 = tpu.memref_slice %arg7[%dma_start3A_358, %dma_start3A_359, %dma_start3A_360, %dma_start3A_361] : memref<2x4x128x16xf32, #tpu.memory_space<vmem>> -> memref<1x1x128x16xf32, #tpu.memory_space<vmem>>
      %dma_start3A_363 = tpu.memref_squeeze %dma_start3A_362 : memref<1x1x128x16xf32, #tpu.memory_space<vmem>> -> memref<128x16xf32, #tpu.memory_space<vmem>>
      %dma_start3A_364 = arith.constant 0 : i32
      %dma_start3A_365 = tpu.memref_slice %arg5[%dma_start3A_356, %dma_start3A_357, %dma_start3A_364] : memref<2x4x128xi32, #tpu.memory_space<vmem>> -> memref<1x1x128xi32, #tpu.memory_space<vmem>>
      %dma_start3A_366 = tpu.memref_squeeze %dma_start3A_365 : memref<1x1x128xi32, #tpu.memory_space<vmem>> -> memref<128xi32, #tpu.memory_space<vmem>>
      %dma_start3A_367 = arith.constant 0 : i32
      %dma_start3A_368 = arith.constant 0 : i32
      %dma_start3A_369 = tpu.memref_slice %arg3[%dma_start3A_367, %dma_start3A_368] : memref<100096x16xf32, #tpu.memory_space<hbm>> -> memref<100096x16xf32, #tpu.memory_space<hbm>>
      tpu.enqueue_indirect_dma source(%dma_start3A_369 : memref<100096x16xf32, #tpu.memory_space<hbm>>) target(%dma_start3A_363 : memref<128x16xf32, #tpu.memory_space<vmem>>) offsets(%dma_start3A_366 : memref<128xi32, #tpu.memory_space<vmem>>) semaphore(%arg13 : memref<!tpu.dma_semaphore, #tpu.memory_space<semaphore_mem>>)
      %dma_start3A_370 = arith.constant 1 : i32
      %dma_start3A_371 = arith.constant 1 : i32
      %dma_start3A_372 = arith.constant 1 : i32
      %dma_start3A_373 = arith.constant 1 : i32
      %dma_start3A_374 = arith.constant 0 : i32
      %dma_start3A_375 = arith.constant 0 : i32
      %dma_start3A_376 = tpu.memref_slice %arg7[%dma_start3A_372, %dma_start3A_373, %dma_start3A_374, %dma_start3A_375] : memref<2x4x128x16xf32, #tpu.memory_space<vmem>> -> memref<1x1x128x16xf32, #tpu.memory_space<vmem>>
      %dma_start3A_377 = tpu.memref_squeeze %dma_start3A_376 : memref<1x1x128x16xf32, #tpu.memory_space<vmem>> -> memref<128x16xf32, #tpu.memory_space<vmem>>
      %dma_start3A_378 = arith.constant 0 : i32
      %dma_start3A_379 = tpu.memref_slice %arg5[%dma_start3A_370, %dma_start3A_371, %dma_start3A_378] : memref<2x4x128xi32, #tpu.memory_space<vmem>> -> memref<1x1x128xi32, #tpu.memory_space<vmem>>
      %dma_start3A_380 = tpu.memref_squeeze %dma_start3A_379 : memref<1x1x128xi32, #tpu.memory_space<vmem>> -> memref<128xi32, #tpu.memory_space<vmem>>
      %dma_start3A_381 = arith.constant 0 : i32
      %dma_start3A_382 = arith.constant 0 : i32
      %dma_start3A_383 = tpu.memref_slice %arg3[%dma_start3A_381, %dma_start3A_382] : memref<100096x16xf32, #tpu.memory_space<hbm>> -> memref<100096x16xf32, #tpu.memory_space<hbm>>
      tpu.enqueue_indirect_dma source(%dma_start3A_383 : memref<100096x16xf32, #tpu.memory_space<hbm>>) target(%dma_start3A_377 : memref<128x16xf32, #tpu.memory_space<vmem>>) offsets(%dma_start3A_380 : memref<128xi32, #tpu.memory_space<vmem>>) semaphore(%arg13 : memref<!tpu.dma_semaphore, #tpu.memory_space<semaphore_mem>>)
      %dma_start3A_384 = arith.constant 1 : i32
      %dma_start3A_385 = arith.constant 2 : i32
      %dma_start3A_386 = arith.constant 1 : i32
      %dma_start3A_387 = arith.constant 2 : i32
      %dma_start3A_388 = arith.constant 0 : i32
      %dma_start3A_389 = arith.constant 0 : i32
      %dma_start3A_390 = tpu.memref_slice %arg7[%dma_start3A_386, %dma_start3A_387, %dma_start3A_388, %dma_start3A_389] : memref<2x4x128x16xf32, #tpu.memory_space<vmem>> -> memref<1x1x128x16xf32, #tpu.memory_space<vmem>>
      %dma_start3A_391 = tpu.memref_squeeze %dma_start3A_390 : memref<1x1x128x16xf32, #tpu.memory_space<vmem>> -> memref<128x16xf32, #tpu.memory_space<vmem>>
      %dma_start3A_392 = arith.constant 0 : i32
      %dma_start3A_393 = tpu.memref_slice %arg5[%dma_start3A_384, %dma_start3A_385, %dma_start3A_392] : memref<2x4x128xi32, #tpu.memory_space<vmem>> -> memref<1x1x128xi32, #tpu.memory_space<vmem>>
      %dma_start3A_394 = tpu.memref_squeeze %dma_start3A_393 : memref<1x1x128xi32, #tpu.memory_space<vmem>> -> memref<128xi32, #tpu.memory_space<vmem>>
      %dma_start3A_395 = arith.constant 0 : i32
      %dma_start3A_396 = arith.constant 0 : i32
      %dma_start3A_397 = tpu.memref_slice %arg3[%dma_start3A_395, %dma_start3A_396] : memref<100096x16xf32, #tpu.memory_space<hbm>> -> memref<100096x16xf32, #tpu.memory_space<hbm>>
      tpu.enqueue_indirect_dma source(%dma_start3A_397 : memref<100096x16xf32, #tpu.memory_space<hbm>>) target(%dma_start3A_391 : memref<128x16xf32, #tpu.memory_space<vmem>>) offsets(%dma_start3A_394 : memref<128xi32, #tpu.memory_space<vmem>>) semaphore(%arg13 : memref<!tpu.dma_semaphore, #tpu.memory_space<semaphore_mem>>)
      %dma_start3A_398 = arith.constant 1 : i32
      %dma_start3A_399 = arith.constant 3 : i32
      %dma_start3A_400 = arith.constant 1 : i32
      %dma_start3A_401 = arith.constant 3 : i32
      %dma_start3A_402 = arith.constant 0 : i32
      %dma_start3A_403 = arith.constant 0 : i32
      %dma_start3A_404 = tpu.memref_slice %arg7[%dma_start3A_400, %dma_start3A_401, %dma_start3A_402, %dma_start3A_403] : memref<2x4x128x16xf32, #tpu.memory_space<vmem>> -> memref<1x1x128x16xf32, #tpu.memory_space<vmem>>
      %dma_start3A_405 = tpu.memref_squeeze %dma_start3A_404 : memref<1x1x128x16xf32, #tpu.memory_space<vmem>> -> memref<128x16xf32, #tpu.memory_space<vmem>>
      %dma_start3A_406 = arith.constant 0 : i32
      %dma_start3A_407 = tpu.memref_slice %arg5[%dma_start3A_398, %dma_start3A_399, %dma_start3A_406] : memref<2x4x128xi32, #tpu.memory_space<vmem>> -> memref<1x1x128xi32, #tpu.memory_space<vmem>>
      %dma_start3A_408 = tpu.memref_squeeze %dma_start3A_407 : memref<1x1x128xi32, #tpu.memory_space<vmem>> -> memref<128xi32, #tpu.memory_space<vmem>>
      %dma_start3A_409 = arith.constant 0 : i32
      %dma_start3A_410 = arith.constant 0 : i32
      %dma_start3A_411 = tpu.memref_slice %arg3[%dma_start3A_409, %dma_start3A_410] : memref<100096x16xf32, #tpu.memory_space<hbm>> -> memref<100096x16xf32, #tpu.memory_space<hbm>>
      tpu.enqueue_indirect_dma source(%dma_start3A_411 : memref<100096x16xf32, #tpu.memory_space<hbm>>) target(%dma_start3A_405 : memref<128x16xf32, #tpu.memory_space<vmem>>) offsets(%dma_start3A_408 : memref<128xi32, #tpu.memory_space<vmem>>) semaphore(%arg13 : memref<!tpu.dma_semaphore, #tpu.memory_space<semaphore_mem>>)
      %dma_wait3A_412 = arith.constant 0 : i32
      %dma_wait3A_413 = arith.constant 0 : i32
      %dma_wait3A_414 = arith.constant 0 : i32
      %dma_wait3A_415 = arith.constant 0 : i32
      %dma_wait3A_416 = arith.constant 0 : i32
      %dma_wait3A_417 = arith.constant 0 : i32
      %dma_wait3A_418 = tpu.memref_slice %arg7[%dma_wait3A_414, %dma_wait3A_415, %dma_wait3A_416, %dma_wait3A_417] : memref<2x4x128x16xf32, #tpu.memory_space<vmem>> -> memref<1x1x128x16xf32, #tpu.memory_space<vmem>>
      %dma_wait3A_419 = tpu.memref_squeeze %dma_wait3A_418 : memref<1x1x128x16xf32, #tpu.memory_space<vmem>> -> memref<128x16xf32, #tpu.memory_space<vmem>>
      %dma_wait3A_420 = arith.constant 0 : i32
      %dma_wait3A_421 = tpu.memref_slice %arg5[%dma_wait3A_412, %dma_wait3A_413, %dma_wait3A_420] : memref<2x4x128xi32, #tpu.memory_space<vmem>> -> memref<1x1x128xi32, #tpu.memory_space<vmem>>
      %dma_wait3A_422 = tpu.memref_squeeze %dma_wait3A_421 : memref<1x1x128xi32, #tpu.memory_space<vmem>> -> memref<128xi32, #tpu.memory_space<vmem>>
      %dma_wait3A_423 = arith.constant 0 : i32
      %dma_wait3A_424 = arith.constant 0 : i32
      %dma_wait3A_425 = tpu.memref_slice %arg3[%dma_wait3A_423, %dma_wait3A_424] : memref<100096x16xf32, #tpu.memory_space<hbm>> -> memref<100096x16xf32, #tpu.memory_space<hbm>>
      tpu.wait_indirect_dma semaphore(%arg12 : memref<!tpu.dma_semaphore, #tpu.memory_space<semaphore_mem>>) src(%dma_wait3A_425 : memref<100096x16xf32, #tpu.memory_space<hbm>>) dst(%dma_wait3A_419 : memref<128x16xf32, #tpu.memory_space<vmem>>)
      %dma_wait3A_426 = arith.constant 0 : i32
      %dma_wait3A_427 = arith.constant 1 : i32
      %dma_wait3A_428 = arith.constant 0 : i32
      %dma_wait3A_429 = arith.constant 1 : i32
      %dma_wait3A_430 = arith.constant 0 : i32
      %dma_wait3A_431 = arith.constant 0 : i32
      %dma_wait3A_432 = tpu.memref_slice %arg7[%dma_wait3A_428, %dma_wait3A_429, %dma_wait3A_430, %dma_wait3A_431] : memref<2x4x128x16xf32, #tpu.memory_space<vmem>> -> memref<1x1x128x16xf32, #tpu.memory_space<vmem>>
      %dma_wait3A_433 = tpu.memref_squeeze %dma_wait3A_432 : memref<1x1x128x16xf32, #tpu.memory_space<vmem>> -> memref<128x16xf32, #tpu.memory_space<vmem>>
      %dma_wait3A_434 = arith.constant 0 : i32
      %dma_wait3A_435 = tpu.memref_slice %arg5[%dma_wait3A_426, %dma_wait3A_427, %dma_wait3A_434] : memref<2x4x128xi32, #tpu.memory_space<vmem>> -> memref<1x1x128xi32, #tpu.memory_space<vmem>>
      %dma_wait3A_436 = tpu.memref_squeeze %dma_wait3A_435 : memref<1x1x128xi32, #tpu.memory_space<vmem>> -> memref<128xi32, #tpu.memory_space<vmem>>
      %dma_wait3A_437 = arith.constant 0 : i32
      %dma_wait3A_438 = arith.constant 0 : i32
      %dma_wait3A_439 = tpu.memref_slice %arg3[%dma_wait3A_437, %dma_wait3A_438] : memref<100096x16xf32, #tpu.memory_space<hbm>> -> memref<100096x16xf32, #tpu.memory_space<hbm>>
      tpu.wait_indirect_dma semaphore(%arg12 : memref<!tpu.dma_semaphore, #tpu.memory_space<semaphore_mem>>) src(%dma_wait3A_439 : memref<100096x16xf32, #tpu.memory_space<hbm>>) dst(%dma_wait3A_433 : memref<128x16xf32, #tpu.memory_space<vmem>>)
      %dma_wait3A_440 = arith.constant 0 : i32
      %dma_wait3A_441 = arith.constant 2 : i32
      %dma_wait3A_442 = arith.constant 0 : i32
      %dma_wait3A_443 = arith.constant 2 : i32
      %dma_wait3A_444 = arith.constant 0 : i32
      %dma_wait3A_445 = arith.constant 0 : i32
      %dma_wait3A_446 = tpu.memref_slice %arg7[%dma_wait3A_442, %dma_wait3A_443, %dma_wait3A_444, %dma_wait3A_445] : memref<2x4x128x16xf32, #tpu.memory_space<vmem>> -> memref<1x1x128x16xf32, #tpu.memory_space<vmem>>
      %dma_wait3A_447 = tpu.memref_squeeze %dma_wait3A_446 : memref<1x1x128x16xf32, #tpu.memory_space<vmem>> -> memref<128x16xf32, #tpu.memory_space<vmem>>
      %dma_wait3A_448 = arith.constant 0 : i32
      %dma_wait3A_449 = tpu.memref_slice %arg5[%dma_wait3A_440, %dma_wait3A_441, %dma_wait3A_448] : memref<2x4x128xi32, #tpu.memory_space<vmem>> -> memref<1x1x128xi32, #tpu.memory_space<vmem>>
      %dma_wait3A_450 = tpu.memref_squeeze %dma_wait3A_449 : memref<1x1x128xi32, #tpu.memory_space<vmem>> -> memref<128xi32, #tpu.memory_space<vmem>>
      %dma_wait3A_451 = arith.constant 0 : i32
      %dma_wait3A_452 = arith.constant 0 : i32
      %dma_wait3A_453 = tpu.memref_slice %arg3[%dma_wait3A_451, %dma_wait3A_452] : memref<100096x16xf32, #tpu.memory_space<hbm>> -> memref<100096x16xf32, #tpu.memory_space<hbm>>
      tpu.wait_indirect_dma semaphore(%arg12 : memref<!tpu.dma_semaphore, #tpu.memory_space<semaphore_mem>>) src(%dma_wait3A_453 : memref<100096x16xf32, #tpu.memory_space<hbm>>) dst(%dma_wait3A_447 : memref<128x16xf32, #tpu.memory_space<vmem>>)
      %dma_wait3A_454 = arith.constant 0 : i32
      %dma_wait3A_455 = arith.constant 3 : i32
      %dma_wait3A_456 = arith.constant 0 : i32
      %dma_wait3A_457 = arith.constant 3 : i32
      %dma_wait3A_458 = arith.constant 0 : i32
      %dma_wait3A_459 = arith.constant 0 : i32
      %dma_wait3A_460 = tpu.memref_slice %arg7[%dma_wait3A_456, %dma_wait3A_457, %dma_wait3A_458, %dma_wait3A_459] : memref<2x4x128x16xf32, #tpu.memory_space<vmem>> -> memref<1x1x128x16xf32, #tpu.memory_space<vmem>>
      %dma_wait3A_461 = tpu.memref_squeeze %dma_wait3A_460 : memref<1x1x128x16xf32, #tpu.memory_space<vmem>> -> memref<128x16xf32, #tpu.memory_space<vmem>>
      %dma_wait3A_462 = arith.constant 0 : i32
      %dma_wait3A_463 = tpu.memref_slice %arg5[%dma_wait3A_454, %dma_wait3A_455, %dma_wait3A_462] : memref<2x4x128xi32, #tpu.memory_space<vmem>> -> memref<1x1x128xi32, #tpu.memory_space<vmem>>
      %dma_wait3A_464 = tpu.memref_squeeze %dma_wait3A_463 : memref<1x1x128xi32, #tpu.memory_space<vmem>> -> memref<128xi32, #tpu.memory_space<vmem>>
      %dma_wait3A_465 = arith.constant 0 : i32
      %dma_wait3A_466 = arith.constant 0 : i32
      %dma_wait3A_467 = tpu.memref_slice %arg3[%dma_wait3A_465, %dma_wait3A_466] : memref<100096x16xf32, #tpu.memory_space<hbm>> -> memref<100096x16xf32, #tpu.memory_space<hbm>>
      tpu.wait_indirect_dma semaphore(%arg12 : memref<!tpu.dma_semaphore, #tpu.memory_space<semaphore_mem>>) src(%dma_wait3A_467 : memref<100096x16xf32, #tpu.memory_space<hbm>>) dst(%dma_wait3A_461 : memref<128x16xf32, #tpu.memory_space<vmem>>)
      %run_scoped3A_468 = arith.constant 0 : i32
      %run_scoped3A_469 = arith.constant 0 : i32
      %run_scoped3A_470 = arith.constant 0 : i32
      %run_scoped3A_471 = arith.constant 0 : i32
      "tpu.region"() ({
        %run_scoped3A_490 = tpu.sem_alloc : memref<!tpu.dma_semaphore, #tpu.memory_space<semaphore_mem>>
        %dma_start3A_491 = arith.constant 0 : i32
        %dma_start3A_492 = arith.constant 0 : i32
        %dma_start3A_493 = tpu.memref_slice %arg7[%run_scoped3A_468, %run_scoped3A_469, %dma_start3A_491, %dma_start3A_492] : memref<2x4x128x16xf32, #tpu.memory_space<vmem>> -> memref<1x1x128x16xf32, #tpu.memory_space<vmem>>
        %dma_start3A_494 = tpu.memref_squeeze %dma_start3A_493 : memref<1x1x128x16xf32, #tpu.memory_space<vmem>> -> memref<128x16xf32, #tpu.memory_space<vmem>>
        %dma_start3A_495 = arith.constant 0 : i32
        %dma_start3A_496 = tpu.memref_slice %arg6[%run_scoped3A_470, %run_scoped3A_471, %dma_start3A_495] : memref<2x4x128xi32, #tpu.memory_space<vmem>> -> memref<1x1x128xi32, #tpu.memory_space<vmem>>
        %dma_start3A_497 = tpu.memref_squeeze %dma_start3A_496 : memref<1x1x128xi32, #tpu.memory_space<vmem>> -> memref<128xi32, #tpu.memory_space<vmem>>
        %dma_start3A_498 = arith.constant 0 : i32
        %dma_start3A_499 = arith.constant 0 : i32
        %dma_start3A_500 = tpu.memref_slice %arg9[%dma_start3A_498, %dma_start3A_499] : memref<100096x16xf32, #tpu.memory_space<vmem_shared>> -> memref<100096x16xf32, #tpu.memory_space<vmem_shared>>
        tpu.enqueue_indirect_dma source(%dma_start3A_494 : memref<128x16xf32, #tpu.memory_space<vmem>>) target(%dma_start3A_500 : memref<100096x16xf32, #tpu.memory_space<vmem_shared>>) offsets(%dma_start3A_497 : memref<128xi32, #tpu.memory_space<vmem>>) semaphore(%run_scoped3A_490 : memref<!tpu.dma_semaphore, #tpu.memory_space<semaphore_mem>>) {add = true}
        %dma_wait3A_501 = arith.constant 0 : i32
        %dma_wait3A_502 = arith.constant 0 : i32
        %dma_wait3A_503 = tpu.memref_slice %arg7[%run_scoped3A_468, %run_scoped3A_469, %dma_wait3A_501, %dma_wait3A_502] : memref<2x4x128x16xf32, #tpu.memory_space<vmem>> -> memref<1x1x128x16xf32, #tpu.memory_space<vmem>>
        %dma_wait3A_504 = tpu.memref_squeeze %dma_wait3A_503 : memref<1x1x128x16xf32, #tpu.memory_space<vmem>> -> memref<128x16xf32, #tpu.memory_space<vmem>>
        %dma_wait3A_505 = arith.constant 0 : i32
        %dma_wait3A_506 = tpu.memref_slice %arg6[%run_scoped3A_470, %run_scoped3A_471, %dma_wait3A_505] : memref<2x4x128xi32, #tpu.memory_space<vmem>> -> memref<1x1x128xi32, #tpu.memory_space<vmem>>
        %dma_wait3A_507 = tpu.memref_squeeze %dma_wait3A_506 : memref<1x1x128xi32, #tpu.memory_space<vmem>> -> memref<128xi32, #tpu.memory_space<vmem>>
        %dma_wait3A_508 = arith.constant 0 : i32
        %dma_wait3A_509 = arith.constant 0 : i32
        %dma_wait3A_510 = tpu.memref_slice %arg9[%dma_wait3A_508, %dma_wait3A_509] : memref<100096x16xf32, #tpu.memory_space<vmem_shared>> -> memref<100096x16xf32, #tpu.memory_space<vmem_shared>>
        tpu.wait_indirect_dma semaphore(%run_scoped3A_490 : memref<!tpu.dma_semaphore, #tpu.memory_space<semaphore_mem>>) src(%dma_wait3A_504 : memref<128x16xf32, #tpu.memory_space<vmem>>) dst(%dma_wait3A_510 : memref<100096x16xf32, #tpu.memory_space<vmem_shared>>)
        tpu.yield
      }) : () -> ()
      %run_scoped3A_472 = arith.constant 0 : i32
      %run_scoped3A_473 = arith.constant 1 : i32
      %run_scoped3A_474 = arith.constant 0 : i32
      %run_scoped3A_475 = arith.constant 1 : i32
      "tpu.region"() ({
        %run_scoped3A_490 = tpu.sem_alloc : memref<!tpu.dma_semaphore, #tpu.memory_space<semaphore_mem>>
        %dma_start3A_491 = arith.constant 0 : i32
        %dma_start3A_492 = arith.constant 0 : i32
        %dma_start3A_493 = tpu.memref_slice %arg7[%run_scoped3A_472, %run_scoped3A_473, %dma_start3A_491, %dma_start3A_492] : memref<2x4x128x16xf32, #tpu.memory_space<vmem>> -> memref<1x1x128x16xf32, #tpu.memory_space<vmem>>
        %dma_start3A_494 = tpu.memref_squeeze %dma_start3A_493 : memref<1x1x128x16xf32, #tpu.memory_space<vmem>> -> memref<128x16xf32, #tpu.memory_space<vmem>>
        %dma_start3A_495 = arith.constant 0 : i32
        %dma_start3A_496 = tpu.memref_slice %arg6[%run_scoped3A_474, %run_scoped3A_475, %dma_start3A_495] : memref<2x4x128xi32, #tpu.memory_space<vmem>> -> memref<1x1x128xi32, #tpu.memory_space<vmem>>
        %dma_start3A_497 = tpu.memref_squeeze %dma_start3A_496 : memref<1x1x128xi32, #tpu.memory_space<vmem>> -> memref<128xi32, #tpu.memory_space<vmem>>
        %dma_start3A_498 = arith.constant 0 : i32
        %dma_start3A_499 = arith.constant 0 : i32
        %dma_start3A_500 = tpu.memref_slice %arg9[%dma_start3A_498, %dma_start3A_499] : memref<100096x16xf32, #tpu.memory_space<vmem_shared>> -> memref<100096x16xf32, #tpu.memory_space<vmem_shared>>
        tpu.enqueue_indirect_dma source(%dma_start3A_494 : memref<128x16xf32, #tpu.memory_space<vmem>>) target(%dma_start3A_500 : memref<100096x16xf32, #tpu.memory_space<vmem_shared>>) offsets(%dma_start3A_497 : memref<128xi32, #tpu.memory_space<vmem>>) semaphore(%run_scoped3A_490 : memref<!tpu.dma_semaphore, #tpu.memory_space<semaphore_mem>>) {add = true}
        %dma_wait3A_501 = arith.constant 0 : i32
        %dma_wait3A_502 = arith.constant 0 : i32
        %dma_wait3A_503 = tpu.memref_slice %arg7[%run_scoped3A_472, %run_scoped3A_473, %dma_wait3A_501, %dma_wait3A_502] : memref<2x4x128x16xf32, #tpu.memory_space<vmem>> -> memref<1x1x128x16xf32, #tpu.memory_space<vmem>>
        %dma_wait3A_504 = tpu.memref_squeeze %dma_wait3A_503 : memref<1x1x128x16xf32, #tpu.memory_space<vmem>> -> memref<128x16xf32, #tpu.memory_space<vmem>>
        %dma_wait3A_505 = arith.constant 0 : i32
        %dma_wait3A_506 = tpu.memref_slice %arg6[%run_scoped3A_474, %run_scoped3A_475, %dma_wait3A_505] : memref<2x4x128xi32, #tpu.memory_space<vmem>> -> memref<1x1x128xi32, #tpu.memory_space<vmem>>
        %dma_wait3A_507 = tpu.memref_squeeze %dma_wait3A_506 : memref<1x1x128xi32, #tpu.memory_space<vmem>> -> memref<128xi32, #tpu.memory_space<vmem>>
        %dma_wait3A_508 = arith.constant 0 : i32
        %dma_wait3A_509 = arith.constant 0 : i32
        %dma_wait3A_510 = tpu.memref_slice %arg9[%dma_wait3A_508, %dma_wait3A_509] : memref<100096x16xf32, #tpu.memory_space<vmem_shared>> -> memref<100096x16xf32, #tpu.memory_space<vmem_shared>>
        tpu.wait_indirect_dma semaphore(%run_scoped3A_490 : memref<!tpu.dma_semaphore, #tpu.memory_space<semaphore_mem>>) src(%dma_wait3A_504 : memref<128x16xf32, #tpu.memory_space<vmem>>) dst(%dma_wait3A_510 : memref<100096x16xf32, #tpu.memory_space<vmem_shared>>)
        tpu.yield
      }) : () -> ()
      %run_scoped3A_476 = arith.constant 0 : i32
      %run_scoped3A_477 = arith.constant 2 : i32
      %run_scoped3A_478 = arith.constant 0 : i32
      %run_scoped3A_479 = arith.constant 2 : i32
      "tpu.region"() ({
        %run_scoped3A_490 = tpu.sem_alloc : memref<!tpu.dma_semaphore, #tpu.memory_space<semaphore_mem>>
        %dma_start3A_491 = arith.constant 0 : i32
        %dma_start3A_492 = arith.constant 0 : i32
        %dma_start3A_493 = tpu.memref_slice %arg7[%run_scoped3A_476, %run_scoped3A_477, %dma_start3A_491, %dma_start3A_492] : memref<2x4x128x16xf32, #tpu.memory_space<vmem>> -> memref<1x1x128x16xf32, #tpu.memory_space<vmem>>
        %dma_start3A_494 = tpu.memref_squeeze %dma_start3A_493 : memref<1x1x128x16xf32, #tpu.memory_space<vmem>> -> memref<128x16xf32, #tpu.memory_space<vmem>>
        %dma_start3A_495 = arith.constant 0 : i32
        %dma_start3A_496 = tpu.memref_slice %arg6[%run_scoped3A_478, %run_scoped3A_479, %dma_start3A_495] : memref<2x4x128xi32, #tpu.memory_space<vmem>> -> memref<1x1x128xi32, #tpu.memory_space<vmem>>
        %dma_start3A_497 = tpu.memref_squeeze %dma_start3A_496 : memref<1x1x128xi32, #tpu.memory_space<vmem>> -> memref<128xi32, #tpu.memory_space<vmem>>
        %dma_start3A_498 = arith.constant 0 : i32
        %dma_start3A_499 = arith.constant 0 : i32
        %dma_start3A_500 = tpu.memref_slice %arg9[%dma_start3A_498, %dma_start3A_499] : memref<100096x16xf32, #tpu.memory_space<vmem_shared>> -> memref<100096x16xf32, #tpu.memory_space<vmem_shared>>
        tpu.enqueue_indirect_dma source(%dma_start3A_494 : memref<128x16xf32, #tpu.memory_space<vmem>>) target(%dma_start3A_500 : memref<100096x16xf32, #tpu.memory_space<vmem_shared>>) offsets(%dma_start3A_497 : memref<128xi32, #tpu.memory_space<vmem>>) semaphore(%run_scoped3A_490 : memref<!tpu.dma_semaphore, #tpu.memory_space<semaphore_mem>>) {add = true}
        %dma_wait3A_501 = arith.constant 0 : i32
        %dma_wait3A_502 = arith.constant 0 : i32
        %dma_wait3A_503 = tpu.memref_slice %arg7[%run_scoped3A_476, %run_scoped3A_477, %dma_wait3A_501, %dma_wait3A_502] : memref<2x4x128x16xf32, #tpu.memory_space<vmem>> -> memref<1x1x128x16xf32, #tpu.memory_space<vmem>>
        %dma_wait3A_504 = tpu.memref_squeeze %dma_wait3A_503 : memref<1x1x128x16xf32, #tpu.memory_space<vmem>> -> memref<128x16xf32, #tpu.memory_space<vmem>>
        %dma_wait3A_505 = arith.constant 0 : i32
        %dma_wait3A_506 = tpu.memref_slice %arg6[%run_scoped3A_478, %run_scoped3A_479, %dma_wait3A_505] : memref<2x4x128xi32, #tpu.memory_space<vmem>> -> memref<1x1x128xi32, #tpu.memory_space<vmem>>
        %dma_wait3A_507 = tpu.memref_squeeze %dma_wait3A_506 : memref<1x1x128xi32, #tpu.memory_space<vmem>> -> memref<128xi32, #tpu.memory_space<vmem>>
        %dma_wait3A_508 = arith.constant 0 : i32
        %dma_wait3A_509 = arith.constant 0 : i32
        %dma_wait3A_510 = tpu.memref_slice %arg9[%dma_wait3A_508, %dma_wait3A_509] : memref<100096x16xf32, #tpu.memory_space<vmem_shared>> -> memref<100096x16xf32, #tpu.memory_space<vmem_shared>>
        tpu.wait_indirect_dma semaphore(%run_scoped3A_490 : memref<!tpu.dma_semaphore, #tpu.memory_space<semaphore_mem>>) src(%dma_wait3A_504 : memref<128x16xf32, #tpu.memory_space<vmem>>) dst(%dma_wait3A_510 : memref<100096x16xf32, #tpu.memory_space<vmem_shared>>)
        tpu.yield
      }) : () -> ()
      %run_scoped3A_480 = arith.constant 0 : i32
      %run_scoped3A_481 = arith.constant 3 : i32
      %run_scoped3A_482 = arith.constant 0 : i32
      %run_scoped3A_483 = arith.constant 3 : i32
      "tpu.region"() ({
        %run_scoped3A_490 = tpu.sem_alloc : memref<!tpu.dma_semaphore, #tpu.memory_space<semaphore_mem>>
        %dma_start3A_491 = arith.constant 0 : i32
        %dma_start3A_492 = arith.constant 0 : i32
        %dma_start3A_493 = tpu.memref_slice %arg7[%run_scoped3A_480, %run_scoped3A_481, %dma_start3A_491, %dma_start3A_492] : memref<2x4x128x16xf32, #tpu.memory_space<vmem>> -> memref<1x1x128x16xf32, #tpu.memory_space<vmem>>
        %dma_start3A_494 = tpu.memref_squeeze %dma_start3A_493 : memref<1x1x128x16xf32, #tpu.memory_space<vmem>> -> memref<128x16xf32, #tpu.memory_space<vmem>>
        %dma_start3A_495 = arith.constant 0 : i32
        %dma_start3A_496 = tpu.memref_slice %arg6[%run_scoped3A_482, %run_scoped3A_483, %dma_start3A_495] : memref<2x4x128xi32, #tpu.memory_space<vmem>> -> memref<1x1x128xi32, #tpu.memory_space<vmem>>
        %dma_start3A_497 = tpu.memref_squeeze %dma_start3A_496 : memref<1x1x128xi32, #tpu.memory_space<vmem>> -> memref<128xi32, #tpu.memory_space<vmem>>
        %dma_start3A_498 = arith.constant 0 : i32
        %dma_start3A_499 = arith.constant 0 : i32
        %dma_start3A_500 = tpu.memref_slice %arg9[%dma_start3A_498, %dma_start3A_499] : memref<100096x16xf32, #tpu.memory_space<vmem_shared>> -> memref<100096x16xf32, #tpu.memory_space<vmem_shared>>
        tpu.enqueue_indirect_dma source(%dma_start3A_494 : memref<128x16xf32, #tpu.memory_space<vmem>>) target(%dma_start3A_500 : memref<100096x16xf32, #tpu.memory_space<vmem_shared>>) offsets(%dma_start3A_497 : memref<128xi32, #tpu.memory_space<vmem>>) semaphore(%run_scoped3A_490 : memref<!tpu.dma_semaphore, #tpu.memory_space<semaphore_mem>>) {add = true}
        %dma_wait3A_501 = arith.constant 0 : i32
        %dma_wait3A_502 = arith.constant 0 : i32
        %dma_wait3A_503 = tpu.memref_slice %arg7[%run_scoped3A_480, %run_scoped3A_481, %dma_wait3A_501, %dma_wait3A_502] : memref<2x4x128x16xf32, #tpu.memory_space<vmem>> -> memref<1x1x128x16xf32, #tpu.memory_space<vmem>>
        %dma_wait3A_504 = tpu.memref_squeeze %dma_wait3A_503 : memref<1x1x128x16xf32, #tpu.memory_space<vmem>> -> memref<128x16xf32, #tpu.memory_space<vmem>>
        %dma_wait3A_505 = arith.constant 0 : i32
        %dma_wait3A_506 = tpu.memref_slice %arg6[%run_scoped3A_482, %run_scoped3A_483, %dma_wait3A_505] : memref<2x4x128xi32, #tpu.memory_space<vmem>> -> memref<1x1x128xi32, #tpu.memory_space<vmem>>
        %dma_wait3A_507 = tpu.memref_squeeze %dma_wait3A_506 : memref<1x1x128xi32, #tpu.memory_space<vmem>> -> memref<128xi32, #tpu.memory_space<vmem>>
        %dma_wait3A_508 = arith.constant 0 : i32
        %dma_wait3A_509 = arith.constant 0 : i32
        %dma_wait3A_510 = tpu.memref_slice %arg9[%dma_wait3A_508, %dma_wait3A_509] : memref<100096x16xf32, #tpu.memory_space<vmem_shared>> -> memref<100096x16xf32, #tpu.memory_space<vmem_shared>>
        tpu.wait_indirect_dma semaphore(%run_scoped3A_490 : memref<!tpu.dma_semaphore, #tpu.memory_space<semaphore_mem>>) src(%dma_wait3A_504 : memref<128x16xf32, #tpu.memory_space<vmem>>) dst(%dma_wait3A_510 : memref<100096x16xf32, #tpu.memory_space<vmem_shared>>)
        tpu.yield
      }) : () -> ()
      %add3A_484 = arith.constant 1 : i32
      %add3A_485 = arith.addi %add3A_320, %add3A_484 : i32
      %lt3A_486 = arith.cmpi slt, %add3A_485, %mul3A_47 : i32
      %convert_element_type3A_487 = arith.extui %lt3A_486 : i1 to i32
      %cond3A_488 = arith.constant 0 : i32
      %cond3A_489 = arith.cmpi ne, %convert_element_type3A_487, %cond3A_488 : i32
      scf.if %cond3A_489 {
        %add3A_490 = arith.constant 1 : i32
        %add3A_491 = arith.addi %add3A_320, %add3A_490 : i32
        %mul3A_492 = arith.constant 4 : i32
        %mul3A_493 = arith.muli %add3A_491, %mul3A_492 : i32
        %add3A_494 = arith.addi %mul3A_45, %mul3A_493 : i32
        %dma_start3A_495 = arith.constant 0 : i32
        %dma_start3A_496 = arith.constant 0 : i32
        %dma_start3A_497 = arith.constant 0 : i32
        %dma_start3A_498 = arith.constant 0 : i32
        %dma_start3A_499 = tpu.memref_slice %arg5[%dma_start3A_496, %dma_start3A_497, %dma_start3A_498] : memref<2x4x128xi32, #tpu.memory_space<vmem>> -> memref<1x4x128xi32, #tpu.memory_space<vmem>>
        %dma_start3A_500 = tpu.memref_squeeze %dma_start3A_499 : memref<1x4x128xi32, #tpu.memory_space<vmem>> -> memref<4x128xi32, #tpu.memory_space<vmem>>
        %dma_start3A_501 = arith.constant 0 : i32
        %dma_start3A_502 = tpu.memref_slice %arg2[%dma_start3A_495, %add3A_494, %dma_start3A_501] : memref<2x25000x128xi32, #tpu.memory_space<hbm>> -> memref<1x4x128xi32, #tpu.memory_space<hbm>>
        %dma_start3A_503 = tpu.memref_squeeze %dma_start3A_502 : memref<1x4x128xi32, #tpu.memory_space<hbm>> -> memref<4x128xi32, #tpu.memory_space<hbm>>
        %dma_start3A_504 = arith.constant 0 : i32
        %dma_start3A_505 = arith.constant 0 : i32
        %dma_start3A_506 = tpu.memref_slice %arg5[%dma_start3A_496, %dma_start3A_504, %dma_start3A_505] : memref<2x4x128xi32, #tpu.memory_space<vmem>> -> memref<1x4x128xi32, #tpu.memory_space<vmem>>
        %dma_start3A_507 = tpu.memref_squeeze %dma_start3A_506 : memref<1x4x128xi32, #tpu.memory_space<vmem>> -> memref<4x128xi32, #tpu.memory_space<vmem>>
        %dma_start3A_508 = arith.constant 0 : i32
        %dma_start3A_509 = tpu.memref_slice %arg2[%dma_start3A_495, %add3A_494, %dma_start3A_508] : memref<2x25000x128xi32, #tpu.memory_space<hbm>> -> memref<1x4x128xi32, #tpu.memory_space<hbm>>
        %dma_start3A_510 = tpu.memref_squeeze %dma_start3A_509 : memref<1x4x128xi32, #tpu.memory_space<hbm>> -> memref<4x128xi32, #tpu.memory_space<hbm>>
        tpu.enqueue_dma source(%dma_start3A_510 : memref<4x128xi32, #tpu.memory_space<hbm>>) target(%dma_start3A_507 : memref<4x128xi32, #tpu.memory_space<vmem>>) target_semaphore(%arg10 : memref<!tpu.dma_semaphore, #tpu.memory_space<semaphore_mem>>)
        %dma_start3A_511 = arith.constant 1 : i32
        %dma_start3A_512 = arith.constant 0 : i32
        %dma_start3A_513 = arith.constant 0 : i32
        %dma_start3A_514 = arith.constant 0 : i32
        %dma_start3A_515 = tpu.memref_slice %arg6[%dma_start3A_512, %dma_start3A_513, %dma_start3A_514] : memref<2x4x128xi32, #tpu.memory_space<vmem>> -> memref<1x4x128xi32, #tpu.memory_space<vmem>>
        %dma_start3A_516 = tpu.memref_squeeze %dma_start3A_515 : memref<1x4x128xi32, #tpu.memory_space<vmem>> -> memref<4x128xi32, #tpu.memory_space<vmem>>
        %dma_start3A_517 = arith.constant 0 : i32
        %dma_start3A_518 = tpu.memref_slice %arg2[%dma_start3A_511, %add3A_494, %dma_start3A_517] : memref<2x25000x128xi32, #tpu.memory_space<hbm>> -> memref<1x4x128xi32, #tpu.memory_space<hbm>>
        %dma_start3A_519 = tpu.memref_squeeze %dma_start3A_518 : memref<1x4x128xi32, #tpu.memory_space<hbm>> -> memref<4x128xi32, #tpu.memory_space<hbm>>
        %dma_start3A_520 = arith.constant 0 : i32
        %dma_start3A_521 = arith.constant 0 : i32
        %dma_start3A_522 = tpu.memref_slice %arg6[%dma_start3A_512, %dma_start3A_520, %dma_start3A_521] : memref<2x4x128xi32, #tpu.memory_space<vmem>> -> memref<1x4x128xi32, #tpu.memory_space<vmem>>
        %dma_start3A_523 = tpu.memref_squeeze %dma_start3A_522 : memref<1x4x128xi32, #tpu.memory_space<vmem>> -> memref<4x128xi32, #tpu.memory_space<vmem>>
        %dma_start3A_524 = arith.constant 0 : i32
        %dma_start3A_525 = tpu.memref_slice %arg2[%dma_start3A_511, %add3A_494, %dma_start3A_524] : memref<2x25000x128xi32, #tpu.memory_space<hbm>> -> memref<1x4x128xi32, #tpu.memory_space<hbm>>
        %dma_start3A_526 = tpu.memref_squeeze %dma_start3A_525 : memref<1x4x128xi32, #tpu.memory_space<hbm>> -> memref<4x128xi32, #tpu.memory_space<hbm>>
        tpu.enqueue_dma source(%dma_start3A_526 : memref<4x128xi32, #tpu.memory_space<hbm>>) target(%dma_start3A_523 : memref<4x128xi32, #tpu.memory_space<vmem>>) target_semaphore(%arg10 : memref<!tpu.dma_semaphore, #tpu.memory_space<semaphore_mem>>)
      } else {
      }
    }
    %dma_wait3A = arith.constant 1 : i32
    %dma_wait3A_107 = arith.constant 0 : i32
    %dma_wait3A_108 = arith.constant 1 : i32
    %dma_wait3A_109 = arith.constant 0 : i32
    %dma_wait3A_110 = arith.constant 0 : i32
    %dma_wait3A_111 = arith.constant 0 : i32
    %dma_wait3A_112 = tpu.memref_slice %arg7[%dma_wait3A_108, %dma_wait3A_109, %dma_wait3A_110, %dma_wait3A_111] : memref<2x4x128x16xf32, #tpu.memory_space<vmem>> -> memref<1x1x128x16xf32, #tpu.memory_space<vmem>>
    %dma_wait3A_113 = tpu.memref_squeeze %dma_wait3A_112 : memref<1x1x128x16xf32, #tpu.memory_space<vmem>> -> memref<128x16xf32, #tpu.memory_space<vmem>>
    %dma_wait3A_114 = arith.constant 0 : i32
    %dma_wait3A_115 = tpu.memref_slice %arg5[%dma_wait3A, %dma_wait3A_107, %dma_wait3A_114] : memref<2x4x128xi32, #tpu.memory_space<vmem>> -> memref<1x1x128xi32, #tpu.memory_space<vmem>>
    %dma_wait3A_116 = tpu.memref_squeeze %dma_wait3A_115 : memref<1x1x128xi32, #tpu.memory_space<vmem>> -> memref<128xi32, #tpu.memory_space<vmem>>
    %dma_wait3A_117 = arith.constant 0 : i32
    %dma_wait3A_118 = arith.constant 0 : i32
    %dma_wait3A_119 = tpu.memref_slice %arg3[%dma_wait3A_117, %dma_wait3A_118] : memref<100096x16xf32, #tpu.memory_space<hbm>> -> memref<100096x16xf32, #tpu.memory_space<hbm>>
    tpu.wait_indirect_dma semaphore(%arg13 : memref<!tpu.dma_semaphore, #tpu.memory_space<semaphore_mem>>) src(%dma_wait3A_119 : memref<100096x16xf32, #tpu.memory_space<hbm>>) dst(%dma_wait3A_113 : memref<128x16xf32, #tpu.memory_space<vmem>>)
    %dma_wait3A_120 = arith.constant 1 : i32
    %dma_wait3A_121 = arith.constant 1 : i32
    %dma_wait3A_122 = arith.constant 1 : i32
    %dma_wait3A_123 = arith.constant 1 : i32
    %dma_wait3A_124 = arith.constant 0 : i32
    %dma_wait3A_125 = arith.constant 0 : i32
    %dma_wait3A_126 = tpu.memref_slice %arg7[%dma_wait3A_122, %dma_wait3A_123, %dma_wait3A_124, %dma_wait3A_125] : memref<2x4x128x16xf32, #tpu.memory_space<vmem>> -> memref<1x1x128x16xf32, #tpu.memory_space<vmem>>
    %dma_wait3A_127 = tpu.memref_squeeze %dma_wait3A_126 : memref<1x1x128x16xf32, #tpu.memory_space<vmem>> -> memref<128x16xf32, #tpu.memory_space<vmem>>
    %dma_wait3A_128 = arith.constant 0 : i32
    %dma_wait3A_129 = tpu.memref_slice %arg5[%dma_wait3A_120, %dma_wait3A_121, %dma_wait3A_128] : memref<2x4x128xi32, #tpu.memory_space<vmem>> -> memref<1x1x128xi32, #tpu.memory_space<vmem>>
    %dma_wait3A_130 = tpu.memref_squeeze %dma_wait3A_129 : memref<1x1x128xi32, #tpu.memory_space<vmem>> -> memref<128xi32, #tpu.memory_space<vmem>>
    %dma_wait3A_131 = arith.constant 0 : i32
    %dma_wait3A_132 = arith.constant 0 : i32
    %dma_wait3A_133 = tpu.memref_slice %arg3[%dma_wait3A_131, %dma_wait3A_132] : memref<100096x16xf32, #tpu.memory_space<hbm>> -> memref<100096x16xf32, #tpu.memory_space<hbm>>
    tpu.wait_indirect_dma semaphore(%arg13 : memref<!tpu.dma_semaphore, #tpu.memory_space<semaphore_mem>>) src(%dma_wait3A_133 : memref<100096x16xf32, #tpu.memory_space<hbm>>) dst(%dma_wait3A_127 : memref<128x16xf32, #tpu.memory_space<vmem>>)
    %dma_wait3A_134 = arith.constant 1 : i32
    %dma_wait3A_135 = arith.constant 2 : i32
    %dma_wait3A_136 = arith.constant 1 : i32
    %dma_wait3A_137 = arith.constant 2 : i32
    %dma_wait3A_138 = arith.constant 0 : i32
    %dma_wait3A_139 = arith.constant 0 : i32
    %dma_wait3A_140 = tpu.memref_slice %arg7[%dma_wait3A_136, %dma_wait3A_137, %dma_wait3A_138, %dma_wait3A_139] : memref<2x4x128x16xf32, #tpu.memory_space<vmem>> -> memref<1x1x128x16xf32, #tpu.memory_space<vmem>>
    %dma_wait3A_141 = tpu.memref_squeeze %dma_wait3A_140 : memref<1x1x128x16xf32, #tpu.memory_space<vmem>> -> memref<128x16xf32, #tpu.memory_space<vmem>>
    %dma_wait3A_142 = arith.constant 0 : i32
    %dma_wait3A_143 = tpu.memref_slice %arg5[%dma_wait3A_134, %dma_wait3A_135, %dma_wait3A_142] : memref<2x4x128xi32, #tpu.memory_space<vmem>> -> memref<1x1x128xi32, #tpu.memory_space<vmem>>
    %dma_wait3A_144 = tpu.memref_squeeze %dma_wait3A_143 : memref<1x1x128xi32, #tpu.memory_space<vmem>> -> memref<128xi32, #tpu.memory_space<vmem>>
    %dma_wait3A_145 = arith.constant 0 : i32
    %dma_wait3A_146 = arith.constant 0 : i32
    %dma_wait3A_147 = tpu.memref_slice %arg3[%dma_wait3A_145, %dma_wait3A_146] : memref<100096x16xf32, #tpu.memory_space<hbm>> -> memref<100096x16xf32, #tpu.memory_space<hbm>>
    tpu.wait_indirect_dma semaphore(%arg13 : memref<!tpu.dma_semaphore, #tpu.memory_space<semaphore_mem>>) src(%dma_wait3A_147 : memref<100096x16xf32, #tpu.memory_space<hbm>>) dst(%dma_wait3A_141 : memref<128x16xf32, #tpu.memory_space<vmem>>)
    %dma_wait3A_148 = arith.constant 1 : i32
    %dma_wait3A_149 = arith.constant 3 : i32
    %dma_wait3A_150 = arith.constant 1 : i32
    %dma_wait3A_151 = arith.constant 3 : i32
    %dma_wait3A_152 = arith.constant 0 : i32
    %dma_wait3A_153 = arith.constant 0 : i32
    %dma_wait3A_154 = tpu.memref_slice %arg7[%dma_wait3A_150, %dma_wait3A_151, %dma_wait3A_152, %dma_wait3A_153] : memref<2x4x128x16xf32, #tpu.memory_space<vmem>> -> memref<1x1x128x16xf32, #tpu.memory_space<vmem>>
    %dma_wait3A_155 = tpu.memref_squeeze %dma_wait3A_154 : memref<1x1x128x16xf32, #tpu.memory_space<vmem>> -> memref<128x16xf32, #tpu.memory_space<vmem>>
    %dma_wait3A_156 = arith.constant 0 : i32
    %dma_wait3A_157 = tpu.memref_slice %arg5[%dma_wait3A_148, %dma_wait3A_149, %dma_wait3A_156] : memref<2x4x128xi32, #tpu.memory_space<vmem>> -> memref<1x1x128xi32, #tpu.memory_space<vmem>>
    %dma_wait3A_158 = tpu.memref_squeeze %dma_wait3A_157 : memref<1x1x128xi32, #tpu.memory_space<vmem>> -> memref<128xi32, #tpu.memory_space<vmem>>
    %dma_wait3A_159 = arith.constant 0 : i32
    %dma_wait3A_160 = arith.constant 0 : i32
    %dma_wait3A_161 = tpu.memref_slice %arg3[%dma_wait3A_159, %dma_wait3A_160] : memref<100096x16xf32, #tpu.memory_space<hbm>> -> memref<100096x16xf32, #tpu.memory_space<hbm>>
    tpu.wait_indirect_dma semaphore(%arg13 : memref<!tpu.dma_semaphore, #tpu.memory_space<semaphore_mem>>) src(%dma_wait3A_161 : memref<100096x16xf32, #tpu.memory_space<hbm>>) dst(%dma_wait3A_155 : memref<128x16xf32, #tpu.memory_space<vmem>>)
    %run_scoped3A = arith.constant 1 : i32
    %run_scoped3A_162 = arith.constant 0 : i32
    %run_scoped3A_163 = arith.constant 1 : i32
    %run_scoped3A_164 = arith.constant 0 : i32
    "tpu.region"() ({
      %run_scoped3A_181 = tpu.sem_alloc : memref<!tpu.dma_semaphore, #tpu.memory_space<semaphore_mem>>
      %dma_start3A_182 = arith.constant 0 : i32
      %dma_start3A_183 = arith.constant 0 : i32
      %dma_start3A_184 = tpu.memref_slice %arg7[%run_scoped3A, %run_scoped3A_162, %dma_start3A_182, %dma_start3A_183] : memref<2x4x128x16xf32, #tpu.memory_space<vmem>> -> memref<1x1x128x16xf32, #tpu.memory_space<vmem>>
      %dma_start3A_185 = tpu.memref_squeeze %dma_start3A_184 : memref<1x1x128x16xf32, #tpu.memory_space<vmem>> -> memref<128x16xf32, #tpu.memory_space<vmem>>
      %dma_start3A_186 = arith.constant 0 : i32
      %dma_start3A_187 = tpu.memref_slice %arg6[%run_scoped3A_163, %run_scoped3A_164, %dma_start3A_186] : memref<2x4x128xi32, #tpu.memory_space<vmem>> -> memref<1x1x128xi32, #tpu.memory_space<vmem>>
      %dma_start3A_188 = tpu.memref_squeeze %dma_start3A_187 : memref<1x1x128xi32, #tpu.memory_space<vmem>> -> memref<128xi32, #tpu.memory_space<vmem>>
      %dma_start3A_189 = arith.constant 0 : i32
      %dma_start3A_190 = arith.constant 0 : i32
      %dma_start3A_191 = tpu.memref_slice %arg9[%dma_start3A_189, %dma_start3A_190] : memref<100096x16xf32, #tpu.memory_space<vmem_shared>> -> memref<100096x16xf32, #tpu.memory_space<vmem_shared>>
      tpu.enqueue_indirect_dma source(%dma_start3A_185 : memref<128x16xf32, #tpu.memory_space<vmem>>) target(%dma_start3A_191 : memref<100096x16xf32, #tpu.memory_space<vmem_shared>>) offsets(%dma_start3A_188 : memref<128xi32, #tpu.memory_space<vmem>>) semaphore(%run_scoped3A_181 : memref<!tpu.dma_semaphore, #tpu.memory_space<semaphore_mem>>) {add = true}
      %dma_wait3A_192 = arith.constant 0 : i32
      %dma_wait3A_193 = arith.constant 0 : i32
      %dma_wait3A_194 = tpu.memref_slice %arg7[%run_scoped3A, %run_scoped3A_162, %dma_wait3A_192, %dma_wait3A_193] : memref<2x4x128x16xf32, #tpu.memory_space<vmem>> -> memref<1x1x128x16xf32, #tpu.memory_space<vmem>>
      %dma_wait3A_195 = tpu.memref_squeeze %dma_wait3A_194 : memref<1x1x128x16xf32, #tpu.memory_space<vmem>> -> memref<128x16xf32, #tpu.memory_space<vmem>>
      %dma_wait3A_196 = arith.constant 0 : i32
      %dma_wait3A_197 = tpu.memref_slice %arg6[%run_scoped3A_163, %run_scoped3A_164, %dma_wait3A_196] : memref<2x4x128xi32, #tpu.memory_space<vmem>> -> memref<1x1x128xi32, #tpu.memory_space<vmem>>
      %dma_wait3A_198 = tpu.memref_squeeze %dma_wait3A_197 : memref<1x1x128xi32, #tpu.memory_space<vmem>> -> memref<128xi32, #tpu.memory_space<vmem>>
      %dma_wait3A_199 = arith.constant 0 : i32
      %dma_wait3A_200 = arith.constant 0 : i32
      %dma_wait3A_201 = tpu.memref_slice %arg9[%dma_wait3A_199, %dma_wait3A_200] : memref<100096x16xf32, #tpu.memory_space<vmem_shared>> -> memref<100096x16xf32, #tpu.memory_space<vmem_shared>>
      tpu.wait_indirect_dma semaphore(%run_scoped3A_181 : memref<!tpu.dma_semaphore, #tpu.memory_space<semaphore_mem>>) src(%dma_wait3A_195 : memref<128x16xf32, #tpu.memory_space<vmem>>) dst(%dma_wait3A_201 : memref<100096x16xf32, #tpu.memory_space<vmem_shared>>)
      tpu.yield
    }) : () -> ()
    %run_scoped3A_165 = arith.constant 1 : i32
    %run_scoped3A_166 = arith.constant 1 : i32
    %run_scoped3A_167 = arith.constant 1 : i32
    %run_scoped3A_168 = arith.constant 1 : i32
    "tpu.region"() ({
      %run_scoped3A_181 = tpu.sem_alloc : memref<!tpu.dma_semaphore, #tpu.memory_space<semaphore_mem>>
      %dma_start3A_182 = arith.constant 0 : i32
      %dma_start3A_183 = arith.constant 0 : i32
      %dma_start3A_184 = tpu.memref_slice %arg7[%run_scoped3A_165, %run_scoped3A_166, %dma_start3A_182, %dma_start3A_183] : memref<2x4x128x16xf32, #tpu.memory_space<vmem>> -> memref<1x1x128x16xf32, #tpu.memory_space<vmem>>
      %dma_start3A_185 = tpu.memref_squeeze %dma_start3A_184 : memref<1x1x128x16xf32, #tpu.memory_space<vmem>> -> memref<128x16xf32, #tpu.memory_space<vmem>>
      %dma_start3A_186 = arith.constant 0 : i32
      %dma_start3A_187 = tpu.memref_slice %arg6[%run_scoped3A_167, %run_scoped3A_168, %dma_start3A_186] : memref<2x4x128xi32, #tpu.memory_space<vmem>> -> memref<1x1x128xi32, #tpu.memory_space<vmem>>
      %dma_start3A_188 = tpu.memref_squeeze %dma_start3A_187 : memref<1x1x128xi32, #tpu.memory_space<vmem>> -> memref<128xi32, #tpu.memory_space<vmem>>
      %dma_start3A_189 = arith.constant 0 : i32
      %dma_start3A_190 = arith.constant 0 : i32
      %dma_start3A_191 = tpu.memref_slice %arg9[%dma_start3A_189, %dma_start3A_190] : memref<100096x16xf32, #tpu.memory_space<vmem_shared>> -> memref<100096x16xf32, #tpu.memory_space<vmem_shared>>
      tpu.enqueue_indirect_dma source(%dma_start3A_185 : memref<128x16xf32, #tpu.memory_space<vmem>>) target(%dma_start3A_191 : memref<100096x16xf32, #tpu.memory_space<vmem_shared>>) offsets(%dma_start3A_188 : memref<128xi32, #tpu.memory_space<vmem>>) semaphore(%run_scoped3A_181 : memref<!tpu.dma_semaphore, #tpu.memory_space<semaphore_mem>>) {add = true}
      %dma_wait3A_192 = arith.constant 0 : i32
      %dma_wait3A_193 = arith.constant 0 : i32
      %dma_wait3A_194 = tpu.memref_slice %arg7[%run_scoped3A_165, %run_scoped3A_166, %dma_wait3A_192, %dma_wait3A_193] : memref<2x4x128x16xf32, #tpu.memory_space<vmem>> -> memref<1x1x128x16xf32, #tpu.memory_space<vmem>>
      %dma_wait3A_195 = tpu.memref_squeeze %dma_wait3A_194 : memref<1x1x128x16xf32, #tpu.memory_space<vmem>> -> memref<128x16xf32, #tpu.memory_space<vmem>>
      %dma_wait3A_196 = arith.constant 0 : i32
      %dma_wait3A_197 = tpu.memref_slice %arg6[%run_scoped3A_167, %run_scoped3A_168, %dma_wait3A_196] : memref<2x4x128xi32, #tpu.memory_space<vmem>> -> memref<1x1x128xi32, #tpu.memory_space<vmem>>
      %dma_wait3A_198 = tpu.memref_squeeze %dma_wait3A_197 : memref<1x1x128xi32, #tpu.memory_space<vmem>> -> memref<128xi32, #tpu.memory_space<vmem>>
      %dma_wait3A_199 = arith.constant 0 : i32
      %dma_wait3A_200 = arith.constant 0 : i32
      %dma_wait3A_201 = tpu.memref_slice %arg9[%dma_wait3A_199, %dma_wait3A_200] : memref<100096x16xf32, #tpu.memory_space<vmem_shared>> -> memref<100096x16xf32, #tpu.memory_space<vmem_shared>>
      tpu.wait_indirect_dma semaphore(%run_scoped3A_181 : memref<!tpu.dma_semaphore, #tpu.memory_space<semaphore_mem>>) src(%dma_wait3A_195 : memref<128x16xf32, #tpu.memory_space<vmem>>) dst(%dma_wait3A_201 : memref<100096x16xf32, #tpu.memory_space<vmem_shared>>)
      tpu.yield
    }) : () -> ()
    %run_scoped3A_169 = arith.constant 1 : i32
    %run_scoped3A_170 = arith.constant 2 : i32
    %run_scoped3A_171 = arith.constant 1 : i32
    %run_scoped3A_172 = arith.constant 2 : i32
    "tpu.region"() ({
      %run_scoped3A_181 = tpu.sem_alloc : memref<!tpu.dma_semaphore, #tpu.memory_space<semaphore_mem>>
      %dma_start3A_182 = arith.constant 0 : i32
      %dma_start3A_183 = arith.constant 0 : i32
      %dma_start3A_184 = tpu.memref_slice %arg7[%run_scoped3A_169, %run_scoped3A_170, %dma_start3A_182, %dma_start3A_183] : memref<2x4x128x16xf32, #tpu.memory_space<vmem>> -> memref<1x1x128x16xf32, #tpu.memory_space<vmem>>
      %dma_start3A_185 = tpu.memref_squeeze %dma_start3A_184 : memref<1x1x128x16xf32, #tpu.memory_space<vmem>> -> memref<128x16xf32, #tpu.memory_space<vmem>>
      %dma_start3A_186 = arith.constant 0 : i32
      %dma_start3A_187 = tpu.memref_slice %arg6[%run_scoped3A_171, %run_scoped3A_172, %dma_start3A_186] : memref<2x4x128xi32, #tpu.memory_space<vmem>> -> memref<1x1x128xi32, #tpu.memory_space<vmem>>
      %dma_start3A_188 = tpu.memref_squeeze %dma_start3A_187 : memref<1x1x128xi32, #tpu.memory_space<vmem>> -> memref<128xi32, #tpu.memory_space<vmem>>
      %dma_start3A_189 = arith.constant 0 : i32
      %dma_start3A_190 = arith.constant 0 : i32
      %dma_start3A_191 = tpu.memref_slice %arg9[%dma_start3A_189, %dma_start3A_190] : memref<100096x16xf32, #tpu.memory_space<vmem_shared>> -> memref<100096x16xf32, #tpu.memory_space<vmem_shared>>
      tpu.enqueue_indirect_dma source(%dma_start3A_185 : memref<128x16xf32, #tpu.memory_space<vmem>>) target(%dma_start3A_191 : memref<100096x16xf32, #tpu.memory_space<vmem_shared>>) offsets(%dma_start3A_188 : memref<128xi32, #tpu.memory_space<vmem>>) semaphore(%run_scoped3A_181 : memref<!tpu.dma_semaphore, #tpu.memory_space<semaphore_mem>>) {add = true}
      %dma_wait3A_192 = arith.constant 0 : i32
      %dma_wait3A_193 = arith.constant 0 : i32
      %dma_wait3A_194 = tpu.memref_slice %arg7[%run_scoped3A_169, %run_scoped3A_170, %dma_wait3A_192, %dma_wait3A_193] : memref<2x4x128x16xf32, #tpu.memory_space<vmem>> -> memref<1x1x128x16xf32, #tpu.memory_space<vmem>>
      %dma_wait3A_195 = tpu.memref_squeeze %dma_wait3A_194 : memref<1x1x128x16xf32, #tpu.memory_space<vmem>> -> memref<128x16xf32, #tpu.memory_space<vmem>>
      %dma_wait3A_196 = arith.constant 0 : i32
      %dma_wait3A_197 = tpu.memref_slice %arg6[%run_scoped3A_171, %run_scoped3A_172, %dma_wait3A_196] : memref<2x4x128xi32, #tpu.memory_space<vmem>> -> memref<1x1x128xi32, #tpu.memory_space<vmem>>
      %dma_wait3A_198 = tpu.memref_squeeze %dma_wait3A_197 : memref<1x1x128xi32, #tpu.memory_space<vmem>> -> memref<128xi32, #tpu.memory_space<vmem>>
      %dma_wait3A_199 = arith.constant 0 : i32
      %dma_wait3A_200 = arith.constant 0 : i32
      %dma_wait3A_201 = tpu.memref_slice %arg9[%dma_wait3A_199, %dma_wait3A_200] : memref<100096x16xf32, #tpu.memory_space<vmem_shared>> -> memref<100096x16xf32, #tpu.memory_space<vmem_shared>>
      tpu.wait_indirect_dma semaphore(%run_scoped3A_181 : memref<!tpu.dma_semaphore, #tpu.memory_space<semaphore_mem>>) src(%dma_wait3A_195 : memref<128x16xf32, #tpu.memory_space<vmem>>) dst(%dma_wait3A_201 : memref<100096x16xf32, #tpu.memory_space<vmem_shared>>)
      tpu.yield
    }) : () -> ()
    %run_scoped3A_173 = arith.constant 1 : i32
    %run_scoped3A_174 = arith.constant 3 : i32
    %run_scoped3A_175 = arith.constant 1 : i32
    %run_scoped3A_176 = arith.constant 3 : i32
    "tpu.region"() ({
      %run_scoped3A_181 = tpu.sem_alloc : memref<!tpu.dma_semaphore, #tpu.memory_space<semaphore_mem>>
      %dma_start3A_182 = arith.constant 0 : i32
      %dma_start3A_183 = arith.constant 0 : i32
      %dma_start3A_184 = tpu.memref_slice %arg7[%run_scoped3A_173, %run_scoped3A_174, %dma_start3A_182, %dma_start3A_183] : memref<2x4x128x16xf32, #tpu.memory_space<vmem>> -> memref<1x1x128x16xf32, #tpu.memory_space<vmem>>
      %dma_start3A_185 = tpu.memref_squeeze %dma_start3A_184 : memref<1x1x128x16xf32, #tpu.memory_space<vmem>> -> memref<128x16xf32, #tpu.memory_space<vmem>>
      %dma_start3A_186 = arith.constant 0 : i32
      %dma_start3A_187 = tpu.memref_slice %arg6[%run_scoped3A_175, %run_scoped3A_176, %dma_start3A_186] : memref<2x4x128xi32, #tpu.memory_space<vmem>> -> memref<1x1x128xi32, #tpu.memory_space<vmem>>
      %dma_start3A_188 = tpu.memref_squeeze %dma_start3A_187 : memref<1x1x128xi32, #tpu.memory_space<vmem>> -> memref<128xi32, #tpu.memory_space<vmem>>
      %dma_start3A_189 = arith.constant 0 : i32
      %dma_start3A_190 = arith.constant 0 : i32
      %dma_start3A_191 = tpu.memref_slice %arg9[%dma_start3A_189, %dma_start3A_190] : memref<100096x16xf32, #tpu.memory_space<vmem_shared>> -> memref<100096x16xf32, #tpu.memory_space<vmem_shared>>
      tpu.enqueue_indirect_dma source(%dma_start3A_185 : memref<128x16xf32, #tpu.memory_space<vmem>>) target(%dma_start3A_191 : memref<100096x16xf32, #tpu.memory_space<vmem_shared>>) offsets(%dma_start3A_188 : memref<128xi32, #tpu.memory_space<vmem>>) semaphore(%run_scoped3A_181 : memref<!tpu.dma_semaphore, #tpu.memory_space<semaphore_mem>>) {add = true}
      %dma_wait3A_192 = arith.constant 0 : i32
      %dma_wait3A_193 = arith.constant 0 : i32
      %dma_wait3A_194 = tpu.memref_slice %arg7[%run_scoped3A_173, %run_scoped3A_174, %dma_wait3A_192, %dma_wait3A_193] : memref<2x4x128x16xf32, #tpu.memory_space<vmem>> -> memref<1x1x128x16xf32, #tpu.memory_space<vmem>>
      %dma_wait3A_195 = tpu.memref_squeeze %dma_wait3A_194 : memref<1x1x128x16xf32, #tpu.memory_space<vmem>> -> memref<128x16xf32, #tpu.memory_space<vmem>>
      %dma_wait3A_196 = arith.constant 0 : i32
      %dma_wait3A_197 = tpu.memref_slice %arg6[%run_scoped3A_175, %run_scoped3A_176, %dma_wait3A_196] : memref<2x4x128xi32, #tpu.memory_space<vmem>> -> memref<1x1x128xi32, #tpu.memory_space<vmem>>
      %dma_wait3A_198 = tpu.memref_squeeze %dma_wait3A_197 : memref<1x1x128xi32, #tpu.memory_space<vmem>> -> memref<128xi32, #tpu.memory_space<vmem>>
      %dma_wait3A_199 = arith.constant 0 : i32
      %dma_wait3A_200 = arith.constant 0 : i32
      %dma_wait3A_201 = tpu.memref_slice %arg9[%dma_wait3A_199, %dma_wait3A_200] : memref<100096x16xf32, #tpu.memory_space<vmem_shared>> -> memref<100096x16xf32, #tpu.memory_space<vmem_shared>>
      tpu.wait_indirect_dma semaphore(%run_scoped3A_181 : memref<!tpu.dma_semaphore, #tpu.memory_space<semaphore_mem>>) src(%dma_wait3A_195 : memref<128x16xf32, #tpu.memory_space<vmem>>) dst(%dma_wait3A_201 : memref<100096x16xf32, #tpu.memory_space<vmem_shared>>)
      tpu.yield
    }) : () -> ()
    %barrier3A_177 = arith.constant 0 : index
    tpu.barrier barrier_id(%barrier3A_177)
    %mul3A_178 = arith.constant 100096 : i32
    %mul3A_179 = arith.muli %arg0, %mul3A_178 : i32
    %add3A_180 = arith.addi %mul3A_179, %mul3A_5 : i32
    "tpu.region"() ({
      %run_scoped3A_181 = tpu.sem_alloc : memref<!tpu.dma_semaphore, #tpu.memory_space<semaphore_mem>>
      %dma_start3A_182 = arith.constant 0 : i32
      %dma_start3A_183 = tpu.memref_slice %arg4[%add3A_180, %dma_start3A_182] : memref<200192x16xf32, #tpu.memory_space<hbm>> -> memref<6256x16xf32, #tpu.memory_space<hbm>>
      %dma_start3A_184 = arith.constant 0 : i32
      %dma_start3A_185 = tpu.memref_slice %arg9[%mul3A_5, %dma_start3A_184] : memref<100096x16xf32, #tpu.memory_space<vmem_shared>> -> memref<6256x16xf32, #tpu.memory_space<vmem_shared>>
      tpu.enqueue_dma source(%dma_start3A_185 : memref<6256x16xf32, #tpu.memory_space<vmem_shared>>) target(%dma_start3A_183 : memref<6256x16xf32, #tpu.memory_space<hbm>>) target_semaphore(%run_scoped3A_181 : memref<!tpu.dma_semaphore, #tpu.memory_space<semaphore_mem>>)
      %dma_wait3A_186 = arith.constant 0 : i32
      %dma_wait3A_187 = tpu.memref_slice %arg4[%add3A_180, %dma_wait3A_186] : memref<200192x16xf32, #tpu.memory_space<hbm>> -> memref<6256x16xf32, #tpu.memory_space<hbm>>
      %dma_wait3A_188 = arith.constant 0 : i32
      %dma_wait3A_189 = tpu.memref_slice %arg9[%mul3A_5, %dma_wait3A_188] : memref<100096x16xf32, #tpu.memory_space<vmem_shared>> -> memref<6256x16xf32, #tpu.memory_space<vmem_shared>>
      tpu.wait_dma2 semaphore(%run_scoped3A_181 : memref<!tpu.dma_semaphore, #tpu.memory_space<semaphore_mem>>) src(%dma_wait3A_189 : memref<6256x16xf32, #tpu.memory_space<vmem_shared>>) dst(%dma_wait3A_187 : memref<6256x16xf32, #tpu.memory_space<hbm>>)
      tpu.yield
    }) : () -> ()
    return
  }
}

#map = affine_map<(d0, d1) -> (0, 0, 0)>
#map1 = affine_map<(d0, d1) -> (0, 0)>
module attributes {stable_mosaic.version = 14 : i64} {
  func.func @_sc_pass_kernel(%arg0: i32, %arg1: i32, %arg2: memref<2x25000x128xi32, #tpu.memory_space<hbm>>, %arg3: memref<100096x16xf32, #tpu.memory_space<hbm>>, %arg4: memref<200192x16xf32, #tpu.memory_space<hbm>>, %arg5: memref<2x4x128xi32, #tpu.memory_space<vmem>>, %arg6: memref<2x4x128xi32, #tpu.memory_space<vmem>>, %arg7: memref<2x4x128x16xf32, #tpu.memory_space<vmem>>, %arg8: memref<782x16xf32, #tpu.memory_space<vmem>>, %arg9: memref<100096x16xf32, #tpu.memory_space<vmem_shared>>, %arg10: memref<!tpu.dma_semaphore, #tpu.memory_space<semaphore_mem>>, %arg11: memref<!tpu.dma_semaphore, #tpu.memory_space<semaphore_mem>>, %arg12: memref<!tpu.dma_semaphore, #tpu.memory_space<semaphore_mem>>, %arg13: memref<!tpu.dma_semaphore, #tpu.memory_space<semaphore_mem>>) attributes {dimension_semantics = [#tpu.dimension_semantics<core_parallel>, #tpu.dimension_semantics<subcore_parallel>], iteration_bounds = array<i64: 2, 16>, scalar_prefetch = 0 : i64, scratch_operands = 9 : i64, tpu.core_type = #tpu.core_type<sc_vector_subcore>, window_params = [{transform_indices = #map}, {transform_indices = #map1}, {transform_indices = #map1}]} {
    %scan3A = arith.constant 0 : i32
    %scan3A_0 = arith.constant 0 : i32
    %scan3A_1 = arith.constant 782 : i32
    %scan3A_2 = arith.addi %scan3A_0, %scan3A_1 : i32
    %scan3A_3 = arith.constant 1 : i32
    scf.for %scan3A_181 = %scan3A_0 to %scan3A_2 step %scan3A_3  : i32 {
      %broadcast_in_dim3A = arith.constant 0.000000e+00 : f32
      %broadcast_in_dim3A_182 = vector.broadcast %broadcast_in_dim3A : f32 to vector<16xf32>
      %swap3A = arith.index_cast %scan3A_181 : i32 to index
      %swap3A_183 = arith.constant 0 : index
      %swap3A_184 = tpu.vector_load %arg8[%swap3A, %swap3A_183] {strides = array<i32>} : memref<782x16xf32, #tpu.memory_space<vmem>>, vector<1x16xf32>,
      %swap3A_185 = vector.shape_cast %swap3A_184 : vector<1x16xf32> to vector<16xf32>
      %swap3A_186 = vector.shape_cast %broadcast_in_dim3A_182 : vector<16xf32> to vector<1x16xf32>
      tpu.vector_store %arg8[%swap3A, %swap3A_183], %swap3A_186 {strides = array<i32>} : memref<782x16xf32, #tpu.memory_space<vmem>>, vector<1x16xf32>,
    }
    %scan3A_4 = arith.constant 782 : i32
    %mul3A = arith.constant 6256 : i32
    %mul3A_5 = arith.muli %arg1, %mul3A : i32
    %add3A = arith.constant 0 : i32
    %add3A_6 = arith.addi %mul3A_5, %add3A : i32
    "tpu.region"() ({
      %run_scoped3A_181 = tpu.sem_alloc : memref<!tpu.dma_semaphore, #tpu.memory_space<semaphore_mem>>
      %dma_start3A_182 = arith.constant 0 : i32
      %dma_start3A_183 = tpu.memref_slice %arg9[%add3A_6, %dma_start3A_182] : memref<100096x16xf32, #tpu.memory_space<vmem_shared>> -> memref<782x16xf32, #tpu.memory_space<vmem_shared>>
      %dma_start3A_184 = arith.constant 0 : i32
      %dma_start3A_185 = tpu.memref_slice %arg9[%add3A_6, %dma_start3A_184] : memref<100096x16xf32, #tpu.memory_space<vmem_shared>> -> memref<782x16xf32, #tpu.memory_space<vmem_shared>>
      tpu.enqueue_dma source(%arg8 : memref<782x16xf32, #tpu.memory_space<vmem>>) target(%dma_start3A_185 : memref<782x16xf32, #tpu.memory_space<vmem_shared>>) target_semaphore(%run_scoped3A_181 : memref<!tpu.dma_semaphore, #tpu.memory_space<semaphore_mem>>)
      %dma_wait3A_186 = arith.constant 0 : i32
      %dma_wait3A_187 = tpu.memref_slice %arg9[%add3A_6, %dma_wait3A_186] : memref<100096x16xf32, #tpu.memory_space<vmem_shared>> -> memref<782x16xf32, #tpu.memory_space<vmem_shared>>
      %dma_wait3A_188 = arith.constant 0 : i32
      %dma_wait3A_189 = tpu.memref_slice %arg9[%add3A_6, %dma_wait3A_188] : memref<100096x16xf32, #tpu.memory_space<vmem_shared>> -> memref<782x16xf32, #tpu.memory_space<vmem_shared>>
      tpu.wait_dma2 semaphore(%run_scoped3A_181 : memref<!tpu.dma_semaphore, #tpu.memory_space<semaphore_mem>>) src(%arg8 : memref<782x16xf32, #tpu.memory_space<vmem>>) dst(%dma_wait3A_189 : memref<782x16xf32, #tpu.memory_space<vmem_shared>>)
      tpu.yield
    }) : () -> ()
    %add3A_7 = arith.constant 782 : i32
    %add3A_8 = arith.addi %mul3A_5, %add3A_7 : i32
    "tpu.region"() ({
      %run_scoped3A_181 = tpu.sem_alloc : memref<!tpu.dma_semaphore, #tpu.memory_space<semaphore_mem>>
      %dma_start3A_182 = arith.constant 0 : i32
      %dma_start3A_183 = tpu.memref_slice %arg9[%add3A_8, %dma_start3A_182] : memref<100096x16xf32, #tpu.memory_space<vmem_shared>> -> memref<782x16xf32, #tpu.memory_space<vmem_shared>>
      %dma_start3A_184 = arith.constant 0 : i32
      %dma_start3A_185 = tpu.memref_slice %arg9[%add3A_8, %dma_start3A_184] : memref<100096x16xf32, #tpu.memory_space<vmem_shared>> -> memref<782x16xf32, #tpu.memory_space<vmem_shared>>
      tpu.enqueue_dma source(%arg8 : memref<782x16xf32, #tpu.memory_space<vmem>>) target(%dma_start3A_185 : memref<782x16xf32, #tpu.memory_space<vmem_shared>>) target_semaphore(%run_scoped3A_181 : memref<!tpu.dma_semaphore, #tpu.memory_space<semaphore_mem>>)
      %dma_wait3A_186 = arith.constant 0 : i32
      %dma_wait3A_187 = tpu.memref_slice %arg9[%add3A_8, %dma_wait3A_186] : memref<100096x16xf32, #tpu.memory_space<vmem_shared>> -> memref<782x16xf32, #tpu.memory_space<vmem_shared>>
      %dma_wait3A_188 = arith.constant 0 : i32
      %dma_wait3A_189 = tpu.memref_slice %arg9[%add3A_8, %dma_wait3A_188] : memref<100096x16xf32, #tpu.memory_space<vmem_shared>> -> memref<782x16xf32, #tpu.memory_space<vmem_shared>>
      tpu.wait_dma2 semaphore(%run_scoped3A_181 : memref<!tpu.dma_semaphore, #tpu.memory_space<semaphore_mem>>) src(%arg8 : memref<782x16xf32, #tpu.memory_space<vmem>>) dst(%dma_wait3A_189 : memref<782x16xf32, #tpu.memory_space<vmem_shared>>)
      tpu.yield
    }) : () -> ()
    %add3A_9 = arith.constant 1564 : i32
    %add3A_10 = arith.addi %mul3A_5, %add3A_9 : i32
    "tpu.region"() ({
      %run_scoped3A_181 = tpu.sem_alloc : memref<!tpu.dma_semaphore, #tpu.memory_space<semaphore_mem>>
      %dma_start3A_182 = arith.constant 0 : i32
      %dma_start3A_183 = tpu.memref_slice %arg9[%add3A_10, %dma_start3A_182] : memref<100096x16xf32, #tpu.memory_space<vmem_shared>> -> memref<782x16xf32, #tpu.memory_space<vmem_shared>>
      %dma_start3A_184 = arith.constant 0 : i32
      %dma_start3A_185 = tpu.memref_slice %arg9[%add3A_10, %dma_start3A_184] : memref<100096x16xf32, #tpu.memory_space<vmem_shared>> -> memref<782x16xf32, #tpu.memory_space<vmem_shared>>
      tpu.enqueue_dma source(%arg8 : memref<782x16xf32, #tpu.memory_space<vmem>>) target(%dma_start3A_185 : memref<782x16xf32, #tpu.memory_space<vmem_shared>>) target_semaphore(%run_scoped3A_181 : memref<!tpu.dma_semaphore, #tpu.memory_space<semaphore_mem>>)
      %dma_wait3A_186 = arith.constant 0 : i32
      %dma_wait3A_187 = tpu.memref_slice %arg9[%add3A_10, %dma_wait3A_186] : memref<100096x16xf32, #tpu.memory_space<vmem_shared>> -> memref<782x16xf32, #tpu.memory_space<vmem_shared>>
      %dma_wait3A_188 = arith.constant 0 : i32
      %dma_wait3A_189 = tpu.memref_slice %arg9[%add3A_10, %dma_wait3A_188] : memref<100096x16xf32, #tpu.memory_space<vmem_shared>> -> memref<782x16xf32, #tpu.memory_space<vmem_shared>>
      tpu.wait_dma2 semaphore(%run_scoped3A_181 : memref<!tpu.dma_semaphore, #tpu.memory_space<semaphore_mem>>) src(%arg8 : memref<782x16xf32, #tpu.memory_space<vmem>>) dst(%dma_wait3A_189 : memref<782x16xf32, #tpu.memory_space<vmem_shared>>)
      tpu.yield
    }) : () -> ()
    %add3A_11 = arith.constant 2346 : i32
    %add3A_12 = arith.addi %mul3A_5, %add3A_11 : i32
    "tpu.region"() ({
      %run_scoped3A_181 = tpu.sem_alloc : memref<!tpu.dma_semaphore, #tpu.memory_space<semaphore_mem>>
      %dma_start3A_182 = arith.constant 0 : i32
      %dma_start3A_183 = tpu.memref_slice %arg9[%add3A_12, %dma_start3A_182] : memref<100096x16xf32, #tpu.memory_space<vmem_shared>> -> memref<782x16xf32, #tpu.memory_space<vmem_shared>>
      %dma_start3A_184 = arith.constant 0 : i32
      %dma_start3A_185 = tpu.memref_slice %arg9[%add3A_12, %dma_start3A_184] : memref<100096x16xf32, #tpu.memory_space<vmem_shared>> -> memref<782x16xf32, #tpu.memory_space<vmem_shared>>
      tpu.enqueue_dma source(%arg8 : memref<782x16xf32, #tpu.memory_space<vmem>>) target(%dma_start3A_185 : memref<782x16xf32, #tpu.memory_space<vmem_shared>>) target_semaphore(%run_scoped3A_181 : memref<!tpu.dma_semaphore, #tpu.memory_space<semaphore_mem>>)
      %dma_wait3A_186 = arith.constant 0 : i32
      %dma_wait3A_187 = tpu.memref_slice %arg9[%add3A_12, %dma_wait3A_186] : memref<100096x16xf32, #tpu.memory_space<vmem_shared>> -> memref<782x16xf32, #tpu.memory_space<vmem_shared>>
      %dma_wait3A_188 = arith.constant 0 : i32
      %dma_wait3A_189 = tpu.memref_slice %arg9[%add3A_12, %dma_wait3A_188] : memref<100096x16xf32, #tpu.memory_space<vmem_shared>> -> memref<782x16xf32, #tpu.memory_space<vmem_shared>>
      tpu.wait_dma2 semaphore(%run_scoped3A_181 : memref<!tpu.dma_semaphore, #tpu.memory_space<semaphore_mem>>) src(%arg8 : memref<782x16xf32, #tpu.memory_space<vmem>>) dst(%dma_wait3A_189 : memref<782x16xf32, #tpu.memory_space<vmem_shared>>)
      tpu.yield
    }) : () -> ()
    %add3A_13 = arith.constant 3128 : i32
    %add3A_14 = arith.addi %mul3A_5, %add3A_13 : i32
    "tpu.region"() ({
      %run_scoped3A_181 = tpu.sem_alloc : memref<!tpu.dma_semaphore, #tpu.memory_space<semaphore_mem>>
      %dma_start3A_182 = arith.constant 0 : i32
      %dma_start3A_183 = tpu.memref_slice %arg9[%add3A_14, %dma_start3A_182] : memref<100096x16xf32, #tpu.memory_space<vmem_shared>> -> memref<782x16xf32, #tpu.memory_space<vmem_shared>>
      %dma_start3A_184 = arith.constant 0 : i32
      %dma_start3A_185 = tpu.memref_slice %arg9[%add3A_14, %dma_start3A_184] : memref<100096x16xf32, #tpu.memory_space<vmem_shared>> -> memref<782x16xf32, #tpu.memory_space<vmem_shared>>
      tpu.enqueue_dma source(%arg8 : memref<782x16xf32, #tpu.memory_space<vmem>>) target(%dma_start3A_185 : memref<782x16xf32, #tpu.memory_space<vmem_shared>>) target_semaphore(%run_scoped3A_181 : memref<!tpu.dma_semaphore, #tpu.memory_space<semaphore_mem>>)
      %dma_wait3A_186 = arith.constant 0 : i32
      %dma_wait3A_187 = tpu.memref_slice %arg9[%add3A_14, %dma_wait3A_186] : memref<100096x16xf32, #tpu.memory_space<vmem_shared>> -> memref<782x16xf32, #tpu.memory_space<vmem_shared>>
      %dma_wait3A_188 = arith.constant 0 : i32
      %dma_wait3A_189 = tpu.memref_slice %arg9[%add3A_14, %dma_wait3A_188] : memref<100096x16xf32, #tpu.memory_space<vmem_shared>> -> memref<782x16xf32, #tpu.memory_space<vmem_shared>>
      tpu.wait_dma2 semaphore(%run_scoped3A_181 : memref<!tpu.dma_semaphore, #tpu.memory_space<semaphore_mem>>) src(%arg8 : memref<782x16xf32, #tpu.memory_space<vmem>>) dst(%dma_wait3A_189 : memref<782x16xf32, #tpu.memory_space<vmem_shared>>)
      tpu.yield
    }) : () -> ()
    %add3A_15 = arith.constant 3910 : i32
    %add3A_16 = arith.addi %mul3A_5, %add3A_15 : i32
    "tpu.region"() ({
      %run_scoped3A_181 = tpu.sem_alloc : memref<!tpu.dma_semaphore, #tpu.memory_space<semaphore_mem>>
      %dma_start3A_182 = arith.constant 0 : i32
      %dma_start3A_183 = tpu.memref_slice %arg9[%add3A_16, %dma_start3A_182] : memref<100096x16xf32, #tpu.memory_space<vmem_shared>> -> memref<782x16xf32, #tpu.memory_space<vmem_shared>>
      %dma_start3A_184 = arith.constant 0 : i32
      %dma_start3A_185 = tpu.memref_slice %arg9[%add3A_16, %dma_start3A_184] : memref<100096x16xf32, #tpu.memory_space<vmem_shared>> -> memref<782x16xf32, #tpu.memory_space<vmem_shared>>
      tpu.enqueue_dma source(%arg8 : memref<782x16xf32, #tpu.memory_space<vmem>>) target(%dma_start3A_185 : memref<782x16xf32, #tpu.memory_space<vmem_shared>>) target_semaphore(%run_scoped3A_181 : memref<!tpu.dma_semaphore, #tpu.memory_space<semaphore_mem>>)
      %dma_wait3A_186 = arith.constant 0 : i32
      %dma_wait3A_187 = tpu.memref_slice %arg9[%add3A_16, %dma_wait3A_186] : memref<100096x16xf32, #tpu.memory_space<vmem_shared>> -> memref<782x16xf32, #tpu.memory_space<vmem_shared>>
      %dma_wait3A_188 = arith.constant 0 : i32
      %dma_wait3A_189 = tpu.memref_slice %arg9[%add3A_16, %dma_wait3A_188] : memref<100096x16xf32, #tpu.memory_space<vmem_shared>> -> memref<782x16xf32, #tpu.memory_space<vmem_shared>>
      tpu.wait_dma2 semaphore(%run_scoped3A_181 : memref<!tpu.dma_semaphore, #tpu.memory_space<semaphore_mem>>) src(%arg8 : memref<782x16xf32, #tpu.memory_space<vmem>>) dst(%dma_wait3A_189 : memref<782x16xf32, #tpu.memory_space<vmem_shared>>)
      tpu.yield
    }) : () -> ()
    %add3A_17 = arith.constant 4692 : i32
    %add3A_18 = arith.addi %mul3A_5, %add3A_17 : i32
    "tpu.region"() ({
      %run_scoped3A_181 = tpu.sem_alloc : memref<!tpu.dma_semaphore, #tpu.memory_space<semaphore_mem>>
      %dma_start3A_182 = arith.constant 0 : i32
      %dma_start3A_183 = tpu.memref_slice %arg9[%add3A_18, %dma_start3A_182] : memref<100096x16xf32, #tpu.memory_space<vmem_shared>> -> memref<782x16xf32, #tpu.memory_space<vmem_shared>>
      %dma_start3A_184 = arith.constant 0 : i32
      %dma_start3A_185 = tpu.memref_slice %arg9[%add3A_18, %dma_start3A_184] : memref<100096x16xf32, #tpu.memory_space<vmem_shared>> -> memref<782x16xf32, #tpu.memory_space<vmem_shared>>
      tpu.enqueue_dma source(%arg8 : memref<782x16xf32, #tpu.memory_space<vmem>>) target(%dma_start3A_185 : memref<782x16xf32, #tpu.memory_space<vmem_shared>>) target_semaphore(%run_scoped3A_181 : memref<!tpu.dma_semaphore, #tpu.memory_space<semaphore_mem>>)
      %dma_wait3A_186 = arith.constant 0 : i32
      %dma_wait3A_187 = tpu.memref_slice %arg9[%add3A_18, %dma_wait3A_186] : memref<100096x16xf32, #tpu.memory_space<vmem_shared>> -> memref<782x16xf32, #tpu.memory_space<vmem_shared>>
      %dma_wait3A_188 = arith.constant 0 : i32
      %dma_wait3A_189 = tpu.memref_slice %arg9[%add3A_18, %dma_wait3A_188] : memref<100096x16xf32, #tpu.memory_space<vmem_shared>> -> memref<782x16xf32, #tpu.memory_space<vmem_shared>>
      tpu.wait_dma2 semaphore(%run_scoped3A_181 : memref<!tpu.dma_semaphore, #tpu.memory_space<semaphore_mem>>) src(%arg8 : memref<782x16xf32, #tpu.memory_space<vmem>>) dst(%dma_wait3A_189 : memref<782x16xf32, #tpu.memory_space<vmem_shared>>)
      tpu.yield
    }) : () -> ()
    %add3A_19 = arith.constant 5474 : i32
    %add3A_20 = arith.addi %mul3A_5, %add3A_19 : i32
    "tpu.region"() ({
      %run_scoped3A_181 = tpu.sem_alloc : memref<!tpu.dma_semaphore, #tpu.memory_space<semaphore_mem>>
      %dma_start3A_182 = arith.constant 0 : i32
      %dma_start3A_183 = tpu.memref_slice %arg9[%add3A_20, %dma_start3A_182] : memref<100096x16xf32, #tpu.memory_space<vmem_shared>> -> memref<782x16xf32, #tpu.memory_space<vmem_shared>>
      %dma_start3A_184 = arith.constant 0 : i32
      %dma_start3A_185 = tpu.memref_slice %arg9[%add3A_20, %dma_start3A_184] : memref<100096x16xf32, #tpu.memory_space<vmem_shared>> -> memref<782x16xf32, #tpu.memory_space<vmem_shared>>
      tpu.enqueue_dma source(%arg8 : memref<782x16xf32, #tpu.memory_space<vmem>>) target(%dma_start3A_185 : memref<782x16xf32, #tpu.memory_space<vmem_shared>>) target_semaphore(%run_scoped3A_181 : memref<!tpu.dma_semaphore, #tpu.memory_space<semaphore_mem>>)
      %dma_wait3A_186 = arith.constant 0 : i32
      %dma_wait3A_187 = tpu.memref_slice %arg9[%add3A_20, %dma_wait3A_186] : memref<100096x16xf32, #tpu.memory_space<vmem_shared>> -> memref<782x16xf32, #tpu.memory_space<vmem_shared>>
      %dma_wait3A_188 = arith.constant 0 : i32
      %dma_wait3A_189 = tpu.memref_slice %arg9[%add3A_20, %dma_wait3A_188] : memref<100096x16xf32, #tpu.memory_space<vmem_shared>> -> memref<782x16xf32, #tpu.memory_space<vmem_shared>>
      tpu.wait_dma2 semaphore(%run_scoped3A_181 : memref<!tpu.dma_semaphore, #tpu.memory_space<semaphore_mem>>) src(%arg8 : memref<782x16xf32, #tpu.memory_space<vmem>>) dst(%dma_wait3A_189 : memref<782x16xf32, #tpu.memory_space<vmem_shared>>)
      tpu.yield
    }) : () -> ()
    %barrier3A = arith.constant 0 : index
    tpu.barrier barrier_id(%barrier3A)
    %eq3A = arith.constant 0 : i32
    %eq3A_21 = arith.cmpi eq, %arg0, %eq3A : i32
    %mul3A_22 = arith.constant 97 : i32
    %mul3A_23 = arith.muli %arg1, %mul3A_22 : i32
    %min3A = arith.constant 10 : i32
    %min3A_24 = arith.minsi %arg1, %min3A : i32
    %add3A_25 = arith.addi %mul3A_23, %min3A_24 : i32
    %mul3A_26 = arith.constant 97 : i32
    %mul3A_27 = arith.muli %arg1, %mul3A_26 : i32
    %add3A_28 = arith.constant 1562 : i32
    %add3A_29 = arith.addi %add3A_28, %mul3A_27 : i32
    %min3A_30 = arith.constant 11 : i32
    %min3A_31 = arith.minsi %arg1, %min3A_30 : i32
    %add3A_32 = arith.addi %add3A_29, %min3A_31 : i32
    %select_n3A = arith.select %eq3A_21, %add3A_25, %add3A_32 : i32
    %eq3A_33 = arith.constant 0 : i32
    %eq3A_34 = arith.cmpi eq, %arg0, %eq3A_33 : i32
    %lt3A = arith.constant 10 : i32
    %lt3A_35 = arith.cmpi slt, %arg1, %lt3A : i32
    %convert_element_type3A = arith.extui %lt3A_35 : i1 to i32
    %add3A_36 = arith.constant 97 : i32
    %add3A_37 = arith.addi %add3A_36, %convert_element_type3A : i32
    %lt3A_38 = arith.constant 11 : i32
    %lt3A_39 = arith.cmpi slt, %arg1, %lt3A_38 : i32
    %convert_element_type3A_40 = arith.extui %lt3A_39 : i1 to i32
    %add3A_41 = arith.constant 97 : i32
    %add3A_42 = arith.addi %add3A_41, %convert_element_type3A_40 : i32
    %select_n3A_43 = arith.select %eq3A_34, %add3A_37, %add3A_42 : i32
    %mul3A_44 = arith.constant 8 : i32
    %mul3A_45 = arith.muli %select_n3A, %mul3A_44 : i32
    %mul3A_46 = arith.constant 2 : i32
    %mul3A_47 = arith.muli %select_n3A_43, %mul3A_46 : i32
    %add3A_48 = arith.constant 0 : i32
    %add3A_49 = arith.addi %mul3A_45, %add3A_48 : i32
    %dma_start3A = arith.constant 0 : i32
    %dma_start3A_50 = arith.constant 0 : i32
    %dma_start3A_51 = arith.constant 0 : i32
    %dma_start3A_52 = arith.constant 0 : i32
    %dma_start3A_53 = tpu.memref_slice %arg5[%dma_start3A_50, %dma_start3A_51, %dma_start3A_52] : memref<2x4x128xi32, #tpu.memory_space<vmem>> -> memref<1x4x128xi32, #tpu.memory_space<vmem>>
    %dma_start3A_54 = tpu.memref_squeeze %dma_start3A_53 : memref<1x4x128xi32, #tpu.memory_space<vmem>> -> memref<4x128xi32, #tpu.memory_space<vmem>>
    %dma_start3A_55 = arith.constant 0 : i32
    %dma_start3A_56 = tpu.memref_slice %arg2[%dma_start3A, %add3A_49, %dma_start3A_55] : memref<2x25000x128xi32, #tpu.memory_space<hbm>> -> memref<1x4x128xi32, #tpu.memory_space<hbm>>
    %dma_start3A_57 = tpu.memref_squeeze %dma_start3A_56 : memref<1x4x128xi32, #tpu.memory_space<hbm>> -> memref<4x128xi32, #tpu.memory_space<hbm>>
    %dma_start3A_58 = arith.constant 0 : i32
    %dma_start3A_59 = arith.constant 0 : i32
    %dma_start3A_60 = tpu.memref_slice %arg5[%dma_start3A_50, %dma_start3A_58, %dma_start3A_59] : memref<2x4x128xi32, #tpu.memory_space<vmem>> -> memref<1x4x128xi32, #tpu.memory_space<vmem>>
    %dma_start3A_61 = tpu.memref_squeeze %dma_start3A_60 : memref<1x4x128xi32, #tpu.memory_space<vmem>> -> memref<4x128xi32, #tpu.memory_space<vmem>>
    %dma_start3A_62 = arith.constant 0 : i32
    %dma_start3A_63 = tpu.memref_slice %arg2[%dma_start3A, %add3A_49, %dma_start3A_62] : memref<2x25000x128xi32, #tpu.memory_space<hbm>> -> memref<1x4x128xi32, #tpu.memory_space<hbm>>
    %dma_start3A_64 = tpu.memref_squeeze %dma_start3A_63 : memref<1x4x128xi32, #tpu.memory_space<hbm>> -> memref<4x128xi32, #tpu.memory_space<hbm>>
    tpu.enqueue_dma source(%dma_start3A_64 : memref<4x128xi32, #tpu.memory_space<hbm>>) target(%dma_start3A_61 : memref<4x128xi32, #tpu.memory_space<vmem>>) target_semaphore(%arg10 : memref<!tpu.dma_semaphore, #tpu.memory_space<semaphore_mem>>)
    %dma_start3A_65 = arith.constant 1 : i32
    %dma_start3A_66 = arith.constant 0 : i32
    %dma_start3A_67 = arith.constant 0 : i32
    %dma_start3A_68 = arith.constant 0 : i32
    %dma_start3A_69 = tpu.memref_slice %arg6[%dma_start3A_66, %dma_start3A_67, %dma_start3A_68] : memref<2x4x128xi32, #tpu.memory_space<vmem>> -> memref<1x4x128xi32, #tpu.memory_space<vmem>>
    %dma_start3A_70 = tpu.memref_squeeze %dma_start3A_69 : memref<1x4x128xi32, #tpu.memory_space<vmem>> -> memref<4x128xi32, #tpu.memory_space<vmem>>
    %dma_start3A_71 = arith.constant 0 : i32
    %dma_start3A_72 = tpu.memref_slice %arg2[%dma_start3A_65, %add3A_49, %dma_start3A_71] : memref<2x25000x128xi32, #tpu.memory_space<hbm>> -> memref<1x4x128xi32, #tpu.memory_space<hbm>>
    %dma_start3A_73 = tpu.memref_squeeze %dma_start3A_72 : memref<1x4x128xi32, #tpu.memory_space<hbm>> -> memref<4x128xi32, #tpu.memory_space<hbm>>
    %dma_start3A_74 = arith.constant 0 : i32
    %dma_start3A_75 = arith.constant 0 : i32
    %dma_start3A_76 = tpu.memref_slice %arg6[%dma_start3A_66, %dma_start3A_74, %dma_start3A_75] : memref<2x4x128xi32, #tpu.memory_space<vmem>> -> memref<1x4x128xi32, #tpu.memory_space<vmem>>
    %dma_start3A_77 = tpu.memref_squeeze %dma_start3A_76 : memref<1x4x128xi32, #tpu.memory_space<vmem>> -> memref<4x128xi32, #tpu.memory_space<vmem>>
    %dma_start3A_78 = arith.constant 0 : i32
    %dma_start3A_79 = tpu.memref_slice %arg2[%dma_start3A_65, %add3A_49, %dma_start3A_78] : memref<2x25000x128xi32, #tpu.memory_space<hbm>> -> memref<1x4x128xi32, #tpu.memory_space<hbm>>
    %dma_start3A_80 = tpu.memref_squeeze %dma_start3A_79 : memref<1x4x128xi32, #tpu.memory_space<hbm>> -> memref<4x128xi32, #tpu.memory_space<hbm>>
    tpu.enqueue_dma source(%dma_start3A_80 : memref<4x128xi32, #tpu.memory_space<hbm>>) target(%dma_start3A_77 : memref<4x128xi32, #tpu.memory_space<vmem>>) target_semaphore(%arg10 : memref<!tpu.dma_semaphore, #tpu.memory_space<semaphore_mem>>)
    %jit3A = arith.constant 2 : i32
    %div3A = arith.divsi %mul3A_47, %jit3A : i32
    %sign3A = arith.constant 0 : i32
    %sign3A_81 = arith.cmpi sgt, %mul3A_47, %sign3A : i32
    %sign3A_82 = arith.extui %sign3A_81 : i1 to i32
    %sign3A_83 = arith.constant 0 : i32
    %sign3A_84 = arith.cmpi slt, %mul3A_47, %sign3A_83 : i32
    %sign3A_85 = arith.extui %sign3A_84 : i1 to i32
    %sign3A_86 = arith.subi %sign3A_82, %sign3A_85 : i32
    %sign3A_87 = arith.constant 0 : i32
    %sign3A_88 = arith.cmpi sgt, %jit3A, %sign3A_87 : i32
    %sign3A_89 = arith.extui %sign3A_88 : i1 to i32
    %sign3A_90 = arith.constant 0 : i32
    %sign3A_91 = arith.cmpi slt, %jit3A, %sign3A_90 : i32
    %sign3A_92 = arith.extui %sign3A_91 : i1 to i32
    %sign3A_93 = arith.subi %sign3A_89, %sign3A_92 : i32
    %ne3A = arith.cmpi ne, %sign3A_86, %sign3A_93 : i32
    %rem3A = arith.remsi %mul3A_47, %jit3A : i32
    %ne3A_94 = arith.constant 0 : i32
    %ne3A_95 = arith.cmpi ne, %rem3A, %ne3A_94 : i32
    %and3A = arith.andi %ne3A, %ne3A_95 : i1
    %sub3A = arith.constant 1 : i32
    %sub3A_96 = arith.subi %div3A, %sub3A : i32
    %select_n3A_97 = arith.select %and3A, %sub3A_96, %div3A : i32
    %while3A = arith.constant 0 : i32
    %while3A_98 = arith.constant 0 : i32
    %while3A_99 = arith.subi %select_n3A_97, %while3A_98 : i32
    %while3A_100 = arith.addi %while3A_98, %while3A_99 : i32
    %while3A_101 = arith.constant 1 : i32
    %while3A_102 = arith.divsi %while3A_99, %while3A_101 : i32
    %while3A_103 = arith.muli %while3A_102, %while3A_101 : i32
    %while3A_104 = arith.addi %while3A_98, %while3A_103 : i32
    %while3A_105 = arith.constant 1 : i32
    scf.for %while3A_181 = %while3A_98 to %while3A_104 step %while3A_105  : i32 {
      %mul3A_182 = arith.constant 2 : i32
      %mul3A_183 = arith.muli %mul3A_182, %while3A_181 : i32
      %add3A_184 = arith.constant 0 : i32
      %add3A_185 = arith.addi %mul3A_183, %add3A_184 : i32
      %mul3A_186 = arith.constant 4 : i32
      %mul3A_187 = arith.muli %add3A_185, %mul3A_186 : i32
      %add3A_188 = arith.addi %mul3A_45, %mul3A_187 : i32
      %dma_wait3A_189 = arith.constant 0 : i32
      %dma_wait3A_190 = arith.constant 0 : i32
      %dma_wait3A_191 = arith.constant 0 : i32
      %dma_wait3A_192 = arith.constant 0 : i32
      %dma_wait3A_193 = tpu.memref_slice %arg5[%dma_wait3A_190, %dma_wait3A_191, %dma_wait3A_192] : memref<2x4x128xi32, #tpu.memory_space<vmem>> -> memref<1x4x128xi32, #tpu.memory_space<vmem>>
      %dma_wait3A_194 = tpu.memref_squeeze %dma_wait3A_193 : memref<1x4x128xi32, #tpu.memory_space<vmem>> -> memref<4x128xi32, #tpu.memory_space<vmem>>
      %dma_wait3A_195 = arith.constant 0 : i32
      %dma_wait3A_196 = tpu.memref_slice %arg2[%dma_wait3A_189, %add3A_188, %dma_wait3A_195] : memref<2x25000x128xi32, #tpu.memory_space<hbm>> -> memref<1x4x128xi32, #tpu.memory_space<hbm>>
      %dma_wait3A_197 = tpu.memref_squeeze %dma_wait3A_196 : memref<1x4x128xi32, #tpu.memory_space<hbm>> -> memref<4x128xi32, #tpu.memory_space<hbm>>
      %dma_wait3A_198 = arith.constant 0 : i32
      %dma_wait3A_199 = arith.constant 0 : i32
      %dma_wait3A_200 = tpu.memref_slice %arg5[%dma_wait3A_190, %dma_wait3A_198, %dma_wait3A_199] : memref<2x4x128xi32, #tpu.memory_space<vmem>> -> memref<1x4x128xi32, #tpu.memory_space<vmem>>
      %dma_wait3A_201 = tpu.memref_squeeze %dma_wait3A_200 : memref<1x4x128xi32, #tpu.memory_space<vmem>> -> memref<4x128xi32, #tpu.memory_space<vmem>>
      %dma_wait3A_202 = arith.constant 0 : i32
      %dma_wait3A_203 = tpu.memref_slice %arg2[%dma_wait3A_189, %add3A_188, %dma_wait3A_202] : memref<2x25000x128xi32, #tpu.memory_space<hbm>> -> memref<1x4x128xi32, #tpu.memory_space<hbm>>
      %dma_wait3A_204 = tpu.memref_squeeze %dma_wait3A_203 : memref<1x4x128xi32, #tpu.memory_space<hbm>> -> memref<4x128xi32, #tpu.memory_space<hbm>>
      tpu.wait_dma2 semaphore(%arg10 : memref<!tpu.dma_semaphore, #tpu.memory_space<semaphore_mem>>) src(%dma_wait3A_204 : memref<4x128xi32, #tpu.memory_space<hbm>>) dst(%dma_wait3A_201 : memref<4x128xi32, #tpu.memory_space<vmem>>)
      %dma_wait3A_205 = arith.constant 1 : i32
      %dma_wait3A_206 = arith.constant 0 : i32
      %dma_wait3A_207 = arith.constant 0 : i32
      %dma_wait3A_208 = arith.constant 0 : i32
      %dma_wait3A_209 = tpu.memref_slice %arg6[%dma_wait3A_206, %dma_wait3A_207, %dma_wait3A_208] : memref<2x4x128xi32, #tpu.memory_space<vmem>> -> memref<1x4x128xi32, #tpu.memory_space<vmem>>
      %dma_wait3A_210 = tpu.memref_squeeze %dma_wait3A_209 : memref<1x4x128xi32, #tpu.memory_space<vmem>> -> memref<4x128xi32, #tpu.memory_space<vmem>>
      %dma_wait3A_211 = arith.constant 0 : i32
      %dma_wait3A_212 = tpu.memref_slice %arg2[%dma_wait3A_205, %add3A_188, %dma_wait3A_211] : memref<2x25000x128xi32, #tpu.memory_space<hbm>> -> memref<1x4x128xi32, #tpu.memory_space<hbm>>
      %dma_wait3A_213 = tpu.memref_squeeze %dma_wait3A_212 : memref<1x4x128xi32, #tpu.memory_space<hbm>> -> memref<4x128xi32, #tpu.memory_space<hbm>>
      %dma_wait3A_214 = arith.constant 0 : i32
      %dma_wait3A_215 = arith.constant 0 : i32
      %dma_wait3A_216 = tpu.memref_slice %arg6[%dma_wait3A_206, %dma_wait3A_214, %dma_wait3A_215] : memref<2x4x128xi32, #tpu.memory_space<vmem>> -> memref<1x4x128xi32, #tpu.memory_space<vmem>>
      %dma_wait3A_217 = tpu.memref_squeeze %dma_wait3A_216 : memref<1x4x128xi32, #tpu.memory_space<vmem>> -> memref<4x128xi32, #tpu.memory_space<vmem>>
      %dma_wait3A_218 = arith.constant 0 : i32
      %dma_wait3A_219 = tpu.memref_slice %arg2[%dma_wait3A_205, %add3A_188, %dma_wait3A_218] : memref<2x25000x128xi32, #tpu.memory_space<hbm>> -> memref<1x4x128xi32, #tpu.memory_space<hbm>>
      %dma_wait3A_220 = tpu.memref_squeeze %dma_wait3A_219 : memref<1x4x128xi32, #tpu.memory_space<hbm>> -> memref<4x128xi32, #tpu.memory_space<hbm>>
      tpu.wait_dma2 semaphore(%arg10 : memref<!tpu.dma_semaphore, #tpu.memory_space<semaphore_mem>>) src(%dma_wait3A_220 : memref<4x128xi32, #tpu.memory_space<hbm>>) dst(%dma_wait3A_217 : memref<4x128xi32, #tpu.memory_space<vmem>>)
      %dma_start3A_221 = arith.constant 0 : i32
      %dma_start3A_222 = arith.constant 0 : i32
      %dma_start3A_223 = arith.constant 0 : i32
      %dma_start3A_224 = arith.constant 0 : i32
      %dma_start3A_225 = arith.constant 0 : i32
      %dma_start3A_226 = arith.constant 0 : i32
      %dma_start3A_227 = tpu.memref_slice %arg7[%dma_start3A_223, %dma_start3A_224, %dma_start3A_225, %dma_start3A_226] : memref<2x4x128x16xf32, #tpu.memory_space<vmem>> -> memref<1x1x128x16xf32, #tpu.memory_space<vmem>>
      %dma_start3A_228 = tpu.memref_squeeze %dma_start3A_227 : memref<1x1x128x16xf32, #tpu.memory_space<vmem>> -> memref<128x16xf32, #tpu.memory_space<vmem>>
      %dma_start3A_229 = arith.constant 0 : i32
      %dma_start3A_230 = tpu.memref_slice %arg5[%dma_start3A_221, %dma_start3A_222, %dma_start3A_229] : memref<2x4x128xi32, #tpu.memory_space<vmem>> -> memref<1x1x128xi32, #tpu.memory_space<vmem>>
      %dma_start3A_231 = tpu.memref_squeeze %dma_start3A_230 : memref<1x1x128xi32, #tpu.memory_space<vmem>> -> memref<128xi32, #tpu.memory_space<vmem>>
      %dma_start3A_232 = arith.constant 0 : i32
      %dma_start3A_233 = arith.constant 0 : i32
      %dma_start3A_234 = tpu.memref_slice %arg3[%dma_start3A_232, %dma_start3A_233] : memref<100096x16xf32, #tpu.memory_space<hbm>> -> memref<100096x16xf32, #tpu.memory_space<hbm>>
      tpu.enqueue_indirect_dma source(%dma_start3A_234 : memref<100096x16xf32, #tpu.memory_space<hbm>>) target(%dma_start3A_228 : memref<128x16xf32, #tpu.memory_space<vmem>>) offsets(%dma_start3A_231 : memref<128xi32, #tpu.memory_space<vmem>>) semaphore(%arg12 : memref<!tpu.dma_semaphore, #tpu.memory_space<semaphore_mem>>)
      %dma_start3A_235 = arith.constant 0 : i32
      %dma_start3A_236 = arith.constant 1 : i32
      %dma_start3A_237 = arith.constant 0 : i32
      %dma_start3A_238 = arith.constant 1 : i32
      %dma_start3A_239 = arith.constant 0 : i32
      %dma_start3A_240 = arith.constant 0 : i32
      %dma_start3A_241 = tpu.memref_slice %arg7[%dma_start3A_237, %dma_start3A_238, %dma_start3A_239, %dma_start3A_240] : memref<2x4x128x16xf32, #tpu.memory_space<vmem>> -> memref<1x1x128x16xf32, #tpu.memory_space<vmem>>
      %dma_start3A_242 = tpu.memref_squeeze %dma_start3A_241 : memref<1x1x128x16xf32, #tpu.memory_space<vmem>> -> memref<128x16xf32, #tpu.memory_space<vmem>>
      %dma_start3A_243 = arith.constant 0 : i32
      %dma_start3A_244 = tpu.memref_slice %arg5[%dma_start3A_235, %dma_start3A_236, %dma_start3A_243] : memref<2x4x128xi32, #tpu.memory_space<vmem>> -> memref<1x1x128xi32, #tpu.memory_space<vmem>>
      %dma_start3A_245 = tpu.memref_squeeze %dma_start3A_244 : memref<1x1x128xi32, #tpu.memory_space<vmem>> -> memref<128xi32, #tpu.memory_space<vmem>>
      %dma_start3A_246 = arith.constant 0 : i32
      %dma_start3A_247 = arith.constant 0 : i32
      %dma_start3A_248 = tpu.memref_slice %arg3[%dma_start3A_246, %dma_start3A_247] : memref<100096x16xf32, #tpu.memory_space<hbm>> -> memref<100096x16xf32, #tpu.memory_space<hbm>>
      tpu.enqueue_indirect_dma source(%dma_start3A_248 : memref<100096x16xf32, #tpu.memory_space<hbm>>) target(%dma_start3A_242 : memref<128x16xf32, #tpu.memory_space<vmem>>) offsets(%dma_start3A_245 : memref<128xi32, #tpu.memory_space<vmem>>) semaphore(%arg12 : memref<!tpu.dma_semaphore, #tpu.memory_space<semaphore_mem>>)
      %dma_start3A_249 = arith.constant 0 : i32
      %dma_start3A_250 = arith.constant 2 : i32
      %dma_start3A_251 = arith.constant 0 : i32
      %dma_start3A_252 = arith.constant 2 : i32
      %dma_start3A_253 = arith.constant 0 : i32
      %dma_start3A_254 = arith.constant 0 : i32
      %dma_start3A_255 = tpu.memref_slice %arg7[%dma_start3A_251, %dma_start3A_252, %dma_start3A_253, %dma_start3A_254] : memref<2x4x128x16xf32, #tpu.memory_space<vmem>> -> memref<1x1x128x16xf32, #tpu.memory_space<vmem>>
      %dma_start3A_256 = tpu.memref_squeeze %dma_start3A_255 : memref<1x1x128x16xf32, #tpu.memory_space<vmem>> -> memref<128x16xf32, #tpu.memory_space<vmem>>
      %dma_start3A_257 = arith.constant 0 : i32
      %dma_start3A_258 = tpu.memref_slice %arg5[%dma_start3A_249, %dma_start3A_250, %dma_start3A_257] : memref<2x4x128xi32, #tpu.memory_space<vmem>> -> memref<1x1x128xi32, #tpu.memory_space<vmem>>
      %dma_start3A_259 = tpu.memref_squeeze %dma_start3A_258 : memref<1x1x128xi32, #tpu.memory_space<vmem>> -> memref<128xi32, #tpu.memory_space<vmem>>
      %dma_start3A_260 = arith.constant 0 : i32
      %dma_start3A_261 = arith.constant 0 : i32
      %dma_start3A_262 = tpu.memref_slice %arg3[%dma_start3A_260, %dma_start3A_261] : memref<100096x16xf32, #tpu.memory_space<hbm>> -> memref<100096x16xf32, #tpu.memory_space<hbm>>
      tpu.enqueue_indirect_dma source(%dma_start3A_262 : memref<100096x16xf32, #tpu.memory_space<hbm>>) target(%dma_start3A_256 : memref<128x16xf32, #tpu.memory_space<vmem>>) offsets(%dma_start3A_259 : memref<128xi32, #tpu.memory_space<vmem>>) semaphore(%arg12 : memref<!tpu.dma_semaphore, #tpu.memory_space<semaphore_mem>>)
      %dma_start3A_263 = arith.constant 0 : i32
      %dma_start3A_264 = arith.constant 3 : i32
      %dma_start3A_265 = arith.constant 0 : i32
      %dma_start3A_266 = arith.constant 3 : i32
      %dma_start3A_267 = arith.constant 0 : i32
      %dma_start3A_268 = arith.constant 0 : i32
      %dma_start3A_269 = tpu.memref_slice %arg7[%dma_start3A_265, %dma_start3A_266, %dma_start3A_267, %dma_start3A_268] : memref<2x4x128x16xf32, #tpu.memory_space<vmem>> -> memref<1x1x128x16xf32, #tpu.memory_space<vmem>>
      %dma_start3A_270 = tpu.memref_squeeze %dma_start3A_269 : memref<1x1x128x16xf32, #tpu.memory_space<vmem>> -> memref<128x16xf32, #tpu.memory_space<vmem>>
      %dma_start3A_271 = arith.constant 0 : i32
      %dma_start3A_272 = tpu.memref_slice %arg5[%dma_start3A_263, %dma_start3A_264, %dma_start3A_271] : memref<2x4x128xi32, #tpu.memory_space<vmem>> -> memref<1x1x128xi32, #tpu.memory_space<vmem>>
      %dma_start3A_273 = tpu.memref_squeeze %dma_start3A_272 : memref<1x1x128xi32, #tpu.memory_space<vmem>> -> memref<128xi32, #tpu.memory_space<vmem>>
      %dma_start3A_274 = arith.constant 0 : i32
      %dma_start3A_275 = arith.constant 0 : i32
      %dma_start3A_276 = tpu.memref_slice %arg3[%dma_start3A_274, %dma_start3A_275] : memref<100096x16xf32, #tpu.memory_space<hbm>> -> memref<100096x16xf32, #tpu.memory_space<hbm>>
      tpu.enqueue_indirect_dma source(%dma_start3A_276 : memref<100096x16xf32, #tpu.memory_space<hbm>>) target(%dma_start3A_270 : memref<128x16xf32, #tpu.memory_space<vmem>>) offsets(%dma_start3A_273 : memref<128xi32, #tpu.memory_space<vmem>>) semaphore(%arg12 : memref<!tpu.dma_semaphore, #tpu.memory_space<semaphore_mem>>)
      %gt3A = arith.constant 0 : i32
      %gt3A_277 = arith.cmpi sgt, %while3A_181, %gt3A : i32
      %convert_element_type3A_278 = arith.extui %gt3A_277 : i1 to i32
      %cond3A = arith.constant 0 : i32
      %cond3A_279 = arith.cmpi ne, %convert_element_type3A_278, %cond3A : i32
      scf.if %cond3A_279 {
        %dma_wait3A_490 = arith.constant 1 : i32
        %dma_wait3A_491 = arith.constant 0 : i32
        %dma_wait3A_492 = arith.constant 1 : i32
        %dma_wait3A_493 = arith.constant 0 : i32
        %dma_wait3A_494 = arith.constant 0 : i32
        %dma_wait3A_495 = arith.constant 0 : i32
        %dma_wait3A_496 = tpu.memref_slice %arg7[%dma_wait3A_492, %dma_wait3A_493, %dma_wait3A_494, %dma_wait3A_495] : memref<2x4x128x16xf32, #tpu.memory_space<vmem>> -> memref<1x1x128x16xf32, #tpu.memory_space<vmem>>
        %dma_wait3A_497 = tpu.memref_squeeze %dma_wait3A_496 : memref<1x1x128x16xf32, #tpu.memory_space<vmem>> -> memref<128x16xf32, #tpu.memory_space<vmem>>
        %dma_wait3A_498 = arith.constant 0 : i32
        %dma_wait3A_499 = tpu.memref_slice %arg5[%dma_wait3A_490, %dma_wait3A_491, %dma_wait3A_498] : memref<2x4x128xi32, #tpu.memory_space<vmem>> -> memref<1x1x128xi32, #tpu.memory_space<vmem>>
        %dma_wait3A_500 = tpu.memref_squeeze %dma_wait3A_499 : memref<1x1x128xi32, #tpu.memory_space<vmem>> -> memref<128xi32, #tpu.memory_space<vmem>>
        %dma_wait3A_501 = arith.constant 0 : i32
        %dma_wait3A_502 = arith.constant 0 : i32
        %dma_wait3A_503 = tpu.memref_slice %arg3[%dma_wait3A_501, %dma_wait3A_502] : memref<100096x16xf32, #tpu.memory_space<hbm>> -> memref<100096x16xf32, #tpu.memory_space<hbm>>
        tpu.wait_indirect_dma semaphore(%arg13 : memref<!tpu.dma_semaphore, #tpu.memory_space<semaphore_mem>>) src(%dma_wait3A_503 : memref<100096x16xf32, #tpu.memory_space<hbm>>) dst(%dma_wait3A_497 : memref<128x16xf32, #tpu.memory_space<vmem>>)
        %dma_wait3A_504 = arith.constant 1 : i32
        %dma_wait3A_505 = arith.constant 1 : i32
        %dma_wait3A_506 = arith.constant 1 : i32
        %dma_wait3A_507 = arith.constant 1 : i32
        %dma_wait3A_508 = arith.constant 0 : i32
        %dma_wait3A_509 = arith.constant 0 : i32
        %dma_wait3A_510 = tpu.memref_slice %arg7[%dma_wait3A_506, %dma_wait3A_507, %dma_wait3A_508, %dma_wait3A_509] : memref<2x4x128x16xf32, #tpu.memory_space<vmem>> -> memref<1x1x128x16xf32, #tpu.memory_space<vmem>>
        %dma_wait3A_511 = tpu.memref_squeeze %dma_wait3A_510 : memref<1x1x128x16xf32, #tpu.memory_space<vmem>> -> memref<128x16xf32, #tpu.memory_space<vmem>>
        %dma_wait3A_512 = arith.constant 0 : i32
        %dma_wait3A_513 = tpu.memref_slice %arg5[%dma_wait3A_504, %dma_wait3A_505, %dma_wait3A_512] : memref<2x4x128xi32, #tpu.memory_space<vmem>> -> memref<1x1x128xi32, #tpu.memory_space<vmem>>
        %dma_wait3A_514 = tpu.memref_squeeze %dma_wait3A_513 : memref<1x1x128xi32, #tpu.memory_space<vmem>> -> memref<128xi32, #tpu.memory_space<vmem>>
        %dma_wait3A_515 = arith.constant 0 : i32
        %dma_wait3A_516 = arith.constant 0 : i32
        %dma_wait3A_517 = tpu.memref_slice %arg3[%dma_wait3A_515, %dma_wait3A_516] : memref<100096x16xf32, #tpu.memory_space<hbm>> -> memref<100096x16xf32, #tpu.memory_space<hbm>>
        tpu.wait_indirect_dma semaphore(%arg13 : memref<!tpu.dma_semaphore, #tpu.memory_space<semaphore_mem>>) src(%dma_wait3A_517 : memref<100096x16xf32, #tpu.memory_space<hbm>>) dst(%dma_wait3A_511 : memref<128x16xf32, #tpu.memory_space<vmem>>)
        %dma_wait3A_518 = arith.constant 1 : i32
        %dma_wait3A_519 = arith.constant 2 : i32
        %dma_wait3A_520 = arith.constant 1 : i32
        %dma_wait3A_521 = arith.constant 2 : i32
        %dma_wait3A_522 = arith.constant 0 : i32
        %dma_wait3A_523 = arith.constant 0 : i32
        %dma_wait3A_524 = tpu.memref_slice %arg7[%dma_wait3A_520, %dma_wait3A_521, %dma_wait3A_522, %dma_wait3A_523] : memref<2x4x128x16xf32, #tpu.memory_space<vmem>> -> memref<1x1x128x16xf32, #tpu.memory_space<vmem>>
        %dma_wait3A_525 = tpu.memref_squeeze %dma_wait3A_524 : memref<1x1x128x16xf32, #tpu.memory_space<vmem>> -> memref<128x16xf32, #tpu.memory_space<vmem>>
        %dma_wait3A_526 = arith.constant 0 : i32
        %dma_wait3A_527 = tpu.memref_slice %arg5[%dma_wait3A_518, %dma_wait3A_519, %dma_wait3A_526] : memref<2x4x128xi32, #tpu.memory_space<vmem>> -> memref<1x1x128xi32, #tpu.memory_space<vmem>>
        %dma_wait3A_528 = tpu.memref_squeeze %dma_wait3A_527 : memref<1x1x128xi32, #tpu.memory_space<vmem>> -> memref<128xi32, #tpu.memory_space<vmem>>
        %dma_wait3A_529 = arith.constant 0 : i32
        %dma_wait3A_530 = arith.constant 0 : i32
        %dma_wait3A_531 = tpu.memref_slice %arg3[%dma_wait3A_529, %dma_wait3A_530] : memref<100096x16xf32, #tpu.memory_space<hbm>> -> memref<100096x16xf32, #tpu.memory_space<hbm>>
        tpu.wait_indirect_dma semaphore(%arg13 : memref<!tpu.dma_semaphore, #tpu.memory_space<semaphore_mem>>) src(%dma_wait3A_531 : memref<100096x16xf32, #tpu.memory_space<hbm>>) dst(%dma_wait3A_525 : memref<128x16xf32, #tpu.memory_space<vmem>>)
        %dma_wait3A_532 = arith.constant 1 : i32
        %dma_wait3A_533 = arith.constant 3 : i32
        %dma_wait3A_534 = arith.constant 1 : i32
        %dma_wait3A_535 = arith.constant 3 : i32
        %dma_wait3A_536 = arith.constant 0 : i32
        %dma_wait3A_537 = arith.constant 0 : i32
        %dma_wait3A_538 = tpu.memref_slice %arg7[%dma_wait3A_534, %dma_wait3A_535, %dma_wait3A_536, %dma_wait3A_537] : memref<2x4x128x16xf32, #tpu.memory_space<vmem>> -> memref<1x1x128x16xf32, #tpu.memory_space<vmem>>
        %dma_wait3A_539 = tpu.memref_squeeze %dma_wait3A_538 : memref<1x1x128x16xf32, #tpu.memory_space<vmem>> -> memref<128x16xf32, #tpu.memory_space<vmem>>
        %dma_wait3A_540 = arith.constant 0 : i32
        %dma_wait3A_541 = tpu.memref_slice %arg5[%dma_wait3A_532, %dma_wait3A_533, %dma_wait3A_540] : memref<2x4x128xi32, #tpu.memory_space<vmem>> -> memref<1x1x128xi32, #tpu.memory_space<vmem>>
        %dma_wait3A_542 = tpu.memref_squeeze %dma_wait3A_541 : memref<1x1x128xi32, #tpu.memory_space<vmem>> -> memref<128xi32, #tpu.memory_space<vmem>>
        %dma_wait3A_543 = arith.constant 0 : i32
        %dma_wait3A_544 = arith.constant 0 : i32
        %dma_wait3A_545 = tpu.memref_slice %arg3[%dma_wait3A_543, %dma_wait3A_544] : memref<100096x16xf32, #tpu.memory_space<hbm>> -> memref<100096x16xf32, #tpu.memory_space<hbm>>
        tpu.wait_indirect_dma semaphore(%arg13 : memref<!tpu.dma_semaphore, #tpu.memory_space<semaphore_mem>>) src(%dma_wait3A_545 : memref<100096x16xf32, #tpu.memory_space<hbm>>) dst(%dma_wait3A_539 : memref<128x16xf32, #tpu.memory_space<vmem>>)
        %run_scoped3A_546 = arith.constant 1 : i32
        %run_scoped3A_547 = arith.constant 0 : i32
        %run_scoped3A_548 = arith.constant 1 : i32
        %run_scoped3A_549 = arith.constant 0 : i32
        "tpu.region"() ({
          %run_scoped3A_562 = tpu.sem_alloc : memref<!tpu.dma_semaphore, #tpu.memory_space<semaphore_mem>>
          %dma_start3A_563 = arith.constant 0 : i32
          %dma_start3A_564 = arith.constant 0 : i32
          %dma_start3A_565 = tpu.memref_slice %arg7[%run_scoped3A_546, %run_scoped3A_547, %dma_start3A_563, %dma_start3A_564] : memref<2x4x128x16xf32, #tpu.memory_space<vmem>> -> memref<1x1x128x16xf32, #tpu.memory_space<vmem>>
          %dma_start3A_566 = tpu.memref_squeeze %dma_start3A_565 : memref<1x1x128x16xf32, #tpu.memory_space<vmem>> -> memref<128x16xf32, #tpu.memory_space<vmem>>
          %dma_start3A_567 = arith.constant 0 : i32
          %dma_start3A_568 = tpu.memref_slice %arg6[%run_scoped3A_548, %run_scoped3A_549, %dma_start3A_567] : memref<2x4x128xi32, #tpu.memory_space<vmem>> -> memref<1x1x128xi32, #tpu.memory_space<vmem>>
          %dma_start3A_569 = tpu.memref_squeeze %dma_start3A_568 : memref<1x1x128xi32, #tpu.memory_space<vmem>> -> memref<128xi32, #tpu.memory_space<vmem>>
          %dma_start3A_570 = arith.constant 0 : i32
          %dma_start3A_571 = arith.constant 0 : i32
          %dma_start3A_572 = tpu.memref_slice %arg9[%dma_start3A_570, %dma_start3A_571] : memref<100096x16xf32, #tpu.memory_space<vmem_shared>> -> memref<100096x16xf32, #tpu.memory_space<vmem_shared>>
          tpu.enqueue_indirect_dma source(%dma_start3A_566 : memref<128x16xf32, #tpu.memory_space<vmem>>) target(%dma_start3A_572 : memref<100096x16xf32, #tpu.memory_space<vmem_shared>>) offsets(%dma_start3A_569 : memref<128xi32, #tpu.memory_space<vmem>>) semaphore(%run_scoped3A_562 : memref<!tpu.dma_semaphore, #tpu.memory_space<semaphore_mem>>) {add = true}
          %dma_wait3A_573 = arith.constant 0 : i32
          %dma_wait3A_574 = arith.constant 0 : i32
          %dma_wait3A_575 = tpu.memref_slice %arg7[%run_scoped3A_546, %run_scoped3A_547, %dma_wait3A_573, %dma_wait3A_574] : memref<2x4x128x16xf32, #tpu.memory_space<vmem>> -> memref<1x1x128x16xf32, #tpu.memory_space<vmem>>
          %dma_wait3A_576 = tpu.memref_squeeze %dma_wait3A_575 : memref<1x1x128x16xf32, #tpu.memory_space<vmem>> -> memref<128x16xf32, #tpu.memory_space<vmem>>
          %dma_wait3A_577 = arith.constant 0 : i32
          %dma_wait3A_578 = tpu.memref_slice %arg6[%run_scoped3A_548, %run_scoped3A_549, %dma_wait3A_577] : memref<2x4x128xi32, #tpu.memory_space<vmem>> -> memref<1x1x128xi32, #tpu.memory_space<vmem>>
          %dma_wait3A_579 = tpu.memref_squeeze %dma_wait3A_578 : memref<1x1x128xi32, #tpu.memory_space<vmem>> -> memref<128xi32, #tpu.memory_space<vmem>>
          %dma_wait3A_580 = arith.constant 0 : i32
          %dma_wait3A_581 = arith.constant 0 : i32
          %dma_wait3A_582 = tpu.memref_slice %arg9[%dma_wait3A_580, %dma_wait3A_581] : memref<100096x16xf32, #tpu.memory_space<vmem_shared>> -> memref<100096x16xf32, #tpu.memory_space<vmem_shared>>
          tpu.wait_indirect_dma semaphore(%run_scoped3A_562 : memref<!tpu.dma_semaphore, #tpu.memory_space<semaphore_mem>>) src(%dma_wait3A_576 : memref<128x16xf32, #tpu.memory_space<vmem>>) dst(%dma_wait3A_582 : memref<100096x16xf32, #tpu.memory_space<vmem_shared>>)
          tpu.yield
        }) : () -> ()
        %run_scoped3A_550 = arith.constant 1 : i32
        %run_scoped3A_551 = arith.constant 1 : i32
        %run_scoped3A_552 = arith.constant 1 : i32
        %run_scoped3A_553 = arith.constant 1 : i32
        "tpu.region"() ({
          %run_scoped3A_562 = tpu.sem_alloc : memref<!tpu.dma_semaphore, #tpu.memory_space<semaphore_mem>>
          %dma_start3A_563 = arith.constant 0 : i32
          %dma_start3A_564 = arith.constant 0 : i32
          %dma_start3A_565 = tpu.memref_slice %arg7[%run_scoped3A_550, %run_scoped3A_551, %dma_start3A_563, %dma_start3A_564] : memref<2x4x128x16xf32, #tpu.memory_space<vmem>> -> memref<1x1x128x16xf32, #tpu.memory_space<vmem>>
          %dma_start3A_566 = tpu.memref_squeeze %dma_start3A_565 : memref<1x1x128x16xf32, #tpu.memory_space<vmem>> -> memref<128x16xf32, #tpu.memory_space<vmem>>
          %dma_start3A_567 = arith.constant 0 : i32
          %dma_start3A_568 = tpu.memref_slice %arg6[%run_scoped3A_552, %run_scoped3A_553, %dma_start3A_567] : memref<2x4x128xi32, #tpu.memory_space<vmem>> -> memref<1x1x128xi32, #tpu.memory_space<vmem>>
          %dma_start3A_569 = tpu.memref_squeeze %dma_start3A_568 : memref<1x1x128xi32, #tpu.memory_space<vmem>> -> memref<128xi32, #tpu.memory_space<vmem>>
          %dma_start3A_570 = arith.constant 0 : i32
          %dma_start3A_571 = arith.constant 0 : i32
          %dma_start3A_572 = tpu.memref_slice %arg9[%dma_start3A_570, %dma_start3A_571] : memref<100096x16xf32, #tpu.memory_space<vmem_shared>> -> memref<100096x16xf32, #tpu.memory_space<vmem_shared>>
          tpu.enqueue_indirect_dma source(%dma_start3A_566 : memref<128x16xf32, #tpu.memory_space<vmem>>) target(%dma_start3A_572 : memref<100096x16xf32, #tpu.memory_space<vmem_shared>>) offsets(%dma_start3A_569 : memref<128xi32, #tpu.memory_space<vmem>>) semaphore(%run_scoped3A_562 : memref<!tpu.dma_semaphore, #tpu.memory_space<semaphore_mem>>) {add = true}
          %dma_wait3A_573 = arith.constant 0 : i32
          %dma_wait3A_574 = arith.constant 0 : i32
          %dma_wait3A_575 = tpu.memref_slice %arg7[%run_scoped3A_550, %run_scoped3A_551, %dma_wait3A_573, %dma_wait3A_574] : memref<2x4x128x16xf32, #tpu.memory_space<vmem>> -> memref<1x1x128x16xf32, #tpu.memory_space<vmem>>
          %dma_wait3A_576 = tpu.memref_squeeze %dma_wait3A_575 : memref<1x1x128x16xf32, #tpu.memory_space<vmem>> -> memref<128x16xf32, #tpu.memory_space<vmem>>
          %dma_wait3A_577 = arith.constant 0 : i32
          %dma_wait3A_578 = tpu.memref_slice %arg6[%run_scoped3A_552, %run_scoped3A_553, %dma_wait3A_577] : memref<2x4x128xi32, #tpu.memory_space<vmem>> -> memref<1x1x128xi32, #tpu.memory_space<vmem>>
          %dma_wait3A_579 = tpu.memref_squeeze %dma_wait3A_578 : memref<1x1x128xi32, #tpu.memory_space<vmem>> -> memref<128xi32, #tpu.memory_space<vmem>>
          %dma_wait3A_580 = arith.constant 0 : i32
          %dma_wait3A_581 = arith.constant 0 : i32
          %dma_wait3A_582 = tpu.memref_slice %arg9[%dma_wait3A_580, %dma_wait3A_581] : memref<100096x16xf32, #tpu.memory_space<vmem_shared>> -> memref<100096x16xf32, #tpu.memory_space<vmem_shared>>
          tpu.wait_indirect_dma semaphore(%run_scoped3A_562 : memref<!tpu.dma_semaphore, #tpu.memory_space<semaphore_mem>>) src(%dma_wait3A_576 : memref<128x16xf32, #tpu.memory_space<vmem>>) dst(%dma_wait3A_582 : memref<100096x16xf32, #tpu.memory_space<vmem_shared>>)
          tpu.yield
        }) : () -> ()
        %run_scoped3A_554 = arith.constant 1 : i32
        %run_scoped3A_555 = arith.constant 2 : i32
        %run_scoped3A_556 = arith.constant 1 : i32
        %run_scoped3A_557 = arith.constant 2 : i32
        "tpu.region"() ({
          %run_scoped3A_562 = tpu.sem_alloc : memref<!tpu.dma_semaphore, #tpu.memory_space<semaphore_mem>>
          %dma_start3A_563 = arith.constant 0 : i32
          %dma_start3A_564 = arith.constant 0 : i32
          %dma_start3A_565 = tpu.memref_slice %arg7[%run_scoped3A_554, %run_scoped3A_555, %dma_start3A_563, %dma_start3A_564] : memref<2x4x128x16xf32, #tpu.memory_space<vmem>> -> memref<1x1x128x16xf32, #tpu.memory_space<vmem>>
          %dma_start3A_566 = tpu.memref_squeeze %dma_start3A_565 : memref<1x1x128x16xf32, #tpu.memory_space<vmem>> -> memref<128x16xf32, #tpu.memory_space<vmem>>
          %dma_start3A_567 = arith.constant 0 : i32
          %dma_start3A_568 = tpu.memref_slice %arg6[%run_scoped3A_556, %run_scoped3A_557, %dma_start3A_567] : memref<2x4x128xi32, #tpu.memory_space<vmem>> -> memref<1x1x128xi32, #tpu.memory_space<vmem>>
          %dma_start3A_569 = tpu.memref_squeeze %dma_start3A_568 : memref<1x1x128xi32, #tpu.memory_space<vmem>> -> memref<128xi32, #tpu.memory_space<vmem>>
          %dma_start3A_570 = arith.constant 0 : i32
          %dma_start3A_571 = arith.constant 0 : i32
          %dma_start3A_572 = tpu.memref_slice %arg9[%dma_start3A_570, %dma_start3A_571] : memref<100096x16xf32, #tpu.memory_space<vmem_shared>> -> memref<100096x16xf32, #tpu.memory_space<vmem_shared>>
          tpu.enqueue_indirect_dma source(%dma_start3A_566 : memref<128x16xf32, #tpu.memory_space<vmem>>) target(%dma_start3A_572 : memref<100096x16xf32, #tpu.memory_space<vmem_shared>>) offsets(%dma_start3A_569 : memref<128xi32, #tpu.memory_space<vmem>>) semaphore(%run_scoped3A_562 : memref<!tpu.dma_semaphore, #tpu.memory_space<semaphore_mem>>) {add = true}
          %dma_wait3A_573 = arith.constant 0 : i32
          %dma_wait3A_574 = arith.constant 0 : i32
          %dma_wait3A_575 = tpu.memref_slice %arg7[%run_scoped3A_554, %run_scoped3A_555, %dma_wait3A_573, %dma_wait3A_574] : memref<2x4x128x16xf32, #tpu.memory_space<vmem>> -> memref<1x1x128x16xf32, #tpu.memory_space<vmem>>
          %dma_wait3A_576 = tpu.memref_squeeze %dma_wait3A_575 : memref<1x1x128x16xf32, #tpu.memory_space<vmem>> -> memref<128x16xf32, #tpu.memory_space<vmem>>
          %dma_wait3A_577 = arith.constant 0 : i32
          %dma_wait3A_578 = tpu.memref_slice %arg6[%run_scoped3A_556, %run_scoped3A_557, %dma_wait3A_577] : memref<2x4x128xi32, #tpu.memory_space<vmem>> -> memref<1x1x128xi32, #tpu.memory_space<vmem>>
          %dma_wait3A_579 = tpu.memref_squeeze %dma_wait3A_578 : memref<1x1x128xi32, #tpu.memory_space<vmem>> -> memref<128xi32, #tpu.memory_space<vmem>>
          %dma_wait3A_580 = arith.constant 0 : i32
          %dma_wait3A_581 = arith.constant 0 : i32
          %dma_wait3A_582 = tpu.memref_slice %arg9[%dma_wait3A_580, %dma_wait3A_581] : memref<100096x16xf32, #tpu.memory_space<vmem_shared>> -> memref<100096x16xf32, #tpu.memory_space<vmem_shared>>
          tpu.wait_indirect_dma semaphore(%run_scoped3A_562 : memref<!tpu.dma_semaphore, #tpu.memory_space<semaphore_mem>>) src(%dma_wait3A_576 : memref<128x16xf32, #tpu.memory_space<vmem>>) dst(%dma_wait3A_582 : memref<100096x16xf32, #tpu.memory_space<vmem_shared>>)
          tpu.yield
        }) : () -> ()
        %run_scoped3A_558 = arith.constant 1 : i32
        %run_scoped3A_559 = arith.constant 3 : i32
        %run_scoped3A_560 = arith.constant 1 : i32
        %run_scoped3A_561 = arith.constant 3 : i32
        "tpu.region"() ({
          %run_scoped3A_562 = tpu.sem_alloc : memref<!tpu.dma_semaphore, #tpu.memory_space<semaphore_mem>>
          %dma_start3A_563 = arith.constant 0 : i32
          %dma_start3A_564 = arith.constant 0 : i32
          %dma_start3A_565 = tpu.memref_slice %arg7[%run_scoped3A_558, %run_scoped3A_559, %dma_start3A_563, %dma_start3A_564] : memref<2x4x128x16xf32, #tpu.memory_space<vmem>> -> memref<1x1x128x16xf32, #tpu.memory_space<vmem>>
          %dma_start3A_566 = tpu.memref_squeeze %dma_start3A_565 : memref<1x1x128x16xf32, #tpu.memory_space<vmem>> -> memref<128x16xf32, #tpu.memory_space<vmem>>
          %dma_start3A_567 = arith.constant 0 : i32
          %dma_start3A_568 = tpu.memref_slice %arg6[%run_scoped3A_560, %run_scoped3A_561, %dma_start3A_567] : memref<2x4x128xi32, #tpu.memory_space<vmem>> -> memref<1x1x128xi32, #tpu.memory_space<vmem>>
          %dma_start3A_569 = tpu.memref_squeeze %dma_start3A_568 : memref<1x1x128xi32, #tpu.memory_space<vmem>> -> memref<128xi32, #tpu.memory_space<vmem>>
          %dma_start3A_570 = arith.constant 0 : i32
          %dma_start3A_571 = arith.constant 0 : i32
          %dma_start3A_572 = tpu.memref_slice %arg9[%dma_start3A_570, %dma_start3A_571] : memref<100096x16xf32, #tpu.memory_space<vmem_shared>> -> memref<100096x16xf32, #tpu.memory_space<vmem_shared>>
          tpu.enqueue_indirect_dma source(%dma_start3A_566 : memref<128x16xf32, #tpu.memory_space<vmem>>) target(%dma_start3A_572 : memref<100096x16xf32, #tpu.memory_space<vmem_shared>>) offsets(%dma_start3A_569 : memref<128xi32, #tpu.memory_space<vmem>>) semaphore(%run_scoped3A_562 : memref<!tpu.dma_semaphore, #tpu.memory_space<semaphore_mem>>) {add = true}
          %dma_wait3A_573 = arith.constant 0 : i32
          %dma_wait3A_574 = arith.constant 0 : i32
          %dma_wait3A_575 = tpu.memref_slice %arg7[%run_scoped3A_558, %run_scoped3A_559, %dma_wait3A_573, %dma_wait3A_574] : memref<2x4x128x16xf32, #tpu.memory_space<vmem>> -> memref<1x1x128x16xf32, #tpu.memory_space<vmem>>
          %dma_wait3A_576 = tpu.memref_squeeze %dma_wait3A_575 : memref<1x1x128x16xf32, #tpu.memory_space<vmem>> -> memref<128x16xf32, #tpu.memory_space<vmem>>
          %dma_wait3A_577 = arith.constant 0 : i32
          %dma_wait3A_578 = tpu.memref_slice %arg6[%run_scoped3A_560, %run_scoped3A_561, %dma_wait3A_577] : memref<2x4x128xi32, #tpu.memory_space<vmem>> -> memref<1x1x128xi32, #tpu.memory_space<vmem>>
          %dma_wait3A_579 = tpu.memref_squeeze %dma_wait3A_578 : memref<1x1x128xi32, #tpu.memory_space<vmem>> -> memref<128xi32, #tpu.memory_space<vmem>>
          %dma_wait3A_580 = arith.constant 0 : i32
          %dma_wait3A_581 = arith.constant 0 : i32
          %dma_wait3A_582 = tpu.memref_slice %arg9[%dma_wait3A_580, %dma_wait3A_581] : memref<100096x16xf32, #tpu.memory_space<vmem_shared>> -> memref<100096x16xf32, #tpu.memory_space<vmem_shared>>
          tpu.wait_indirect_dma semaphore(%run_scoped3A_562 : memref<!tpu.dma_semaphore, #tpu.memory_space<semaphore_mem>>) src(%dma_wait3A_576 : memref<128x16xf32, #tpu.memory_space<vmem>>) dst(%dma_wait3A_582 : memref<100096x16xf32, #tpu.memory_space<vmem_shared>>)
          tpu.yield
        }) : () -> ()
      } else {
      }
      %add3A_280 = arith.constant 1 : i32
      %add3A_281 = arith.addi %add3A_185, %add3A_280 : i32
      %mul3A_282 = arith.constant 4 : i32
      %mul3A_283 = arith.muli %add3A_281, %mul3A_282 : i32
      %add3A_284 = arith.addi %mul3A_45, %mul3A_283 : i32
      %dma_start3A_285 = arith.constant 0 : i32
      %dma_start3A_286 = arith.constant 1 : i32
      %dma_start3A_287 = arith.constant 0 : i32
      %dma_start3A_288 = arith.constant 0 : i32
      %dma_start3A_289 = tpu.memref_slice %arg5[%dma_start3A_286, %dma_start3A_287, %dma_start3A_288] : memref<2x4x128xi32, #tpu.memory_space<vmem>> -> memref<1x4x128xi32, #tpu.memory_space<vmem>>
      %dma_start3A_290 = tpu.memref_squeeze %dma_start3A_289 : memref<1x4x128xi32, #tpu.memory_space<vmem>> -> memref<4x128xi32, #tpu.memory_space<vmem>>
      %dma_start3A_291 = arith.constant 0 : i32
      %dma_start3A_292 = tpu.memref_slice %arg2[%dma_start3A_285, %add3A_284, %dma_start3A_291] : memref<2x25000x128xi32, #tpu.memory_space<hbm>> -> memref<1x4x128xi32, #tpu.memory_space<hbm>>
      %dma_start3A_293 = tpu.memref_squeeze %dma_start3A_292 : memref<1x4x128xi32, #tpu.memory_space<hbm>> -> memref<4x128xi32, #tpu.memory_space<hbm>>
      %dma_start3A_294 = arith.constant 0 : i32
      %dma_start3A_295 = arith.constant 0 : i32
      %dma_start3A_296 = tpu.memref_slice %arg5[%dma_start3A_286, %dma_start3A_294, %dma_start3A_295] : memref<2x4x128xi32, #tpu.memory_space<vmem>> -> memref<1x4x128xi32, #tpu.memory_space<vmem>>
      %dma_start3A_297 = tpu.memref_squeeze %dma_start3A_296 : memref<1x4x128xi32, #tpu.memory_space<vmem>> -> memref<4x128xi32, #tpu.memory_space<vmem>>
      %dma_start3A_298 = arith.constant 0 : i32
      %dma_start3A_299 = tpu.memref_slice %arg2[%dma_start3A_285, %add3A_284, %dma_start3A_298] : memref<2x25000x128xi32, #tpu.memory_space<hbm>> -> memref<1x4x128xi32, #tpu.memory_space<hbm>>
      %dma_start3A_300 = tpu.memref_squeeze %dma_start3A_299 : memref<1x4x128xi32, #tpu.memory_space<hbm>> -> memref<4x128xi32, #tpu.memory_space<hbm>>
      tpu.enqueue_dma source(%dma_start3A_300 : memref<4x128xi32, #tpu.memory_space<hbm>>) target(%dma_start3A_297 : memref<4x128xi32, #tpu.memory_space<vmem>>) target_semaphore(%arg11 : memref<!tpu.dma_semaphore, #tpu.memory_space<semaphore_mem>>)
      %dma_start3A_301 = arith.constant 1 : i32
      %dma_start3A_302 = arith.constant 1 : i32
      %dma_start3A_303 = arith.constant 0 : i32
      %dma_start3A_304 = arith.constant 0 : i32
      %dma_start3A_305 = tpu.memref_slice %arg6[%dma_start3A_302, %dma_start3A_303, %dma_start3A_304] : memref<2x4x128xi32, #tpu.memory_space<vmem>> -> memref<1x4x128xi32, #tpu.memory_space<vmem>>
      %dma_start3A_306 = tpu.memref_squeeze %dma_start3A_305 : memref<1x4x128xi32, #tpu.memory_space<vmem>> -> memref<4x128xi32, #tpu.memory_space<vmem>>
      %dma_start3A_307 = arith.constant 0 : i32
      %dma_start3A_308 = tpu.memref_slice %arg2[%dma_start3A_301, %add3A_284, %dma_start3A_307] : memref<2x25000x128xi32, #tpu.memory_space<hbm>> -> memref<1x4x128xi32, #tpu.memory_space<hbm>>
      %dma_start3A_309 = tpu.memref_squeeze %dma_start3A_308 : memref<1x4x128xi32, #tpu.memory_space<hbm>> -> memref<4x128xi32, #tpu.memory_space<hbm>>
      %dma_start3A_310 = arith.constant 0 : i32
      %dma_start3A_311 = arith.constant 0 : i32
      %dma_start3A_312 = tpu.memref_slice %arg6[%dma_start3A_302, %dma_start3A_310, %dma_start3A_311] : memref<2x4x128xi32, #tpu.memory_space<vmem>> -> memref<1x4x128xi32, #tpu.memory_space<vmem>>
      %dma_start3A_313 = tpu.memref_squeeze %dma_start3A_312 : memref<1x4x128xi32, #tpu.memory_space<vmem>> -> memref<4x128xi32, #tpu.memory_space<vmem>>
      %dma_start3A_314 = arith.constant 0 : i32
      %dma_start3A_315 = tpu.memref_slice %arg2[%dma_start3A_301, %add3A_284, %dma_start3A_314] : memref<2x25000x128xi32, #tpu.memory_space<hbm>> -> memref<1x4x128xi32, #tpu.memory_space<hbm>>
      %dma_start3A_316 = tpu.memref_squeeze %dma_start3A_315 : memref<1x4x128xi32, #tpu.memory_space<hbm>> -> memref<4x128xi32, #tpu.memory_space<hbm>>
      tpu.enqueue_dma source(%dma_start3A_316 : memref<4x128xi32, #tpu.memory_space<hbm>>) target(%dma_start3A_313 : memref<4x128xi32, #tpu.memory_space<vmem>>) target_semaphore(%arg11 : memref<!tpu.dma_semaphore, #tpu.memory_space<semaphore_mem>>)
      %mul3A_317 = arith.constant 2 : i32
      %mul3A_318 = arith.muli %mul3A_317, %while3A_181 : i32
      %add3A_319 = arith.constant 1 : i32
      %add3A_320 = arith.addi %mul3A_318, %add3A_319 : i32
      %mul3A_321 = arith.constant 4 : i32
      %mul3A_322 = arith.muli %add3A_320, %mul3A_321 : i32
      %add3A_323 = arith.addi %mul3A_45, %mul3A_322 : i32
      %dma_wait3A_324 = arith.constant 0 : i32
      %dma_wait3A_325 = arith.constant 1 : i32
      %dma_wait3A_326 = arith.constant 0 : i32
      %dma_wait3A_327 = arith.constant 0 : i32
      %dma_wait3A_328 = tpu.memref_slice %arg5[%dma_wait3A_325, %dma_wait3A_326, %dma_wait3A_327] : memref<2x4x128xi32, #tpu.memory_space<vmem>> -> memref<1x4x128xi32, #tpu.memory_space<vmem>>
      %dma_wait3A_329 = tpu.memref_squeeze %dma_wait3A_328 : memref<1x4x128xi32, #tpu.memory_space<vmem>> -> memref<4x128xi32, #tpu.memory_space<vmem>>
      %dma_wait3A_330 = arith.constant 0 : i32
      %dma_wait3A_331 = tpu.memref_slice %arg2[%dma_wait3A_324, %add3A_323, %dma_wait3A_330] : memref<2x25000x128xi32, #tpu.memory_space<hbm>> -> memref<1x4x128xi32, #tpu.memory_space<hbm>>
      %dma_wait3A_332 = tpu.memref_squeeze %dma_wait3A_331 : memref<1x4x128xi32, #tpu.memory_space<hbm>> -> memref<4x128xi32, #tpu.memory_space<hbm>>
      %dma_wait3A_333 = arith.constant 0 : i32
      %dma_wait3A_334 = arith.constant 0 : i32
      %dma_wait3A_335 = tpu.memref_slice %arg5[%dma_wait3A_325, %dma_wait3A_333, %dma_wait3A_334] : memref<2x4x128xi32, #tpu.memory_space<vmem>> -> memref<1x4x128xi32, #tpu.memory_space<vmem>>
      %dma_wait3A_336 = tpu.memref_squeeze %dma_wait3A_335 : memref<1x4x128xi32, #tpu.memory_space<vmem>> -> memref<4x128xi32, #tpu.memory_space<vmem>>
      %dma_wait3A_337 = arith.constant 0 : i32
      %dma_wait3A_338 = tpu.memref_slice %arg2[%dma_wait3A_324, %add3A_323, %dma_wait3A_337] : memref<2x25000x128xi32, #tpu.memory_space<hbm>> -> memref<1x4x128xi32, #tpu.memory_space<hbm>>
      %dma_wait3A_339 = tpu.memref_squeeze %dma_wait3A_338 : memref<1x4x128xi32, #tpu.memory_space<hbm>> -> memref<4x128xi32, #tpu.memory_space<hbm>>
      tpu.wait_dma2 semaphore(%arg11 : memref<!tpu.dma_semaphore, #tpu.memory_space<semaphore_mem>>) src(%dma_wait3A_339 : memref<4x128xi32, #tpu.memory_space<hbm>>) dst(%dma_wait3A_336 : memref<4x128xi32, #tpu.memory_space<vmem>>)
      %dma_wait3A_340 = arith.constant 1 : i32
      %dma_wait3A_341 = arith.constant 1 : i32
      %dma_wait3A_342 = arith.constant 0 : i32
      %dma_wait3A_343 = arith.constant 0 : i32
      %dma_wait3A_344 = tpu.memref_slice %arg6[%dma_wait3A_341, %dma_wait3A_342, %dma_wait3A_343] : memref<2x4x128xi32, #tpu.memory_space<vmem>> -> memref<1x4x128xi32, #tpu.memory_space<vmem>>
      %dma_wait3A_345 = tpu.memref_squeeze %dma_wait3A_344 : memref<1x4x128xi32, #tpu.memory_space<vmem>> -> memref<4x128xi32, #tpu.memory_space<vmem>>
      %dma_wait3A_346 = arith.constant 0 : i32
      %dma_wait3A_347 = tpu.memref_slice %arg2[%dma_wait3A_340, %add3A_323, %dma_wait3A_346] : memref<2x25000x128xi32, #tpu.memory_space<hbm>> -> memref<1x4x128xi32, #tpu.memory_space<hbm>>
      %dma_wait3A_348 = tpu.memref_squeeze %dma_wait3A_347 : memref<1x4x128xi32, #tpu.memory_space<hbm>> -> memref<4x128xi32, #tpu.memory_space<hbm>>
      %dma_wait3A_349 = arith.constant 0 : i32
      %dma_wait3A_350 = arith.constant 0 : i32
      %dma_wait3A_351 = tpu.memref_slice %arg6[%dma_wait3A_341, %dma_wait3A_349, %dma_wait3A_350] : memref<2x4x128xi32, #tpu.memory_space<vmem>> -> memref<1x4x128xi32, #tpu.memory_space<vmem>>
      %dma_wait3A_352 = tpu.memref_squeeze %dma_wait3A_351 : memref<1x4x128xi32, #tpu.memory_space<vmem>> -> memref<4x128xi32, #tpu.memory_space<vmem>>
      %dma_wait3A_353 = arith.constant 0 : i32
      %dma_wait3A_354 = tpu.memref_slice %arg2[%dma_wait3A_340, %add3A_323, %dma_wait3A_353] : memref<2x25000x128xi32, #tpu.memory_space<hbm>> -> memref<1x4x128xi32, #tpu.memory_space<hbm>>
      %dma_wait3A_355 = tpu.memref_squeeze %dma_wait3A_354 : memref<1x4x128xi32, #tpu.memory_space<hbm>> -> memref<4x128xi32, #tpu.memory_space<hbm>>
      tpu.wait_dma2 semaphore(%arg11 : memref<!tpu.dma_semaphore, #tpu.memory_space<semaphore_mem>>) src(%dma_wait3A_355 : memref<4x128xi32, #tpu.memory_space<hbm>>) dst(%dma_wait3A_352 : memref<4x128xi32, #tpu.memory_space<vmem>>)
      %dma_start3A_356 = arith.constant 1 : i32
      %dma_start3A_357 = arith.constant 0 : i32
      %dma_start3A_358 = arith.constant 1 : i32
      %dma_start3A_359 = arith.constant 0 : i32
      %dma_start3A_360 = arith.constant 0 : i32
      %dma_start3A_361 = arith.constant 0 : i32
      %dma_start3A_362 = tpu.memref_slice %arg7[%dma_start3A_358, %dma_start3A_359, %dma_start3A_360, %dma_start3A_361] : memref<2x4x128x16xf32, #tpu.memory_space<vmem>> -> memref<1x1x128x16xf32, #tpu.memory_space<vmem>>
      %dma_start3A_363 = tpu.memref_squeeze %dma_start3A_362 : memref<1x1x128x16xf32, #tpu.memory_space<vmem>> -> memref<128x16xf32, #tpu.memory_space<vmem>>
      %dma_start3A_364 = arith.constant 0 : i32
      %dma_start3A_365 = tpu.memref_slice %arg5[%dma_start3A_356, %dma_start3A_357, %dma_start3A_364] : memref<2x4x128xi32, #tpu.memory_space<vmem>> -> memref<1x1x128xi32, #tpu.memory_space<vmem>>
      %dma_start3A_366 = tpu.memref_squeeze %dma_start3A_365 : memref<1x1x128xi32, #tpu.memory_space<vmem>> -> memref<128xi32, #tpu.memory_space<vmem>>
      %dma_start3A_367 = arith.constant 0 : i32
      %dma_start3A_368 = arith.constant 0 : i32
      %dma_start3A_369 = tpu.memref_slice %arg3[%dma_start3A_367, %dma_start3A_368] : memref<100096x16xf32, #tpu.memory_space<hbm>> -> memref<100096x16xf32, #tpu.memory_space<hbm>>
      tpu.enqueue_indirect_dma source(%dma_start3A_369 : memref<100096x16xf32, #tpu.memory_space<hbm>>) target(%dma_start3A_363 : memref<128x16xf32, #tpu.memory_space<vmem>>) offsets(%dma_start3A_366 : memref<128xi32, #tpu.memory_space<vmem>>) semaphore(%arg13 : memref<!tpu.dma_semaphore, #tpu.memory_space<semaphore_mem>>)
      %dma_start3A_370 = arith.constant 1 : i32
      %dma_start3A_371 = arith.constant 1 : i32
      %dma_start3A_372 = arith.constant 1 : i32
      %dma_start3A_373 = arith.constant 1 : i32
      %dma_start3A_374 = arith.constant 0 : i32
      %dma_start3A_375 = arith.constant 0 : i32
      %dma_start3A_376 = tpu.memref_slice %arg7[%dma_start3A_372, %dma_start3A_373, %dma_start3A_374, %dma_start3A_375] : memref<2x4x128x16xf32, #tpu.memory_space<vmem>> -> memref<1x1x128x16xf32, #tpu.memory_space<vmem>>
      %dma_start3A_377 = tpu.memref_squeeze %dma_start3A_376 : memref<1x1x128x16xf32, #tpu.memory_space<vmem>> -> memref<128x16xf32, #tpu.memory_space<vmem>>
      %dma_start3A_378 = arith.constant 0 : i32
      %dma_start3A_379 = tpu.memref_slice %arg5[%dma_start3A_370, %dma_start3A_371, %dma_start3A_378] : memref<2x4x128xi32, #tpu.memory_space<vmem>> -> memref<1x1x128xi32, #tpu.memory_space<vmem>>
      %dma_start3A_380 = tpu.memref_squeeze %dma_start3A_379 : memref<1x1x128xi32, #tpu.memory_space<vmem>> -> memref<128xi32, #tpu.memory_space<vmem>>
      %dma_start3A_381 = arith.constant 0 : i32
      %dma_start3A_382 = arith.constant 0 : i32
      %dma_start3A_383 = tpu.memref_slice %arg3[%dma_start3A_381, %dma_start3A_382] : memref<100096x16xf32, #tpu.memory_space<hbm>> -> memref<100096x16xf32, #tpu.memory_space<hbm>>
      tpu.enqueue_indirect_dma source(%dma_start3A_383 : memref<100096x16xf32, #tpu.memory_space<hbm>>) target(%dma_start3A_377 : memref<128x16xf32, #tpu.memory_space<vmem>>) offsets(%dma_start3A_380 : memref<128xi32, #tpu.memory_space<vmem>>) semaphore(%arg13 : memref<!tpu.dma_semaphore, #tpu.memory_space<semaphore_mem>>)
      %dma_start3A_384 = arith.constant 1 : i32
      %dma_start3A_385 = arith.constant 2 : i32
      %dma_start3A_386 = arith.constant 1 : i32
      %dma_start3A_387 = arith.constant 2 : i32
      %dma_start3A_388 = arith.constant 0 : i32
      %dma_start3A_389 = arith.constant 0 : i32
      %dma_start3A_390 = tpu.memref_slice %arg7[%dma_start3A_386, %dma_start3A_387, %dma_start3A_388, %dma_start3A_389] : memref<2x4x128x16xf32, #tpu.memory_space<vmem>> -> memref<1x1x128x16xf32, #tpu.memory_space<vmem>>
      %dma_start3A_391 = tpu.memref_squeeze %dma_start3A_390 : memref<1x1x128x16xf32, #tpu.memory_space<vmem>> -> memref<128x16xf32, #tpu.memory_space<vmem>>
      %dma_start3A_392 = arith.constant 0 : i32
      %dma_start3A_393 = tpu.memref_slice %arg5[%dma_start3A_384, %dma_start3A_385, %dma_start3A_392] : memref<2x4x128xi32, #tpu.memory_space<vmem>> -> memref<1x1x128xi32, #tpu.memory_space<vmem>>
      %dma_start3A_394 = tpu.memref_squeeze %dma_start3A_393 : memref<1x1x128xi32, #tpu.memory_space<vmem>> -> memref<128xi32, #tpu.memory_space<vmem>>
      %dma_start3A_395 = arith.constant 0 : i32
      %dma_start3A_396 = arith.constant 0 : i32
      %dma_start3A_397 = tpu.memref_slice %arg3[%dma_start3A_395, %dma_start3A_396] : memref<100096x16xf32, #tpu.memory_space<hbm>> -> memref<100096x16xf32, #tpu.memory_space<hbm>>
      tpu.enqueue_indirect_dma source(%dma_start3A_397 : memref<100096x16xf32, #tpu.memory_space<hbm>>) target(%dma_start3A_391 : memref<128x16xf32, #tpu.memory_space<vmem>>) offsets(%dma_start3A_394 : memref<128xi32, #tpu.memory_space<vmem>>) semaphore(%arg13 : memref<!tpu.dma_semaphore, #tpu.memory_space<semaphore_mem>>)
      %dma_start3A_398 = arith.constant 1 : i32
      %dma_start3A_399 = arith.constant 3 : i32
      %dma_start3A_400 = arith.constant 1 : i32
      %dma_start3A_401 = arith.constant 3 : i32
      %dma_start3A_402 = arith.constant 0 : i32
      %dma_start3A_403 = arith.constant 0 : i32
      %dma_start3A_404 = tpu.memref_slice %arg7[%dma_start3A_400, %dma_start3A_401, %dma_start3A_402, %dma_start3A_403] : memref<2x4x128x16xf32, #tpu.memory_space<vmem>> -> memref<1x1x128x16xf32, #tpu.memory_space<vmem>>
      %dma_start3A_405 = tpu.memref_squeeze %dma_start3A_404 : memref<1x1x128x16xf32, #tpu.memory_space<vmem>> -> memref<128x16xf32, #tpu.memory_space<vmem>>
      %dma_start3A_406 = arith.constant 0 : i32
      %dma_start3A_407 = tpu.memref_slice %arg5[%dma_start3A_398, %dma_start3A_399, %dma_start3A_406] : memref<2x4x128xi32, #tpu.memory_space<vmem>> -> memref<1x1x128xi32, #tpu.memory_space<vmem>>
      %dma_start3A_408 = tpu.memref_squeeze %dma_start3A_407 : memref<1x1x128xi32, #tpu.memory_space<vmem>> -> memref<128xi32, #tpu.memory_space<vmem>>
      %dma_start3A_409 = arith.constant 0 : i32
      %dma_start3A_410 = arith.constant 0 : i32
      %dma_start3A_411 = tpu.memref_slice %arg3[%dma_start3A_409, %dma_start3A_410] : memref<100096x16xf32, #tpu.memory_space<hbm>> -> memref<100096x16xf32, #tpu.memory_space<hbm>>
      tpu.enqueue_indirect_dma source(%dma_start3A_411 : memref<100096x16xf32, #tpu.memory_space<hbm>>) target(%dma_start3A_405 : memref<128x16xf32, #tpu.memory_space<vmem>>) offsets(%dma_start3A_408 : memref<128xi32, #tpu.memory_space<vmem>>) semaphore(%arg13 : memref<!tpu.dma_semaphore, #tpu.memory_space<semaphore_mem>>)
      %dma_wait3A_412 = arith.constant 0 : i32
      %dma_wait3A_413 = arith.constant 0 : i32
      %dma_wait3A_414 = arith.constant 0 : i32
      %dma_wait3A_415 = arith.constant 0 : i32
      %dma_wait3A_416 = arith.constant 0 : i32
      %dma_wait3A_417 = arith.constant 0 : i32
      %dma_wait3A_418 = tpu.memref_slice %arg7[%dma_wait3A_414, %dma_wait3A_415, %dma_wait3A_416, %dma_wait3A_417] : memref<2x4x128x16xf32, #tpu.memory_space<vmem>> -> memref<1x1x128x16xf32, #tpu.memory_space<vmem>>
      %dma_wait3A_419 = tpu.memref_squeeze %dma_wait3A_418 : memref<1x1x128x16xf32, #tpu.memory_space<vmem>> -> memref<128x16xf32, #tpu.memory_space<vmem>>
      %dma_wait3A_420 = arith.constant 0 : i32
      %dma_wait3A_421 = tpu.memref_slice %arg5[%dma_wait3A_412, %dma_wait3A_413, %dma_wait3A_420] : memref<2x4x128xi32, #tpu.memory_space<vmem>> -> memref<1x1x128xi32, #tpu.memory_space<vmem>>
      %dma_wait3A_422 = tpu.memref_squeeze %dma_wait3A_421 : memref<1x1x128xi32, #tpu.memory_space<vmem>> -> memref<128xi32, #tpu.memory_space<vmem>>
      %dma_wait3A_423 = arith.constant 0 : i32
      %dma_wait3A_424 = arith.constant 0 : i32
      %dma_wait3A_425 = tpu.memref_slice %arg3[%dma_wait3A_423, %dma_wait3A_424] : memref<100096x16xf32, #tpu.memory_space<hbm>> -> memref<100096x16xf32, #tpu.memory_space<hbm>>
      tpu.wait_indirect_dma semaphore(%arg12 : memref<!tpu.dma_semaphore, #tpu.memory_space<semaphore_mem>>) src(%dma_wait3A_425 : memref<100096x16xf32, #tpu.memory_space<hbm>>) dst(%dma_wait3A_419 : memref<128x16xf32, #tpu.memory_space<vmem>>)
      %dma_wait3A_426 = arith.constant 0 : i32
      %dma_wait3A_427 = arith.constant 1 : i32
      %dma_wait3A_428 = arith.constant 0 : i32
      %dma_wait3A_429 = arith.constant 1 : i32
      %dma_wait3A_430 = arith.constant 0 : i32
      %dma_wait3A_431 = arith.constant 0 : i32
      %dma_wait3A_432 = tpu.memref_slice %arg7[%dma_wait3A_428, %dma_wait3A_429, %dma_wait3A_430, %dma_wait3A_431] : memref<2x4x128x16xf32, #tpu.memory_space<vmem>> -> memref<1x1x128x16xf32, #tpu.memory_space<vmem>>
      %dma_wait3A_433 = tpu.memref_squeeze %dma_wait3A_432 : memref<1x1x128x16xf32, #tpu.memory_space<vmem>> -> memref<128x16xf32, #tpu.memory_space<vmem>>
      %dma_wait3A_434 = arith.constant 0 : i32
      %dma_wait3A_435 = tpu.memref_slice %arg5[%dma_wait3A_426, %dma_wait3A_427, %dma_wait3A_434] : memref<2x4x128xi32, #tpu.memory_space<vmem>> -> memref<1x1x128xi32, #tpu.memory_space<vmem>>
      %dma_wait3A_436 = tpu.memref_squeeze %dma_wait3A_435 : memref<1x1x128xi32, #tpu.memory_space<vmem>> -> memref<128xi32, #tpu.memory_space<vmem>>
      %dma_wait3A_437 = arith.constant 0 : i32
      %dma_wait3A_438 = arith.constant 0 : i32
      %dma_wait3A_439 = tpu.memref_slice %arg3[%dma_wait3A_437, %dma_wait3A_438] : memref<100096x16xf32, #tpu.memory_space<hbm>> -> memref<100096x16xf32, #tpu.memory_space<hbm>>
      tpu.wait_indirect_dma semaphore(%arg12 : memref<!tpu.dma_semaphore, #tpu.memory_space<semaphore_mem>>) src(%dma_wait3A_439 : memref<100096x16xf32, #tpu.memory_space<hbm>>) dst(%dma_wait3A_433 : memref<128x16xf32, #tpu.memory_space<vmem>>)
      %dma_wait3A_440 = arith.constant 0 : i32
      %dma_wait3A_441 = arith.constant 2 : i32
      %dma_wait3A_442 = arith.constant 0 : i32
      %dma_wait3A_443 = arith.constant 2 : i32
      %dma_wait3A_444 = arith.constant 0 : i32
      %dma_wait3A_445 = arith.constant 0 : i32
      %dma_wait3A_446 = tpu.memref_slice %arg7[%dma_wait3A_442, %dma_wait3A_443, %dma_wait3A_444, %dma_wait3A_445] : memref<2x4x128x16xf32, #tpu.memory_space<vmem>> -> memref<1x1x128x16xf32, #tpu.memory_space<vmem>>
      %dma_wait3A_447 = tpu.memref_squeeze %dma_wait3A_446 : memref<1x1x128x16xf32, #tpu.memory_space<vmem>> -> memref<128x16xf32, #tpu.memory_space<vmem>>
      %dma_wait3A_448 = arith.constant 0 : i32
      %dma_wait3A_449 = tpu.memref_slice %arg5[%dma_wait3A_440, %dma_wait3A_441, %dma_wait3A_448] : memref<2x4x128xi32, #tpu.memory_space<vmem>> -> memref<1x1x128xi32, #tpu.memory_space<vmem>>
      %dma_wait3A_450 = tpu.memref_squeeze %dma_wait3A_449 : memref<1x1x128xi32, #tpu.memory_space<vmem>> -> memref<128xi32, #tpu.memory_space<vmem>>
      %dma_wait3A_451 = arith.constant 0 : i32
      %dma_wait3A_452 = arith.constant 0 : i32
      %dma_wait3A_453 = tpu.memref_slice %arg3[%dma_wait3A_451, %dma_wait3A_452] : memref<100096x16xf32, #tpu.memory_space<hbm>> -> memref<100096x16xf32, #tpu.memory_space<hbm>>
      tpu.wait_indirect_dma semaphore(%arg12 : memref<!tpu.dma_semaphore, #tpu.memory_space<semaphore_mem>>) src(%dma_wait3A_453 : memref<100096x16xf32, #tpu.memory_space<hbm>>) dst(%dma_wait3A_447 : memref<128x16xf32, #tpu.memory_space<vmem>>)
      %dma_wait3A_454 = arith.constant 0 : i32
      %dma_wait3A_455 = arith.constant 3 : i32
      %dma_wait3A_456 = arith.constant 0 : i32
      %dma_wait3A_457 = arith.constant 3 : i32
      %dma_wait3A_458 = arith.constant 0 : i32
      %dma_wait3A_459 = arith.constant 0 : i32
      %dma_wait3A_460 = tpu.memref_slice %arg7[%dma_wait3A_456, %dma_wait3A_457, %dma_wait3A_458, %dma_wait3A_459] : memref<2x4x128x16xf32, #tpu.memory_space<vmem>> -> memref<1x1x128x16xf32, #tpu.memory_space<vmem>>
      %dma_wait3A_461 = tpu.memref_squeeze %dma_wait3A_460 : memref<1x1x128x16xf32, #tpu.memory_space<vmem>> -> memref<128x16xf32, #tpu.memory_space<vmem>>
      %dma_wait3A_462 = arith.constant 0 : i32
      %dma_wait3A_463 = tpu.memref_slice %arg5[%dma_wait3A_454, %dma_wait3A_455, %dma_wait3A_462] : memref<2x4x128xi32, #tpu.memory_space<vmem>> -> memref<1x1x128xi32, #tpu.memory_space<vmem>>
      %dma_wait3A_464 = tpu.memref_squeeze %dma_wait3A_463 : memref<1x1x128xi32, #tpu.memory_space<vmem>> -> memref<128xi32, #tpu.memory_space<vmem>>
      %dma_wait3A_465 = arith.constant 0 : i32
      %dma_wait3A_466 = arith.constant 0 : i32
      %dma_wait3A_467 = tpu.memref_slice %arg3[%dma_wait3A_465, %dma_wait3A_466] : memref<100096x16xf32, #tpu.memory_space<hbm>> -> memref<100096x16xf32, #tpu.memory_space<hbm>>
      tpu.wait_indirect_dma semaphore(%arg12 : memref<!tpu.dma_semaphore, #tpu.memory_space<semaphore_mem>>) src(%dma_wait3A_467 : memref<100096x16xf32, #tpu.memory_space<hbm>>) dst(%dma_wait3A_461 : memref<128x16xf32, #tpu.memory_space<vmem>>)
      %run_scoped3A_468 = arith.constant 0 : i32
      %run_scoped3A_469 = arith.constant 0 : i32
      %run_scoped3A_470 = arith.constant 0 : i32
      %run_scoped3A_471 = arith.constant 0 : i32
      "tpu.region"() ({
        %run_scoped3A_490 = tpu.sem_alloc : memref<!tpu.dma_semaphore, #tpu.memory_space<semaphore_mem>>
        %dma_start3A_491 = arith.constant 0 : i32
        %dma_start3A_492 = arith.constant 0 : i32
        %dma_start3A_493 = tpu.memref_slice %arg7[%run_scoped3A_468, %run_scoped3A_469, %dma_start3A_491, %dma_start3A_492] : memref<2x4x128x16xf32, #tpu.memory_space<vmem>> -> memref<1x1x128x16xf32, #tpu.memory_space<vmem>>
        %dma_start3A_494 = tpu.memref_squeeze %dma_start3A_493 : memref<1x1x128x16xf32, #tpu.memory_space<vmem>> -> memref<128x16xf32, #tpu.memory_space<vmem>>
        %dma_start3A_495 = arith.constant 0 : i32
        %dma_start3A_496 = tpu.memref_slice %arg6[%run_scoped3A_470, %run_scoped3A_471, %dma_start3A_495] : memref<2x4x128xi32, #tpu.memory_space<vmem>> -> memref<1x1x128xi32, #tpu.memory_space<vmem>>
        %dma_start3A_497 = tpu.memref_squeeze %dma_start3A_496 : memref<1x1x128xi32, #tpu.memory_space<vmem>> -> memref<128xi32, #tpu.memory_space<vmem>>
        %dma_start3A_498 = arith.constant 0 : i32
        %dma_start3A_499 = arith.constant 0 : i32
        %dma_start3A_500 = tpu.memref_slice %arg9[%dma_start3A_498, %dma_start3A_499] : memref<100096x16xf32, #tpu.memory_space<vmem_shared>> -> memref<100096x16xf32, #tpu.memory_space<vmem_shared>>
        tpu.enqueue_indirect_dma source(%dma_start3A_494 : memref<128x16xf32, #tpu.memory_space<vmem>>) target(%dma_start3A_500 : memref<100096x16xf32, #tpu.memory_space<vmem_shared>>) offsets(%dma_start3A_497 : memref<128xi32, #tpu.memory_space<vmem>>) semaphore(%run_scoped3A_490 : memref<!tpu.dma_semaphore, #tpu.memory_space<semaphore_mem>>) {add = true}
        %dma_wait3A_501 = arith.constant 0 : i32
        %dma_wait3A_502 = arith.constant 0 : i32
        %dma_wait3A_503 = tpu.memref_slice %arg7[%run_scoped3A_468, %run_scoped3A_469, %dma_wait3A_501, %dma_wait3A_502] : memref<2x4x128x16xf32, #tpu.memory_space<vmem>> -> memref<1x1x128x16xf32, #tpu.memory_space<vmem>>
        %dma_wait3A_504 = tpu.memref_squeeze %dma_wait3A_503 : memref<1x1x128x16xf32, #tpu.memory_space<vmem>> -> memref<128x16xf32, #tpu.memory_space<vmem>>
        %dma_wait3A_505 = arith.constant 0 : i32
        %dma_wait3A_506 = tpu.memref_slice %arg6[%run_scoped3A_470, %run_scoped3A_471, %dma_wait3A_505] : memref<2x4x128xi32, #tpu.memory_space<vmem>> -> memref<1x1x128xi32, #tpu.memory_space<vmem>>
        %dma_wait3A_507 = tpu.memref_squeeze %dma_wait3A_506 : memref<1x1x128xi32, #tpu.memory_space<vmem>> -> memref<128xi32, #tpu.memory_space<vmem>>
        %dma_wait3A_508 = arith.constant 0 : i32
        %dma_wait3A_509 = arith.constant 0 : i32
        %dma_wait3A_510 = tpu.memref_slice %arg9[%dma_wait3A_508, %dma_wait3A_509] : memref<100096x16xf32, #tpu.memory_space<vmem_shared>> -> memref<100096x16xf32, #tpu.memory_space<vmem_shared>>
        tpu.wait_indirect_dma semaphore(%run_scoped3A_490 : memref<!tpu.dma_semaphore, #tpu.memory_space<semaphore_mem>>) src(%dma_wait3A_504 : memref<128x16xf32, #tpu.memory_space<vmem>>) dst(%dma_wait3A_510 : memref<100096x16xf32, #tpu.memory_space<vmem_shared>>)
        tpu.yield
      }) : () -> ()
      %run_scoped3A_472 = arith.constant 0 : i32
      %run_scoped3A_473 = arith.constant 1 : i32
      %run_scoped3A_474 = arith.constant 0 : i32
      %run_scoped3A_475 = arith.constant 1 : i32
      "tpu.region"() ({
        %run_scoped3A_490 = tpu.sem_alloc : memref<!tpu.dma_semaphore, #tpu.memory_space<semaphore_mem>>
        %dma_start3A_491 = arith.constant 0 : i32
        %dma_start3A_492 = arith.constant 0 : i32
        %dma_start3A_493 = tpu.memref_slice %arg7[%run_scoped3A_472, %run_scoped3A_473, %dma_start3A_491, %dma_start3A_492] : memref<2x4x128x16xf32, #tpu.memory_space<vmem>> -> memref<1x1x128x16xf32, #tpu.memory_space<vmem>>
        %dma_start3A_494 = tpu.memref_squeeze %dma_start3A_493 : memref<1x1x128x16xf32, #tpu.memory_space<vmem>> -> memref<128x16xf32, #tpu.memory_space<vmem>>
        %dma_start3A_495 = arith.constant 0 : i32
        %dma_start3A_496 = tpu.memref_slice %arg6[%run_scoped3A_474, %run_scoped3A_475, %dma_start3A_495] : memref<2x4x128xi32, #tpu.memory_space<vmem>> -> memref<1x1x128xi32, #tpu.memory_space<vmem>>
        %dma_start3A_497 = tpu.memref_squeeze %dma_start3A_496 : memref<1x1x128xi32, #tpu.memory_space<vmem>> -> memref<128xi32, #tpu.memory_space<vmem>>
        %dma_start3A_498 = arith.constant 0 : i32
        %dma_start3A_499 = arith.constant 0 : i32
        %dma_start3A_500 = tpu.memref_slice %arg9[%dma_start3A_498, %dma_start3A_499] : memref<100096x16xf32, #tpu.memory_space<vmem_shared>> -> memref<100096x16xf32, #tpu.memory_space<vmem_shared>>
        tpu.enqueue_indirect_dma source(%dma_start3A_494 : memref<128x16xf32, #tpu.memory_space<vmem>>) target(%dma_start3A_500 : memref<100096x16xf32, #tpu.memory_space<vmem_shared>>) offsets(%dma_start3A_497 : memref<128xi32, #tpu.memory_space<vmem>>) semaphore(%run_scoped3A_490 : memref<!tpu.dma_semaphore, #tpu.memory_space<semaphore_mem>>) {add = true}
        %dma_wait3A_501 = arith.constant 0 : i32
        %dma_wait3A_502 = arith.constant 0 : i32
        %dma_wait3A_503 = tpu.memref_slice %arg7[%run_scoped3A_472, %run_scoped3A_473, %dma_wait3A_501, %dma_wait3A_502] : memref<2x4x128x16xf32, #tpu.memory_space<vmem>> -> memref<1x1x128x16xf32, #tpu.memory_space<vmem>>
        %dma_wait3A_504 = tpu.memref_squeeze %dma_wait3A_503 : memref<1x1x128x16xf32, #tpu.memory_space<vmem>> -> memref<128x16xf32, #tpu.memory_space<vmem>>
        %dma_wait3A_505 = arith.constant 0 : i32
        %dma_wait3A_506 = tpu.memref_slice %arg6[%run_scoped3A_474, %run_scoped3A_475, %dma_wait3A_505] : memref<2x4x128xi32, #tpu.memory_space<vmem>> -> memref<1x1x128xi32, #tpu.memory_space<vmem>>
        %dma_wait3A_507 = tpu.memref_squeeze %dma_wait3A_506 : memref<1x1x128xi32, #tpu.memory_space<vmem>> -> memref<128xi32, #tpu.memory_space<vmem>>
        %dma_wait3A_508 = arith.constant 0 : i32
        %dma_wait3A_509 = arith.constant 0 : i32
        %dma_wait3A_510 = tpu.memref_slice %arg9[%dma_wait3A_508, %dma_wait3A_509] : memref<100096x16xf32, #tpu.memory_space<vmem_shared>> -> memref<100096x16xf32, #tpu.memory_space<vmem_shared>>
        tpu.wait_indirect_dma semaphore(%run_scoped3A_490 : memref<!tpu.dma_semaphore, #tpu.memory_space<semaphore_mem>>) src(%dma_wait3A_504 : memref<128x16xf32, #tpu.memory_space<vmem>>) dst(%dma_wait3A_510 : memref<100096x16xf32, #tpu.memory_space<vmem_shared>>)
        tpu.yield
      }) : () -> ()
      %run_scoped3A_476 = arith.constant 0 : i32
      %run_scoped3A_477 = arith.constant 2 : i32
      %run_scoped3A_478 = arith.constant 0 : i32
      %run_scoped3A_479 = arith.constant 2 : i32
      "tpu.region"() ({
        %run_scoped3A_490 = tpu.sem_alloc : memref<!tpu.dma_semaphore, #tpu.memory_space<semaphore_mem>>
        %dma_start3A_491 = arith.constant 0 : i32
        %dma_start3A_492 = arith.constant 0 : i32
        %dma_start3A_493 = tpu.memref_slice %arg7[%run_scoped3A_476, %run_scoped3A_477, %dma_start3A_491, %dma_start3A_492] : memref<2x4x128x16xf32, #tpu.memory_space<vmem>> -> memref<1x1x128x16xf32, #tpu.memory_space<vmem>>
        %dma_start3A_494 = tpu.memref_squeeze %dma_start3A_493 : memref<1x1x128x16xf32, #tpu.memory_space<vmem>> -> memref<128x16xf32, #tpu.memory_space<vmem>>
        %dma_start3A_495 = arith.constant 0 : i32
        %dma_start3A_496 = tpu.memref_slice %arg6[%run_scoped3A_478, %run_scoped3A_479, %dma_start3A_495] : memref<2x4x128xi32, #tpu.memory_space<vmem>> -> memref<1x1x128xi32, #tpu.memory_space<vmem>>
        %dma_start3A_497 = tpu.memref_squeeze %dma_start3A_496 : memref<1x1x128xi32, #tpu.memory_space<vmem>> -> memref<128xi32, #tpu.memory_space<vmem>>
        %dma_start3A_498 = arith.constant 0 : i32
        %dma_start3A_499 = arith.constant 0 : i32
        %dma_start3A_500 = tpu.memref_slice %arg9[%dma_start3A_498, %dma_start3A_499] : memref<100096x16xf32, #tpu.memory_space<vmem_shared>> -> memref<100096x16xf32, #tpu.memory_space<vmem_shared>>
        tpu.enqueue_indirect_dma source(%dma_start3A_494 : memref<128x16xf32, #tpu.memory_space<vmem>>) target(%dma_start3A_500 : memref<100096x16xf32, #tpu.memory_space<vmem_shared>>) offsets(%dma_start3A_497 : memref<128xi32, #tpu.memory_space<vmem>>) semaphore(%run_scoped3A_490 : memref<!tpu.dma_semaphore, #tpu.memory_space<semaphore_mem>>) {add = true}
        %dma_wait3A_501 = arith.constant 0 : i32
        %dma_wait3A_502 = arith.constant 0 : i32
        %dma_wait3A_503 = tpu.memref_slice %arg7[%run_scoped3A_476, %run_scoped3A_477, %dma_wait3A_501, %dma_wait3A_502] : memref<2x4x128x16xf32, #tpu.memory_space<vmem>> -> memref<1x1x128x16xf32, #tpu.memory_space<vmem>>
        %dma_wait3A_504 = tpu.memref_squeeze %dma_wait3A_503 : memref<1x1x128x16xf32, #tpu.memory_space<vmem>> -> memref<128x16xf32, #tpu.memory_space<vmem>>
        %dma_wait3A_505 = arith.constant 0 : i32
        %dma_wait3A_506 = tpu.memref_slice %arg6[%run_scoped3A_478, %run_scoped3A_479, %dma_wait3A_505] : memref<2x4x128xi32, #tpu.memory_space<vmem>> -> memref<1x1x128xi32, #tpu.memory_space<vmem>>
        %dma_wait3A_507 = tpu.memref_squeeze %dma_wait3A_506 : memref<1x1x128xi32, #tpu.memory_space<vmem>> -> memref<128xi32, #tpu.memory_space<vmem>>
        %dma_wait3A_508 = arith.constant 0 : i32
        %dma_wait3A_509 = arith.constant 0 : i32
        %dma_wait3A_510 = tpu.memref_slice %arg9[%dma_wait3A_508, %dma_wait3A_509] : memref<100096x16xf32, #tpu.memory_space<vmem_shared>> -> memref<100096x16xf32, #tpu.memory_space<vmem_shared>>
        tpu.wait_indirect_dma semaphore(%run_scoped3A_490 : memref<!tpu.dma_semaphore, #tpu.memory_space<semaphore_mem>>) src(%dma_wait3A_504 : memref<128x16xf32, #tpu.memory_space<vmem>>) dst(%dma_wait3A_510 : memref<100096x16xf32, #tpu.memory_space<vmem_shared>>)
        tpu.yield
      }) : () -> ()
      %run_scoped3A_480 = arith.constant 0 : i32
      %run_scoped3A_481 = arith.constant 3 : i32
      %run_scoped3A_482 = arith.constant 0 : i32
      %run_scoped3A_483 = arith.constant 3 : i32
      "tpu.region"() ({
        %run_scoped3A_490 = tpu.sem_alloc : memref<!tpu.dma_semaphore, #tpu.memory_space<semaphore_mem>>
        %dma_start3A_491 = arith.constant 0 : i32
        %dma_start3A_492 = arith.constant 0 : i32
        %dma_start3A_493 = tpu.memref_slice %arg7[%run_scoped3A_480, %run_scoped3A_481, %dma_start3A_491, %dma_start3A_492] : memref<2x4x128x16xf32, #tpu.memory_space<vmem>> -> memref<1x1x128x16xf32, #tpu.memory_space<vmem>>
        %dma_start3A_494 = tpu.memref_squeeze %dma_start3A_493 : memref<1x1x128x16xf32, #tpu.memory_space<vmem>> -> memref<128x16xf32, #tpu.memory_space<vmem>>
        %dma_start3A_495 = arith.constant 0 : i32
        %dma_start3A_496 = tpu.memref_slice %arg6[%run_scoped3A_482, %run_scoped3A_483, %dma_start3A_495] : memref<2x4x128xi32, #tpu.memory_space<vmem>> -> memref<1x1x128xi32, #tpu.memory_space<vmem>>
        %dma_start3A_497 = tpu.memref_squeeze %dma_start3A_496 : memref<1x1x128xi32, #tpu.memory_space<vmem>> -> memref<128xi32, #tpu.memory_space<vmem>>
        %dma_start3A_498 = arith.constant 0 : i32
        %dma_start3A_499 = arith.constant 0 : i32
        %dma_start3A_500 = tpu.memref_slice %arg9[%dma_start3A_498, %dma_start3A_499] : memref<100096x16xf32, #tpu.memory_space<vmem_shared>> -> memref<100096x16xf32, #tpu.memory_space<vmem_shared>>
        tpu.enqueue_indirect_dma source(%dma_start3A_494 : memref<128x16xf32, #tpu.memory_space<vmem>>) target(%dma_start3A_500 : memref<100096x16xf32, #tpu.memory_space<vmem_shared>>) offsets(%dma_start3A_497 : memref<128xi32, #tpu.memory_space<vmem>>) semaphore(%run_scoped3A_490 : memref<!tpu.dma_semaphore, #tpu.memory_space<semaphore_mem>>) {add = true}
        %dma_wait3A_501 = arith.constant 0 : i32
        %dma_wait3A_502 = arith.constant 0 : i32
        %dma_wait3A_503 = tpu.memref_slice %arg7[%run_scoped3A_480, %run_scoped3A_481, %dma_wait3A_501, %dma_wait3A_502] : memref<2x4x128x16xf32, #tpu.memory_space<vmem>> -> memref<1x1x128x16xf32, #tpu.memory_space<vmem>>
        %dma_wait3A_504 = tpu.memref_squeeze %dma_wait3A_503 : memref<1x1x128x16xf32, #tpu.memory_space<vmem>> -> memref<128x16xf32, #tpu.memory_space<vmem>>
        %dma_wait3A_505 = arith.constant 0 : i32
        %dma_wait3A_506 = tpu.memref_slice %arg6[%run_scoped3A_482, %run_scoped3A_483, %dma_wait3A_505] : memref<2x4x128xi32, #tpu.memory_space<vmem>> -> memref<1x1x128xi32, #tpu.memory_space<vmem>>
        %dma_wait3A_507 = tpu.memref_squeeze %dma_wait3A_506 : memref<1x1x128xi32, #tpu.memory_space<vmem>> -> memref<128xi32, #tpu.memory_space<vmem>>
        %dma_wait3A_508 = arith.constant 0 : i32
        %dma_wait3A_509 = arith.constant 0 : i32
        %dma_wait3A_510 = tpu.memref_slice %arg9[%dma_wait3A_508, %dma_wait3A_509] : memref<100096x16xf32, #tpu.memory_space<vmem_shared>> -> memref<100096x16xf32, #tpu.memory_space<vmem_shared>>
        tpu.wait_indirect_dma semaphore(%run_scoped3A_490 : memref<!tpu.dma_semaphore, #tpu.memory_space<semaphore_mem>>) src(%dma_wait3A_504 : memref<128x16xf32, #tpu.memory_space<vmem>>) dst(%dma_wait3A_510 : memref<100096x16xf32, #tpu.memory_space<vmem_shared>>)
        tpu.yield
      }) : () -> ()
      %add3A_484 = arith.constant 1 : i32
      %add3A_485 = arith.addi %add3A_320, %add3A_484 : i32
      %lt3A_486 = arith.cmpi slt, %add3A_485, %mul3A_47 : i32
      %convert_element_type3A_487 = arith.extui %lt3A_486 : i1 to i32
      %cond3A_488 = arith.constant 0 : i32
      %cond3A_489 = arith.cmpi ne, %convert_element_type3A_487, %cond3A_488 : i32
      scf.if %cond3A_489 {
        %add3A_490 = arith.constant 1 : i32
        %add3A_491 = arith.addi %add3A_320, %add3A_490 : i32
        %mul3A_492 = arith.constant 4 : i32
        %mul3A_493 = arith.muli %add3A_491, %mul3A_492 : i32
        %add3A_494 = arith.addi %mul3A_45, %mul3A_493 : i32
        %dma_start3A_495 = arith.constant 0 : i32
        %dma_start3A_496 = arith.constant 0 : i32
        %dma_start3A_497 = arith.constant 0 : i32
        %dma_start3A_498 = arith.constant 0 : i32
        %dma_start3A_499 = tpu.memref_slice %arg5[%dma_start3A_496, %dma_start3A_497, %dma_start3A_498] : memref<2x4x128xi32, #tpu.memory_space<vmem>> -> memref<1x4x128xi32, #tpu.memory_space<vmem>>
        %dma_start3A_500 = tpu.memref_squeeze %dma_start3A_499 : memref<1x4x128xi32, #tpu.memory_space<vmem>> -> memref<4x128xi32, #tpu.memory_space<vmem>>
        %dma_start3A_501 = arith.constant 0 : i32
        %dma_start3A_502 = tpu.memref_slice %arg2[%dma_start3A_495, %add3A_494, %dma_start3A_501] : memref<2x25000x128xi32, #tpu.memory_space<hbm>> -> memref<1x4x128xi32, #tpu.memory_space<hbm>>
        %dma_start3A_503 = tpu.memref_squeeze %dma_start3A_502 : memref<1x4x128xi32, #tpu.memory_space<hbm>> -> memref<4x128xi32, #tpu.memory_space<hbm>>
        %dma_start3A_504 = arith.constant 0 : i32
        %dma_start3A_505 = arith.constant 0 : i32
        %dma_start3A_506 = tpu.memref_slice %arg5[%dma_start3A_496, %dma_start3A_504, %dma_start3A_505] : memref<2x4x128xi32, #tpu.memory_space<vmem>> -> memref<1x4x128xi32, #tpu.memory_space<vmem>>
        %dma_start3A_507 = tpu.memref_squeeze %dma_start3A_506 : memref<1x4x128xi32, #tpu.memory_space<vmem>> -> memref<4x128xi32, #tpu.memory_space<vmem>>
        %dma_start3A_508 = arith.constant 0 : i32
        %dma_start3A_509 = tpu.memref_slice %arg2[%dma_start3A_495, %add3A_494, %dma_start3A_508] : memref<2x25000x128xi32, #tpu.memory_space<hbm>> -> memref<1x4x128xi32, #tpu.memory_space<hbm>>
        %dma_start3A_510 = tpu.memref_squeeze %dma_start3A_509 : memref<1x4x128xi32, #tpu.memory_space<hbm>> -> memref<4x128xi32, #tpu.memory_space<hbm>>
        tpu.enqueue_dma source(%dma_start3A_510 : memref<4x128xi32, #tpu.memory_space<hbm>>) target(%dma_start3A_507 : memref<4x128xi32, #tpu.memory_space<vmem>>) target_semaphore(%arg10 : memref<!tpu.dma_semaphore, #tpu.memory_space<semaphore_mem>>)
        %dma_start3A_511 = arith.constant 1 : i32
        %dma_start3A_512 = arith.constant 0 : i32
        %dma_start3A_513 = arith.constant 0 : i32
        %dma_start3A_514 = arith.constant 0 : i32
        %dma_start3A_515 = tpu.memref_slice %arg6[%dma_start3A_512, %dma_start3A_513, %dma_start3A_514] : memref<2x4x128xi32, #tpu.memory_space<vmem>> -> memref<1x4x128xi32, #tpu.memory_space<vmem>>
        %dma_start3A_516 = tpu.memref_squeeze %dma_start3A_515 : memref<1x4x128xi32, #tpu.memory_space<vmem>> -> memref<4x128xi32, #tpu.memory_space<vmem>>
        %dma_start3A_517 = arith.constant 0 : i32
        %dma_start3A_518 = tpu.memref_slice %arg2[%dma_start3A_511, %add3A_494, %dma_start3A_517] : memref<2x25000x128xi32, #tpu.memory_space<hbm>> -> memref<1x4x128xi32, #tpu.memory_space<hbm>>
        %dma_start3A_519 = tpu.memref_squeeze %dma_start3A_518 : memref<1x4x128xi32, #tpu.memory_space<hbm>> -> memref<4x128xi32, #tpu.memory_space<hbm>>
        %dma_start3A_520 = arith.constant 0 : i32
        %dma_start3A_521 = arith.constant 0 : i32
        %dma_start3A_522 = tpu.memref_slice %arg6[%dma_start3A_512, %dma_start3A_520, %dma_start3A_521] : memref<2x4x128xi32, #tpu.memory_space<vmem>> -> memref<1x4x128xi32, #tpu.memory_space<vmem>>
        %dma_start3A_523 = tpu.memref_squeeze %dma_start3A_522 : memref<1x4x128xi32, #tpu.memory_space<vmem>> -> memref<4x128xi32, #tpu.memory_space<vmem>>
        %dma_start3A_524 = arith.constant 0 : i32
        %dma_start3A_525 = tpu.memref_slice %arg2[%dma_start3A_511, %add3A_494, %dma_start3A_524] : memref<2x25000x128xi32, #tpu.memory_space<hbm>> -> memref<1x4x128xi32, #tpu.memory_space<hbm>>
        %dma_start3A_526 = tpu.memref_squeeze %dma_start3A_525 : memref<1x4x128xi32, #tpu.memory_space<hbm>> -> memref<4x128xi32, #tpu.memory_space<hbm>>
        tpu.enqueue_dma source(%dma_start3A_526 : memref<4x128xi32, #tpu.memory_space<hbm>>) target(%dma_start3A_523 : memref<4x128xi32, #tpu.memory_space<vmem>>) target_semaphore(%arg10 : memref<!tpu.dma_semaphore, #tpu.memory_space<semaphore_mem>>)
      } else {
      }
    }
    %while3A_106 = arith.constant 1 : i32
    scf.for %while3A_181 = %while3A_104 to %while3A_100 step %while3A_106  : i32 {
      %mul3A_182 = arith.constant 2 : i32
      %mul3A_183 = arith.muli %mul3A_182, %while3A_181 : i32
      %add3A_184 = arith.constant 0 : i32
      %add3A_185 = arith.addi %mul3A_183, %add3A_184 : i32
      %mul3A_186 = arith.constant 4 : i32
      %mul3A_187 = arith.muli %add3A_185, %mul3A_186 : i32
      %add3A_188 = arith.addi %mul3A_45, %mul3A_187 : i32
      %dma_wait3A_189 = arith.constant 0 : i32
      %dma_wait3A_190 = arith.constant 0 : i32
      %dma_wait3A_191 = arith.constant 0 : i32
      %dma_wait3A_192 = arith.constant 0 : i32
      %dma_wait3A_193 = tpu.memref_slice %arg5[%dma_wait3A_190, %dma_wait3A_191, %dma_wait3A_192] : memref<2x4x128xi32, #tpu.memory_space<vmem>> -> memref<1x4x128xi32, #tpu.memory_space<vmem>>
      %dma_wait3A_194 = tpu.memref_squeeze %dma_wait3A_193 : memref<1x4x128xi32, #tpu.memory_space<vmem>> -> memref<4x128xi32, #tpu.memory_space<vmem>>
      %dma_wait3A_195 = arith.constant 0 : i32
      %dma_wait3A_196 = tpu.memref_slice %arg2[%dma_wait3A_189, %add3A_188, %dma_wait3A_195] : memref<2x25000x128xi32, #tpu.memory_space<hbm>> -> memref<1x4x128xi32, #tpu.memory_space<hbm>>
      %dma_wait3A_197 = tpu.memref_squeeze %dma_wait3A_196 : memref<1x4x128xi32, #tpu.memory_space<hbm>> -> memref<4x128xi32, #tpu.memory_space<hbm>>
      %dma_wait3A_198 = arith.constant 0 : i32
      %dma_wait3A_199 = arith.constant 0 : i32
      %dma_wait3A_200 = tpu.memref_slice %arg5[%dma_wait3A_190, %dma_wait3A_198, %dma_wait3A_199] : memref<2x4x128xi32, #tpu.memory_space<vmem>> -> memref<1x4x128xi32, #tpu.memory_space<vmem>>
      %dma_wait3A_201 = tpu.memref_squeeze %dma_wait3A_200 : memref<1x4x128xi32, #tpu.memory_space<vmem>> -> memref<4x128xi32, #tpu.memory_space<vmem>>
      %dma_wait3A_202 = arith.constant 0 : i32
      %dma_wait3A_203 = tpu.memref_slice %arg2[%dma_wait3A_189, %add3A_188, %dma_wait3A_202] : memref<2x25000x128xi32, #tpu.memory_space<hbm>> -> memref<1x4x128xi32, #tpu.memory_space<hbm>>
      %dma_wait3A_204 = tpu.memref_squeeze %dma_wait3A_203 : memref<1x4x128xi32, #tpu.memory_space<hbm>> -> memref<4x128xi32, #tpu.memory_space<hbm>>
      tpu.wait_dma2 semaphore(%arg10 : memref<!tpu.dma_semaphore, #tpu.memory_space<semaphore_mem>>) src(%dma_wait3A_204 : memref<4x128xi32, #tpu.memory_space<hbm>>) dst(%dma_wait3A_201 : memref<4x128xi32, #tpu.memory_space<vmem>>)
      %dma_wait3A_205 = arith.constant 1 : i32
      %dma_wait3A_206 = arith.constant 0 : i32
      %dma_wait3A_207 = arith.constant 0 : i32
      %dma_wait3A_208 = arith.constant 0 : i32
      %dma_wait3A_209 = tpu.memref_slice %arg6[%dma_wait3A_206, %dma_wait3A_207, %dma_wait3A_208] : memref<2x4x128xi32, #tpu.memory_space<vmem>> -> memref<1x4x128xi32, #tpu.memory_space<vmem>>
      %dma_wait3A_210 = tpu.memref_squeeze %dma_wait3A_209 : memref<1x4x128xi32, #tpu.memory_space<vmem>> -> memref<4x128xi32, #tpu.memory_space<vmem>>
      %dma_wait3A_211 = arith.constant 0 : i32
      %dma_wait3A_212 = tpu.memref_slice %arg2[%dma_wait3A_205, %add3A_188, %dma_wait3A_211] : memref<2x25000x128xi32, #tpu.memory_space<hbm>> -> memref<1x4x128xi32, #tpu.memory_space<hbm>>
      %dma_wait3A_213 = tpu.memref_squeeze %dma_wait3A_212 : memref<1x4x128xi32, #tpu.memory_space<hbm>> -> memref<4x128xi32, #tpu.memory_space<hbm>>
      %dma_wait3A_214 = arith.constant 0 : i32
      %dma_wait3A_215 = arith.constant 0 : i32
      %dma_wait3A_216 = tpu.memref_slice %arg6[%dma_wait3A_206, %dma_wait3A_214, %dma_wait3A_215] : memref<2x4x128xi32, #tpu.memory_space<vmem>> -> memref<1x4x128xi32, #tpu.memory_space<vmem>>
      %dma_wait3A_217 = tpu.memref_squeeze %dma_wait3A_216 : memref<1x4x128xi32, #tpu.memory_space<vmem>> -> memref<4x128xi32, #tpu.memory_space<vmem>>
      %dma_wait3A_218 = arith.constant 0 : i32
      %dma_wait3A_219 = tpu.memref_slice %arg2[%dma_wait3A_205, %add3A_188, %dma_wait3A_218] : memref<2x25000x128xi32, #tpu.memory_space<hbm>> -> memref<1x4x128xi32, #tpu.memory_space<hbm>>
      %dma_wait3A_220 = tpu.memref_squeeze %dma_wait3A_219 : memref<1x4x128xi32, #tpu.memory_space<hbm>> -> memref<4x128xi32, #tpu.memory_space<hbm>>
      tpu.wait_dma2 semaphore(%arg10 : memref<!tpu.dma_semaphore, #tpu.memory_space<semaphore_mem>>) src(%dma_wait3A_220 : memref<4x128xi32, #tpu.memory_space<hbm>>) dst(%dma_wait3A_217 : memref<4x128xi32, #tpu.memory_space<vmem>>)
      %dma_start3A_221 = arith.constant 0 : i32
      %dma_start3A_222 = arith.constant 0 : i32
      %dma_start3A_223 = arith.constant 0 : i32
      %dma_start3A_224 = arith.constant 0 : i32
      %dma_start3A_225 = arith.constant 0 : i32
      %dma_start3A_226 = arith.constant 0 : i32
      %dma_start3A_227 = tpu.memref_slice %arg7[%dma_start3A_223, %dma_start3A_224, %dma_start3A_225, %dma_start3A_226] : memref<2x4x128x16xf32, #tpu.memory_space<vmem>> -> memref<1x1x128x16xf32, #tpu.memory_space<vmem>>
      %dma_start3A_228 = tpu.memref_squeeze %dma_start3A_227 : memref<1x1x128x16xf32, #tpu.memory_space<vmem>> -> memref<128x16xf32, #tpu.memory_space<vmem>>
      %dma_start3A_229 = arith.constant 0 : i32
      %dma_start3A_230 = tpu.memref_slice %arg5[%dma_start3A_221, %dma_start3A_222, %dma_start3A_229] : memref<2x4x128xi32, #tpu.memory_space<vmem>> -> memref<1x1x128xi32, #tpu.memory_space<vmem>>
      %dma_start3A_231 = tpu.memref_squeeze %dma_start3A_230 : memref<1x1x128xi32, #tpu.memory_space<vmem>> -> memref<128xi32, #tpu.memory_space<vmem>>
      %dma_start3A_232 = arith.constant 0 : i32
      %dma_start3A_233 = arith.constant 0 : i32
      %dma_start3A_234 = tpu.memref_slice %arg3[%dma_start3A_232, %dma_start3A_233] : memref<100096x16xf32, #tpu.memory_space<hbm>> -> memref<100096x16xf32, #tpu.memory_space<hbm>>
      tpu.enqueue_indirect_dma source(%dma_start3A_234 : memref<100096x16xf32, #tpu.memory_space<hbm>>) target(%dma_start3A_228 : memref<128x16xf32, #tpu.memory_space<vmem>>) offsets(%dma_start3A_231 : memref<128xi32, #tpu.memory_space<vmem>>) semaphore(%arg12 : memref<!tpu.dma_semaphore, #tpu.memory_space<semaphore_mem>>)
      %dma_start3A_235 = arith.constant 0 : i32
      %dma_start3A_236 = arith.constant 1 : i32
      %dma_start3A_237 = arith.constant 0 : i32
      %dma_start3A_238 = arith.constant 1 : i32
      %dma_start3A_239 = arith.constant 0 : i32
      %dma_start3A_240 = arith.constant 0 : i32
      %dma_start3A_241 = tpu.memref_slice %arg7[%dma_start3A_237, %dma_start3A_238, %dma_start3A_239, %dma_start3A_240] : memref<2x4x128x16xf32, #tpu.memory_space<vmem>> -> memref<1x1x128x16xf32, #tpu.memory_space<vmem>>
      %dma_start3A_242 = tpu.memref_squeeze %dma_start3A_241 : memref<1x1x128x16xf32, #tpu.memory_space<vmem>> -> memref<128x16xf32, #tpu.memory_space<vmem>>
      %dma_start3A_243 = arith.constant 0 : i32
      %dma_start3A_244 = tpu.memref_slice %arg5[%dma_start3A_235, %dma_start3A_236, %dma_start3A_243] : memref<2x4x128xi32, #tpu.memory_space<vmem>> -> memref<1x1x128xi32, #tpu.memory_space<vmem>>
      %dma_start3A_245 = tpu.memref_squeeze %dma_start3A_244 : memref<1x1x128xi32, #tpu.memory_space<vmem>> -> memref<128xi32, #tpu.memory_space<vmem>>
      %dma_start3A_246 = arith.constant 0 : i32
      %dma_start3A_247 = arith.constant 0 : i32
      %dma_start3A_248 = tpu.memref_slice %arg3[%dma_start3A_246, %dma_start3A_247] : memref<100096x16xf32, #tpu.memory_space<hbm>> -> memref<100096x16xf32, #tpu.memory_space<hbm>>
      tpu.enqueue_indirect_dma source(%dma_start3A_248 : memref<100096x16xf32, #tpu.memory_space<hbm>>) target(%dma_start3A_242 : memref<128x16xf32, #tpu.memory_space<vmem>>) offsets(%dma_start3A_245 : memref<128xi32, #tpu.memory_space<vmem>>) semaphore(%arg12 : memref<!tpu.dma_semaphore, #tpu.memory_space<semaphore_mem>>)
      %dma_start3A_249 = arith.constant 0 : i32
      %dma_start3A_250 = arith.constant 2 : i32
      %dma_start3A_251 = arith.constant 0 : i32
      %dma_start3A_252 = arith.constant 2 : i32
      %dma_start3A_253 = arith.constant 0 : i32
      %dma_start3A_254 = arith.constant 0 : i32
      %dma_start3A_255 = tpu.memref_slice %arg7[%dma_start3A_251, %dma_start3A_252, %dma_start3A_253, %dma_start3A_254] : memref<2x4x128x16xf32, #tpu.memory_space<vmem>> -> memref<1x1x128x16xf32, #tpu.memory_space<vmem>>
      %dma_start3A_256 = tpu.memref_squeeze %dma_start3A_255 : memref<1x1x128x16xf32, #tpu.memory_space<vmem>> -> memref<128x16xf32, #tpu.memory_space<vmem>>
      %dma_start3A_257 = arith.constant 0 : i32
      %dma_start3A_258 = tpu.memref_slice %arg5[%dma_start3A_249, %dma_start3A_250, %dma_start3A_257] : memref<2x4x128xi32, #tpu.memory_space<vmem>> -> memref<1x1x128xi32, #tpu.memory_space<vmem>>
      %dma_start3A_259 = tpu.memref_squeeze %dma_start3A_258 : memref<1x1x128xi32, #tpu.memory_space<vmem>> -> memref<128xi32, #tpu.memory_space<vmem>>
      %dma_start3A_260 = arith.constant 0 : i32
      %dma_start3A_261 = arith.constant 0 : i32
      %dma_start3A_262 = tpu.memref_slice %arg3[%dma_start3A_260, %dma_start3A_261] : memref<100096x16xf32, #tpu.memory_space<hbm>> -> memref<100096x16xf32, #tpu.memory_space<hbm>>
      tpu.enqueue_indirect_dma source(%dma_start3A_262 : memref<100096x16xf32, #tpu.memory_space<hbm>>) target(%dma_start3A_256 : memref<128x16xf32, #tpu.memory_space<vmem>>) offsets(%dma_start3A_259 : memref<128xi32, #tpu.memory_space<vmem>>) semaphore(%arg12 : memref<!tpu.dma_semaphore, #tpu.memory_space<semaphore_mem>>)
      %dma_start3A_263 = arith.constant 0 : i32
      %dma_start3A_264 = arith.constant 3 : i32
      %dma_start3A_265 = arith.constant 0 : i32
      %dma_start3A_266 = arith.constant 3 : i32
      %dma_start3A_267 = arith.constant 0 : i32
      %dma_start3A_268 = arith.constant 0 : i32
      %dma_start3A_269 = tpu.memref_slice %arg7[%dma_start3A_265, %dma_start3A_266, %dma_start3A_267, %dma_start3A_268] : memref<2x4x128x16xf32, #tpu.memory_space<vmem>> -> memref<1x1x128x16xf32, #tpu.memory_space<vmem>>
      %dma_start3A_270 = tpu.memref_squeeze %dma_start3A_269 : memref<1x1x128x16xf32, #tpu.memory_space<vmem>> -> memref<128x16xf32, #tpu.memory_space<vmem>>
      %dma_start3A_271 = arith.constant 0 : i32
      %dma_start3A_272 = tpu.memref_slice %arg5[%dma_start3A_263, %dma_start3A_264, %dma_start3A_271] : memref<2x4x128xi32, #tpu.memory_space<vmem>> -> memref<1x1x128xi32, #tpu.memory_space<vmem>>
      %dma_start3A_273 = tpu.memref_squeeze %dma_start3A_272 : memref<1x1x128xi32, #tpu.memory_space<vmem>> -> memref<128xi32, #tpu.memory_space<vmem>>
      %dma_start3A_274 = arith.constant 0 : i32
      %dma_start3A_275 = arith.constant 0 : i32
      %dma_start3A_276 = tpu.memref_slice %arg3[%dma_start3A_274, %dma_start3A_275] : memref<100096x16xf32, #tpu.memory_space<hbm>> -> memref<100096x16xf32, #tpu.memory_space<hbm>>
      tpu.enqueue_indirect_dma source(%dma_start3A_276 : memref<100096x16xf32, #tpu.memory_space<hbm>>) target(%dma_start3A_270 : memref<128x16xf32, #tpu.memory_space<vmem>>) offsets(%dma_start3A_273 : memref<128xi32, #tpu.memory_space<vmem>>) semaphore(%arg12 : memref<!tpu.dma_semaphore, #tpu.memory_space<semaphore_mem>>)
      %gt3A = arith.constant 0 : i32
      %gt3A_277 = arith.cmpi sgt, %while3A_181, %gt3A : i32
      %convert_element_type3A_278 = arith.extui %gt3A_277 : i1 to i32
      %cond3A = arith.constant 0 : i32
      %cond3A_279 = arith.cmpi ne, %convert_element_type3A_278, %cond3A : i32
      scf.if %cond3A_279 {
        %dma_wait3A_490 = arith.constant 1 : i32
        %dma_wait3A_491 = arith.constant 0 : i32
        %dma_wait3A_492 = arith.constant 1 : i32
        %dma_wait3A_493 = arith.constant 0 : i32
        %dma_wait3A_494 = arith.constant 0 : i32
        %dma_wait3A_495 = arith.constant 0 : i32
        %dma_wait3A_496 = tpu.memref_slice %arg7[%dma_wait3A_492, %dma_wait3A_493, %dma_wait3A_494, %dma_wait3A_495] : memref<2x4x128x16xf32, #tpu.memory_space<vmem>> -> memref<1x1x128x16xf32, #tpu.memory_space<vmem>>
        %dma_wait3A_497 = tpu.memref_squeeze %dma_wait3A_496 : memref<1x1x128x16xf32, #tpu.memory_space<vmem>> -> memref<128x16xf32, #tpu.memory_space<vmem>>
        %dma_wait3A_498 = arith.constant 0 : i32
        %dma_wait3A_499 = tpu.memref_slice %arg5[%dma_wait3A_490, %dma_wait3A_491, %dma_wait3A_498] : memref<2x4x128xi32, #tpu.memory_space<vmem>> -> memref<1x1x128xi32, #tpu.memory_space<vmem>>
        %dma_wait3A_500 = tpu.memref_squeeze %dma_wait3A_499 : memref<1x1x128xi32, #tpu.memory_space<vmem>> -> memref<128xi32, #tpu.memory_space<vmem>>
        %dma_wait3A_501 = arith.constant 0 : i32
        %dma_wait3A_502 = arith.constant 0 : i32
        %dma_wait3A_503 = tpu.memref_slice %arg3[%dma_wait3A_501, %dma_wait3A_502] : memref<100096x16xf32, #tpu.memory_space<hbm>> -> memref<100096x16xf32, #tpu.memory_space<hbm>>
        tpu.wait_indirect_dma semaphore(%arg13 : memref<!tpu.dma_semaphore, #tpu.memory_space<semaphore_mem>>) src(%dma_wait3A_503 : memref<100096x16xf32, #tpu.memory_space<hbm>>) dst(%dma_wait3A_497 : memref<128x16xf32, #tpu.memory_space<vmem>>)
        %dma_wait3A_504 = arith.constant 1 : i32
        %dma_wait3A_505 = arith.constant 1 : i32
        %dma_wait3A_506 = arith.constant 1 : i32
        %dma_wait3A_507 = arith.constant 1 : i32
        %dma_wait3A_508 = arith.constant 0 : i32
        %dma_wait3A_509 = arith.constant 0 : i32
        %dma_wait3A_510 = tpu.memref_slice %arg7[%dma_wait3A_506, %dma_wait3A_507, %dma_wait3A_508, %dma_wait3A_509] : memref<2x4x128x16xf32, #tpu.memory_space<vmem>> -> memref<1x1x128x16xf32, #tpu.memory_space<vmem>>
        %dma_wait3A_511 = tpu.memref_squeeze %dma_wait3A_510 : memref<1x1x128x16xf32, #tpu.memory_space<vmem>> -> memref<128x16xf32, #tpu.memory_space<vmem>>
        %dma_wait3A_512 = arith.constant 0 : i32
        %dma_wait3A_513 = tpu.memref_slice %arg5[%dma_wait3A_504, %dma_wait3A_505, %dma_wait3A_512] : memref<2x4x128xi32, #tpu.memory_space<vmem>> -> memref<1x1x128xi32, #tpu.memory_space<vmem>>
        %dma_wait3A_514 = tpu.memref_squeeze %dma_wait3A_513 : memref<1x1x128xi32, #tpu.memory_space<vmem>> -> memref<128xi32, #tpu.memory_space<vmem>>
        %dma_wait3A_515 = arith.constant 0 : i32
        %dma_wait3A_516 = arith.constant 0 : i32
        %dma_wait3A_517 = tpu.memref_slice %arg3[%dma_wait3A_515, %dma_wait3A_516] : memref<100096x16xf32, #tpu.memory_space<hbm>> -> memref<100096x16xf32, #tpu.memory_space<hbm>>
        tpu.wait_indirect_dma semaphore(%arg13 : memref<!tpu.dma_semaphore, #tpu.memory_space<semaphore_mem>>) src(%dma_wait3A_517 : memref<100096x16xf32, #tpu.memory_space<hbm>>) dst(%dma_wait3A_511 : memref<128x16xf32, #tpu.memory_space<vmem>>)
        %dma_wait3A_518 = arith.constant 1 : i32
        %dma_wait3A_519 = arith.constant 2 : i32
        %dma_wait3A_520 = arith.constant 1 : i32
        %dma_wait3A_521 = arith.constant 2 : i32
        %dma_wait3A_522 = arith.constant 0 : i32
        %dma_wait3A_523 = arith.constant 0 : i32
        %dma_wait3A_524 = tpu.memref_slice %arg7[%dma_wait3A_520, %dma_wait3A_521, %dma_wait3A_522, %dma_wait3A_523] : memref<2x4x128x16xf32, #tpu.memory_space<vmem>> -> memref<1x1x128x16xf32, #tpu.memory_space<vmem>>
        %dma_wait3A_525 = tpu.memref_squeeze %dma_wait3A_524 : memref<1x1x128x16xf32, #tpu.memory_space<vmem>> -> memref<128x16xf32, #tpu.memory_space<vmem>>
        %dma_wait3A_526 = arith.constant 0 : i32
        %dma_wait3A_527 = tpu.memref_slice %arg5[%dma_wait3A_518, %dma_wait3A_519, %dma_wait3A_526] : memref<2x4x128xi32, #tpu.memory_space<vmem>> -> memref<1x1x128xi32, #tpu.memory_space<vmem>>
        %dma_wait3A_528 = tpu.memref_squeeze %dma_wait3A_527 : memref<1x1x128xi32, #tpu.memory_space<vmem>> -> memref<128xi32, #tpu.memory_space<vmem>>
        %dma_wait3A_529 = arith.constant 0 : i32
        %dma_wait3A_530 = arith.constant 0 : i32
        %dma_wait3A_531 = tpu.memref_slice %arg3[%dma_wait3A_529, %dma_wait3A_530] : memref<100096x16xf32, #tpu.memory_space<hbm>> -> memref<100096x16xf32, #tpu.memory_space<hbm>>
        tpu.wait_indirect_dma semaphore(%arg13 : memref<!tpu.dma_semaphore, #tpu.memory_space<semaphore_mem>>) src(%dma_wait3A_531 : memref<100096x16xf32, #tpu.memory_space<hbm>>) dst(%dma_wait3A_525 : memref<128x16xf32, #tpu.memory_space<vmem>>)
        %dma_wait3A_532 = arith.constant 1 : i32
        %dma_wait3A_533 = arith.constant 3 : i32
        %dma_wait3A_534 = arith.constant 1 : i32
        %dma_wait3A_535 = arith.constant 3 : i32
        %dma_wait3A_536 = arith.constant 0 : i32
        %dma_wait3A_537 = arith.constant 0 : i32
        %dma_wait3A_538 = tpu.memref_slice %arg7[%dma_wait3A_534, %dma_wait3A_535, %dma_wait3A_536, %dma_wait3A_537] : memref<2x4x128x16xf32, #tpu.memory_space<vmem>> -> memref<1x1x128x16xf32, #tpu.memory_space<vmem>>
        %dma_wait3A_539 = tpu.memref_squeeze %dma_wait3A_538 : memref<1x1x128x16xf32, #tpu.memory_space<vmem>> -> memref<128x16xf32, #tpu.memory_space<vmem>>
        %dma_wait3A_540 = arith.constant 0 : i32
        %dma_wait3A_541 = tpu.memref_slice %arg5[%dma_wait3A_532, %dma_wait3A_533, %dma_wait3A_540] : memref<2x4x128xi32, #tpu.memory_space<vmem>> -> memref<1x1x128xi32, #tpu.memory_space<vmem>>
        %dma_wait3A_542 = tpu.memref_squeeze %dma_wait3A_541 : memref<1x1x128xi32, #tpu.memory_space<vmem>> -> memref<128xi32, #tpu.memory_space<vmem>>
        %dma_wait3A_543 = arith.constant 0 : i32
        %dma_wait3A_544 = arith.constant 0 : i32
        %dma_wait3A_545 = tpu.memref_slice %arg3[%dma_wait3A_543, %dma_wait3A_544] : memref<100096x16xf32, #tpu.memory_space<hbm>> -> memref<100096x16xf32, #tpu.memory_space<hbm>>
        tpu.wait_indirect_dma semaphore(%arg13 : memref<!tpu.dma_semaphore, #tpu.memory_space<semaphore_mem>>) src(%dma_wait3A_545 : memref<100096x16xf32, #tpu.memory_space<hbm>>) dst(%dma_wait3A_539 : memref<128x16xf32, #tpu.memory_space<vmem>>)
        %run_scoped3A_546 = arith.constant 1 : i32
        %run_scoped3A_547 = arith.constant 0 : i32
        %run_scoped3A_548 = arith.constant 1 : i32
        %run_scoped3A_549 = arith.constant 0 : i32
        "tpu.region"() ({
          %run_scoped3A_562 = tpu.sem_alloc : memref<!tpu.dma_semaphore, #tpu.memory_space<semaphore_mem>>
          %dma_start3A_563 = arith.constant 0 : i32
          %dma_start3A_564 = arith.constant 0 : i32
          %dma_start3A_565 = tpu.memref_slice %arg7[%run_scoped3A_546, %run_scoped3A_547, %dma_start3A_563, %dma_start3A_564] : memref<2x4x128x16xf32, #tpu.memory_space<vmem>> -> memref<1x1x128x16xf32, #tpu.memory_space<vmem>>
          %dma_start3A_566 = tpu.memref_squeeze %dma_start3A_565 : memref<1x1x128x16xf32, #tpu.memory_space<vmem>> -> memref<128x16xf32, #tpu.memory_space<vmem>>
          %dma_start3A_567 = arith.constant 0 : i32
          %dma_start3A_568 = tpu.memref_slice %arg6[%run_scoped3A_548, %run_scoped3A_549, %dma_start3A_567] : memref<2x4x128xi32, #tpu.memory_space<vmem>> -> memref<1x1x128xi32, #tpu.memory_space<vmem>>
          %dma_start3A_569 = tpu.memref_squeeze %dma_start3A_568 : memref<1x1x128xi32, #tpu.memory_space<vmem>> -> memref<128xi32, #tpu.memory_space<vmem>>
          %dma_start3A_570 = arith.constant 0 : i32
          %dma_start3A_571 = arith.constant 0 : i32
          %dma_start3A_572 = tpu.memref_slice %arg9[%dma_start3A_570, %dma_start3A_571] : memref<100096x16xf32, #tpu.memory_space<vmem_shared>> -> memref<100096x16xf32, #tpu.memory_space<vmem_shared>>
          tpu.enqueue_indirect_dma source(%dma_start3A_566 : memref<128x16xf32, #tpu.memory_space<vmem>>) target(%dma_start3A_572 : memref<100096x16xf32, #tpu.memory_space<vmem_shared>>) offsets(%dma_start3A_569 : memref<128xi32, #tpu.memory_space<vmem>>) semaphore(%run_scoped3A_562 : memref<!tpu.dma_semaphore, #tpu.memory_space<semaphore_mem>>) {add = true}
          %dma_wait3A_573 = arith.constant 0 : i32
          %dma_wait3A_574 = arith.constant 0 : i32
          %dma_wait3A_575 = tpu.memref_slice %arg7[%run_scoped3A_546, %run_scoped3A_547, %dma_wait3A_573, %dma_wait3A_574] : memref<2x4x128x16xf32, #tpu.memory_space<vmem>> -> memref<1x1x128x16xf32, #tpu.memory_space<vmem>>
          %dma_wait3A_576 = tpu.memref_squeeze %dma_wait3A_575 : memref<1x1x128x16xf32, #tpu.memory_space<vmem>> -> memref<128x16xf32, #tpu.memory_space<vmem>>
          %dma_wait3A_577 = arith.constant 0 : i32
          %dma_wait3A_578 = tpu.memref_slice %arg6[%run_scoped3A_548, %run_scoped3A_549, %dma_wait3A_577] : memref<2x4x128xi32, #tpu.memory_space<vmem>> -> memref<1x1x128xi32, #tpu.memory_space<vmem>>
          %dma_wait3A_579 = tpu.memref_squeeze %dma_wait3A_578 : memref<1x1x128xi32, #tpu.memory_space<vmem>> -> memref<128xi32, #tpu.memory_space<vmem>>
          %dma_wait3A_580 = arith.constant 0 : i32
          %dma_wait3A_581 = arith.constant 0 : i32
          %dma_wait3A_582 = tpu.memref_slice %arg9[%dma_wait3A_580, %dma_wait3A_581] : memref<100096x16xf32, #tpu.memory_space<vmem_shared>> -> memref<100096x16xf32, #tpu.memory_space<vmem_shared>>
          tpu.wait_indirect_dma semaphore(%run_scoped3A_562 : memref<!tpu.dma_semaphore, #tpu.memory_space<semaphore_mem>>) src(%dma_wait3A_576 : memref<128x16xf32, #tpu.memory_space<vmem>>) dst(%dma_wait3A_582 : memref<100096x16xf32, #tpu.memory_space<vmem_shared>>)
          tpu.yield
        }) : () -> ()
        %run_scoped3A_550 = arith.constant 1 : i32
        %run_scoped3A_551 = arith.constant 1 : i32
        %run_scoped3A_552 = arith.constant 1 : i32
        %run_scoped3A_553 = arith.constant 1 : i32
        "tpu.region"() ({
          %run_scoped3A_562 = tpu.sem_alloc : memref<!tpu.dma_semaphore, #tpu.memory_space<semaphore_mem>>
          %dma_start3A_563 = arith.constant 0 : i32
          %dma_start3A_564 = arith.constant 0 : i32
          %dma_start3A_565 = tpu.memref_slice %arg7[%run_scoped3A_550, %run_scoped3A_551, %dma_start3A_563, %dma_start3A_564] : memref<2x4x128x16xf32, #tpu.memory_space<vmem>> -> memref<1x1x128x16xf32, #tpu.memory_space<vmem>>
          %dma_start3A_566 = tpu.memref_squeeze %dma_start3A_565 : memref<1x1x128x16xf32, #tpu.memory_space<vmem>> -> memref<128x16xf32, #tpu.memory_space<vmem>>
          %dma_start3A_567 = arith.constant 0 : i32
          %dma_start3A_568 = tpu.memref_slice %arg6[%run_scoped3A_552, %run_scoped3A_553, %dma_start3A_567] : memref<2x4x128xi32, #tpu.memory_space<vmem>> -> memref<1x1x128xi32, #tpu.memory_space<vmem>>
          %dma_start3A_569 = tpu.memref_squeeze %dma_start3A_568 : memref<1x1x128xi32, #tpu.memory_space<vmem>> -> memref<128xi32, #tpu.memory_space<vmem>>
          %dma_start3A_570 = arith.constant 0 : i32
          %dma_start3A_571 = arith.constant 0 : i32
          %dma_start3A_572 = tpu.memref_slice %arg9[%dma_start3A_570, %dma_start3A_571] : memref<100096x16xf32, #tpu.memory_space<vmem_shared>> -> memref<100096x16xf32, #tpu.memory_space<vmem_shared>>
          tpu.enqueue_indirect_dma source(%dma_start3A_566 : memref<128x16xf32, #tpu.memory_space<vmem>>) target(%dma_start3A_572 : memref<100096x16xf32, #tpu.memory_space<vmem_shared>>) offsets(%dma_start3A_569 : memref<128xi32, #tpu.memory_space<vmem>>) semaphore(%run_scoped3A_562 : memref<!tpu.dma_semaphore, #tpu.memory_space<semaphore_mem>>) {add = true}
          %dma_wait3A_573 = arith.constant 0 : i32
          %dma_wait3A_574 = arith.constant 0 : i32
          %dma_wait3A_575 = tpu.memref_slice %arg7[%run_scoped3A_550, %run_scoped3A_551, %dma_wait3A_573, %dma_wait3A_574] : memref<2x4x128x16xf32, #tpu.memory_space<vmem>> -> memref<1x1x128x16xf32, #tpu.memory_space<vmem>>
          %dma_wait3A_576 = tpu.memref_squeeze %dma_wait3A_575 : memref<1x1x128x16xf32, #tpu.memory_space<vmem>> -> memref<128x16xf32, #tpu.memory_space<vmem>>
          %dma_wait3A_577 = arith.constant 0 : i32
          %dma_wait3A_578 = tpu.memref_slice %arg6[%run_scoped3A_552, %run_scoped3A_553, %dma_wait3A_577] : memref<2x4x128xi32, #tpu.memory_space<vmem>> -> memref<1x1x128xi32, #tpu.memory_space<vmem>>
          %dma_wait3A_579 = tpu.memref_squeeze %dma_wait3A_578 : memref<1x1x128xi32, #tpu.memory_space<vmem>> -> memref<128xi32, #tpu.memory_space<vmem>>
          %dma_wait3A_580 = arith.constant 0 : i32
          %dma_wait3A_581 = arith.constant 0 : i32
          %dma_wait3A_582 = tpu.memref_slice %arg9[%dma_wait3A_580, %dma_wait3A_581] : memref<100096x16xf32, #tpu.memory_space<vmem_shared>> -> memref<100096x16xf32, #tpu.memory_space<vmem_shared>>
          tpu.wait_indirect_dma semaphore(%run_scoped3A_562 : memref<!tpu.dma_semaphore, #tpu.memory_space<semaphore_mem>>) src(%dma_wait3A_576 : memref<128x16xf32, #tpu.memory_space<vmem>>) dst(%dma_wait3A_582 : memref<100096x16xf32, #tpu.memory_space<vmem_shared>>)
          tpu.yield
        }) : () -> ()
        %run_scoped3A_554 = arith.constant 1 : i32
        %run_scoped3A_555 = arith.constant 2 : i32
        %run_scoped3A_556 = arith.constant 1 : i32
        %run_scoped3A_557 = arith.constant 2 : i32
        "tpu.region"() ({
          %run_scoped3A_562 = tpu.sem_alloc : memref<!tpu.dma_semaphore, #tpu.memory_space<semaphore_mem>>
          %dma_start3A_563 = arith.constant 0 : i32
          %dma_start3A_564 = arith.constant 0 : i32
          %dma_start3A_565 = tpu.memref_slice %arg7[%run_scoped3A_554, %run_scoped3A_555, %dma_start3A_563, %dma_start3A_564] : memref<2x4x128x16xf32, #tpu.memory_space<vmem>> -> memref<1x1x128x16xf32, #tpu.memory_space<vmem>>
          %dma_start3A_566 = tpu.memref_squeeze %dma_start3A_565 : memref<1x1x128x16xf32, #tpu.memory_space<vmem>> -> memref<128x16xf32, #tpu.memory_space<vmem>>
          %dma_start3A_567 = arith.constant 0 : i32
          %dma_start3A_568 = tpu.memref_slice %arg6[%run_scoped3A_556, %run_scoped3A_557, %dma_start3A_567] : memref<2x4x128xi32, #tpu.memory_space<vmem>> -> memref<1x1x128xi32, #tpu.memory_space<vmem>>
          %dma_start3A_569 = tpu.memref_squeeze %dma_start3A_568 : memref<1x1x128xi32, #tpu.memory_space<vmem>> -> memref<128xi32, #tpu.memory_space<vmem>>
          %dma_start3A_570 = arith.constant 0 : i32
          %dma_start3A_571 = arith.constant 0 : i32
          %dma_start3A_572 = tpu.memref_slice %arg9[%dma_start3A_570, %dma_start3A_571] : memref<100096x16xf32, #tpu.memory_space<vmem_shared>> -> memref<100096x16xf32, #tpu.memory_space<vmem_shared>>
          tpu.enqueue_indirect_dma source(%dma_start3A_566 : memref<128x16xf32, #tpu.memory_space<vmem>>) target(%dma_start3A_572 : memref<100096x16xf32, #tpu.memory_space<vmem_shared>>) offsets(%dma_start3A_569 : memref<128xi32, #tpu.memory_space<vmem>>) semaphore(%run_scoped3A_562 : memref<!tpu.dma_semaphore, #tpu.memory_space<semaphore_mem>>) {add = true}
          %dma_wait3A_573 = arith.constant 0 : i32
          %dma_wait3A_574 = arith.constant 0 : i32
          %dma_wait3A_575 = tpu.memref_slice %arg7[%run_scoped3A_554, %run_scoped3A_555, %dma_wait3A_573, %dma_wait3A_574] : memref<2x4x128x16xf32, #tpu.memory_space<vmem>> -> memref<1x1x128x16xf32, #tpu.memory_space<vmem>>
          %dma_wait3A_576 = tpu.memref_squeeze %dma_wait3A_575 : memref<1x1x128x16xf32, #tpu.memory_space<vmem>> -> memref<128x16xf32, #tpu.memory_space<vmem>>
          %dma_wait3A_577 = arith.constant 0 : i32
          %dma_wait3A_578 = tpu.memref_slice %arg6[%run_scoped3A_556, %run_scoped3A_557, %dma_wait3A_577] : memref<2x4x128xi32, #tpu.memory_space<vmem>> -> memref<1x1x128xi32, #tpu.memory_space<vmem>>
          %dma_wait3A_579 = tpu.memref_squeeze %dma_wait3A_578 : memref<1x1x128xi32, #tpu.memory_space<vmem>> -> memref<128xi32, #tpu.memory_space<vmem>>
          %dma_wait3A_580 = arith.constant 0 : i32
          %dma_wait3A_581 = arith.constant 0 : i32
          %dma_wait3A_582 = tpu.memref_slice %arg9[%dma_wait3A_580, %dma_wait3A_581] : memref<100096x16xf32, #tpu.memory_space<vmem_shared>> -> memref<100096x16xf32, #tpu.memory_space<vmem_shared>>
          tpu.wait_indirect_dma semaphore(%run_scoped3A_562 : memref<!tpu.dma_semaphore, #tpu.memory_space<semaphore_mem>>) src(%dma_wait3A_576 : memref<128x16xf32, #tpu.memory_space<vmem>>) dst(%dma_wait3A_582 : memref<100096x16xf32, #tpu.memory_space<vmem_shared>>)
          tpu.yield
        }) : () -> ()
        %run_scoped3A_558 = arith.constant 1 : i32
        %run_scoped3A_559 = arith.constant 3 : i32
        %run_scoped3A_560 = arith.constant 1 : i32
        %run_scoped3A_561 = arith.constant 3 : i32
        "tpu.region"() ({
          %run_scoped3A_562 = tpu.sem_alloc : memref<!tpu.dma_semaphore, #tpu.memory_space<semaphore_mem>>
          %dma_start3A_563 = arith.constant 0 : i32
          %dma_start3A_564 = arith.constant 0 : i32
          %dma_start3A_565 = tpu.memref_slice %arg7[%run_scoped3A_558, %run_scoped3A_559, %dma_start3A_563, %dma_start3A_564] : memref<2x4x128x16xf32, #tpu.memory_space<vmem>> -> memref<1x1x128x16xf32, #tpu.memory_space<vmem>>
          %dma_start3A_566 = tpu.memref_squeeze %dma_start3A_565 : memref<1x1x128x16xf32, #tpu.memory_space<vmem>> -> memref<128x16xf32, #tpu.memory_space<vmem>>
          %dma_start3A_567 = arith.constant 0 : i32
          %dma_start3A_568 = tpu.memref_slice %arg6[%run_scoped3A_560, %run_scoped3A_561, %dma_start3A_567] : memref<2x4x128xi32, #tpu.memory_space<vmem>> -> memref<1x1x128xi32, #tpu.memory_space<vmem>>
          %dma_start3A_569 = tpu.memref_squeeze %dma_start3A_568 : memref<1x1x128xi32, #tpu.memory_space<vmem>> -> memref<128xi32, #tpu.memory_space<vmem>>
          %dma_start3A_570 = arith.constant 0 : i32
          %dma_start3A_571 = arith.constant 0 : i32
          %dma_start3A_572 = tpu.memref_slice %arg9[%dma_start3A_570, %dma_start3A_571] : memref<100096x16xf32, #tpu.memory_space<vmem_shared>> -> memref<100096x16xf32, #tpu.memory_space<vmem_shared>>
          tpu.enqueue_indirect_dma source(%dma_start3A_566 : memref<128x16xf32, #tpu.memory_space<vmem>>) target(%dma_start3A_572 : memref<100096x16xf32, #tpu.memory_space<vmem_shared>>) offsets(%dma_start3A_569 : memref<128xi32, #tpu.memory_space<vmem>>) semaphore(%run_scoped3A_562 : memref<!tpu.dma_semaphore, #tpu.memory_space<semaphore_mem>>) {add = true}
          %dma_wait3A_573 = arith.constant 0 : i32
          %dma_wait3A_574 = arith.constant 0 : i32
          %dma_wait3A_575 = tpu.memref_slice %arg7[%run_scoped3A_558, %run_scoped3A_559, %dma_wait3A_573, %dma_wait3A_574] : memref<2x4x128x16xf32, #tpu.memory_space<vmem>> -> memref<1x1x128x16xf32, #tpu.memory_space<vmem>>
          %dma_wait3A_576 = tpu.memref_squeeze %dma_wait3A_575 : memref<1x1x128x16xf32, #tpu.memory_space<vmem>> -> memref<128x16xf32, #tpu.memory_space<vmem>>
          %dma_wait3A_577 = arith.constant 0 : i32
          %dma_wait3A_578 = tpu.memref_slice %arg6[%run_scoped3A_560, %run_scoped3A_561, %dma_wait3A_577] : memref<2x4x128xi32, #tpu.memory_space<vmem>> -> memref<1x1x128xi32, #tpu.memory_space<vmem>>
          %dma_wait3A_579 = tpu.memref_squeeze %dma_wait3A_578 : memref<1x1x128xi32, #tpu.memory_space<vmem>> -> memref<128xi32, #tpu.memory_space<vmem>>
          %dma_wait3A_580 = arith.constant 0 : i32
          %dma_wait3A_581 = arith.constant 0 : i32
          %dma_wait3A_582 = tpu.memref_slice %arg9[%dma_wait3A_580, %dma_wait3A_581] : memref<100096x16xf32, #tpu.memory_space<vmem_shared>> -> memref<100096x16xf32, #tpu.memory_space<vmem_shared>>
          tpu.wait_indirect_dma semaphore(%run_scoped3A_562 : memref<!tpu.dma_semaphore, #tpu.memory_space<semaphore_mem>>) src(%dma_wait3A_576 : memref<128x16xf32, #tpu.memory_space<vmem>>) dst(%dma_wait3A_582 : memref<100096x16xf32, #tpu.memory_space<vmem_shared>>)
          tpu.yield
        }) : () -> ()
      } else {
      }
      %add3A_280 = arith.constant 1 : i32
      %add3A_281 = arith.addi %add3A_185, %add3A_280 : i32
      %mul3A_282 = arith.constant 4 : i32
      %mul3A_283 = arith.muli %add3A_281, %mul3A_282 : i32
      %add3A_284 = arith.addi %mul3A_45, %mul3A_283 : i32
      %dma_start3A_285 = arith.constant 0 : i32
      %dma_start3A_286 = arith.constant 1 : i32
      %dma_start3A_287 = arith.constant 0 : i32
      %dma_start3A_288 = arith.constant 0 : i32
      %dma_start3A_289 = tpu.memref_slice %arg5[%dma_start3A_286, %dma_start3A_287, %dma_start3A_288] : memref<2x4x128xi32, #tpu.memory_space<vmem>> -> memref<1x4x128xi32, #tpu.memory_space<vmem>>
      %dma_start3A_290 = tpu.memref_squeeze %dma_start3A_289 : memref<1x4x128xi32, #tpu.memory_space<vmem>> -> memref<4x128xi32, #tpu.memory_space<vmem>>
      %dma_start3A_291 = arith.constant 0 : i32
      %dma_start3A_292 = tpu.memref_slice %arg2[%dma_start3A_285, %add3A_284, %dma_start3A_291] : memref<2x25000x128xi32, #tpu.memory_space<hbm>> -> memref<1x4x128xi32, #tpu.memory_space<hbm>>
      %dma_start3A_293 = tpu.memref_squeeze %dma_start3A_292 : memref<1x4x128xi32, #tpu.memory_space<hbm>> -> memref<4x128xi32, #tpu.memory_space<hbm>>
      %dma_start3A_294 = arith.constant 0 : i32
      %dma_start3A_295 = arith.constant 0 : i32
      %dma_start3A_296 = tpu.memref_slice %arg5[%dma_start3A_286, %dma_start3A_294, %dma_start3A_295] : memref<2x4x128xi32, #tpu.memory_space<vmem>> -> memref<1x4x128xi32, #tpu.memory_space<vmem>>
      %dma_start3A_297 = tpu.memref_squeeze %dma_start3A_296 : memref<1x4x128xi32, #tpu.memory_space<vmem>> -> memref<4x128xi32, #tpu.memory_space<vmem>>
      %dma_start3A_298 = arith.constant 0 : i32
      %dma_start3A_299 = tpu.memref_slice %arg2[%dma_start3A_285, %add3A_284, %dma_start3A_298] : memref<2x25000x128xi32, #tpu.memory_space<hbm>> -> memref<1x4x128xi32, #tpu.memory_space<hbm>>
      %dma_start3A_300 = tpu.memref_squeeze %dma_start3A_299 : memref<1x4x128xi32, #tpu.memory_space<hbm>> -> memref<4x128xi32, #tpu.memory_space<hbm>>
      tpu.enqueue_dma source(%dma_start3A_300 : memref<4x128xi32, #tpu.memory_space<hbm>>) target(%dma_start3A_297 : memref<4x128xi32, #tpu.memory_space<vmem>>) target_semaphore(%arg11 : memref<!tpu.dma_semaphore, #tpu.memory_space<semaphore_mem>>)
      %dma_start3A_301 = arith.constant 1 : i32
      %dma_start3A_302 = arith.constant 1 : i32
      %dma_start3A_303 = arith.constant 0 : i32
      %dma_start3A_304 = arith.constant 0 : i32
      %dma_start3A_305 = tpu.memref_slice %arg6[%dma_start3A_302, %dma_start3A_303, %dma_start3A_304] : memref<2x4x128xi32, #tpu.memory_space<vmem>> -> memref<1x4x128xi32, #tpu.memory_space<vmem>>
      %dma_start3A_306 = tpu.memref_squeeze %dma_start3A_305 : memref<1x4x128xi32, #tpu.memory_space<vmem>> -> memref<4x128xi32, #tpu.memory_space<vmem>>
      %dma_start3A_307 = arith.constant 0 : i32
      %dma_start3A_308 = tpu.memref_slice %arg2[%dma_start3A_301, %add3A_284, %dma_start3A_307] : memref<2x25000x128xi32, #tpu.memory_space<hbm>> -> memref<1x4x128xi32, #tpu.memory_space<hbm>>
      %dma_start3A_309 = tpu.memref_squeeze %dma_start3A_308 : memref<1x4x128xi32, #tpu.memory_space<hbm>> -> memref<4x128xi32, #tpu.memory_space<hbm>>
      %dma_start3A_310 = arith.constant 0 : i32
      %dma_start3A_311 = arith.constant 0 : i32
      %dma_start3A_312 = tpu.memref_slice %arg6[%dma_start3A_302, %dma_start3A_310, %dma_start3A_311] : memref<2x4x128xi32, #tpu.memory_space<vmem>> -> memref<1x4x128xi32, #tpu.memory_space<vmem>>
      %dma_start3A_313 = tpu.memref_squeeze %dma_start3A_312 : memref<1x4x128xi32, #tpu.memory_space<vmem>> -> memref<4x128xi32, #tpu.memory_space<vmem>>
      %dma_start3A_314 = arith.constant 0 : i32
      %dma_start3A_315 = tpu.memref_slice %arg2[%dma_start3A_301, %add3A_284, %dma_start3A_314] : memref<2x25000x128xi32, #tpu.memory_space<hbm>> -> memref<1x4x128xi32, #tpu.memory_space<hbm>>
      %dma_start3A_316 = tpu.memref_squeeze %dma_start3A_315 : memref<1x4x128xi32, #tpu.memory_space<hbm>> -> memref<4x128xi32, #tpu.memory_space<hbm>>
      tpu.enqueue_dma source(%dma_start3A_316 : memref<4x128xi32, #tpu.memory_space<hbm>>) target(%dma_start3A_313 : memref<4x128xi32, #tpu.memory_space<vmem>>) target_semaphore(%arg11 : memref<!tpu.dma_semaphore, #tpu.memory_space<semaphore_mem>>)
      %mul3A_317 = arith.constant 2 : i32
      %mul3A_318 = arith.muli %mul3A_317, %while3A_181 : i32
      %add3A_319 = arith.constant 1 : i32
      %add3A_320 = arith.addi %mul3A_318, %add3A_319 : i32
      %mul3A_321 = arith.constant 4 : i32
      %mul3A_322 = arith.muli %add3A_320, %mul3A_321 : i32
      %add3A_323 = arith.addi %mul3A_45, %mul3A_322 : i32
      %dma_wait3A_324 = arith.constant 0 : i32
      %dma_wait3A_325 = arith.constant 1 : i32
      %dma_wait3A_326 = arith.constant 0 : i32
      %dma_wait3A_327 = arith.constant 0 : i32
      %dma_wait3A_328 = tpu.memref_slice %arg5[%dma_wait3A_325, %dma_wait3A_326, %dma_wait3A_327] : memref<2x4x128xi32, #tpu.memory_space<vmem>> -> memref<1x4x128xi32, #tpu.memory_space<vmem>>
      %dma_wait3A_329 = tpu.memref_squeeze %dma_wait3A_328 : memref<1x4x128xi32, #tpu.memory_space<vmem>> -> memref<4x128xi32, #tpu.memory_space<vmem>>
      %dma_wait3A_330 = arith.constant 0 : i32
      %dma_wait3A_331 = tpu.memref_slice %arg2[%dma_wait3A_324, %add3A_323, %dma_wait3A_330] : memref<2x25000x128xi32, #tpu.memory_space<hbm>> -> memref<1x4x128xi32, #tpu.memory_space<hbm>>
      %dma_wait3A_332 = tpu.memref_squeeze %dma_wait3A_331 : memref<1x4x128xi32, #tpu.memory_space<hbm>> -> memref<4x128xi32, #tpu.memory_space<hbm>>
      %dma_wait3A_333 = arith.constant 0 : i32
      %dma_wait3A_334 = arith.constant 0 : i32
      %dma_wait3A_335 = tpu.memref_slice %arg5[%dma_wait3A_325, %dma_wait3A_333, %dma_wait3A_334] : memref<2x4x128xi32, #tpu.memory_space<vmem>> -> memref<1x4x128xi32, #tpu.memory_space<vmem>>
      %dma_wait3A_336 = tpu.memref_squeeze %dma_wait3A_335 : memref<1x4x128xi32, #tpu.memory_space<vmem>> -> memref<4x128xi32, #tpu.memory_space<vmem>>
      %dma_wait3A_337 = arith.constant 0 : i32
      %dma_wait3A_338 = tpu.memref_slice %arg2[%dma_wait3A_324, %add3A_323, %dma_wait3A_337] : memref<2x25000x128xi32, #tpu.memory_space<hbm>> -> memref<1x4x128xi32, #tpu.memory_space<hbm>>
      %dma_wait3A_339 = tpu.memref_squeeze %dma_wait3A_338 : memref<1x4x128xi32, #tpu.memory_space<hbm>> -> memref<4x128xi32, #tpu.memory_space<hbm>>
      tpu.wait_dma2 semaphore(%arg11 : memref<!tpu.dma_semaphore, #tpu.memory_space<semaphore_mem>>) src(%dma_wait3A_339 : memref<4x128xi32, #tpu.memory_space<hbm>>) dst(%dma_wait3A_336 : memref<4x128xi32, #tpu.memory_space<vmem>>)
      %dma_wait3A_340 = arith.constant 1 : i32
      %dma_wait3A_341 = arith.constant 1 : i32
      %dma_wait3A_342 = arith.constant 0 : i32
      %dma_wait3A_343 = arith.constant 0 : i32
      %dma_wait3A_344 = tpu.memref_slice %arg6[%dma_wait3A_341, %dma_wait3A_342, %dma_wait3A_343] : memref<2x4x128xi32, #tpu.memory_space<vmem>> -> memref<1x4x128xi32, #tpu.memory_space<vmem>>
      %dma_wait3A_345 = tpu.memref_squeeze %dma_wait3A_344 : memref<1x4x128xi32, #tpu.memory_space<vmem>> -> memref<4x128xi32, #tpu.memory_space<vmem>>
      %dma_wait3A_346 = arith.constant 0 : i32
      %dma_wait3A_347 = tpu.memref_slice %arg2[%dma_wait3A_340, %add3A_323, %dma_wait3A_346] : memref<2x25000x128xi32, #tpu.memory_space<hbm>> -> memref<1x4x128xi32, #tpu.memory_space<hbm>>
      %dma_wait3A_348 = tpu.memref_squeeze %dma_wait3A_347 : memref<1x4x128xi32, #tpu.memory_space<hbm>> -> memref<4x128xi32, #tpu.memory_space<hbm>>
      %dma_wait3A_349 = arith.constant 0 : i32
      %dma_wait3A_350 = arith.constant 0 : i32
      %dma_wait3A_351 = tpu.memref_slice %arg6[%dma_wait3A_341, %dma_wait3A_349, %dma_wait3A_350] : memref<2x4x128xi32, #tpu.memory_space<vmem>> -> memref<1x4x128xi32, #tpu.memory_space<vmem>>
      %dma_wait3A_352 = tpu.memref_squeeze %dma_wait3A_351 : memref<1x4x128xi32, #tpu.memory_space<vmem>> -> memref<4x128xi32, #tpu.memory_space<vmem>>
      %dma_wait3A_353 = arith.constant 0 : i32
      %dma_wait3A_354 = tpu.memref_slice %arg2[%dma_wait3A_340, %add3A_323, %dma_wait3A_353] : memref<2x25000x128xi32, #tpu.memory_space<hbm>> -> memref<1x4x128xi32, #tpu.memory_space<hbm>>
      %dma_wait3A_355 = tpu.memref_squeeze %dma_wait3A_354 : memref<1x4x128xi32, #tpu.memory_space<hbm>> -> memref<4x128xi32, #tpu.memory_space<hbm>>
      tpu.wait_dma2 semaphore(%arg11 : memref<!tpu.dma_semaphore, #tpu.memory_space<semaphore_mem>>) src(%dma_wait3A_355 : memref<4x128xi32, #tpu.memory_space<hbm>>) dst(%dma_wait3A_352 : memref<4x128xi32, #tpu.memory_space<vmem>>)
      %dma_start3A_356 = arith.constant 1 : i32
      %dma_start3A_357 = arith.constant 0 : i32
      %dma_start3A_358 = arith.constant 1 : i32
      %dma_start3A_359 = arith.constant 0 : i32
      %dma_start3A_360 = arith.constant 0 : i32
      %dma_start3A_361 = arith.constant 0 : i32
      %dma_start3A_362 = tpu.memref_slice %arg7[%dma_start3A_358, %dma_start3A_359, %dma_start3A_360, %dma_start3A_361] : memref<2x4x128x16xf32, #tpu.memory_space<vmem>> -> memref<1x1x128x16xf32, #tpu.memory_space<vmem>>
      %dma_start3A_363 = tpu.memref_squeeze %dma_start3A_362 : memref<1x1x128x16xf32, #tpu.memory_space<vmem>> -> memref<128x16xf32, #tpu.memory_space<vmem>>
      %dma_start3A_364 = arith.constant 0 : i32
      %dma_start3A_365 = tpu.memref_slice %arg5[%dma_start3A_356, %dma_start3A_357, %dma_start3A_364] : memref<2x4x128xi32, #tpu.memory_space<vmem>> -> memref<1x1x128xi32, #tpu.memory_space<vmem>>
      %dma_start3A_366 = tpu.memref_squeeze %dma_start3A_365 : memref<1x1x128xi32, #tpu.memory_space<vmem>> -> memref<128xi32, #tpu.memory_space<vmem>>
      %dma_start3A_367 = arith.constant 0 : i32
      %dma_start3A_368 = arith.constant 0 : i32
      %dma_start3A_369 = tpu.memref_slice %arg3[%dma_start3A_367, %dma_start3A_368] : memref<100096x16xf32, #tpu.memory_space<hbm>> -> memref<100096x16xf32, #tpu.memory_space<hbm>>
      tpu.enqueue_indirect_dma source(%dma_start3A_369 : memref<100096x16xf32, #tpu.memory_space<hbm>>) target(%dma_start3A_363 : memref<128x16xf32, #tpu.memory_space<vmem>>) offsets(%dma_start3A_366 : memref<128xi32, #tpu.memory_space<vmem>>) semaphore(%arg13 : memref<!tpu.dma_semaphore, #tpu.memory_space<semaphore_mem>>)
      %dma_start3A_370 = arith.constant 1 : i32
      %dma_start3A_371 = arith.constant 1 : i32
      %dma_start3A_372 = arith.constant 1 : i32
      %dma_start3A_373 = arith.constant 1 : i32
      %dma_start3A_374 = arith.constant 0 : i32
      %dma_start3A_375 = arith.constant 0 : i32
      %dma_start3A_376 = tpu.memref_slice %arg7[%dma_start3A_372, %dma_start3A_373, %dma_start3A_374, %dma_start3A_375] : memref<2x4x128x16xf32, #tpu.memory_space<vmem>> -> memref<1x1x128x16xf32, #tpu.memory_space<vmem>>
      %dma_start3A_377 = tpu.memref_squeeze %dma_start3A_376 : memref<1x1x128x16xf32, #tpu.memory_space<vmem>> -> memref<128x16xf32, #tpu.memory_space<vmem>>
      %dma_start3A_378 = arith.constant 0 : i32
      %dma_start3A_379 = tpu.memref_slice %arg5[%dma_start3A_370, %dma_start3A_371, %dma_start3A_378] : memref<2x4x128xi32, #tpu.memory_space<vmem>> -> memref<1x1x128xi32, #tpu.memory_space<vmem>>
      %dma_start3A_380 = tpu.memref_squeeze %dma_start3A_379 : memref<1x1x128xi32, #tpu.memory_space<vmem>> -> memref<128xi32, #tpu.memory_space<vmem>>
      %dma_start3A_381 = arith.constant 0 : i32
      %dma_start3A_382 = arith.constant 0 : i32
      %dma_start3A_383 = tpu.memref_slice %arg3[%dma_start3A_381, %dma_start3A_382] : memref<100096x16xf32, #tpu.memory_space<hbm>> -> memref<100096x16xf32, #tpu.memory_space<hbm>>
      tpu.enqueue_indirect_dma source(%dma_start3A_383 : memref<100096x16xf32, #tpu.memory_space<hbm>>) target(%dma_start3A_377 : memref<128x16xf32, #tpu.memory_space<vmem>>) offsets(%dma_start3A_380 : memref<128xi32, #tpu.memory_space<vmem>>) semaphore(%arg13 : memref<!tpu.dma_semaphore, #tpu.memory_space<semaphore_mem>>)
      %dma_start3A_384 = arith.constant 1 : i32
      %dma_start3A_385 = arith.constant 2 : i32
      %dma_start3A_386 = arith.constant 1 : i32
      %dma_start3A_387 = arith.constant 2 : i32
      %dma_start3A_388 = arith.constant 0 : i32
      %dma_start3A_389 = arith.constant 0 : i32
      %dma_start3A_390 = tpu.memref_slice %arg7[%dma_start3A_386, %dma_start3A_387, %dma_start3A_388, %dma_start3A_389] : memref<2x4x128x16xf32, #tpu.memory_space<vmem>> -> memref<1x1x128x16xf32, #tpu.memory_space<vmem>>
      %dma_start3A_391 = tpu.memref_squeeze %dma_start3A_390 : memref<1x1x128x16xf32, #tpu.memory_space<vmem>> -> memref<128x16xf32, #tpu.memory_space<vmem>>
      %dma_start3A_392 = arith.constant 0 : i32
      %dma_start3A_393 = tpu.memref_slice %arg5[%dma_start3A_384, %dma_start3A_385, %dma_start3A_392] : memref<2x4x128xi32, #tpu.memory_space<vmem>> -> memref<1x1x128xi32, #tpu.memory_space<vmem>>
      %dma_start3A_394 = tpu.memref_squeeze %dma_start3A_393 : memref<1x1x128xi32, #tpu.memory_space<vmem>> -> memref<128xi32, #tpu.memory_space<vmem>>
      %dma_start3A_395 = arith.constant 0 : i32
      %dma_start3A_396 = arith.constant 0 : i32
      %dma_start3A_397 = tpu.memref_slice %arg3[%dma_start3A_395, %dma_start3A_396] : memref<100096x16xf32, #tpu.memory_space<hbm>> -> memref<100096x16xf32, #tpu.memory_space<hbm>>
      tpu.enqueue_indirect_dma source(%dma_start3A_397 : memref<100096x16xf32, #tpu.memory_space<hbm>>) target(%dma_start3A_391 : memref<128x16xf32, #tpu.memory_space<vmem>>) offsets(%dma_start3A_394 : memref<128xi32, #tpu.memory_space<vmem>>) semaphore(%arg13 : memref<!tpu.dma_semaphore, #tpu.memory_space<semaphore_mem>>)
      %dma_start3A_398 = arith.constant 1 : i32
      %dma_start3A_399 = arith.constant 3 : i32
      %dma_start3A_400 = arith.constant 1 : i32
      %dma_start3A_401 = arith.constant 3 : i32
      %dma_start3A_402 = arith.constant 0 : i32
      %dma_start3A_403 = arith.constant 0 : i32
      %dma_start3A_404 = tpu.memref_slice %arg7[%dma_start3A_400, %dma_start3A_401, %dma_start3A_402, %dma_start3A_403] : memref<2x4x128x16xf32, #tpu.memory_space<vmem>> -> memref<1x1x128x16xf32, #tpu.memory_space<vmem>>
      %dma_start3A_405 = tpu.memref_squeeze %dma_start3A_404 : memref<1x1x128x16xf32, #tpu.memory_space<vmem>> -> memref<128x16xf32, #tpu.memory_space<vmem>>
      %dma_start3A_406 = arith.constant 0 : i32
      %dma_start3A_407 = tpu.memref_slice %arg5[%dma_start3A_398, %dma_start3A_399, %dma_start3A_406] : memref<2x4x128xi32, #tpu.memory_space<vmem>> -> memref<1x1x128xi32, #tpu.memory_space<vmem>>
      %dma_start3A_408 = tpu.memref_squeeze %dma_start3A_407 : memref<1x1x128xi32, #tpu.memory_space<vmem>> -> memref<128xi32, #tpu.memory_space<vmem>>
      %dma_start3A_409 = arith.constant 0 : i32
      %dma_start3A_410 = arith.constant 0 : i32
      %dma_start3A_411 = tpu.memref_slice %arg3[%dma_start3A_409, %dma_start3A_410] : memref<100096x16xf32, #tpu.memory_space<hbm>> -> memref<100096x16xf32, #tpu.memory_space<hbm>>
      tpu.enqueue_indirect_dma source(%dma_start3A_411 : memref<100096x16xf32, #tpu.memory_space<hbm>>) target(%dma_start3A_405 : memref<128x16xf32, #tpu.memory_space<vmem>>) offsets(%dma_start3A_408 : memref<128xi32, #tpu.memory_space<vmem>>) semaphore(%arg13 : memref<!tpu.dma_semaphore, #tpu.memory_space<semaphore_mem>>)
      %dma_wait3A_412 = arith.constant 0 : i32
      %dma_wait3A_413 = arith.constant 0 : i32
      %dma_wait3A_414 = arith.constant 0 : i32
      %dma_wait3A_415 = arith.constant 0 : i32
      %dma_wait3A_416 = arith.constant 0 : i32
      %dma_wait3A_417 = arith.constant 0 : i32
      %dma_wait3A_418 = tpu.memref_slice %arg7[%dma_wait3A_414, %dma_wait3A_415, %dma_wait3A_416, %dma_wait3A_417] : memref<2x4x128x16xf32, #tpu.memory_space<vmem>> -> memref<1x1x128x16xf32, #tpu.memory_space<vmem>>
      %dma_wait3A_419 = tpu.memref_squeeze %dma_wait3A_418 : memref<1x1x128x16xf32, #tpu.memory_space<vmem>> -> memref<128x16xf32, #tpu.memory_space<vmem>>
      %dma_wait3A_420 = arith.constant 0 : i32
      %dma_wait3A_421 = tpu.memref_slice %arg5[%dma_wait3A_412, %dma_wait3A_413, %dma_wait3A_420] : memref<2x4x128xi32, #tpu.memory_space<vmem>> -> memref<1x1x128xi32, #tpu.memory_space<vmem>>
      %dma_wait3A_422 = tpu.memref_squeeze %dma_wait3A_421 : memref<1x1x128xi32, #tpu.memory_space<vmem>> -> memref<128xi32, #tpu.memory_space<vmem>>
      %dma_wait3A_423 = arith.constant 0 : i32
      %dma_wait3A_424 = arith.constant 0 : i32
      %dma_wait3A_425 = tpu.memref_slice %arg3[%dma_wait3A_423, %dma_wait3A_424] : memref<100096x16xf32, #tpu.memory_space<hbm>> -> memref<100096x16xf32, #tpu.memory_space<hbm>>
      tpu.wait_indirect_dma semaphore(%arg12 : memref<!tpu.dma_semaphore, #tpu.memory_space<semaphore_mem>>) src(%dma_wait3A_425 : memref<100096x16xf32, #tpu.memory_space<hbm>>) dst(%dma_wait3A_419 : memref<128x16xf32, #tpu.memory_space<vmem>>)
      %dma_wait3A_426 = arith.constant 0 : i32
      %dma_wait3A_427 = arith.constant 1 : i32
      %dma_wait3A_428 = arith.constant 0 : i32
      %dma_wait3A_429 = arith.constant 1 : i32
      %dma_wait3A_430 = arith.constant 0 : i32
      %dma_wait3A_431 = arith.constant 0 : i32
      %dma_wait3A_432 = tpu.memref_slice %arg7[%dma_wait3A_428, %dma_wait3A_429, %dma_wait3A_430, %dma_wait3A_431] : memref<2x4x128x16xf32, #tpu.memory_space<vmem>> -> memref<1x1x128x16xf32, #tpu.memory_space<vmem>>
      %dma_wait3A_433 = tpu.memref_squeeze %dma_wait3A_432 : memref<1x1x128x16xf32, #tpu.memory_space<vmem>> -> memref<128x16xf32, #tpu.memory_space<vmem>>
      %dma_wait3A_434 = arith.constant 0 : i32
      %dma_wait3A_435 = tpu.memref_slice %arg5[%dma_wait3A_426, %dma_wait3A_427, %dma_wait3A_434] : memref<2x4x128xi32, #tpu.memory_space<vmem>> -> memref<1x1x128xi32, #tpu.memory_space<vmem>>
      %dma_wait3A_436 = tpu.memref_squeeze %dma_wait3A_435 : memref<1x1x128xi32, #tpu.memory_space<vmem>> -> memref<128xi32, #tpu.memory_space<vmem>>
      %dma_wait3A_437 = arith.constant 0 : i32
      %dma_wait3A_438 = arith.constant 0 : i32
      %dma_wait3A_439 = tpu.memref_slice %arg3[%dma_wait3A_437, %dma_wait3A_438] : memref<100096x16xf32, #tpu.memory_space<hbm>> -> memref<100096x16xf32, #tpu.memory_space<hbm>>
      tpu.wait_indirect_dma semaphore(%arg12 : memref<!tpu.dma_semaphore, #tpu.memory_space<semaphore_mem>>) src(%dma_wait3A_439 : memref<100096x16xf32, #tpu.memory_space<hbm>>) dst(%dma_wait3A_433 : memref<128x16xf32, #tpu.memory_space<vmem>>)
      %dma_wait3A_440 = arith.constant 0 : i32
      %dma_wait3A_441 = arith.constant 2 : i32
      %dma_wait3A_442 = arith.constant 0 : i32
      %dma_wait3A_443 = arith.constant 2 : i32
      %dma_wait3A_444 = arith.constant 0 : i32
      %dma_wait3A_445 = arith.constant 0 : i32
      %dma_wait3A_446 = tpu.memref_slice %arg7[%dma_wait3A_442, %dma_wait3A_443, %dma_wait3A_444, %dma_wait3A_445] : memref<2x4x128x16xf32, #tpu.memory_space<vmem>> -> memref<1x1x128x16xf32, #tpu.memory_space<vmem>>
      %dma_wait3A_447 = tpu.memref_squeeze %dma_wait3A_446 : memref<1x1x128x16xf32, #tpu.memory_space<vmem>> -> memref<128x16xf32, #tpu.memory_space<vmem>>
      %dma_wait3A_448 = arith.constant 0 : i32
      %dma_wait3A_449 = tpu.memref_slice %arg5[%dma_wait3A_440, %dma_wait3A_441, %dma_wait3A_448] : memref<2x4x128xi32, #tpu.memory_space<vmem>> -> memref<1x1x128xi32, #tpu.memory_space<vmem>>
      %dma_wait3A_450 = tpu.memref_squeeze %dma_wait3A_449 : memref<1x1x128xi32, #tpu.memory_space<vmem>> -> memref<128xi32, #tpu.memory_space<vmem>>
      %dma_wait3A_451 = arith.constant 0 : i32
      %dma_wait3A_452 = arith.constant 0 : i32
      %dma_wait3A_453 = tpu.memref_slice %arg3[%dma_wait3A_451, %dma_wait3A_452] : memref<100096x16xf32, #tpu.memory_space<hbm>> -> memref<100096x16xf32, #tpu.memory_space<hbm>>
      tpu.wait_indirect_dma semaphore(%arg12 : memref<!tpu.dma_semaphore, #tpu.memory_space<semaphore_mem>>) src(%dma_wait3A_453 : memref<100096x16xf32, #tpu.memory_space<hbm>>) dst(%dma_wait3A_447 : memref<128x16xf32, #tpu.memory_space<vmem>>)
      %dma_wait3A_454 = arith.constant 0 : i32
      %dma_wait3A_455 = arith.constant 3 : i32
      %dma_wait3A_456 = arith.constant 0 : i32
      %dma_wait3A_457 = arith.constant 3 : i32
      %dma_wait3A_458 = arith.constant 0 : i32
      %dma_wait3A_459 = arith.constant 0 : i32
      %dma_wait3A_460 = tpu.memref_slice %arg7[%dma_wait3A_456, %dma_wait3A_457, %dma_wait3A_458, %dma_wait3A_459] : memref<2x4x128x16xf32, #tpu.memory_space<vmem>> -> memref<1x1x128x16xf32, #tpu.memory_space<vmem>>
      %dma_wait3A_461 = tpu.memref_squeeze %dma_wait3A_460 : memref<1x1x128x16xf32, #tpu.memory_space<vmem>> -> memref<128x16xf32, #tpu.memory_space<vmem>>
      %dma_wait3A_462 = arith.constant 0 : i32
      %dma_wait3A_463 = tpu.memref_slice %arg5[%dma_wait3A_454, %dma_wait3A_455, %dma_wait3A_462] : memref<2x4x128xi32, #tpu.memory_space<vmem>> -> memref<1x1x128xi32, #tpu.memory_space<vmem>>
      %dma_wait3A_464 = tpu.memref_squeeze %dma_wait3A_463 : memref<1x1x128xi32, #tpu.memory_space<vmem>> -> memref<128xi32, #tpu.memory_space<vmem>>
      %dma_wait3A_465 = arith.constant 0 : i32
      %dma_wait3A_466 = arith.constant 0 : i32
      %dma_wait3A_467 = tpu.memref_slice %arg3[%dma_wait3A_465, %dma_wait3A_466] : memref<100096x16xf32, #tpu.memory_space<hbm>> -> memref<100096x16xf32, #tpu.memory_space<hbm>>
      tpu.wait_indirect_dma semaphore(%arg12 : memref<!tpu.dma_semaphore, #tpu.memory_space<semaphore_mem>>) src(%dma_wait3A_467 : memref<100096x16xf32, #tpu.memory_space<hbm>>) dst(%dma_wait3A_461 : memref<128x16xf32, #tpu.memory_space<vmem>>)
      %run_scoped3A_468 = arith.constant 0 : i32
      %run_scoped3A_469 = arith.constant 0 : i32
      %run_scoped3A_470 = arith.constant 0 : i32
      %run_scoped3A_471 = arith.constant 0 : i32
      "tpu.region"() ({
        %run_scoped3A_490 = tpu.sem_alloc : memref<!tpu.dma_semaphore, #tpu.memory_space<semaphore_mem>>
        %dma_start3A_491 = arith.constant 0 : i32
        %dma_start3A_492 = arith.constant 0 : i32
        %dma_start3A_493 = tpu.memref_slice %arg7[%run_scoped3A_468, %run_scoped3A_469, %dma_start3A_491, %dma_start3A_492] : memref<2x4x128x16xf32, #tpu.memory_space<vmem>> -> memref<1x1x128x16xf32, #tpu.memory_space<vmem>>
        %dma_start3A_494 = tpu.memref_squeeze %dma_start3A_493 : memref<1x1x128x16xf32, #tpu.memory_space<vmem>> -> memref<128x16xf32, #tpu.memory_space<vmem>>
        %dma_start3A_495 = arith.constant 0 : i32
        %dma_start3A_496 = tpu.memref_slice %arg6[%run_scoped3A_470, %run_scoped3A_471, %dma_start3A_495] : memref<2x4x128xi32, #tpu.memory_space<vmem>> -> memref<1x1x128xi32, #tpu.memory_space<vmem>>
        %dma_start3A_497 = tpu.memref_squeeze %dma_start3A_496 : memref<1x1x128xi32, #tpu.memory_space<vmem>> -> memref<128xi32, #tpu.memory_space<vmem>>
        %dma_start3A_498 = arith.constant 0 : i32
        %dma_start3A_499 = arith.constant 0 : i32
        %dma_start3A_500 = tpu.memref_slice %arg9[%dma_start3A_498, %dma_start3A_499] : memref<100096x16xf32, #tpu.memory_space<vmem_shared>> -> memref<100096x16xf32, #tpu.memory_space<vmem_shared>>
        tpu.enqueue_indirect_dma source(%dma_start3A_494 : memref<128x16xf32, #tpu.memory_space<vmem>>) target(%dma_start3A_500 : memref<100096x16xf32, #tpu.memory_space<vmem_shared>>) offsets(%dma_start3A_497 : memref<128xi32, #tpu.memory_space<vmem>>) semaphore(%run_scoped3A_490 : memref<!tpu.dma_semaphore, #tpu.memory_space<semaphore_mem>>) {add = true}
        %dma_wait3A_501 = arith.constant 0 : i32
        %dma_wait3A_502 = arith.constant 0 : i32
        %dma_wait3A_503 = tpu.memref_slice %arg7[%run_scoped3A_468, %run_scoped3A_469, %dma_wait3A_501, %dma_wait3A_502] : memref<2x4x128x16xf32, #tpu.memory_space<vmem>> -> memref<1x1x128x16xf32, #tpu.memory_space<vmem>>
        %dma_wait3A_504 = tpu.memref_squeeze %dma_wait3A_503 : memref<1x1x128x16xf32, #tpu.memory_space<vmem>> -> memref<128x16xf32, #tpu.memory_space<vmem>>
        %dma_wait3A_505 = arith.constant 0 : i32
        %dma_wait3A_506 = tpu.memref_slice %arg6[%run_scoped3A_470, %run_scoped3A_471, %dma_wait3A_505] : memref<2x4x128xi32, #tpu.memory_space<vmem>> -> memref<1x1x128xi32, #tpu.memory_space<vmem>>
        %dma_wait3A_507 = tpu.memref_squeeze %dma_wait3A_506 : memref<1x1x128xi32, #tpu.memory_space<vmem>> -> memref<128xi32, #tpu.memory_space<vmem>>
        %dma_wait3A_508 = arith.constant 0 : i32
        %dma_wait3A_509 = arith.constant 0 : i32
        %dma_wait3A_510 = tpu.memref_slice %arg9[%dma_wait3A_508, %dma_wait3A_509] : memref<100096x16xf32, #tpu.memory_space<vmem_shared>> -> memref<100096x16xf32, #tpu.memory_space<vmem_shared>>
        tpu.wait_indirect_dma semaphore(%run_scoped3A_490 : memref<!tpu.dma_semaphore, #tpu.memory_space<semaphore_mem>>) src(%dma_wait3A_504 : memref<128x16xf32, #tpu.memory_space<vmem>>) dst(%dma_wait3A_510 : memref<100096x16xf32, #tpu.memory_space<vmem_shared>>)
        tpu.yield
      }) : () -> ()
      %run_scoped3A_472 = arith.constant 0 : i32
      %run_scoped3A_473 = arith.constant 1 : i32
      %run_scoped3A_474 = arith.constant 0 : i32
      %run_scoped3A_475 = arith.constant 1 : i32
      "tpu.region"() ({
        %run_scoped3A_490 = tpu.sem_alloc : memref<!tpu.dma_semaphore, #tpu.memory_space<semaphore_mem>>
        %dma_start3A_491 = arith.constant 0 : i32
        %dma_start3A_492 = arith.constant 0 : i32
        %dma_start3A_493 = tpu.memref_slice %arg7[%run_scoped3A_472, %run_scoped3A_473, %dma_start3A_491, %dma_start3A_492] : memref<2x4x128x16xf32, #tpu.memory_space<vmem>> -> memref<1x1x128x16xf32, #tpu.memory_space<vmem>>
        %dma_start3A_494 = tpu.memref_squeeze %dma_start3A_493 : memref<1x1x128x16xf32, #tpu.memory_space<vmem>> -> memref<128x16xf32, #tpu.memory_space<vmem>>
        %dma_start3A_495 = arith.constant 0 : i32
        %dma_start3A_496 = tpu.memref_slice %arg6[%run_scoped3A_474, %run_scoped3A_475, %dma_start3A_495] : memref<2x4x128xi32, #tpu.memory_space<vmem>> -> memref<1x1x128xi32, #tpu.memory_space<vmem>>
        %dma_start3A_497 = tpu.memref_squeeze %dma_start3A_496 : memref<1x1x128xi32, #tpu.memory_space<vmem>> -> memref<128xi32, #tpu.memory_space<vmem>>
        %dma_start3A_498 = arith.constant 0 : i32
        %dma_start3A_499 = arith.constant 0 : i32
        %dma_start3A_500 = tpu.memref_slice %arg9[%dma_start3A_498, %dma_start3A_499] : memref<100096x16xf32, #tpu.memory_space<vmem_shared>> -> memref<100096x16xf32, #tpu.memory_space<vmem_shared>>
        tpu.enqueue_indirect_dma source(%dma_start3A_494 : memref<128x16xf32, #tpu.memory_space<vmem>>) target(%dma_start3A_500 : memref<100096x16xf32, #tpu.memory_space<vmem_shared>>) offsets(%dma_start3A_497 : memref<128xi32, #tpu.memory_space<vmem>>) semaphore(%run_scoped3A_490 : memref<!tpu.dma_semaphore, #tpu.memory_space<semaphore_mem>>) {add = true}
        %dma_wait3A_501 = arith.constant 0 : i32
        %dma_wait3A_502 = arith.constant 0 : i32
        %dma_wait3A_503 = tpu.memref_slice %arg7[%run_scoped3A_472, %run_scoped3A_473, %dma_wait3A_501, %dma_wait3A_502] : memref<2x4x128x16xf32, #tpu.memory_space<vmem>> -> memref<1x1x128x16xf32, #tpu.memory_space<vmem>>
        %dma_wait3A_504 = tpu.memref_squeeze %dma_wait3A_503 : memref<1x1x128x16xf32, #tpu.memory_space<vmem>> -> memref<128x16xf32, #tpu.memory_space<vmem>>
        %dma_wait3A_505 = arith.constant 0 : i32
        %dma_wait3A_506 = tpu.memref_slice %arg6[%run_scoped3A_474, %run_scoped3A_475, %dma_wait3A_505] : memref<2x4x128xi32, #tpu.memory_space<vmem>> -> memref<1x1x128xi32, #tpu.memory_space<vmem>>
        %dma_wait3A_507 = tpu.memref_squeeze %dma_wait3A_506 : memref<1x1x128xi32, #tpu.memory_space<vmem>> -> memref<128xi32, #tpu.memory_space<vmem>>
        %dma_wait3A_508 = arith.constant 0 : i32
        %dma_wait3A_509 = arith.constant 0 : i32
        %dma_wait3A_510 = tpu.memref_slice %arg9[%dma_wait3A_508, %dma_wait3A_509] : memref<100096x16xf32, #tpu.memory_space<vmem_shared>> -> memref<100096x16xf32, #tpu.memory_space<vmem_shared>>
        tpu.wait_indirect_dma semaphore(%run_scoped3A_490 : memref<!tpu.dma_semaphore, #tpu.memory_space<semaphore_mem>>) src(%dma_wait3A_504 : memref<128x16xf32, #tpu.memory_space<vmem>>) dst(%dma_wait3A_510 : memref<100096x16xf32, #tpu.memory_space<vmem_shared>>)
        tpu.yield
      }) : () -> ()
      %run_scoped3A_476 = arith.constant 0 : i32
      %run_scoped3A_477 = arith.constant 2 : i32
      %run_scoped3A_478 = arith.constant 0 : i32
      %run_scoped3A_479 = arith.constant 2 : i32
      "tpu.region"() ({
        %run_scoped3A_490 = tpu.sem_alloc : memref<!tpu.dma_semaphore, #tpu.memory_space<semaphore_mem>>
        %dma_start3A_491 = arith.constant 0 : i32
        %dma_start3A_492 = arith.constant 0 : i32
        %dma_start3A_493 = tpu.memref_slice %arg7[%run_scoped3A_476, %run_scoped3A_477, %dma_start3A_491, %dma_start3A_492] : memref<2x4x128x16xf32, #tpu.memory_space<vmem>> -> memref<1x1x128x16xf32, #tpu.memory_space<vmem>>
        %dma_start3A_494 = tpu.memref_squeeze %dma_start3A_493 : memref<1x1x128x16xf32, #tpu.memory_space<vmem>> -> memref<128x16xf32, #tpu.memory_space<vmem>>
        %dma_start3A_495 = arith.constant 0 : i32
        %dma_start3A_496 = tpu.memref_slice %arg6[%run_scoped3A_478, %run_scoped3A_479, %dma_start3A_495] : memref<2x4x128xi32, #tpu.memory_space<vmem>> -> memref<1x1x128xi32, #tpu.memory_space<vmem>>
        %dma_start3A_497 = tpu.memref_squeeze %dma_start3A_496 : memref<1x1x128xi32, #tpu.memory_space<vmem>> -> memref<128xi32, #tpu.memory_space<vmem>>
        %dma_start3A_498 = arith.constant 0 : i32
        %dma_start3A_499 = arith.constant 0 : i32
        %dma_start3A_500 = tpu.memref_slice %arg9[%dma_start3A_498, %dma_start3A_499] : memref<100096x16xf32, #tpu.memory_space<vmem_shared>> -> memref<100096x16xf32, #tpu.memory_space<vmem_shared>>
        tpu.enqueue_indirect_dma source(%dma_start3A_494 : memref<128x16xf32, #tpu.memory_space<vmem>>) target(%dma_start3A_500 : memref<100096x16xf32, #tpu.memory_space<vmem_shared>>) offsets(%dma_start3A_497 : memref<128xi32, #tpu.memory_space<vmem>>) semaphore(%run_scoped3A_490 : memref<!tpu.dma_semaphore, #tpu.memory_space<semaphore_mem>>) {add = true}
        %dma_wait3A_501 = arith.constant 0 : i32
        %dma_wait3A_502 = arith.constant 0 : i32
        %dma_wait3A_503 = tpu.memref_slice %arg7[%run_scoped3A_476, %run_scoped3A_477, %dma_wait3A_501, %dma_wait3A_502] : memref<2x4x128x16xf32, #tpu.memory_space<vmem>> -> memref<1x1x128x16xf32, #tpu.memory_space<vmem>>
        %dma_wait3A_504 = tpu.memref_squeeze %dma_wait3A_503 : memref<1x1x128x16xf32, #tpu.memory_space<vmem>> -> memref<128x16xf32, #tpu.memory_space<vmem>>
        %dma_wait3A_505 = arith.constant 0 : i32
        %dma_wait3A_506 = tpu.memref_slice %arg6[%run_scoped3A_478, %run_scoped3A_479, %dma_wait3A_505] : memref<2x4x128xi32, #tpu.memory_space<vmem>> -> memref<1x1x128xi32, #tpu.memory_space<vmem>>
        %dma_wait3A_507 = tpu.memref_squeeze %dma_wait3A_506 : memref<1x1x128xi32, #tpu.memory_space<vmem>> -> memref<128xi32, #tpu.memory_space<vmem>>
        %dma_wait3A_508 = arith.constant 0 : i32
        %dma_wait3A_509 = arith.constant 0 : i32
        %dma_wait3A_510 = tpu.memref_slice %arg9[%dma_wait3A_508, %dma_wait3A_509] : memref<100096x16xf32, #tpu.memory_space<vmem_shared>> -> memref<100096x16xf32, #tpu.memory_space<vmem_shared>>
        tpu.wait_indirect_dma semaphore(%run_scoped3A_490 : memref<!tpu.dma_semaphore, #tpu.memory_space<semaphore_mem>>) src(%dma_wait3A_504 : memref<128x16xf32, #tpu.memory_space<vmem>>) dst(%dma_wait3A_510 : memref<100096x16xf32, #tpu.memory_space<vmem_shared>>)
        tpu.yield
      }) : () -> ()
      %run_scoped3A_480 = arith.constant 0 : i32
      %run_scoped3A_481 = arith.constant 3 : i32
      %run_scoped3A_482 = arith.constant 0 : i32
      %run_scoped3A_483 = arith.constant 3 : i32
      "tpu.region"() ({
        %run_scoped3A_490 = tpu.sem_alloc : memref<!tpu.dma_semaphore, #tpu.memory_space<semaphore_mem>>
        %dma_start3A_491 = arith.constant 0 : i32
        %dma_start3A_492 = arith.constant 0 : i32
        %dma_start3A_493 = tpu.memref_slice %arg7[%run_scoped3A_480, %run_scoped3A_481, %dma_start3A_491, %dma_start3A_492] : memref<2x4x128x16xf32, #tpu.memory_space<vmem>> -> memref<1x1x128x16xf32, #tpu.memory_space<vmem>>
        %dma_start3A_494 = tpu.memref_squeeze %dma_start3A_493 : memref<1x1x128x16xf32, #tpu.memory_space<vmem>> -> memref<128x16xf32, #tpu.memory_space<vmem>>
        %dma_start3A_495 = arith.constant 0 : i32
        %dma_start3A_496 = tpu.memref_slice %arg6[%run_scoped3A_482, %run_scoped3A_483, %dma_start3A_495] : memref<2x4x128xi32, #tpu.memory_space<vmem>> -> memref<1x1x128xi32, #tpu.memory_space<vmem>>
        %dma_start3A_497 = tpu.memref_squeeze %dma_start3A_496 : memref<1x1x128xi32, #tpu.memory_space<vmem>> -> memref<128xi32, #tpu.memory_space<vmem>>
        %dma_start3A_498 = arith.constant 0 : i32
        %dma_start3A_499 = arith.constant 0 : i32
        %dma_start3A_500 = tpu.memref_slice %arg9[%dma_start3A_498, %dma_start3A_499] : memref<100096x16xf32, #tpu.memory_space<vmem_shared>> -> memref<100096x16xf32, #tpu.memory_space<vmem_shared>>
        tpu.enqueue_indirect_dma source(%dma_start3A_494 : memref<128x16xf32, #tpu.memory_space<vmem>>) target(%dma_start3A_500 : memref<100096x16xf32, #tpu.memory_space<vmem_shared>>) offsets(%dma_start3A_497 : memref<128xi32, #tpu.memory_space<vmem>>) semaphore(%run_scoped3A_490 : memref<!tpu.dma_semaphore, #tpu.memory_space<semaphore_mem>>) {add = true}
        %dma_wait3A_501 = arith.constant 0 : i32
        %dma_wait3A_502 = arith.constant 0 : i32
        %dma_wait3A_503 = tpu.memref_slice %arg7[%run_scoped3A_480, %run_scoped3A_481, %dma_wait3A_501, %dma_wait3A_502] : memref<2x4x128x16xf32, #tpu.memory_space<vmem>> -> memref<1x1x128x16xf32, #tpu.memory_space<vmem>>
        %dma_wait3A_504 = tpu.memref_squeeze %dma_wait3A_503 : memref<1x1x128x16xf32, #tpu.memory_space<vmem>> -> memref<128x16xf32, #tpu.memory_space<vmem>>
        %dma_wait3A_505 = arith.constant 0 : i32
        %dma_wait3A_506 = tpu.memref_slice %arg6[%run_scoped3A_482, %run_scoped3A_483, %dma_wait3A_505] : memref<2x4x128xi32, #tpu.memory_space<vmem>> -> memref<1x1x128xi32, #tpu.memory_space<vmem>>
        %dma_wait3A_507 = tpu.memref_squeeze %dma_wait3A_506 : memref<1x1x128xi32, #tpu.memory_space<vmem>> -> memref<128xi32, #tpu.memory_space<vmem>>
        %dma_wait3A_508 = arith.constant 0 : i32
        %dma_wait3A_509 = arith.constant 0 : i32
        %dma_wait3A_510 = tpu.memref_slice %arg9[%dma_wait3A_508, %dma_wait3A_509] : memref<100096x16xf32, #tpu.memory_space<vmem_shared>> -> memref<100096x16xf32, #tpu.memory_space<vmem_shared>>
        tpu.wait_indirect_dma semaphore(%run_scoped3A_490 : memref<!tpu.dma_semaphore, #tpu.memory_space<semaphore_mem>>) src(%dma_wait3A_504 : memref<128x16xf32, #tpu.memory_space<vmem>>) dst(%dma_wait3A_510 : memref<100096x16xf32, #tpu.memory_space<vmem_shared>>)
        tpu.yield
      }) : () -> ()
      %add3A_484 = arith.constant 1 : i32
      %add3A_485 = arith.addi %add3A_320, %add3A_484 : i32
      %lt3A_486 = arith.cmpi slt, %add3A_485, %mul3A_47 : i32
      %convert_element_type3A_487 = arith.extui %lt3A_486 : i1 to i32
      %cond3A_488 = arith.constant 0 : i32
      %cond3A_489 = arith.cmpi ne, %convert_element_type3A_487, %cond3A_488 : i32
      scf.if %cond3A_489 {
        %add3A_490 = arith.constant 1 : i32
        %add3A_491 = arith.addi %add3A_320, %add3A_490 : i32
        %mul3A_492 = arith.constant 4 : i32
        %mul3A_493 = arith.muli %add3A_491, %mul3A_492 : i32
        %add3A_494 = arith.addi %mul3A_45, %mul3A_493 : i32
        %dma_start3A_495 = arith.constant 0 : i32
        %dma_start3A_496 = arith.constant 0 : i32
        %dma_start3A_497 = arith.constant 0 : i32
        %dma_start3A_498 = arith.constant 0 : i32
        %dma_start3A_499 = tpu.memref_slice %arg5[%dma_start3A_496, %dma_start3A_497, %dma_start3A_498] : memref<2x4x128xi32, #tpu.memory_space<vmem>> -> memref<1x4x128xi32, #tpu.memory_space<vmem>>
        %dma_start3A_500 = tpu.memref_squeeze %dma_start3A_499 : memref<1x4x128xi32, #tpu.memory_space<vmem>> -> memref<4x128xi32, #tpu.memory_space<vmem>>
        %dma_start3A_501 = arith.constant 0 : i32
        %dma_start3A_502 = tpu.memref_slice %arg2[%dma_start3A_495, %add3A_494, %dma_start3A_501] : memref<2x25000x128xi32, #tpu.memory_space<hbm>> -> memref<1x4x128xi32, #tpu.memory_space<hbm>>
        %dma_start3A_503 = tpu.memref_squeeze %dma_start3A_502 : memref<1x4x128xi32, #tpu.memory_space<hbm>> -> memref<4x128xi32, #tpu.memory_space<hbm>>
        %dma_start3A_504 = arith.constant 0 : i32
        %dma_start3A_505 = arith.constant 0 : i32
        %dma_start3A_506 = tpu.memref_slice %arg5[%dma_start3A_496, %dma_start3A_504, %dma_start3A_505] : memref<2x4x128xi32, #tpu.memory_space<vmem>> -> memref<1x4x128xi32, #tpu.memory_space<vmem>>
        %dma_start3A_507 = tpu.memref_squeeze %dma_start3A_506 : memref<1x4x128xi32, #tpu.memory_space<vmem>> -> memref<4x128xi32, #tpu.memory_space<vmem>>
        %dma_start3A_508 = arith.constant 0 : i32
        %dma_start3A_509 = tpu.memref_slice %arg2[%dma_start3A_495, %add3A_494, %dma_start3A_508] : memref<2x25000x128xi32, #tpu.memory_space<hbm>> -> memref<1x4x128xi32, #tpu.memory_space<hbm>>
        %dma_start3A_510 = tpu.memref_squeeze %dma_start3A_509 : memref<1x4x128xi32, #tpu.memory_space<hbm>> -> memref<4x128xi32, #tpu.memory_space<hbm>>
        tpu.enqueue_dma source(%dma_start3A_510 : memref<4x128xi32, #tpu.memory_space<hbm>>) target(%dma_start3A_507 : memref<4x128xi32, #tpu.memory_space<vmem>>) target_semaphore(%arg10 : memref<!tpu.dma_semaphore, #tpu.memory_space<semaphore_mem>>)
        %dma_start3A_511 = arith.constant 1 : i32
        %dma_start3A_512 = arith.constant 0 : i32
        %dma_start3A_513 = arith.constant 0 : i32
        %dma_start3A_514 = arith.constant 0 : i32
        %dma_start3A_515 = tpu.memref_slice %arg6[%dma_start3A_512, %dma_start3A_513, %dma_start3A_514] : memref<2x4x128xi32, #tpu.memory_space<vmem>> -> memref<1x4x128xi32, #tpu.memory_space<vmem>>
        %dma_start3A_516 = tpu.memref_squeeze %dma_start3A_515 : memref<1x4x128xi32, #tpu.memory_space<vmem>> -> memref<4x128xi32, #tpu.memory_space<vmem>>
        %dma_start3A_517 = arith.constant 0 : i32
        %dma_start3A_518 = tpu.memref_slice %arg2[%dma_start3A_511, %add3A_494, %dma_start3A_517] : memref<2x25000x128xi32, #tpu.memory_space<hbm>> -> memref<1x4x128xi32, #tpu.memory_space<hbm>>
        %dma_start3A_519 = tpu.memref_squeeze %dma_start3A_518 : memref<1x4x128xi32, #tpu.memory_space<hbm>> -> memref<4x128xi32, #tpu.memory_space<hbm>>
        %dma_start3A_520 = arith.constant 0 : i32
        %dma_start3A_521 = arith.constant 0 : i32
        %dma_start3A_522 = tpu.memref_slice %arg6[%dma_start3A_512, %dma_start3A_520, %dma_start3A_521] : memref<2x4x128xi32, #tpu.memory_space<vmem>> -> memref<1x4x128xi32, #tpu.memory_space<vmem>>
        %dma_start3A_523 = tpu.memref_squeeze %dma_start3A_522 : memref<1x4x128xi32, #tpu.memory_space<vmem>> -> memref<4x128xi32, #tpu.memory_space<vmem>>
        %dma_start3A_524 = arith.constant 0 : i32
        %dma_start3A_525 = tpu.memref_slice %arg2[%dma_start3A_511, %add3A_494, %dma_start3A_524] : memref<2x25000x128xi32, #tpu.memory_space<hbm>> -> memref<1x4x128xi32, #tpu.memory_space<hbm>>
        %dma_start3A_526 = tpu.memref_squeeze %dma_start3A_525 : memref<1x4x128xi32, #tpu.memory_space<hbm>> -> memref<4x128xi32, #tpu.memory_space<hbm>>
        tpu.enqueue_dma source(%dma_start3A_526 : memref<4x128xi32, #tpu.memory_space<hbm>>) target(%dma_start3A_523 : memref<4x128xi32, #tpu.memory_space<vmem>>) target_semaphore(%arg10 : memref<!tpu.dma_semaphore, #tpu.memory_space<semaphore_mem>>)
      } else {
      }
    }
    %dma_wait3A = arith.constant 1 : i32
    %dma_wait3A_107 = arith.constant 0 : i32
    %dma_wait3A_108 = arith.constant 1 : i32
    %dma_wait3A_109 = arith.constant 0 : i32
    %dma_wait3A_110 = arith.constant 0 : i32
    %dma_wait3A_111 = arith.constant 0 : i32
    %dma_wait3A_112 = tpu.memref_slice %arg7[%dma_wait3A_108, %dma_wait3A_109, %dma_wait3A_110, %dma_wait3A_111] : memref<2x4x128x16xf32, #tpu.memory_space<vmem>> -> memref<1x1x128x16xf32, #tpu.memory_space<vmem>>
    %dma_wait3A_113 = tpu.memref_squeeze %dma_wait3A_112 : memref<1x1x128x16xf32, #tpu.memory_space<vmem>> -> memref<128x16xf32, #tpu.memory_space<vmem>>
    %dma_wait3A_114 = arith.constant 0 : i32
    %dma_wait3A_115 = tpu.memref_slice %arg5[%dma_wait3A, %dma_wait3A_107, %dma_wait3A_114] : memref<2x4x128xi32, #tpu.memory_space<vmem>> -> memref<1x1x128xi32, #tpu.memory_space<vmem>>
    %dma_wait3A_116 = tpu.memref_squeeze %dma_wait3A_115 : memref<1x1x128xi32, #tpu.memory_space<vmem>> -> memref<128xi32, #tpu.memory_space<vmem>>
    %dma_wait3A_117 = arith.constant 0 : i32
    %dma_wait3A_118 = arith.constant 0 : i32
    %dma_wait3A_119 = tpu.memref_slice %arg3[%dma_wait3A_117, %dma_wait3A_118] : memref<100096x16xf32, #tpu.memory_space<hbm>> -> memref<100096x16xf32, #tpu.memory_space<hbm>>
    tpu.wait_indirect_dma semaphore(%arg13 : memref<!tpu.dma_semaphore, #tpu.memory_space<semaphore_mem>>) src(%dma_wait3A_119 : memref<100096x16xf32, #tpu.memory_space<hbm>>) dst(%dma_wait3A_113 : memref<128x16xf32, #tpu.memory_space<vmem>>)
    %dma_wait3A_120 = arith.constant 1 : i32
    %dma_wait3A_121 = arith.constant 1 : i32
    %dma_wait3A_122 = arith.constant 1 : i32
    %dma_wait3A_123 = arith.constant 1 : i32
    %dma_wait3A_124 = arith.constant 0 : i32
    %dma_wait3A_125 = arith.constant 0 : i32
    %dma_wait3A_126 = tpu.memref_slice %arg7[%dma_wait3A_122, %dma_wait3A_123, %dma_wait3A_124, %dma_wait3A_125] : memref<2x4x128x16xf32, #tpu.memory_space<vmem>> -> memref<1x1x128x16xf32, #tpu.memory_space<vmem>>
    %dma_wait3A_127 = tpu.memref_squeeze %dma_wait3A_126 : memref<1x1x128x16xf32, #tpu.memory_space<vmem>> -> memref<128x16xf32, #tpu.memory_space<vmem>>
    %dma_wait3A_128 = arith.constant 0 : i32
    %dma_wait3A_129 = tpu.memref_slice %arg5[%dma_wait3A_120, %dma_wait3A_121, %dma_wait3A_128] : memref<2x4x128xi32, #tpu.memory_space<vmem>> -> memref<1x1x128xi32, #tpu.memory_space<vmem>>
    %dma_wait3A_130 = tpu.memref_squeeze %dma_wait3A_129 : memref<1x1x128xi32, #tpu.memory_space<vmem>> -> memref<128xi32, #tpu.memory_space<vmem>>
    %dma_wait3A_131 = arith.constant 0 : i32
    %dma_wait3A_132 = arith.constant 0 : i32
    %dma_wait3A_133 = tpu.memref_slice %arg3[%dma_wait3A_131, %dma_wait3A_132] : memref<100096x16xf32, #tpu.memory_space<hbm>> -> memref<100096x16xf32, #tpu.memory_space<hbm>>
    tpu.wait_indirect_dma semaphore(%arg13 : memref<!tpu.dma_semaphore, #tpu.memory_space<semaphore_mem>>) src(%dma_wait3A_133 : memref<100096x16xf32, #tpu.memory_space<hbm>>) dst(%dma_wait3A_127 : memref<128x16xf32, #tpu.memory_space<vmem>>)
    %dma_wait3A_134 = arith.constant 1 : i32
    %dma_wait3A_135 = arith.constant 2 : i32
    %dma_wait3A_136 = arith.constant 1 : i32
    %dma_wait3A_137 = arith.constant 2 : i32
    %dma_wait3A_138 = arith.constant 0 : i32
    %dma_wait3A_139 = arith.constant 0 : i32
    %dma_wait3A_140 = tpu.memref_slice %arg7[%dma_wait3A_136, %dma_wait3A_137, %dma_wait3A_138, %dma_wait3A_139] : memref<2x4x128x16xf32, #tpu.memory_space<vmem>> -> memref<1x1x128x16xf32, #tpu.memory_space<vmem>>
    %dma_wait3A_141 = tpu.memref_squeeze %dma_wait3A_140 : memref<1x1x128x16xf32, #tpu.memory_space<vmem>> -> memref<128x16xf32, #tpu.memory_space<vmem>>
    %dma_wait3A_142 = arith.constant 0 : i32
    %dma_wait3A_143 = tpu.memref_slice %arg5[%dma_wait3A_134, %dma_wait3A_135, %dma_wait3A_142] : memref<2x4x128xi32, #tpu.memory_space<vmem>> -> memref<1x1x128xi32, #tpu.memory_space<vmem>>
    %dma_wait3A_144 = tpu.memref_squeeze %dma_wait3A_143 : memref<1x1x128xi32, #tpu.memory_space<vmem>> -> memref<128xi32, #tpu.memory_space<vmem>>
    %dma_wait3A_145 = arith.constant 0 : i32
    %dma_wait3A_146 = arith.constant 0 : i32
    %dma_wait3A_147 = tpu.memref_slice %arg3[%dma_wait3A_145, %dma_wait3A_146] : memref<100096x16xf32, #tpu.memory_space<hbm>> -> memref<100096x16xf32, #tpu.memory_space<hbm>>
    tpu.wait_indirect_dma semaphore(%arg13 : memref<!tpu.dma_semaphore, #tpu.memory_space<semaphore_mem>>) src(%dma_wait3A_147 : memref<100096x16xf32, #tpu.memory_space<hbm>>) dst(%dma_wait3A_141 : memref<128x16xf32, #tpu.memory_space<vmem>>)
    %dma_wait3A_148 = arith.constant 1 : i32
    %dma_wait3A_149 = arith.constant 3 : i32
    %dma_wait3A_150 = arith.constant 1 : i32
    %dma_wait3A_151 = arith.constant 3 : i32
    %dma_wait3A_152 = arith.constant 0 : i32
    %dma_wait3A_153 = arith.constant 0 : i32
    %dma_wait3A_154 = tpu.memref_slice %arg7[%dma_wait3A_150, %dma_wait3A_151, %dma_wait3A_152, %dma_wait3A_153] : memref<2x4x128x16xf32, #tpu.memory_space<vmem>> -> memref<1x1x128x16xf32, #tpu.memory_space<vmem>>
    %dma_wait3A_155 = tpu.memref_squeeze %dma_wait3A_154 : memref<1x1x128x16xf32, #tpu.memory_space<vmem>> -> memref<128x16xf32, #tpu.memory_space<vmem>>
    %dma_wait3A_156 = arith.constant 0 : i32
    %dma_wait3A_157 = tpu.memref_slice %arg5[%dma_wait3A_148, %dma_wait3A_149, %dma_wait3A_156] : memref<2x4x128xi32, #tpu.memory_space<vmem>> -> memref<1x1x128xi32, #tpu.memory_space<vmem>>
    %dma_wait3A_158 = tpu.memref_squeeze %dma_wait3A_157 : memref<1x1x128xi32, #tpu.memory_space<vmem>> -> memref<128xi32, #tpu.memory_space<vmem>>
    %dma_wait3A_159 = arith.constant 0 : i32
    %dma_wait3A_160 = arith.constant 0 : i32
    %dma_wait3A_161 = tpu.memref_slice %arg3[%dma_wait3A_159, %dma_wait3A_160] : memref<100096x16xf32, #tpu.memory_space<hbm>> -> memref<100096x16xf32, #tpu.memory_space<hbm>>
    tpu.wait_indirect_dma semaphore(%arg13 : memref<!tpu.dma_semaphore, #tpu.memory_space<semaphore_mem>>) src(%dma_wait3A_161 : memref<100096x16xf32, #tpu.memory_space<hbm>>) dst(%dma_wait3A_155 : memref<128x16xf32, #tpu.memory_space<vmem>>)
    %run_scoped3A = arith.constant 1 : i32
    %run_scoped3A_162 = arith.constant 0 : i32
    %run_scoped3A_163 = arith.constant 1 : i32
    %run_scoped3A_164 = arith.constant 0 : i32
    "tpu.region"() ({
      %run_scoped3A_181 = tpu.sem_alloc : memref<!tpu.dma_semaphore, #tpu.memory_space<semaphore_mem>>
      %dma_start3A_182 = arith.constant 0 : i32
      %dma_start3A_183 = arith.constant 0 : i32
      %dma_start3A_184 = tpu.memref_slice %arg7[%run_scoped3A, %run_scoped3A_162, %dma_start3A_182, %dma_start3A_183] : memref<2x4x128x16xf32, #tpu.memory_space<vmem>> -> memref<1x1x128x16xf32, #tpu.memory_space<vmem>>
      %dma_start3A_185 = tpu.memref_squeeze %dma_start3A_184 : memref<1x1x128x16xf32, #tpu.memory_space<vmem>> -> memref<128x16xf32, #tpu.memory_space<vmem>>
      %dma_start3A_186 = arith.constant 0 : i32
      %dma_start3A_187 = tpu.memref_slice %arg6[%run_scoped3A_163, %run_scoped3A_164, %dma_start3A_186] : memref<2x4x128xi32, #tpu.memory_space<vmem>> -> memref<1x1x128xi32, #tpu.memory_space<vmem>>
      %dma_start3A_188 = tpu.memref_squeeze %dma_start3A_187 : memref<1x1x128xi32, #tpu.memory_space<vmem>> -> memref<128xi32, #tpu.memory_space<vmem>>
      %dma_start3A_189 = arith.constant 0 : i32
      %dma_start3A_190 = arith.constant 0 : i32
      %dma_start3A_191 = tpu.memref_slice %arg9[%dma_start3A_189, %dma_start3A_190] : memref<100096x16xf32, #tpu.memory_space<vmem_shared>> -> memref<100096x16xf32, #tpu.memory_space<vmem_shared>>
      tpu.enqueue_indirect_dma source(%dma_start3A_185 : memref<128x16xf32, #tpu.memory_space<vmem>>) target(%dma_start3A_191 : memref<100096x16xf32, #tpu.memory_space<vmem_shared>>) offsets(%dma_start3A_188 : memref<128xi32, #tpu.memory_space<vmem>>) semaphore(%run_scoped3A_181 : memref<!tpu.dma_semaphore, #tpu.memory_space<semaphore_mem>>) {add = true}
      %dma_wait3A_192 = arith.constant 0 : i32
      %dma_wait3A_193 = arith.constant 0 : i32
      %dma_wait3A_194 = tpu.memref_slice %arg7[%run_scoped3A, %run_scoped3A_162, %dma_wait3A_192, %dma_wait3A_193] : memref<2x4x128x16xf32, #tpu.memory_space<vmem>> -> memref<1x1x128x16xf32, #tpu.memory_space<vmem>>
      %dma_wait3A_195 = tpu.memref_squeeze %dma_wait3A_194 : memref<1x1x128x16xf32, #tpu.memory_space<vmem>> -> memref<128x16xf32, #tpu.memory_space<vmem>>
      %dma_wait3A_196 = arith.constant 0 : i32
      %dma_wait3A_197 = tpu.memref_slice %arg6[%run_scoped3A_163, %run_scoped3A_164, %dma_wait3A_196] : memref<2x4x128xi32, #tpu.memory_space<vmem>> -> memref<1x1x128xi32, #tpu.memory_space<vmem>>
      %dma_wait3A_198 = tpu.memref_squeeze %dma_wait3A_197 : memref<1x1x128xi32, #tpu.memory_space<vmem>> -> memref<128xi32, #tpu.memory_space<vmem>>
      %dma_wait3A_199 = arith.constant 0 : i32
      %dma_wait3A_200 = arith.constant 0 : i32
      %dma_wait3A_201 = tpu.memref_slice %arg9[%dma_wait3A_199, %dma_wait3A_200] : memref<100096x16xf32, #tpu.memory_space<vmem_shared>> -> memref<100096x16xf32, #tpu.memory_space<vmem_shared>>
      tpu.wait_indirect_dma semaphore(%run_scoped3A_181 : memref<!tpu.dma_semaphore, #tpu.memory_space<semaphore_mem>>) src(%dma_wait3A_195 : memref<128x16xf32, #tpu.memory_space<vmem>>) dst(%dma_wait3A_201 : memref<100096x16xf32, #tpu.memory_space<vmem_shared>>)
      tpu.yield
    }) : () -> ()
    %run_scoped3A_165 = arith.constant 1 : i32
    %run_scoped3A_166 = arith.constant 1 : i32
    %run_scoped3A_167 = arith.constant 1 : i32
    %run_scoped3A_168 = arith.constant 1 : i32
    "tpu.region"() ({
      %run_scoped3A_181 = tpu.sem_alloc : memref<!tpu.dma_semaphore, #tpu.memory_space<semaphore_mem>>
      %dma_start3A_182 = arith.constant 0 : i32
      %dma_start3A_183 = arith.constant 0 : i32
      %dma_start3A_184 = tpu.memref_slice %arg7[%run_scoped3A_165, %run_scoped3A_166, %dma_start3A_182, %dma_start3A_183] : memref<2x4x128x16xf32, #tpu.memory_space<vmem>> -> memref<1x1x128x16xf32, #tpu.memory_space<vmem>>
      %dma_start3A_185 = tpu.memref_squeeze %dma_start3A_184 : memref<1x1x128x16xf32, #tpu.memory_space<vmem>> -> memref<128x16xf32, #tpu.memory_space<vmem>>
      %dma_start3A_186 = arith.constant 0 : i32
      %dma_start3A_187 = tpu.memref_slice %arg6[%run_scoped3A_167, %run_scoped3A_168, %dma_start3A_186] : memref<2x4x128xi32, #tpu.memory_space<vmem>> -> memref<1x1x128xi32, #tpu.memory_space<vmem>>
      %dma_start3A_188 = tpu.memref_squeeze %dma_start3A_187 : memref<1x1x128xi32, #tpu.memory_space<vmem>> -> memref<128xi32, #tpu.memory_space<vmem>>
      %dma_start3A_189 = arith.constant 0 : i32
      %dma_start3A_190 = arith.constant 0 : i32
      %dma_start3A_191 = tpu.memref_slice %arg9[%dma_start3A_189, %dma_start3A_190] : memref<100096x16xf32, #tpu.memory_space<vmem_shared>> -> memref<100096x16xf32, #tpu.memory_space<vmem_shared>>
      tpu.enqueue_indirect_dma source(%dma_start3A_185 : memref<128x16xf32, #tpu.memory_space<vmem>>) target(%dma_start3A_191 : memref<100096x16xf32, #tpu.memory_space<vmem_shared>>) offsets(%dma_start3A_188 : memref<128xi32, #tpu.memory_space<vmem>>) semaphore(%run_scoped3A_181 : memref<!tpu.dma_semaphore, #tpu.memory_space<semaphore_mem>>) {add = true}
      %dma_wait3A_192 = arith.constant 0 : i32
      %dma_wait3A_193 = arith.constant 0 : i32
      %dma_wait3A_194 = tpu.memref_slice %arg7[%run_scoped3A_165, %run_scoped3A_166, %dma_wait3A_192, %dma_wait3A_193] : memref<2x4x128x16xf32, #tpu.memory_space<vmem>> -> memref<1x1x128x16xf32, #tpu.memory_space<vmem>>
      %dma_wait3A_195 = tpu.memref_squeeze %dma_wait3A_194 : memref<1x1x128x16xf32, #tpu.memory_space<vmem>> -> memref<128x16xf32, #tpu.memory_space<vmem>>
      %dma_wait3A_196 = arith.constant 0 : i32
      %dma_wait3A_197 = tpu.memref_slice %arg6[%run_scoped3A_167, %run_scoped3A_168, %dma_wait3A_196] : memref<2x4x128xi32, #tpu.memory_space<vmem>> -> memref<1x1x128xi32, #tpu.memory_space<vmem>>
      %dma_wait3A_198 = tpu.memref_squeeze %dma_wait3A_197 : memref<1x1x128xi32, #tpu.memory_space<vmem>> -> memref<128xi32, #tpu.memory_space<vmem>>
      %dma_wait3A_199 = arith.constant 0 : i32
      %dma_wait3A_200 = arith.constant 0 : i32
      %dma_wait3A_201 = tpu.memref_slice %arg9[%dma_wait3A_199, %dma_wait3A_200] : memref<100096x16xf32, #tpu.memory_space<vmem_shared>> -> memref<100096x16xf32, #tpu.memory_space<vmem_shared>>
      tpu.wait_indirect_dma semaphore(%run_scoped3A_181 : memref<!tpu.dma_semaphore, #tpu.memory_space<semaphore_mem>>) src(%dma_wait3A_195 : memref<128x16xf32, #tpu.memory_space<vmem>>) dst(%dma_wait3A_201 : memref<100096x16xf32, #tpu.memory_space<vmem_shared>>)
      tpu.yield
    }) : () -> ()
    %run_scoped3A_169 = arith.constant 1 : i32
    %run_scoped3A_170 = arith.constant 2 : i32
    %run_scoped3A_171 = arith.constant 1 : i32
    %run_scoped3A_172 = arith.constant 2 : i32
    "tpu.region"() ({
      %run_scoped3A_181 = tpu.sem_alloc : memref<!tpu.dma_semaphore, #tpu.memory_space<semaphore_mem>>
      %dma_start3A_182 = arith.constant 0 : i32
      %dma_start3A_183 = arith.constant 0 : i32
      %dma_start3A_184 = tpu.memref_slice %arg7[%run_scoped3A_169, %run_scoped3A_170, %dma_start3A_182, %dma_start3A_183] : memref<2x4x128x16xf32, #tpu.memory_space<vmem>> -> memref<1x1x128x16xf32, #tpu.memory_space<vmem>>
      %dma_start3A_185 = tpu.memref_squeeze %dma_start3A_184 : memref<1x1x128x16xf32, #tpu.memory_space<vmem>> -> memref<128x16xf32, #tpu.memory_space<vmem>>
      %dma_start3A_186 = arith.constant 0 : i32
      %dma_start3A_187 = tpu.memref_slice %arg6[%run_scoped3A_171, %run_scoped3A_172, %dma_start3A_186] : memref<2x4x128xi32, #tpu.memory_space<vmem>> -> memref<1x1x128xi32, #tpu.memory_space<vmem>>
      %dma_start3A_188 = tpu.memref_squeeze %dma_start3A_187 : memref<1x1x128xi32, #tpu.memory_space<vmem>> -> memref<128xi32, #tpu.memory_space<vmem>>
      %dma_start3A_189 = arith.constant 0 : i32
      %dma_start3A_190 = arith.constant 0 : i32
      %dma_start3A_191 = tpu.memref_slice %arg9[%dma_start3A_189, %dma_start3A_190] : memref<100096x16xf32, #tpu.memory_space<vmem_shared>> -> memref<100096x16xf32, #tpu.memory_space<vmem_shared>>
      tpu.enqueue_indirect_dma source(%dma_start3A_185 : memref<128x16xf32, #tpu.memory_space<vmem>>) target(%dma_start3A_191 : memref<100096x16xf32, #tpu.memory_space<vmem_shared>>) offsets(%dma_start3A_188 : memref<128xi32, #tpu.memory_space<vmem>>) semaphore(%run_scoped3A_181 : memref<!tpu.dma_semaphore, #tpu.memory_space<semaphore_mem>>) {add = true}
      %dma_wait3A_192 = arith.constant 0 : i32
      %dma_wait3A_193 = arith.constant 0 : i32
      %dma_wait3A_194 = tpu.memref_slice %arg7[%run_scoped3A_169, %run_scoped3A_170, %dma_wait3A_192, %dma_wait3A_193] : memref<2x4x128x16xf32, #tpu.memory_space<vmem>> -> memref<1x1x128x16xf32, #tpu.memory_space<vmem>>
      %dma_wait3A_195 = tpu.memref_squeeze %dma_wait3A_194 : memref<1x1x128x16xf32, #tpu.memory_space<vmem>> -> memref<128x16xf32, #tpu.memory_space<vmem>>
      %dma_wait3A_196 = arith.constant 0 : i32
      %dma_wait3A_197 = tpu.memref_slice %arg6[%run_scoped3A_171, %run_scoped3A_172, %dma_wait3A_196] : memref<2x4x128xi32, #tpu.memory_space<vmem>> -> memref<1x1x128xi32, #tpu.memory_space<vmem>>
      %dma_wait3A_198 = tpu.memref_squeeze %dma_wait3A_197 : memref<1x1x128xi32, #tpu.memory_space<vmem>> -> memref<128xi32, #tpu.memory_space<vmem>>
      %dma_wait3A_199 = arith.constant 0 : i32
      %dma_wait3A_200 = arith.constant 0 : i32
      %dma_wait3A_201 = tpu.memref_slice %arg9[%dma_wait3A_199, %dma_wait3A_200] : memref<100096x16xf32, #tpu.memory_space<vmem_shared>> -> memref<100096x16xf32, #tpu.memory_space<vmem_shared>>
      tpu.wait_indirect_dma semaphore(%run_scoped3A_181 : memref<!tpu.dma_semaphore, #tpu.memory_space<semaphore_mem>>) src(%dma_wait3A_195 : memref<128x16xf32, #tpu.memory_space<vmem>>) dst(%dma_wait3A_201 : memref<100096x16xf32, #tpu.memory_space<vmem_shared>>)
      tpu.yield
    }) : () -> ()
    %run_scoped3A_173 = arith.constant 1 : i32
    %run_scoped3A_174 = arith.constant 3 : i32
    %run_scoped3A_175 = arith.constant 1 : i32
    %run_scoped3A_176 = arith.constant 3 : i32
    "tpu.region"() ({
      %run_scoped3A_181 = tpu.sem_alloc : memref<!tpu.dma_semaphore, #tpu.memory_space<semaphore_mem>>
      %dma_start3A_182 = arith.constant 0 : i32
      %dma_start3A_183 = arith.constant 0 : i32
      %dma_start3A_184 = tpu.memref_slice %arg7[%run_scoped3A_173, %run_scoped3A_174, %dma_start3A_182, %dma_start3A_183] : memref<2x4x128x16xf32, #tpu.memory_space<vmem>> -> memref<1x1x128x16xf32, #tpu.memory_space<vmem>>
      %dma_start3A_185 = tpu.memref_squeeze %dma_start3A_184 : memref<1x1x128x16xf32, #tpu.memory_space<vmem>> -> memref<128x16xf32, #tpu.memory_space<vmem>>
      %dma_start3A_186 = arith.constant 0 : i32
      %dma_start3A_187 = tpu.memref_slice %arg6[%run_scoped3A_175, %run_scoped3A_176, %dma_start3A_186] : memref<2x4x128xi32, #tpu.memory_space<vmem>> -> memref<1x1x128xi32, #tpu.memory_space<vmem>>
      %dma_start3A_188 = tpu.memref_squeeze %dma_start3A_187 : memref<1x1x128xi32, #tpu.memory_space<vmem>> -> memref<128xi32, #tpu.memory_space<vmem>>
      %dma_start3A_189 = arith.constant 0 : i32
      %dma_start3A_190 = arith.constant 0 : i32
      %dma_start3A_191 = tpu.memref_slice %arg9[%dma_start3A_189, %dma_start3A_190] : memref<100096x16xf32, #tpu.memory_space<vmem_shared>> -> memref<100096x16xf32, #tpu.memory_space<vmem_shared>>
      tpu.enqueue_indirect_dma source(%dma_start3A_185 : memref<128x16xf32, #tpu.memory_space<vmem>>) target(%dma_start3A_191 : memref<100096x16xf32, #tpu.memory_space<vmem_shared>>) offsets(%dma_start3A_188 : memref<128xi32, #tpu.memory_space<vmem>>) semaphore(%run_scoped3A_181 : memref<!tpu.dma_semaphore, #tpu.memory_space<semaphore_mem>>) {add = true}
      %dma_wait3A_192 = arith.constant 0 : i32
      %dma_wait3A_193 = arith.constant 0 : i32
      %dma_wait3A_194 = tpu.memref_slice %arg7[%run_scoped3A_173, %run_scoped3A_174, %dma_wait3A_192, %dma_wait3A_193] : memref<2x4x128x16xf32, #tpu.memory_space<vmem>> -> memref<1x1x128x16xf32, #tpu.memory_space<vmem>>
      %dma_wait3A_195 = tpu.memref_squeeze %dma_wait3A_194 : memref<1x1x128x16xf32, #tpu.memory_space<vmem>> -> memref<128x16xf32, #tpu.memory_space<vmem>>
      %dma_wait3A_196 = arith.constant 0 : i32
      %dma_wait3A_197 = tpu.memref_slice %arg6[%run_scoped3A_175, %run_scoped3A_176, %dma_wait3A_196] : memref<2x4x128xi32, #tpu.memory_space<vmem>> -> memref<1x1x128xi32, #tpu.memory_space<vmem>>
      %dma_wait3A_198 = tpu.memref_squeeze %dma_wait3A_197 : memref<1x1x128xi32, #tpu.memory_space<vmem>> -> memref<128xi32, #tpu.memory_space<vmem>>
      %dma_wait3A_199 = arith.constant 0 : i32
      %dma_wait3A_200 = arith.constant 0 : i32
      %dma_wait3A_201 = tpu.memref_slice %arg9[%dma_wait3A_199, %dma_wait3A_200] : memref<100096x16xf32, #tpu.memory_space<vmem_shared>> -> memref<100096x16xf32, #tpu.memory_space<vmem_shared>>
      tpu.wait_indirect_dma semaphore(%run_scoped3A_181 : memref<!tpu.dma_semaphore, #tpu.memory_space<semaphore_mem>>) src(%dma_wait3A_195 : memref<128x16xf32, #tpu.memory_space<vmem>>) dst(%dma_wait3A_201 : memref<100096x16xf32, #tpu.memory_space<vmem_shared>>)
      tpu.yield
    }) : () -> ()
    %barrier3A_177 = arith.constant 0 : index
    tpu.barrier barrier_id(%barrier3A_177)
    %mul3A_178 = arith.constant 100096 : i32
    %mul3A_179 = arith.muli %arg0, %mul3A_178 : i32
    %add3A_180 = arith.addi %mul3A_179, %mul3A_5 : i32
    "tpu.region"() ({
      %run_scoped3A_181 = tpu.sem_alloc : memref<!tpu.dma_semaphore, #tpu.memory_space<semaphore_mem>>
      %dma_start3A_182 = arith.constant 0 : i32
      %dma_start3A_183 = tpu.memref_slice %arg4[%add3A_180, %dma_start3A_182] : memref<200192x16xf32, #tpu.memory_space<hbm>> -> memref<6256x16xf32, #tpu.memory_space<hbm>>
      %dma_start3A_184 = arith.constant 0 : i32
      %dma_start3A_185 = tpu.memref_slice %arg9[%mul3A_5, %dma_start3A_184] : memref<100096x16xf32, #tpu.memory_space<vmem_shared>> -> memref<6256x16xf32, #tpu.memory_space<vmem_shared>>
      tpu.enqueue_dma source(%dma_start3A_185 : memref<6256x16xf32, #tpu.memory_space<vmem_shared>>) target(%dma_start3A_183 : memref<6256x16xf32, #tpu.memory_space<hbm>>) target_semaphore(%run_scoped3A_181 : memref<!tpu.dma_semaphore, #tpu.memory_space<semaphore_mem>>)
      %dma_wait3A_186 = arith.constant 0 : i32
      %dma_wait3A_187 = tpu.memref_slice %arg4[%add3A_180, %dma_wait3A_186] : memref<200192x16xf32, #tpu.memory_space<hbm>> -> memref<6256x16xf32, #tpu.memory_space<hbm>>
      %dma_wait3A_188 = arith.constant 0 : i32
      %dma_wait3A_189 = tpu.memref_slice %arg9[%mul3A_5, %dma_wait3A_188] : memref<100096x16xf32, #tpu.memory_space<vmem_shared>> -> memref<6256x16xf32, #tpu.memory_space<vmem_shared>>
      tpu.wait_dma2 semaphore(%run_scoped3A_181 : memref<!tpu.dma_semaphore, #tpu.memory_space<semaphore_mem>>) src(%dma_wait3A_189 : memref<6256x16xf32, #tpu.memory_space<vmem_shared>>) dst(%dma_wait3A_187 : memref<6256x16xf32, #tpu.memory_space<hbm>>)
      tpu.yield
    }) : () -> ()
    return
  }
}

module attributes {stable_mosaic.version = 14 : i64} {
  func.func @_typed_transform_body(%arg0: i32, %arg1: memref<2048x7xf32, #tpu.memory_space<vmem>>, %arg2: memref<2048x1xi32, #tpu.memory_space<vmem>>, %arg3: memref<7x7x16xf32, #tpu.memory_space<vmem>>, %arg4: memref<2048x16xf32, #tpu.memory_space<vmem>>) attributes {dimension_semantics = [#tpu.dimension_semantics<arbitrary>], iteration_bounds = array<i64: 49>, scalar_prefetch = 0 : i64, scratch_operands = 0 : i64, tpu.core_type = #tpu.core_type<tc>, window_params = [{transform_indices = @transform_0, window_bounds = array<i64: 2048, 7>}, {transform_indices = @transform_1, window_bounds = array<i64: 2048, 1>}, {pipeline_mode = #tpu.pipeline_mode<synchronous>, transform_indices = @transform_2, window_bounds = array<i64: 7, 7, 16>}, {transform_indices = @transform_3, window_bounds = array<i64: 2048, 16>}]} {
    %get3A = arith.constant 0 : index
    %get3A_0 = arith.constant 0 : index
    %get3A_1 = vector.load %arg1[%get3A, %get3A_0] : memref<2048x7xf32, #tpu.memory_space<vmem>>, vector<2048x7xf32>
    %get3A_2 = arith.constant 0 : index
    %get3A_3 = arith.constant 0 : index
    %get3A_4 = vector.load %arg2[%get3A_2, %get3A_3] : memref<2048x1xi32, #tpu.memory_space<vmem>>, vector<2048x1xi32>
    %broadcast_in_dim3A = arith.constant 0.000000e+00 : f32
    %broadcast_in_dim3A_5 = vector.broadcast %broadcast_in_dim3A : f32 to vector<2048x16xf32>
    %get3A_6 = arith.constant 0 : index
    %get3A_7 = arith.constant 0 : index
    %get3A_8 = arith.constant 0 : index
    %get3A_9 = vector.load %arg3[%get3A_6, %get3A_7, %get3A_8] : memref<7x7x16xf32, #tpu.memory_space<vmem>>, vector<1x7x16xf32>
    %get3A_10 = vector.shape_cast %get3A_9 : vector<1x7x16xf32> to vector<7x16xf32>
    %dot_general3A = arith.constant dense<0.000000e+00> : vector<2048x16xf32>
    %dot_general3A_11 = tpu.matmul %get3A_1, %get3A_10, %dot_general3A {dimension_numbers = #tpu.dot_dimension_numbers<[1], [0], [0], [1], [0, 0, 1, 1], [], []>, transpose_lhs_hint = false} : vector<2048x7xf32>, vector<7x16xf32>, vector<2048x16xf32> -> vector<2048x16xf32>
    %eq3A = arith.constant 0 : i32
    %eq3A_12 = vector.broadcast %eq3A : i32 to vector<2048x1xi32>
    %eq3A_13 = arith.cmpi eq, %get3A_4, %eq3A_12 : vector<2048x1xi32>
    %jit3A = arith.constant 0.000000e+00 : f32
    %broadcast_in_dim3A_14 = vector.shape_cast %eq3A_13 : vector<2048x1xi1> to vector<2048x1xi1>
    %broadcast_in_dim3A_15 = vector.broadcast %broadcast_in_dim3A_14 : vector<2048x1xi1> to vector<2048x16xi1>
    %broadcast_in_dim3A_16 = vector.broadcast %jit3A : f32 to vector<2048x16xf32>
    %select_n3A = arith.select %broadcast_in_dim3A_15, %dot_general3A_11, %broadcast_in_dim3A_16 : vector<2048x16xi1>, vector<2048x16xf32>
    %add3A = arith.addf %broadcast_in_dim3A_5, %select_n3A : vector<2048x16xf32>
    %get3A_17 = arith.constant 1 : index
    %get3A_18 = arith.constant 0 : index
    %get3A_19 = arith.constant 0 : index
    %get3A_20 = vector.load %arg3[%get3A_17, %get3A_18, %get3A_19] : memref<7x7x16xf32, #tpu.memory_space<vmem>>, vector<1x7x16xf32>
    %get3A_21 = vector.shape_cast %get3A_20 : vector<1x7x16xf32> to vector<7x16xf32>
    %dot_general3A_22 = arith.constant dense<0.000000e+00> : vector<2048x16xf32>
    %dot_general3A_23 = tpu.matmul %get3A_1, %get3A_21, %dot_general3A_22 {dimension_numbers = #tpu.dot_dimension_numbers<[1], [0], [0], [1], [0, 0, 1, 1], [], []>, transpose_lhs_hint = false} : vector<2048x7xf32>, vector<7x16xf32>, vector<2048x16xf32> -> vector<2048x16xf32>
    %eq3A_24 = arith.constant 1 : i32
    %eq3A_25 = vector.broadcast %eq3A_24 : i32 to vector<2048x1xi32>
    %eq3A_26 = arith.cmpi eq, %get3A_4, %eq3A_25 : vector<2048x1xi32>
    %jit3A_27 = arith.constant 0.000000e+00 : f32
    %broadcast_in_dim3A_28 = vector.shape_cast %eq3A_26 : vector<2048x1xi1> to vector<2048x1xi1>
    %broadcast_in_dim3A_29 = vector.broadcast %broadcast_in_dim3A_28 : vector<2048x1xi1> to vector<2048x16xi1>
    %broadcast_in_dim3A_30 = vector.broadcast %jit3A_27 : f32 to vector<2048x16xf32>
    %select_n3A_31 = arith.select %broadcast_in_dim3A_29, %dot_general3A_23, %broadcast_in_dim3A_30 : vector<2048x16xi1>, vector<2048x16xf32>
    %add3A_32 = arith.addf %add3A, %select_n3A_31 : vector<2048x16xf32>
    %get3A_33 = arith.constant 2 : index
    %get3A_34 = arith.constant 0 : index
    %get3A_35 = arith.constant 0 : index
    %get3A_36 = vector.load %arg3[%get3A_33, %get3A_34, %get3A_35] : memref<7x7x16xf32, #tpu.memory_space<vmem>>, vector<1x7x16xf32>
    %get3A_37 = vector.shape_cast %get3A_36 : vector<1x7x16xf32> to vector<7x16xf32>
    %dot_general3A_38 = arith.constant dense<0.000000e+00> : vector<2048x16xf32>
    %dot_general3A_39 = tpu.matmul %get3A_1, %get3A_37, %dot_general3A_38 {dimension_numbers = #tpu.dot_dimension_numbers<[1], [0], [0], [1], [0, 0, 1, 1], [], []>, transpose_lhs_hint = false} : vector<2048x7xf32>, vector<7x16xf32>, vector<2048x16xf32> -> vector<2048x16xf32>
    %eq3A_40 = arith.constant 2 : i32
    %eq3A_41 = vector.broadcast %eq3A_40 : i32 to vector<2048x1xi32>
    %eq3A_42 = arith.cmpi eq, %get3A_4, %eq3A_41 : vector<2048x1xi32>
    %jit3A_43 = arith.constant 0.000000e+00 : f32
    %broadcast_in_dim3A_44 = vector.shape_cast %eq3A_42 : vector<2048x1xi1> to vector<2048x1xi1>
    %broadcast_in_dim3A_45 = vector.broadcast %broadcast_in_dim3A_44 : vector<2048x1xi1> to vector<2048x16xi1>
    %broadcast_in_dim3A_46 = vector.broadcast %jit3A_43 : f32 to vector<2048x16xf32>
    %select_n3A_47 = arith.select %broadcast_in_dim3A_45, %dot_general3A_39, %broadcast_in_dim3A_46 : vector<2048x16xi1>, vector<2048x16xf32>
    %add3A_48 = arith.addf %add3A_32, %select_n3A_47 : vector<2048x16xf32>
    %get3A_49 = arith.constant 3 : index
    %get3A_50 = arith.constant 0 : index
    %get3A_51 = arith.constant 0 : index
    %get3A_52 = vector.load %arg3[%get3A_49, %get3A_50, %get3A_51] : memref<7x7x16xf32, #tpu.memory_space<vmem>>, vector<1x7x16xf32>
    %get3A_53 = vector.shape_cast %get3A_52 : vector<1x7x16xf32> to vector<7x16xf32>
    %dot_general3A_54 = arith.constant dense<0.000000e+00> : vector<2048x16xf32>
    %dot_general3A_55 = tpu.matmul %get3A_1, %get3A_53, %dot_general3A_54 {dimension_numbers = #tpu.dot_dimension_numbers<[1], [0], [0], [1], [0, 0, 1, 1], [], []>, transpose_lhs_hint = false} : vector<2048x7xf32>, vector<7x16xf32>, vector<2048x16xf32> -> vector<2048x16xf32>
    %eq3A_56 = arith.constant 3 : i32
    %eq3A_57 = vector.broadcast %eq3A_56 : i32 to vector<2048x1xi32>
    %eq3A_58 = arith.cmpi eq, %get3A_4, %eq3A_57 : vector<2048x1xi32>
    %jit3A_59 = arith.constant 0.000000e+00 : f32
    %broadcast_in_dim3A_60 = vector.shape_cast %eq3A_58 : vector<2048x1xi1> to vector<2048x1xi1>
    %broadcast_in_dim3A_61 = vector.broadcast %broadcast_in_dim3A_60 : vector<2048x1xi1> to vector<2048x16xi1>
    %broadcast_in_dim3A_62 = vector.broadcast %jit3A_59 : f32 to vector<2048x16xf32>
    %select_n3A_63 = arith.select %broadcast_in_dim3A_61, %dot_general3A_55, %broadcast_in_dim3A_62 : vector<2048x16xi1>, vector<2048x16xf32>
    %add3A_64 = arith.addf %add3A_48, %select_n3A_63 : vector<2048x16xf32>
    %get3A_65 = arith.constant 4 : index
    %get3A_66 = arith.constant 0 : index
    %get3A_67 = arith.constant 0 : index
    %get3A_68 = vector.load %arg3[%get3A_65, %get3A_66, %get3A_67] : memref<7x7x16xf32, #tpu.memory_space<vmem>>, vector<1x7x16xf32>
    %get3A_69 = vector.shape_cast %get3A_68 : vector<1x7x16xf32> to vector<7x16xf32>
    %dot_general3A_70 = arith.constant dense<0.000000e+00> : vector<2048x16xf32>
    %dot_general3A_71 = tpu.matmul %get3A_1, %get3A_69, %dot_general3A_70 {dimension_numbers = #tpu.dot_dimension_numbers<[1], [0], [0], [1], [0, 0, 1, 1], [], []>, transpose_lhs_hint = false} : vector<2048x7xf32>, vector<7x16xf32>, vector<2048x16xf32> -> vector<2048x16xf32>
    %eq3A_72 = arith.constant 4 : i32
    %eq3A_73 = vector.broadcast %eq3A_72 : i32 to vector<2048x1xi32>
    %eq3A_74 = arith.cmpi eq, %get3A_4, %eq3A_73 : vector<2048x1xi32>
    %jit3A_75 = arith.constant 0.000000e+00 : f32
    %broadcast_in_dim3A_76 = vector.shape_cast %eq3A_74 : vector<2048x1xi1> to vector<2048x1xi1>
    %broadcast_in_dim3A_77 = vector.broadcast %broadcast_in_dim3A_76 : vector<2048x1xi1> to vector<2048x16xi1>
    %broadcast_in_dim3A_78 = vector.broadcast %jit3A_75 : f32 to vector<2048x16xf32>
    %select_n3A_79 = arith.select %broadcast_in_dim3A_77, %dot_general3A_71, %broadcast_in_dim3A_78 : vector<2048x16xi1>, vector<2048x16xf32>
    %add3A_80 = arith.addf %add3A_64, %select_n3A_79 : vector<2048x16xf32>
    %get3A_81 = arith.constant 5 : index
    %get3A_82 = arith.constant 0 : index
    %get3A_83 = arith.constant 0 : index
    %get3A_84 = vector.load %arg3[%get3A_81, %get3A_82, %get3A_83] : memref<7x7x16xf32, #tpu.memory_space<vmem>>, vector<1x7x16xf32>
    %get3A_85 = vector.shape_cast %get3A_84 : vector<1x7x16xf32> to vector<7x16xf32>
    %dot_general3A_86 = arith.constant dense<0.000000e+00> : vector<2048x16xf32>
    %dot_general3A_87 = tpu.matmul %get3A_1, %get3A_85, %dot_general3A_86 {dimension_numbers = #tpu.dot_dimension_numbers<[1], [0], [0], [1], [0, 0, 1, 1], [], []>, transpose_lhs_hint = false} : vector<2048x7xf32>, vector<7x16xf32>, vector<2048x16xf32> -> vector<2048x16xf32>
    %eq3A_88 = arith.constant 5 : i32
    %eq3A_89 = vector.broadcast %eq3A_88 : i32 to vector<2048x1xi32>
    %eq3A_90 = arith.cmpi eq, %get3A_4, %eq3A_89 : vector<2048x1xi32>
    %jit3A_91 = arith.constant 0.000000e+00 : f32
    %broadcast_in_dim3A_92 = vector.shape_cast %eq3A_90 : vector<2048x1xi1> to vector<2048x1xi1>
    %broadcast_in_dim3A_93 = vector.broadcast %broadcast_in_dim3A_92 : vector<2048x1xi1> to vector<2048x16xi1>
    %broadcast_in_dim3A_94 = vector.broadcast %jit3A_91 : f32 to vector<2048x16xf32>
    %select_n3A_95 = arith.select %broadcast_in_dim3A_93, %dot_general3A_87, %broadcast_in_dim3A_94 : vector<2048x16xi1>, vector<2048x16xf32>
    %add3A_96 = arith.addf %add3A_80, %select_n3A_95 : vector<2048x16xf32>
    %get3A_97 = arith.constant 6 : index
    %get3A_98 = arith.constant 0 : index
    %get3A_99 = arith.constant 0 : index
    %get3A_100 = vector.load %arg3[%get3A_97, %get3A_98, %get3A_99] : memref<7x7x16xf32, #tpu.memory_space<vmem>>, vector<1x7x16xf32>
    %get3A_101 = vector.shape_cast %get3A_100 : vector<1x7x16xf32> to vector<7x16xf32>
    %dot_general3A_102 = arith.constant dense<0.000000e+00> : vector<2048x16xf32>
    %dot_general3A_103 = tpu.matmul %get3A_1, %get3A_101, %dot_general3A_102 {dimension_numbers = #tpu.dot_dimension_numbers<[1], [0], [0], [1], [0, 0, 1, 1], [], []>, transpose_lhs_hint = false} : vector<2048x7xf32>, vector<7x16xf32>, vector<2048x16xf32> -> vector<2048x16xf32>
    %eq3A_104 = arith.constant 6 : i32
    %eq3A_105 = vector.broadcast %eq3A_104 : i32 to vector<2048x1xi32>
    %eq3A_106 = arith.cmpi eq, %get3A_4, %eq3A_105 : vector<2048x1xi32>
    %jit3A_107 = arith.constant 0.000000e+00 : f32
    %broadcast_in_dim3A_108 = vector.shape_cast %eq3A_106 : vector<2048x1xi1> to vector<2048x1xi1>
    %broadcast_in_dim3A_109 = vector.broadcast %broadcast_in_dim3A_108 : vector<2048x1xi1> to vector<2048x16xi1>
    %broadcast_in_dim3A_110 = vector.broadcast %jit3A_107 : f32 to vector<2048x16xf32>
    %select_n3A_111 = arith.select %broadcast_in_dim3A_109, %dot_general3A_103, %broadcast_in_dim3A_110 : vector<2048x16xi1>, vector<2048x16xf32>
    %add3A_112 = arith.addf %add3A_96, %select_n3A_111 : vector<2048x16xf32>
    %mul3A = arith.constant 2048 : i32
    %mul3A_113 = arith.muli %arg0, %mul3A : i32
    %iota3A = tpu.iota {dimensions = array<i32: 0>} : vector<2048x1xi32>
    %add3A_114 = vector.broadcast %mul3A_113 : i32 to vector<2048x1xi32>
    %add3A_115 = arith.addi %add3A_114, %iota3A : vector<2048x1xi32>
    %lt3A = arith.constant 100000 : i32
    %lt3A_116 = vector.broadcast %lt3A : i32 to vector<2048x1xi32>
    %lt3A_117 = arith.cmpi slt, %add3A_115, %lt3A_116 : vector<2048x1xi32>
    %jit3A_118 = arith.constant 0.000000e+00 : f32
    %broadcast_in_dim3A_119 = vector.shape_cast %lt3A_117 : vector<2048x1xi1> to vector<2048x1xi1>
    %broadcast_in_dim3A_120 = vector.broadcast %broadcast_in_dim3A_119 : vector<2048x1xi1> to vector<2048x16xi1>
    %broadcast_in_dim3A_121 = vector.broadcast %jit3A_118 : f32 to vector<2048x16xf32>
    %select_n3A_122 = arith.select %broadcast_in_dim3A_120, %add3A_112, %broadcast_in_dim3A_121 : vector<2048x16xi1>, vector<2048x16xf32>
    %swap3A = arith.constant 0 : index
    %swap3A_123 = arith.constant 0 : index
    %swap3A_124 = vector.load %arg4[%swap3A, %swap3A_123] : memref<2048x16xf32, #tpu.memory_space<vmem>>, vector<2048x16xf32>
    tpu.vector_store %arg4[%swap3A, %swap3A_123], %select_n3A_122 {strides = array<i32>} : memref<2048x16xf32, #tpu.memory_space<vmem>>, vector<2048x16xf32>,
    return
  }
  func.func @transform_0(%arg0: i32) -> (i32, i32) {
    %c0_i32 = arith.constant 0 : i32
    %c0_i32_0 = arith.constant 0 : i32
    return %arg0, %c0_i32 : i32, i32
  }
  func.func @transform_1(%arg0: i32) -> (i32, i32) {
    %c0_i32 = arith.constant 0 : i32
    %c0_i32_0 = arith.constant 0 : i32
    return %arg0, %c0_i32 : i32, i32
  }
  func.func @transform_2(%arg0: i32) -> (i32, i32, i32) {
    %c0_i32 = arith.constant 0 : i32
    %c0_i32_0 = arith.constant 0 : i32
    %c0_i32_1 = arith.constant 0 : i32
    %c0_i32_2 = arith.constant 0 : i32
    return %c0_i32, %c0_i32_0, %c0_i32_1 : i32, i32, i32
  }
  func.func @transform_3(%arg0: i32) -> (i32, i32) {
    %c0_i32 = arith.constant 0 : i32
    %c0_i32_0 = arith.constant 0 : i32
    return %arg0, %c0_i32 : i32, i32
  }
}

module attributes {stable_mosaic.version = 14 : i64} {
  func.func @_combine_body(%arg0: i32, %arg1: memref<25024x128xf32, #tpu.memory_space<vmem>>, %arg2: memref<1x128xf32, #tpu.memory_space<vmem>>, %arg3: memref<12512x128xf32, #tpu.memory_space<vmem>>) attributes {dimension_semantics = [#tpu.dimension_semantics<arbitrary>], iteration_bounds = array<i64: 1>, scalar_prefetch = 0 : i64, scratch_operands = 0 : i64, tpu.core_type = #tpu.core_type<tc>, window_params = [{pipeline_mode = #tpu.pipeline_mode<synchronous>, transform_indices = @transform_0, window_bounds = array<i64: 25024, 128>}, {pipeline_mode = #tpu.pipeline_mode<synchronous>, transform_indices = @transform_1, window_bounds = array<i64: 1, 128>}, {pipeline_mode = #tpu.pipeline_mode<synchronous>, transform_indices = @transform_2, window_bounds = array<i64: 12512, 128>}]} {
    %get3A = arith.constant 0 : index
    %get3A_0 = arith.constant 0 : index
    %get3A_1 = vector.load %arg1[%get3A, %get3A_0] : memref<25024x128xf32, #tpu.memory_space<vmem>>, vector<25024x128xf32>
    %slice3A = vector.extract_strided_slice %get3A_1 {offsets = [0, 0], sizes = [12512, 128], strides = [1, 1]} : vector<25024x128xf32> to vector<12512x128xf32>
    %slice3A_2 = vector.extract_strided_slice %get3A_1 {offsets = [12512, 0], sizes = [12512, 128], strides = [1, 1]} : vector<25024x128xf32> to vector<12512x128xf32>
    %add3A = arith.addf %slice3A, %slice3A_2 : vector<12512x128xf32>
    %get3A_3 = arith.constant 0 : index
    %get3A_4 = arith.constant 0 : index
    %get3A_5 = vector.load %arg2[%get3A_3, %get3A_4] : memref<1x128xf32, #tpu.memory_space<vmem>>, vector<1x128xf32>
    %add3A_6 = vector.broadcast %get3A_5 : vector<1x128xf32> to vector<12512x128xf32>
    %add3A_7 = arith.addf %add3A, %add3A_6 : vector<12512x128xf32>
    %ge3A = arith.constant 0.000000e+00 : f32
    %ge3A_8 = vector.broadcast %ge3A : f32 to vector<12512x128xf32>
    %ge3A_9 = arith.cmpf oge, %add3A_7, %ge3A_8 : vector<12512x128xf32>
    %mul3A = arith.constant 0.00999999977 : f32
    %mul3A_10 = vector.broadcast %mul3A : f32 to vector<12512x128xf32>
    %mul3A_11 = arith.mulf %mul3A_10, %add3A_7 : vector<12512x128xf32>
    %select_n3A = arith.select %ge3A_9, %add3A_7, %mul3A_11 : vector<12512x128xi1>, vector<12512x128xf32>
    %swap3A = arith.constant 0 : index
    %swap3A_12 = arith.constant 0 : index
    %swap3A_13 = vector.load %arg3[%swap3A, %swap3A_12] : memref<12512x128xf32, #tpu.memory_space<vmem>>, vector<12512x128xf32>
    tpu.vector_store %arg3[%swap3A, %swap3A_12], %select_n3A {strides = array<i32>} : memref<12512x128xf32, #tpu.memory_space<vmem>>, vector<12512x128xf32>,
    return
  }
  func.func @transform_0(%arg0: i32) -> (i32, i32) {
    %c0_i32 = arith.constant 0 : i32
    %c0_i32_0 = arith.constant 0 : i32
    %c0_i32_1 = arith.constant 0 : i32
    return %c0_i32, %c0_i32_0 : i32, i32
  }
  func.func @transform_1(%arg0: i32) -> (i32, i32) {
    %c0_i32 = arith.constant 0 : i32
    %c0_i32_0 = arith.constant 0 : i32
    %c0_i32_1 = arith.constant 0 : i32
    return %c0_i32, %c0_i32_0 : i32, i32
  }
  func.func @transform_2(%arg0: i32) -> (i32, i32) {
    %c0_i32 = arith.constant 0 : i32
    %c0_i32_0 = arith.constant 0 : i32
    %c0_i32_1 = arith.constant 0 : i32
    return %c0_i32, %c0_i32_0 : i32, i32
  }
}

module attributes {stable_mosaic.version = 14 : i64} {
  func.func @_final_body(%arg0: i32, %arg1: memref<25024x128xf32, #tpu.memory_space<vmem>>, %arg2: memref<128x128xf32, #tpu.memory_space<vmem>>, %arg3: memref<1x128xf32, #tpu.memory_space<vmem>>, %arg4: memref<16x32xf32, #tpu.memory_space<vmem>>, %arg5: memref<1x32xf32, #tpu.memory_space<vmem>>, %arg6: memref<32x1xf32, #tpu.memory_space<vmem>>, %arg7: memref<1x1xf32, #tpu.memory_space<vmem>>, %arg8: memref<1x1xf32, #tpu.memory_space<vmem>>) attributes {dimension_semantics = [#tpu.dimension_semantics<arbitrary>], iteration_bounds = array<i64: 1>, scalar_prefetch = 0 : i64, scratch_operands = 0 : i64, tpu.core_type = #tpu.core_type<tc>, window_params = [{pipeline_mode = #tpu.pipeline_mode<synchronous>, transform_indices = @transform_0, window_bounds = array<i64: 25024, 128>}, {pipeline_mode = #tpu.pipeline_mode<synchronous>, transform_indices = @transform_1, window_bounds = array<i64: 128, 128>}, {pipeline_mode = #tpu.pipeline_mode<synchronous>, transform_indices = @transform_2, window_bounds = array<i64: 1, 128>}, {pipeline_mode = #tpu.pipeline_mode<synchronous>, transform_indices = @transform_3, window_bounds = array<i64: 16, 32>}, {pipeline_mode = #tpu.pipeline_mode<synchronous>, transform_indices = @transform_4, window_bounds = array<i64: 1, 32>}, {pipeline_mode = #tpu.pipeline_mode<synchronous>, transform_indices = @transform_5, window_bounds = array<i64: 32, 1>}, {pipeline_mode = #tpu.pipeline_mode<synchronous>, transform_indices = @transform_6, window_bounds = array<i64: 1, 1>}, {pipeline_mode = #tpu.pipeline_mode<synchronous>, transform_indices = @transform_7, window_bounds = array<i64: 1, 1>}]} {
    %get3A = arith.constant 0 : index
    %get3A_0 = arith.constant 0 : index
    %get3A_1 = vector.load %arg1[%get3A, %get3A_0] : memref<25024x128xf32, #tpu.memory_space<vmem>>, vector<25024x128xf32>
    %slice3A = vector.extract_strided_slice %get3A_1 {offsets = [0, 0], sizes = [12512, 128], strides = [1, 1]} : vector<25024x128xf32> to vector<12512x128xf32>
    %slice3A_2 = vector.extract_strided_slice %get3A_1 {offsets = [12512, 0], sizes = [12512, 128], strides = [1, 1]} : vector<25024x128xf32> to vector<12512x128xf32>
    %add3A = arith.addf %slice3A, %slice3A_2 : vector<12512x128xf32>
    %get3A_3 = arith.constant 0 : index
    %get3A_4 = arith.constant 0 : index
    %get3A_5 = vector.load %arg2[%get3A_3, %get3A_4] : memref<128x128xf32, #tpu.memory_space<vmem>>, vector<128x128xf32>
    %dot_general3A = arith.constant dense<0.000000e+00> : vector<12512x128xf32>
    %dot_general3A_6 = tpu.matmul %add3A, %get3A_5, %dot_general3A {dimension_numbers = #tpu.dot_dimension_numbers<[1], [0], [0], [1], [0, 0, 1, 1], [], []>, transpose_lhs_hint = false} : vector<12512x128xf32>, vector<128x128xf32>, vector<12512x128xf32> -> vector<12512x128xf32>
    %get3A_7 = arith.constant 0 : index
    %get3A_8 = arith.constant 0 : index
    %get3A_9 = vector.load %arg3[%get3A_7, %get3A_8] : memref<1x128xf32, #tpu.memory_space<vmem>>, vector<1x128xf32>
    %add3A_10 = vector.broadcast %get3A_9 : vector<1x128xf32> to vector<12512x128xf32>
    %add3A_11 = arith.addf %dot_general3A_6, %add3A_10 : vector<12512x128xf32>
    %ge3A = arith.constant 0.000000e+00 : f32
    %ge3A_12 = vector.broadcast %ge3A : f32 to vector<12512x128xf32>
    %ge3A_13 = arith.cmpf oge, %add3A_11, %ge3A_12 : vector<12512x128xf32>
    %mul3A = arith.constant 0.00999999977 : f32
    %mul3A_14 = vector.broadcast %mul3A : f32 to vector<12512x128xf32>
    %mul3A_15 = arith.mulf %mul3A_14, %add3A_11 : vector<12512x128xf32>
    %select_n3A = arith.select %ge3A_13, %add3A_11, %mul3A_15 : vector<12512x128xi1>, vector<12512x128xf32>
    %iota3A = tpu.iota {dimensions = array<i32: 0>} : vector<12512x1xi32>
    %lt3A = arith.constant 12500 : i32
    %lt3A_16 = vector.broadcast %lt3A : i32 to vector<12512x1xi32>
    %lt3A_17 = arith.cmpi slt, %iota3A, %lt3A_16 : vector<12512x1xi32>
    %jit3A = arith.constant 0.000000e+00 : f32
    %broadcast_in_dim3A = vector.shape_cast %lt3A_17 : vector<12512x1xi1> to vector<12512x1xi1>
    %broadcast_in_dim3A_18 = vector.broadcast %broadcast_in_dim3A : vector<12512x1xi1> to vector<12512x128xi1>
    %broadcast_in_dim3A_19 = vector.broadcast %jit3A : f32 to vector<12512x128xf32>
    %select_n3A_20 = arith.select %broadcast_in_dim3A_18, %select_n3A, %broadcast_in_dim3A_19 : vector<12512x128xi1>, vector<12512x128xf32>
    %reduce_sum3A = arith.constant dense<0.000000e+00> : vector<128xf32>
    %reduce_sum3A_21 = vector.multi_reduction <add>, %select_n3A_20, %reduce_sum3A [0] : vector<12512x128xf32> to vector<128xf32>
    %broadcast_in_dim3A_22 = vector.shape_cast %reduce_sum3A_21 : vector<128xf32> to vector<1x128xf32>
    %slice3A_23 = vector.extract_strided_slice %broadcast_in_dim3A_22 {offsets = [0, 0], sizes = [1, 16], strides = [1, 1]} : vector<1x128xf32> to vector<1x16xf32>
    %add3A_24 = arith.constant 0.000000e+00 : f32
    %add3A_25 = vector.broadcast %add3A_24 : f32 to vector<1x16xf32>
    %add3A_26 = arith.addf %add3A_25, %slice3A_23 : vector<1x16xf32>
    %slice3A_27 = vector.extract_strided_slice %broadcast_in_dim3A_22 {offsets = [0, 16], sizes = [1, 16], strides = [1, 1]} : vector<1x128xf32> to vector<1x16xf32>
    %add3A_28 = arith.addf %add3A_26, %slice3A_27 : vector<1x16xf32>
    %slice3A_29 = vector.extract_strided_slice %broadcast_in_dim3A_22 {offsets = [0, 32], sizes = [1, 16], strides = [1, 1]} : vector<1x128xf32> to vector<1x16xf32>
    %add3A_30 = arith.addf %add3A_28, %slice3A_29 : vector<1x16xf32>
    %slice3A_31 = vector.extract_strided_slice %broadcast_in_dim3A_22 {offsets = [0, 48], sizes = [1, 16], strides = [1, 1]} : vector<1x128xf32> to vector<1x16xf32>
    %add3A_32 = arith.addf %add3A_30, %slice3A_31 : vector<1x16xf32>
    %slice3A_33 = vector.extract_strided_slice %broadcast_in_dim3A_22 {offsets = [0, 64], sizes = [1, 16], strides = [1, 1]} : vector<1x128xf32> to vector<1x16xf32>
    %add3A_34 = arith.addf %add3A_32, %slice3A_33 : vector<1x16xf32>
    %slice3A_35 = vector.extract_strided_slice %broadcast_in_dim3A_22 {offsets = [0, 80], sizes = [1, 16], strides = [1, 1]} : vector<1x128xf32> to vector<1x16xf32>
    %add3A_36 = arith.addf %add3A_34, %slice3A_35 : vector<1x16xf32>
    %slice3A_37 = vector.extract_strided_slice %broadcast_in_dim3A_22 {offsets = [0, 96], sizes = [1, 16], strides = [1, 1]} : vector<1x128xf32> to vector<1x16xf32>
    %add3A_38 = arith.addf %add3A_36, %slice3A_37 : vector<1x16xf32>
    %slice3A_39 = vector.extract_strided_slice %broadcast_in_dim3A_22 {offsets = [0, 112], sizes = [1, 16], strides = [1, 1]} : vector<1x128xf32> to vector<1x16xf32>
    %add3A_40 = arith.addf %add3A_38, %slice3A_39 : vector<1x16xf32>
    %div3A = arith.constant 1.000000e+05 : f32
    %div3A_41 = vector.broadcast %div3A : f32 to vector<1x16xf32>
    %div3A_42 = arith.divf %add3A_40, %div3A_41 : vector<1x16xf32>
    %get3A_43 = arith.constant 0 : index
    %get3A_44 = arith.constant 0 : index
    %get3A_45 = vector.load %arg4[%get3A_43, %get3A_44] : memref<16x32xf32, #tpu.memory_space<vmem>>, vector<16x32xf32>
    %dot_general3A_46 = arith.constant dense<0.000000e+00> : vector<1x32xf32>
    %dot_general3A_47 = tpu.matmul %div3A_42, %get3A_45, %dot_general3A_46 {dimension_numbers = #tpu.dot_dimension_numbers<[1], [0], [0], [1], [0, 0, 1, 1], [], []>, transpose_lhs_hint = false} : vector<1x16xf32>, vector<16x32xf32>, vector<1x32xf32> -> vector<1x32xf32>
    %get3A_48 = arith.constant 0 : index
    %get3A_49 = arith.constant 0 : index
    %get3A_50 = vector.load %arg5[%get3A_48, %get3A_49] : memref<1x32xf32, #tpu.memory_space<vmem>>, vector<1x32xf32>
    %add3A_51 = arith.addf %dot_general3A_47, %get3A_50 : vector<1x32xf32>
    %logistic3A = arith.negf %add3A_51 : vector<1x32xf32>
    %logistic3A_52 = math.exp %logistic3A : vector<1x32xf32>
    %logistic3A_53 = arith.constant 1.000000e+00 : f32
    %logistic3A_54 = vector.broadcast %logistic3A_53 : f32 to vector<1x32xf32>
    %logistic3A_55 = arith.addf %logistic3A_54, %logistic3A_52 : vector<1x32xf32>
    %logistic3A_56 = arith.divf %logistic3A_54, %logistic3A_55 : vector<1x32xf32>
    %get3A_57 = arith.constant 0 : index
    %get3A_58 = arith.constant 0 : index
    %get3A_59 = vector.load %arg6[%get3A_57, %get3A_58] : memref<32x1xf32, #tpu.memory_space<vmem>>, vector<32x1xf32>
    %dot_general3A_60 = arith.constant dense<0.000000e+00> : vector<1x1xf32>
    %dot_general3A_61 = tpu.matmul %logistic3A_56, %get3A_59, %dot_general3A_60 {dimension_numbers = #tpu.dot_dimension_numbers<[1], [0], [0], [1], [0, 0, 1, 1], [], []>, transpose_lhs_hint = false} : vector<1x32xf32>, vector<32x1xf32>, vector<1x1xf32> -> vector<1x1xf32>
    %get3A_62 = arith.constant 0 : index
    %get3A_63 = arith.constant 0 : index
    %get3A_64 = vector.load %arg7[%get3A_62, %get3A_63] : memref<1x1xf32, #tpu.memory_space<vmem>>, vector<1x1xf32>
    %add3A_65 = arith.addf %dot_general3A_61, %get3A_64 : vector<1x1xf32>
    %logistic3A_66 = arith.negf %add3A_65 : vector<1x1xf32>
    %logistic3A_67 = math.exp %logistic3A_66 : vector<1x1xf32>
    %logistic3A_68 = arith.constant 1.000000e+00 : f32
    %logistic3A_69 = vector.broadcast %logistic3A_68 : f32 to vector<1x1xf32>
    %logistic3A_70 = arith.addf %logistic3A_69, %logistic3A_67 : vector<1x1xf32>
    %logistic3A_71 = arith.divf %logistic3A_69, %logistic3A_70 : vector<1x1xf32>
    %swap3A = arith.constant 0 : index
    %swap3A_72 = arith.constant 0 : index
    %swap3A_73 = vector.load %arg8[%swap3A, %swap3A_72] : memref<1x1xf32, #tpu.memory_space<vmem>>, vector<1x1xf32>
    tpu.vector_store %arg8[%swap3A, %swap3A_72], %logistic3A_71 {strides = array<i32>} : memref<1x1xf32, #tpu.memory_space<vmem>>, vector<1x1xf32>,
    return
  }
  func.func @transform_0(%arg0: i32) -> (i32, i32) {
    %c0_i32 = arith.constant 0 : i32
    %c0_i32_0 = arith.constant 0 : i32
    %c0_i32_1 = arith.constant 0 : i32
    return %c0_i32, %c0_i32_0 : i32, i32
  }
  func.func @transform_1(%arg0: i32) -> (i32, i32) {
    %c0_i32 = arith.constant 0 : i32
    %c0_i32_0 = arith.constant 0 : i32
    %c0_i32_1 = arith.constant 0 : i32
    return %c0_i32, %c0_i32_0 : i32, i32
  }
  func.func @transform_2(%arg0: i32) -> (i32, i32) {
    %c0_i32 = arith.constant 0 : i32
    %c0_i32_0 = arith.constant 0 : i32
    %c0_i32_1 = arith.constant 0 : i32
    return %c0_i32, %c0_i32_0 : i32, i32
  }
  func.func @transform_3(%arg0: i32) -> (i32, i32) {
    %c0_i32 = arith.constant 0 : i32
    %c0_i32_0 = arith.constant 0 : i32
    %c0_i32_1 = arith.constant 0 : i32
    return %c0_i32, %c0_i32_0 : i32, i32
  }
  func.func @transform_4(%arg0: i32) -> (i32, i32) {
    %c0_i32 = arith.constant 0 : i32
    %c0_i32_0 = arith.constant 0 : i32
    %c0_i32_1 = arith.constant 0 : i32
    return %c0_i32, %c0_i32_0 : i32, i32
  }
  func.func @transform_5(%arg0: i32) -> (i32, i32) {
    %c0_i32 = arith.constant 0 : i32
    %c0_i32_0 = arith.constant 0 : i32
    %c0_i32_1 = arith.constant 0 : i32
    return %c0_i32, %c0_i32_0 : i32, i32
  }
  func.func @transform_6(%arg0: i32) -> (i32, i32) {
    %c0_i32 = arith.constant 0 : i32
    %c0_i32_0 = arith.constant 0 : i32
    %c0_i32_1 = arith.constant 0 : i32
    return %c0_i32, %c0_i32_0 : i32, i32
  }
  func.func @transform_7(%arg0: i32) -> (i32, i32) {
    %c0_i32 = arith.constant 0 : i32
    %c0_i32_0 = arith.constant 0 : i32
    %c0_i32_1 = arith.constant 0 : i32
    return %c0_i32, %c0_i32_0 : i32, i32
  }
}

</mosaic_0001>

<sc_bundles>
// kernel: kernel.10.cloned.1.call-start
scs
__scs_entry_jumppad:
0x0: {  	(pc) =	sbr.rel $0x88, $3  }
0x1: {  	(tag) =	ssettag $0x0;
	lr =	simm.s32 $0x1  }
0x2: {  	[smem:$0x3F96] =	sst lr;
	_ =	strace $0xD0000000  }
0x3: {  	_ = 	snop  }
0x4: {  	_ = 	snop  }
0x5: {  	_ = 	snop  }
0x6: {  	_ = 	snop  }
0x7: {  	_ = 	snop  }
__scs_overlays_trampoline_lowered:
0x8: {  	[smem:$0x3FA5] =	sst s0  }
0x9: {  	[smem:$0x3FA6] =	sst s1  }
0xa: {  	[smem:$0x3FA7] =	sst s2  }
0xb: {  	[smem:$0x3FA8] =	sst s3  }
0xc: {  	[smem:$0x3FA9] =	sst s4  }
0xd: {  	[smem:$0x3FAA] =	sst s5  }
0xe: {  	[smem:$0x3FAB] =	sst s6  }
0xf: {  	[smem:$0x3FAC] =	sst s7  }
0x10: {  	[smem:$0x3FAD] =	sst s8  }
0x11: {  	[smem:$0x3FAE] =	sst s9;
	s0 =	simm.s32 @!p0 $0x0  }
0x12: {  	s1 =	sld [smem:$0x3F94];
	s0 =	simm.s32 @p0 $0x1  }
0x13: {  	[smem:$0x3FAF] =	sst s0;
	s0 =	simm.s32 @!p1 $0x0  }
0x14: {  	s2 =	sld [smem:$0x3F93];
	s0 =	simm.s32 @p1 $0x1  }
0x15: {  	[smem:$0x3FB0] =	sst s0;
	s0 =	simm.s32 @!p2 $0x0  }
0x16: {  	s3 =	sld [smem:$0x3FDB];
	s0 =	simm.s32 @p2 $0x1  }
0x17: {  	s4 =	simm.s32 $0x1BF5;
	[smem:$0x3FB2] =	sst s0  }
0x18: {  	s0 =	sld [smem:$0x3F95];
	_ =	swait.ge [sflag:s4], $0x0  }
0x19: {  	s7 =	sld [smem:$0x3F96]  }
0x1a: {  	s8 =	sadd.s32 $0xFFFFE003, lr  }
0x1b: {  	s9 =	sadd.s32 $0xFFFFFEF7, lr;
	s5 =	simm.s32 $0xFFFFFFFF;
	p2 =	slt.u32 s8, $0xFFFFF086  }
0x1c: {  	p1 =	slt.u32 s9, $0xF7A;
	s5 =	simm.s32 @!p2 $0x0  }
0x1d: {  	s5 =	simm.s32 @p1 $0x1;
	p0 =	seq.s32 s7, s2  }
0x1e: {  	s7 =	smul.u32 @!p0 $0xF7A, s2;
	p2 =	seq.s32 @!p0 s5, $0x0  }
0x1f: {  	s9 =	smul.u32 $0xF7A, s1;
	s8 =	simm.s32 @!p0 $0x1BF5;
	p2 =	por !p2, p0  }
0x20: {  	[sflag:s8] =	ssyncset.s32 @!p0 $0xFFFFF086;
	s6 =	sadd.s32 @!p0 s3, s7;
	s7 =	simm.s32 @!p0 $0x108  }
0x21: {  	s3 =	sadd.s32 s3, s9;
	s6 =	sadd.s32 @!p0 $0x88, s6;
	s7 =	simm.s32 @p2 $0x1082  }
0x22: {  	[simem:s7], [sflag:s8] =	dma.local @!p0 [hbm:s6], $0xF7A  }
0x23: {  	s9 =	sor.u32 $0xD0000000, s2;
	s6 =	simm.s32 $0x108;
	_ =	swait.ge @!p0 [sflag:s8], $0x0  }
0x24: {  	s3 =	sadd.s32 $0x88, s3;
	s6 =	simm.s32 @!p1 $0x1082;
	[sflag:s4] =	ssyncset.s32 $0xFFFFF086  }
0x25: {  	[simem:s6], [sflag:s4] =	dma.local [hbm:s3], $0xF7A  }
0x26: {  	[smem:$0x3F96] =	sst s1;
	(tag) =	ssettag s2;
	_ =	strace s9  }
0x27: {  	s1 =	sld [smem:$0x3FA6]  }
0x28: {  	s2 =	sld [smem:$0x3FA7]  }
0x29: {  	s4 =	sld [smem:$0x3FA9]  }
0x2a: {  	p0 =	seq.s32 s5, $0x0;
	s5 =	sld [smem:$0x3FAA]  }
0x2b: {  	s6 =	sld [smem:$0x3FAB]  }
0x2c: {  	s7 =	sld [smem:$0x3FAC]  }
0x2d: {  	s3 =	simm.s32 $0x108;
	s8 =	sld [smem:$0x3FAD]  }
0x2e: {  	s3 =	simm.s32 @!p0 $0x1082;
	s9 =	sld [smem:$0x3FAE]  }
0x2f: {  	lr =	sadd.s32 s0, s3;
	s0 =	sld [smem:$0x3FA5]  }
0x30: {  	s3 =	sld [smem:$0x3FA8]  }
0x31: {  	[smem:$0x3FB1] =	sst s10  }
0x32: {  	s10 =	sld [smem:$0x3FAF];
	_ =	sdelay $0x3  }
0x33: {  	p0 =	seq.s32 s10, $0x1;
	s10 =	sld [smem:$0x3FB1];
	_ =	sdelay $0x3  }
0x34: {  	[smem:$0x3FB1] =	sst s10  }
0x35: {  	s10 =	sld [smem:$0x3FB0];
	_ =	sdelay $0x3  }
0x36: {  	p1 =	seq.s32 s10, $0x1;
	s10 =	sld [smem:$0x3FB1];
	_ =	sdelay $0x3  }
0x37: {  	[smem:$0x3FB1] =	sst s10  }
0x38: {  	s10 =	sld [smem:$0x3FB2]  }
0x39: {  	_ = 	snop;
	(pc) =	sbr.ind lr, $3  }
0x3a: {  	_ = 	snop  }
0x3b: {  	_ = 	snop  }
0x3c: {  	p2 =	seq.s32 s10, $0x1;
	s10 =	sld [smem:$0x3FB1]  }
0x3d: {  	_ =	shalt  }
0x3e: {  	_ =	shalt  }
0x3f: {  	_ =	shalt  }
0x40: {  	_ =	shalt  }
0x41: {  	_ =	shalt  }
0x42: {  	_ =	shalt  }
0x43: {  	_ =	shalt  }
0x44: {  	_ =	shalt  }
0x45: {  	_ =	shalt  }
0x46: {  	_ =	shalt  }
0x47: {  	_ =	shalt  }
0x48: {  	_ =	shalt  }
0x49: {  	_ =	shalt  }
0x4a: {  	_ =	shalt  }
0x4b: {  	_ =	shalt  }
0x4c: {  	_ =	shalt  }
0x4d: {  	_ =	shalt  }
0x4e: {  	_ =	shalt  }
0x4f: {  	_ =	shalt  }
0x50: {  	_ =	shalt  }
0x51: {  	_ =	shalt  }
0x52: {  	_ =	shalt  }
0x53: {  	_ =	shalt  }
0x54: {  	_ =	shalt  }
0x55: {  	_ =	shalt  }
0x56: {  	_ =	shalt  }
0x57: {  	_ =	shalt  }
0x58: {  	_ =	shalt  }
0x59: {  	_ =	shalt  }
0x5a: {  	_ =	shalt  }
0x5b: {  	_ =	shalt  }
0x5c: {  	_ =	shalt  }
0x5d: {  	_ =	shalt  }
0x5e: {  	_ =	shalt  }
0x5f: {  	_ =	shalt  }
0x60: {  	_ =	shalt  }
0x61: {  	_ =	shalt  }
0x62: {  	_ =	shalt  }
0x63: {  	_ =	shalt  }
0x64: {  	_ =	shalt  }
0x65: {  	_ =	shalt  }
0x66: {  	_ =	shalt  }
0x67: {  	_ =	shalt  }
0x68: {  	_ =	shalt  }
0x69: {  	_ =	shalt  }
0x6a: {  	_ =	shalt  }
0x6b: {  	_ =	shalt  }
0x6c: {  	_ =	shalt  }
0x6d: {  	_ =	shalt  }
0x6e: {  	_ =	shalt  }
0x6f: {  	_ =	shalt  }
0x70: {  	_ =	shalt  }
0x71: {  	_ =	shalt  }
0x72: {  	_ =	shalt  }
0x73: {  	_ =	shalt  }
0x74: {  	_ =	shalt  }
0x75: {  	_ =	shalt  }
0x76: {  	_ =	shalt  }
0x77: {  	_ =	shalt  }
0x78: {  	_ =	shalt  }
0x79: {  	_ =	shalt  }
0x7a: {  	_ =	shalt  }
0x7b: {  	_ =	shalt  }
0x7c: {  	_ =	shalt  }
0x7d: {  	_ =	shalt  }
0x7e: {  	_ =	shalt  }
0x7f: {  	_ =	shalt  }
0x80: {  	_ =	shalt  }
0x81: {  	_ =	shalt  }
0x82: {  	_ =	shalt  }
0x83: {  	_ =	shalt  }
0x84: {  	_ =	shalt  }
0x85: {  	_ =	shalt  }
0x86: {  	_ =	shalt  }
0x87: {  	_ =	shalt  }
.Lfunc_end0:
.L_simem_size_0:
called_computation.1_lowered:
.L_overlay_start_0:
0x88: {  	s2 =	sld [smem:$0x3FD9]  }
0x89: {  	s3 =	sld [smem:$0x3FFE];
	_ =	sdelay $0x1  }
0x8a: {  	s1 =	srdreg.scid  }
0x8b: {  	s0 =	sand.u32 $0x1, s1  }
0x8c: {  	s16 =	sshll.u32 s0, $0xA;
	s2 =	sadd.s32 s3, s2  }
0x8d: {  	s2 =	sadd.s32 s2, s16  }
0x8e: {  	[smem:$0x3FBD] =	sst s2  }
0x8f: {  	_ = 	snop  }
0x90: {  	(tm) =	ssettm $0x1  }
0x91: {  	s17 =	sld [smem:$0x3FFB];
	_ =	sdelay $0x3  }
0x92: {  	_ =	strace s17  }
0x93: {  	s2 =	sld [smem:$0x3FFC];
	_ =	sdelay $0x3  }
0x94: {  	_ =	strace s2  }
0x95: {  	s2 =	sld [smem:$0x3FFD];
	_ =	sdelay $0x3  }
0x96: {  	_ =	strace s2  }
0x97: {  	_ =	strace $0x8FFFFFFF  }
0x98: {  	s18 =	sld [smem:$0x3FDB];
	_ =	sdelay $0x1  }
0x99: {  	s19 =	simm.s32 $_scs_section_size  }
0x9a: {  	s4 =	simm.s32 $_size__tile_overlayer_lowered;
	s5 =	simm.s32 $_tile_overlayer_lowered  }
0x9b: {  	s22 =	simm.s32 $0x1BFF;
	s21 =	sshll.u32 s5, $0x1;
	s2 =	sadd.s32 s19, s18  }
0x9c: {  	s6 =	simm.s32 $0x0;
	s20 =	sshll.u32 s4, $0x1;
	s4 =	sadd.s32 s21, s2  }
0x9d: {  	[timem:s6], [sflag:s22] =	dma.local [hbm:s4], s20  }
0x9e: {  	_ =	swait.ge [sflag:s22], s20  }
0x9f: {  	s3 =	ssub.s32 $0x0, s20;
	[sflag:s22] =	ssyncset.done $0x0  }
0xa0: {  	[sflag:s22] =	ssyncadd.s32 s3;
	_ =	sdelay $0x1  }
0xa1: {  	s23 =	simm.s32 $0x1B8B  }
0xa2: {  	_ =	swait.ge [sflag:s23], $0x1  }
0xa3: {  	[sflag:s23] =	ssyncset.done $0x0  }
0xa4: {  	s25 =	simm.s32 $0x1B8E;
	s24 =	sld [smem:$0x3FFE];
	[sflag:s23] =	ssyncadd.s32 $0xFFFFFFFF  }
0xa5: {  	s26 =	simm.s32 $execute0_lowered;
	[smem:$0x3FD2] =	sst s25  }
0xa6: {  	s4 =	sshll.u32 s26, $0x1;
	_ =	strace $0x80000049;
	[dreg:$0x1] =	wrdreg $0xFFFFFFFF  }
0xa7: {  	s28 =	simm.s32 $_size_execute0_lowered;
	s2 =	sadd.s32 s2, s4;
	[dreg:$0x0] =	wrdreg $0x0  }
0xa8: {  	s4 =	sshll.u32 s28, $0x1;
	[dreg:$0x2] =	wrdreg s2  }
0xa9: {  	[dreg:$0x3] =	wrdreg s4  }
0xaa: {  	[dreg:$0x4] =	wrdreg $0xC0  }
0xab: {  	_ =	task [dreg:s6], $0x5FFFF  }
0xac: {  	[dreg:$0x1] =	wrdreg $0xFFFFFFFF  }
0xad: {  	[dreg:$0x0] =	wrdreg $0x60  }
0xae: {  	[dreg:$0x2] =	wrdreg s24  }
0xaf: {  	[dreg:$0x3] =	wrdreg $0x78E00  }
0xb0: {  	[dreg:$0x4] =	wrdreg $0x9  }
0xb1: {  	_ =	task.clear_ibuf [dreg:s6], $0x5FFFF;
	_ =	strace $0x90000049  }
0xb2: {  	s29 =	simm.s32 $0x9;
	_ =	strace $0x8000004B  }
0xb3: {  	_ =	swait.ge [sflag:s29], $0x1  }
0xb4: {  	[sflag:s29] =	ssyncadd.s32 $0xFFFFFFFF  }
0xb5: {  	_ =	strace $0x9000004B  }
0xb6: {  	_ =	sfence  }
0xb7: {  	s30 =	sld [smem:$0x0];
	_ =	sdelay $0x2  }
0xb8: {  	s31 =	sshll.u32 s1, $0xD;
	s1 =	sshrl.u32 s1, $0x2  }
0xb9: {  	s3 =	sand.u32 $0x4000, s31;
	s1 =	sadd.s32 s1, s30  }
0xba: {  	s0 =	sor.u32 s3, s0;
	s1 =	sshll.u32 s1, $0x11  }
0xbb: {  	s0 =	sor.u32 s1, s0  }
0xbc: {  	s0 =	sadd.s32 $0x8F2B, s0  }
0xbd: {  	[sflag:s0] =	ssyncadd.remote.s32 $0x1  }
0xbe: {  	_ =	sfence.sel $0xFFFF  }
0xbf: {  	[dreg:$0x0] =	wrdreg $0xFFFFFFFF;
	(pc) =	sbr.abs _section_cstart, $3  }
0xc0: {  	[dreg:$0x1] =	wrdreg $0xFFFFFFFF  }
0xc1: {  	_ =	task.clear_ibuf [dreg:s6], $0x2FFFF;
	_ =	strace $0x9FFFFFFF  }
0xc2: {  	(tm) =	ssettm $0x7FFFFFFF  }
0xc3: {  	_ =	shalt  }
tec
execute0_lowered:
.L_overlay_start_1:
0x0: {  	(tag) =	ssettag $0x1  }
0x1: {  	s0 =	rddreg [dreg:$0x0];
	s10 =	stileid.u32  }
0x2: {  	s2 =	rddreg [dreg:$0x1];
	s3 =	srdreg.scid  }
0x3: {  	s19 =	simm.s32 $0x100;
	s20 =	simm.s32 $0x180;
	s21 =	simm.s32 $0x280  }
0x4: {  	s28 =	simm.s32 $0x200;
	s29 =	simm.s32 $0x600;
	s30 =	simm.s32 $0x2  }
0x5: {  	s31 =	simm.s32 $0x2800;
	s1 =	smul.u32 $0x61, s10;
	s4 =	smin.u32 s10, $0xB  }
0x6: {  	s5 =	sand.u32 $0x1, s3;
	s22 =	smin.u32 s10, $0xA;
	s23 =	smul.u32 $0x30E0, s10  }
0x7: {  	s3 =	simm.s32 $0x0;
	s6 =	smul.u32 $0x61C00, s10;
	p1 =	slt.u32 s10, $0xA  }
0x8: {  	p0 =	seq.s32 s5, $0x0;
	[smem:$0x7FF] =	sst s3;
	s8 =	smul.u32 $0x30E00, s5  }
0x9: {  	s9 =	ssub.s32 $0x2, s5;
	s4 =	sadd.s32 s4, s1;
	s1 =	sadd.s32 s22, s1  }
0xa: {  	_ =	strace $0x8000004A;
	s24 =	sshrl.u32 s6, $0x2;
	[dreg:$0x4] =	wrdreg s19  }
0xb: {  	s25 =	sshrl.u32 s9, $0x1;
	s6 =	simm.s32 $0xC4;
	[dreg:$0x5] =	wrdreg s20  }
0xc: {  	[dreg:$0x6] =	wrdreg s21;
	s22 =	simm.s32 $0x300;
	s19 =	simm.s32 $0x5  }
0xd: {  	s20 =	simm.s32 $0x400;
	s21 =	simm.s32 $0x1;
	s4 =	sadd.s32 $0x61A, s4  }
0xe: {  	s5 =	sadd.s32 s24, s2;
	s26 =	ssub.s32 s9, s25;
	s6 =	simm.s32 @!p1 $0xC2  }
0xf: {  	p1 =	slt.u32 s10, $0xB;
	[dreg:$0x7] =	wrdreg s22;
	s24 =	simm.s32 $0x480  }
0x10: {  	s25 =	simm.s32 $0x500;
	s22 =	simm.s32 $0x80;
	[dreg:$0x9] =	wrdreg s24  }
0x11: {  	s9 =	simm.s32 $0x4;
	s11 =	sadd.s32 $0x30E0, s5;
	[dreg:$0xa] =	wrdreg s25  }
0x12: {  	s10 =	simm.s32 $0x0;
	s12 =	sadd.s32 $0x61C0, s5;
	[dreg:$0xc] =	wrdreg s11  }
0x13: {  	s4 =	smov.u32 @p0 s1;
	s13 =	sadd.s32 $0x92A0, s5;
	[dreg:$0xd] =	wrdreg s12  }
0x14: {  	s1 =	sadd.s32 s23, s8;
	s14 =	sadd.s32 $0xC380, s5;
	[dreg:$0xe] =	wrdreg s13  }
0x15: {  	s8 =	simm.s32 $0xC4;
	s15 =	sadd.s32 $0xF460, s5;
	[dreg:$0xf] =	wrdreg s14  }
0x16: {  	s16 =	sadd.s32 $0x12540, s5;
	s17 =	sadd.s32 $0x15620, s5;
	[dreg:$0x10] =	wrdreg s15  }
0x17: {  	s23 =	simm.s32 $0x380;
	s24 =	simm.s32 $0x1000;
	[dreg:$0x11] =	wrdreg s16  }
0x18: {  	s25 =	simm.s32 $0x1800;
	s4 =	sshll.u32 s4, $0x7;
	[dreg:$0x12] =	wrdreg s17  }
0x19: {  	s8 =	simm.s32 @!p1 $0xC2;
	[dreg:$0x8] =	wrdreg s23;
	s7 =	sadd.s32 s4, s0  }
0x1a: {  	s4 =	sadd.s32 $0xC5600, s0;
	s0 =	sadd.s32 s1, s0;
	s1 =	smax.u32 s26, $0x1  }
0x1b: {  	s8 =	smov.u32 @p0 s6;
	s26 =	simm.s32 $0x580;
	[dreg:$0x15] =	wrdreg s1  }
0x1c: {  	s14 =	sadd.s32 $0x2000, s7;
	s7 =	sadd.s32 $0x63A80, s7;
	[dreg:$0xb] =	wrdreg s26  }
0x1d: {  	s23 =	simm.s32 $0x800;
	s18 =	sshll.u32 s8, $0x6;
	[dreg:$0x13] =	wrdreg s7  }
0x1e: {  	s6 =	simm.s32 $0x4000;
	s0 =	sadd.s32 $0xF6400, s0;
	[dreg:$0x3] =	wrdreg s18  }
0x1f: {  	s26 =	simm.s32 $0x2000;
	s1 =	simm.s32 $0x3000;
	[dreg:$0x14] =	wrdreg s0  }
0x20: {  	v0 =	vimm.f32 $0.0e+00;
	s18 =	simm.s32 $0x4800;
	s0 =	simm.s32 $0x3800;
	s7 =	simm.s32 $0x3  }
.LBB2_1:
0x21: {  	s11 =	simm.s32 $0x40;
	s12 =	simm.s32 $0x0  }
.LBB2_2:
0x22: {  	p0 =	sne.s32 s11, $0xC340;
	[tilespmem:s12+$0x4800] =	vst v0;
	s12 =	smov.u32 s11;
	s11 =	sadd.s32 $0x40, s11  }
.Ltmp0:
0x23: {  	(pc) =	sbr.rel @p0 .LBB2_2-.Ltmp0, $2  }
0x24: {  	_ =	sdelay $0x2  }
0x25: {  	s12 =	sshra.s32 s12, $0x2  }
0x26: {  	[tilespmem:s12+$0x4800] =	vst v0  }
0x27: {  	[spmem:s5] =	stream.linear.scatter [tilespmem:s18], [sflag:$0x5], $0x30E0, $0x38;
	v63 =	vld [tilespmem:$0x0]  }
0x28: {  	_ =	swait.ge [sflag:s19], $0x30E0  }
0x29: {  	[sflag:s19] =	ssyncset.done $0x0  }
0x2a: {  	s11 =	rddreg [dreg:$0xc];
	[sflag:s19] =	ssyncadd.s32 $0xFFFFCF20  }
0x2b: {  	[spmem:s11] =	stream.linear.scatter [tilespmem:s18], [sflag:$0x5], $0x30E0, $0x38;
	v63 =	vld [tilespmem:$0x0]  }
0x2c: {  	_ =	swait.ge [sflag:s19], $0x30E0  }
0x2d: {  	[sflag:s19] =	ssyncset.done $0x0  }
0x2e: {  	s16 =	rddreg [dreg:$0xd];
	[sflag:s19] =	ssyncadd.s32 $0xFFFFCF20  }
0x2f: {  	[spmem:s16] =	stream.linear.scatter [tilespmem:s18], [sflag:$0x5], $0x30E0, $0x38;
	v63 =	vld [tilespmem:$0x0]  }
0x30: {  	_ =	swait.ge [sflag:s19], $0x30E0  }
0x31: {  	[sflag:s19] =	ssyncset.done $0x0  }
0x32: {  	s17 =	rddreg [dreg:$0xe];
	[sflag:s19] =	ssyncadd.s32 $0xFFFFCF20  }
0x33: {  	[spmem:s17] =	stream.linear.scatter [tilespmem:s18], [sflag:$0x5], $0x30E0, $0x38;
	v63 =	vld [tilespmem:$0x0]  }
0x34: {  	_ =	swait.ge [sflag:s19], $0x30E0  }
0x35: {  	[sflag:s19] =	ssyncset.done $0x0  }
0x36: {  	s12 =	rddreg [dreg:$0xf];
	[sflag:s19] =	ssyncadd.s32 $0xFFFFCF20  }
0x37: {  	[spmem:s12] =	stream.linear.scatter [tilespmem:s18], [sflag:$0x5], $0x30E0, $0x38;
	v63 =	vld [tilespmem:$0x0]  }
0x38: {  	_ =	swait.ge [sflag:s19], $0x30E0  }
0x39: {  	[sflag:s19] =	ssyncset.done $0x0  }
0x3a: {  	s13 =	rddreg [dreg:$0x10];
	[sflag:s19] =	ssyncadd.s32 $0xFFFFCF20  }
0x3b: {  	[spmem:s13] =	stream.linear.scatter [tilespmem:s18], [sflag:$0x5], $0x30E0, $0x38;
	v63 =	vld [tilespmem:$0x0]  }
0x3c: {  	_ =	swait.ge [sflag:s19], $0x30E0  }
0x3d: {  	[sflag:s19] =	ssyncset.done $0x0  }
0x3e: {  	s15 =	rddreg [dreg:$0x11];
	[sflag:s19] =	ssyncadd.s32 $0xFFFFCF20  }
0x3f: {  	[spmem:s15] =	stream.linear.scatter [tilespmem:s18], [sflag:$0x5], $0x30E0, $0x38;
	v63 =	vld [tilespmem:$0x0]  }
0x40: {  	_ =	swait.ge [sflag:s19], $0x30E0  }
0x41: {  	[sflag:s19] =	ssyncset.done $0x0  }
0x42: {  	s16 =	rddreg [dreg:$0x12];
	[sflag:s19] =	ssyncadd.s32 $0xFFFFCF20  }
0x43: {  	[spmem:s16] =	stream.linear.scatter [tilespmem:s18], [sflag:$0x5], $0x30E0, $0x38;
	v63 =	vld [tilespmem:$0x0]  }
0x44: {  	_ =	swait.ge [sflag:s19], $0x30E0  }
0x45: {  	[sflag:s19] =	ssyncset.done $0x0  }
0x46: {  	[sflag:s19] =	ssyncadd.s32 $0xFFFFCF20  }
0x47: {  	s11 =	simm.s32 $0x0;
	[bflag:$0x0] =	sbarrier.arrive $0xFFFF  }
0x48: {  	[tilespmem:s11], [sflag:$0x1] =	stream.linear.gather [hbm4b:s14+s11], $0x200, $0x38;
	v63 =	vld [tilespmem:$0x0]  }
0x49: {  	s12 =	simm.s32 $0x2;
	s17 =	rddreg [dreg:$0x13]  }
0x4a: {  	[tilespmem:s20], [sflag:$0x1] =	stream.linear.gather [hbm4b:s17+s11], $0x200, $0x38;
	v63 =	vld [tilespmem:$0x0]  }
.LBB2_4:
0x4b: {  	_ =	swait.ge [sflag:s21], $0x200  }
0x4c: {  	[sflag:s21] =	ssyncset.done $0x0  }
0x4d: {  	[sflag:s21] =	ssyncadd.s32 $0xFFFFFE00  }
0x4e: {  	_ =	swait.ge [sflag:s21], $0x200  }
0x4f: {  	[sflag:s21] =	ssyncset.done $0x0  }
0x50: {  	[sflag:s21] =	ssyncadd.s32 $0xFFFFFE00  }
0x51: {  	[tilespmem:s23], [sflag:$0x3] =	stream.indirect.gather [hbm4b:s4+s22], $0x10, s3, s22, $0xb8;
	v63 =	vld [tilespmem:$0x0]  }
0x52: {  	_ = 	snop  }
0x53: {  	[tilespmem:s24], [sflag:$0x3] =	stream.indirect.gather [hbm4b:s4+s22], $0x10, s22, s22, $0xb8;
	v63 =	vld [tilespmem:$0x0]  }
0x54: {  	p0 =	seq.s32 s11, $0x0;
	s13 =	rddreg [dreg:$0x4]  }
0x55: {  	[tilespmem:s25], [sflag:$0x3] =	stream.indirect.gather [hbm4b:s4+s22], $0x10, s13, s22, $0xb8;
	v63 =	vld [tilespmem:$0x0]  }
0x56: {  	s15 =	rddreg [dreg:$0x5];
	s13 =	simm.s32 @!p0 $0x4  }
0x57: {  	[tilespmem:s26], [sflag:$0x3] =	stream.indirect.gather [hbm4b:s4+s22], $0x10, s15, s22, $0xb8;
	v63 =	vld [tilespmem:$0x0]  }
0x58: {  	_ =	swait.ge @!p0 [sflag:s13], $0x800  }
0x59: {  	[sflag:s13] =	ssyncset.done @!p0 $0x0  }
0x5a: {  	[sflag:s13] =	ssyncadd.s32 @!p0 $0xFFFFF800  }
0x5b: {  	_ =	swait.ge @!p0 [sflag:s13], $0x800  }
0x5c: {  	[sflag:s13] =	ssyncset.done @!p0 $0x0  }
0x5d: {  	[sflag:s13] =	ssyncadd.s32 @!p0 $0xFFFFF800  }
0x5e: {  	_ =	swait.ge @!p0 [sflag:s13], $0x800  }
0x5f: {  	[sflag:s13] =	ssyncset.done @!p0 $0x0  }
0x60: {  	[sflag:s13] =	ssyncadd.s32 @!p0 $0xFFFFF800  }
0x61: {  	_ =	swait.ge @!p0 [sflag:s13], $0x800  }
0x62: {  	s16 =	simm.s32 @!p0 $0x2800;
	[sflag:s13] =	ssyncset.done @!p0 $0x0  }
0x63: {  	s15 =	simm.s32 @!p0 $0x600;
	[sflag:s13] =	ssyncadd.s32 @!p0 $0xFFFFF800;
	s13 =	simm.s32 @!p0 $0x80  }
0x64: {  	[spmem:s2] =	stream.indirect.scatter.add.f32 @!p0 [tilespmem:s16], [sflag:$0x5], $0x10, s15, s13, $0xb8;
	v63 =	vld [tilespmem:$0x0]  }
0x65: {  	s15 =	simm.s32 @!p0 $0x5  }
0x66: {  	_ =	swait.ge @!p0 [sflag:s15], $0x800  }
0x67: {  	[sflag:s15] =	ssyncset.done @!p0 $0x0  }
0x68: {  	s17 =	simm.s32 @!p0 $0x3000;
	s16 =	simm.s32 @!p0 $0x680;
	[sflag:s15] =	ssyncadd.s32 @!p0 $0xFFFFF800  }
0x69: {  	[spmem:s2] =	stream.indirect.scatter.add.f32 @!p0 [tilespmem:s17], [sflag:$0x5], $0x10, s16, s13, $0xb8;
	v63 =	vld [tilespmem:$0x0]  }
0x6a: {  	_ =	swait.ge @!p0 [sflag:s15], $0x800  }
0x6b: {  	[sflag:s15] =	ssyncset.done @!p0 $0x0  }
0x6c: {  	s16 =	simm.s32 @!p0 $0x700;
	s17 =	simm.s32 @!p0 $0x3800;
	[sflag:s15] =	ssyncadd.s32 @!p0 $0xFFFFF800  }
0x6d: {  	[spmem:s2] =	stream.indirect.scatter.add.f32 @!p0 [tilespmem:s17], [sflag:$0x5], $0x10, s16, s13, $0xb8;
	v63 =	vld [tilespmem:$0x0]  }
0x6e: {  	_ =	swait.ge @!p0 [sflag:s15], $0x800  }
0x6f: {  	[sflag:s15] =	ssyncset.done @!p0 $0x0  }
0x70: {  	s16 =	simm.s32 @!p0 $0x780;
	s17 =	simm.s32 @!p0 $0x4000;
	[sflag:s15] =	ssyncadd.s32 @!p0 $0xFFFFF800  }
0x71: {  	[spmem:s2] =	stream.indirect.scatter.add.f32 @!p0 [tilespmem:s17], [sflag:$0x5], $0x10, s16, s13, $0xb8;
	v63 =	vld [tilespmem:$0x0]  }
0x72: {  	_ =	swait.ge @!p0 [sflag:s15], $0x800  }
0x73: {  	s16 =	sadd.s32 s11, s14;
	[sflag:s15] =	ssyncset.done @!p0 $0x0  }
0x74: {  	s17 =	sadd.s32 $0x40, s16;
	[sflag:s15] =	ssyncadd.s32 @!p0 $0xFFFFF800  }
0x75: {  	[tilespmem:s28], [sflag:$0x2] =	stream.linear.gather [hbm4b:s17+s3], $0x200, $0x38;
	v63 =	vld [tilespmem:$0x0]  }
0x76: {  	s13 =	sadd.s32 $0x61AC0, s16  }
0x77: {  	[tilespmem:s29], [sflag:$0x2] =	stream.linear.gather [hbm4b:s13+s3], $0x200, $0x38;
	v63 =	vld [tilespmem:$0x0]  }
0x78: {  	_ =	swait.ge [sflag:s30], $0x200  }
0x79: {  	[sflag:s30] =	ssyncset.done $0x0  }
0x7a: {  	[sflag:s30] =	ssyncadd.s32 $0xFFFFFE00  }
0x7b: {  	_ =	swait.ge [sflag:s30], $0x200  }
0x7c: {  	[sflag:s30] =	ssyncset.done $0x0  }
0x7d: {  	[sflag:s30] =	ssyncadd.s32 $0xFFFFFE00  }
0x7e: {  	[tilespmem:s31], [sflag:$0x4] =	stream.indirect.gather [hbm4b:s4+s22], $0x10, s28, s22, $0xb8;
	v63 =	vld [tilespmem:$0x0]  }
0x7f: {  	s15 =	rddreg [dreg:$0x6]  }
0x80: {  	[tilespmem:s1], [sflag:$0x4] =	stream.indirect.gather [hbm4b:s4+s22], $0x10, s15, s22, $0xb8;
	v63 =	vld [tilespmem:$0x0]  }
0x81: {  	s16 =	rddreg [dreg:$0x7]  }
0x82: {  	[tilespmem:s0], [sflag:$0x4] =	stream.indirect.gather [hbm4b:s4+s22], $0x10, s16, s22, $0xb8;
	v63 =	vld [tilespmem:$0x0]  }
0x83: {  	s17 =	rddreg [dreg:$0x8]  }
0x84: {  	[tilespmem:s6], [sflag:$0x4] =	stream.indirect.gather [hbm4b:s4+s22], $0x10, s17, s22, $0xb8;
	v63 =	vld [tilespmem:$0x0]  }
0x85: {  	_ =	swait.ge [sflag:s7], $0x800  }
0x86: {  	[sflag:s7] =	ssyncset.done $0x0  }
0x87: {  	[sflag:s7] =	ssyncadd.s32 $0xFFFFF800  }
0x88: {  	_ =	swait.ge [sflag:s7], $0x800  }
0x89: {  	[sflag:s7] =	ssyncset.done $0x0  }
0x8a: {  	[sflag:s7] =	ssyncadd.s32 $0xFFFFF800  }
0x8b: {  	_ =	swait.ge [sflag:s7], $0x800  }
0x8c: {  	[sflag:s7] =	ssyncset.done $0x0  }
0x8d: {  	[sflag:s7] =	ssyncadd.s32 $0xFFFFF800  }
0x8e: {  	_ =	swait.ge [sflag:s7], $0x800  }
0x8f: {  	[sflag:s7] =	ssyncset.done $0x0  }
0x90: {  	[sflag:s7] =	ssyncadd.s32 $0xFFFFF800  }
0x91: {  	[spmem:s2] =	stream.indirect.scatter.add.f32 [tilespmem:s23], [sflag:$0x5], $0x10, s20, s22, $0xb8;
	v63 =	vld [tilespmem:$0x0]  }
0x92: {  	_ =	swait.ge [sflag:s19], $0x800  }
0x93: {  	[sflag:s19] =	ssyncset.done $0x0  }
0x94: {  	s15 =	rddreg [dreg:$0x9];
	[sflag:s19] =	ssyncadd.s32 $0xFFFFF800  }
0x95: {  	[spmem:s2] =	stream.indirect.scatter.add.f32 [tilespmem:s24], [sflag:$0x5], $0x10, s15, s22, $0xb8;
	v63 =	vld [tilespmem:$0x0]  }
0x96: {  	_ =	swait.ge [sflag:s19], $0x800  }
0x97: {  	[sflag:s19] =	ssyncset.done $0x0  }
0x98: {  	s16 =	rddreg [dreg:$0xa];
	[sflag:s19] =	ssyncadd.s32 $0xFFFFF800  }
0x99: {  	[spmem:s2] =	stream.indirect.scatter.add.f32 [tilespmem:s25], [sflag:$0x5], $0x10, s16, s22, $0xb8;
	v63 =	vld [tilespmem:$0x0]  }
0x9a: {  	_ =	swait.ge [sflag:s19], $0x800  }
0x9b: {  	[sflag:s19] =	ssyncset.done $0x0  }
0x9c: {  	s17 =	rddreg [dreg:$0xb];
	[sflag:s19] =	ssyncadd.s32 $0xFFFFF800  }
0x9d: {  	[spmem:s2] =	stream.indirect.scatter.add.f32 [tilespmem:s26], [sflag:$0x5], $0x10, s17, s22, $0xb8;
	v63 =	vld [tilespmem:$0x0]  }
0x9e: {  	p0 =	sge.u32 s12, s8;
	_ =	swait.ge [sflag:s19], $0x800  }
0x9f: {  	s13 =	sadd.s32 @!p0 s11, s14;
	s11 =	sadd.s32 $0x80, s11;
	[sflag:s19] =	ssyncset.done $0x0  }
0xa0: {  	s15 =	sadd.s32 @!p0 $0x80, s13;
	s16 =	simm.s32 @!p0 $0x0;
	[sflag:s19] =	ssyncadd.s32 $0xFFFFF800  }
0xa1: {  	[tilespmem:s16], [sflag:$0x1] =	stream.linear.gather @!p0 [hbm4b:s15+s16], $0x200, $0x38;
	v63 =	vld [tilespmem:$0x0]  }
0xa2: {  	s13 =	sadd.s32 @!p0 $0x61B00, s13;
	s17 =	rddreg [dreg:$0x3];
	s15 =	simm.s32 @!p0 $0x400  }
0xa3: {  	[tilespmem:s15], [sflag:$0x1] =	stream.linear.gather @!p0 [hbm4b:s13+s16], $0x200, $0x38;
	v63 =	vld [tilespmem:$0x0]  }
0xa4: {  	p0 =	sne.s32 s17, s11  }
.Ltmp1:
0xa5: {  	_ = 	snop;
	(pc) =	sbr.rel @p0 .LBB2_4-.Ltmp1, $2  }
0xa6: {  	_ =	sdelay $0x2  }
0xa7: {  	s12 =	sadd.s32 $0x2, s12  }
0xa8: {  	_ =	swait.ge [sflag:s9], $0x800  }
0xa9: {  	[sflag:s9] =	ssyncset.done $0x0  }
0xaa: {  	[sflag:s9] =	ssyncadd.s32 $0xFFFFF800  }
0xab: {  	_ =	swait.ge [sflag:s9], $0x800  }
0xac: {  	[sflag:s9] =	ssyncset.done $0x0  }
0xad: {  	[sflag:s9] =	ssyncadd.s32 $0xFFFFF800  }
0xae: {  	_ =	swait.ge [sflag:s9], $0x800  }
0xaf: {  	[sflag:s9] =	ssyncset.done $0x0  }
0xb0: {  	[sflag:s9] =	ssyncadd.s32 $0xFFFFF800  }
0xb1: {  	_ =	swait.ge [sflag:s9], $0x800  }
0xb2: {  	[sflag:s9] =	ssyncset.done $0x0  }
0xb3: {  	[sflag:s9] =	ssyncadd.s32 $0xFFFFF800  }
0xb4: {  	[spmem:s2] =	stream.indirect.scatter.add.f32 [tilespmem:s31], [sflag:$0x5], $0x10, s29, s22, $0xb8;
	v63 =	vld [tilespmem:$0x0]  }
0xb5: {  	_ =	swait.ge [sflag:s19], $0x800  }
0xb6: {  	[sflag:s19] =	ssyncset.done $0x0  }
0xb7: {  	s11 =	simm.s32 $0x680;
	[sflag:s19] =	ssyncadd.s32 $0xFFFFF800  }
0xb8: {  	[spmem:s2] =	stream.indirect.scatter.add.f32 [tilespmem:s1], [sflag:$0x5], $0x10, s11, s22, $0xb8;
	v63 =	vld [tilespmem:$0x0]  }
0xb9: {  	_ =	swait.ge [sflag:s19], $0x800  }
0xba: {  	[sflag:s19] =	ssyncset.done $0x0  }
0xbb: {  	s13 =	simm.s32 $0x700;
	[sflag:s19] =	ssyncadd.s32 $0xFFFFF800  }
0xbc: {  	[spmem:s2] =	stream.indirect.scatter.add.f32 [tilespmem:s0], [sflag:$0x5], $0x10, s13, s22, $0xb8;
	v63 =	vld [tilespmem:$0x0]  }
0xbd: {  	_ =	swait.ge [sflag:s19], $0x800  }
0xbe: {  	[sflag:s19] =	ssyncset.done $0x0  }
0xbf: {  	s15 =	simm.s32 $0x780;
	[sflag:s19] =	ssyncadd.s32 $0xFFFFF800  }
0xc0: {  	[spmem:s2] =	stream.indirect.scatter.add.f32 [tilespmem:s6], [sflag:$0x5], $0x10, s15, s22, $0xb8;
	v63 =	vld [tilespmem:$0x0]  }
0xc1: {  	_ =	swait.ge [sflag:s19], $0x800  }
0xc2: {  	[sflag:s19] =	ssyncset.done $0x0  }
0xc3: {  	s16 =	stileid.u32;
	[sflag:s19] =	ssyncadd.s32 $0xFFFFF800  }
0xc4: {  	s11 =	sshll.u32 s16, $0x6;
	[bflag:$0x0] =	sbarrier.arrive $0xFFFF  }
0xc5: {  	s12 =	sshrl.u32 s5, $0x3;
	s11 =	sor.u32 $0x1C05, s11;
	s13 =	rddreg [dreg:$0x14]  }
0xc6: {  	[hbm:s13], [sflag:s11] =	dma.local [spmem:s12], $0x30E0  }
0xc7: {  	_ =	swait.ge [sflag:s19], $0x30E0  }
0xc8: {  	s10 =	sadd.s32 $0x1, s10;
	s17 =	rddreg [dreg:$0x15]  }
0xc9: {  	p0 =	sne.s32 s10, s17  }
.Ltmp2:
0xca: {  	_ = 	snop;
	(pc) =	sbr.rel @p0 .LBB2_1-.Ltmp2, $3  }
0xcb: {  	_ =	sdelay $0x1  }
0xcc: {  	[sflag:s19] =	ssyncset.done $0x0  }
0xcd: {  	[sflag:s19] =	ssyncadd.s32 $0xFFFFCF20  }
0xce: {  	_ =	sfence.sel $0x180000  }
0xcf: {  	[bflag:$0x0] =	sbarrier.arrive $0xFFFF  }
0xd0: {  	_ =	strace $0x9000004A  }
0xd1: {  	s0 =	stileid.u32;
	[bflag:$0x2] =	sbarrier.arrive $0xFFFF  }
0xd2: {  	p0 =	sne.s32 s0, $0x0;
	s0 =	rddreg [dreg:$0x2]  }
0xd3: {  	s0 =	sadd.s32 @!p0 $0x100000, s0  }
0xd4: {  	[sflag:s0] =	ssyncadd.tile.s32 @!p0 $0x1;
	_ =	shalt  }
.Lfunc_end2:
_tile_overlayer_lowered:
.L_overlay_start_2:
0xd5: {  	(tag) =	ssettag $0x2  }
0xd6: {  	s0 =	rddreg [dreg:$0x0];
	s2 =	stileid.u32  }
0xd7: {  	s1 =	rddreg [dreg:$0x1];
	p0 =	sne.s32 s2, $0x0  }
0xd8: {  	s3 =	rddreg [dreg:$0x2];
	[bflag:$0x3] =	sbarrier.arrive $0xFFFF;
	s2 =	simm.s32 @!p0 $0x1C05  }
0xd9: {  	[timem:s3], [sflag:s2] =	dma.local @!p0 [hbm:s0], s1  }
0xda: {  	s0 =	simm.s32 @!p0 $0x5  }
0xdb: {  	_ =	swait.ge @!p0 [sflag:s0], s1  }
0xdc: {  	s1 =	ssub.s32 @!p0 $0x0, s1;
	[sflag:s0] =	ssyncset.done @!p0 $0x0  }
0xdd: {  	[sflag:s0] =	ssyncadd.s32 @!p0 s1  }
0xde: {  	[bflag:$0x3] =	sbarrier.arrive $0xFFFF  }
0xdf: {  	_ =	shalt  }

// kernel: kernel.7.cloned.1.call-start
scs
__scs_entry_jumppad:
0x0: {  	(pc) =	sbr.rel $0x88, $3  }
0x1: {  	(tag) =	ssettag $0x0;
	lr =	simm.s32 $0x1  }
0x2: {  	[smem:$0x3F96] =	sst lr;
	_ =	strace $0xD0000000  }
0x3: {  	_ = 	snop  }
0x4: {  	_ = 	snop  }
0x5: {  	_ = 	snop  }
0x6: {  	_ = 	snop  }
0x7: {  	_ = 	snop  }
__scs_overlays_trampoline_lowered:
0x8: {  	[smem:$0x3FA5] =	sst s0  }
0x9: {  	[smem:$0x3FA6] =	sst s1  }
0xa: {  	[smem:$0x3FA7] =	sst s2  }
0xb: {  	[smem:$0x3FA8] =	sst s3  }
0xc: {  	[smem:$0x3FA9] =	sst s4  }
0xd: {  	[smem:$0x3FAA] =	sst s5  }
0xe: {  	[smem:$0x3FAB] =	sst s6  }
0xf: {  	[smem:$0x3FAC] =	sst s7  }
0x10: {  	[smem:$0x3FAD] =	sst s8  }
0x11: {  	[smem:$0x3FAE] =	sst s9;
	s0 =	simm.s32 @!p0 $0x0  }
0x12: {  	s1 =	sld [smem:$0x3F94];
	s0 =	simm.s32 @p0 $0x1  }
0x13: {  	[smem:$0x3FAF] =	sst s0;
	s0 =	simm.s32 @!p1 $0x0  }
0x14: {  	s2 =	sld [smem:$0x3F93];
	s0 =	simm.s32 @p1 $0x1  }
0x15: {  	[smem:$0x3FB0] =	sst s0;
	s0 =	simm.s32 @!p2 $0x0  }
0x16: {  	s3 =	sld [smem:$0x3FDB];
	s0 =	simm.s32 @p2 $0x1  }
0x17: {  	s4 =	simm.s32 $0x1BF5;
	[smem:$0x3FB2] =	sst s0  }
0x18: {  	s0 =	sld [smem:$0x3F95];
	_ =	swait.ge [sflag:s4], $0x0  }
0x19: {  	s7 =	sld [smem:$0x3F96]  }
0x1a: {  	s8 =	sadd.s32 $0xFFFFE003, lr  }
0x1b: {  	s9 =	sadd.s32 $0xFFFFFEF7, lr;
	s5 =	simm.s32 $0xFFFFFFFF;
	p2 =	slt.u32 s8, $0xFFFFF086  }
0x1c: {  	p1 =	slt.u32 s9, $0xF7A;
	s5 =	simm.s32 @!p2 $0x0  }
0x1d: {  	s5 =	simm.s32 @p1 $0x1;
	p0 =	seq.s32 s7, s2  }
0x1e: {  	s7 =	smul.u32 @!p0 $0xF7A, s2;
	p2 =	seq.s32 @!p0 s5, $0x0  }
0x1f: {  	s9 =	smul.u32 $0xF7A, s1;
	s8 =	simm.s32 @!p0 $0x1BF5;
	p2 =	por !p2, p0  }
0x20: {  	[sflag:s8] =	ssyncset.s32 @!p0 $0xFFFFF086;
	s6 =	sadd.s32 @!p0 s3, s7;
	s7 =	simm.s32 @!p0 $0x108  }
0x21: {  	s3 =	sadd.s32 s3, s9;
	s6 =	sadd.s32 @!p0 $0x88, s6;
	s7 =	simm.s32 @p2 $0x1082  }
0x22: {  	[simem:s7], [sflag:s8] =	dma.local @!p0 [hbm:s6], $0xF7A  }
0x23: {  	s9 =	sor.u32 $0xD0000000, s2;
	s6 =	simm.s32 $0x108;
	_ =	swait.ge @!p0 [sflag:s8], $0x0  }
0x24: {  	s3 =	sadd.s32 $0x88, s3;
	s6 =	simm.s32 @!p1 $0x1082;
	[sflag:s4] =	ssyncset.s32 $0xFFFFF086  }
0x25: {  	[simem:s6], [sflag:s4] =	dma.local [hbm:s3], $0xF7A  }
0x26: {  	[smem:$0x3F96] =	sst s1;
	(tag) =	ssettag s2;
	_ =	strace s9  }
0x27: {  	s1 =	sld [smem:$0x3FA6]  }
0x28: {  	s2 =	sld [smem:$0x3FA7]  }
0x29: {  	s4 =	sld [smem:$0x3FA9]  }
0x2a: {  	p0 =	seq.s32 s5, $0x0;
	s5 =	sld [smem:$0x3FAA]  }
0x2b: {  	s6 =	sld [smem:$0x3FAB]  }
0x2c: {  	s7 =	sld [smem:$0x3FAC]  }
0x2d: {  	s3 =	simm.s32 $0x108;
	s8 =	sld [smem:$0x3FAD]  }
0x2e: {  	s3 =	simm.s32 @!p0 $0x1082;
	s9 =	sld [smem:$0x3FAE]  }
0x2f: {  	lr =	sadd.s32 s0, s3;
	s0 =	sld [smem:$0x3FA5]  }
0x30: {  	s3 =	sld [smem:$0x3FA8]  }
0x31: {  	[smem:$0x3FB1] =	sst s10  }
0x32: {  	s10 =	sld [smem:$0x3FAF];
	_ =	sdelay $0x3  }
0x33: {  	p0 =	seq.s32 s10, $0x1;
	s10 =	sld [smem:$0x3FB1];
	_ =	sdelay $0x3  }
0x34: {  	[smem:$0x3FB1] =	sst s10  }
0x35: {  	s10 =	sld [smem:$0x3FB0];
	_ =	sdelay $0x3  }
0x36: {  	p1 =	seq.s32 s10, $0x1;
	s10 =	sld [smem:$0x3FB1];
	_ =	sdelay $0x3  }
0x37: {  	[smem:$0x3FB1] =	sst s10  }
0x38: {  	s10 =	sld [smem:$0x3FB2]  }
0x39: {  	_ = 	snop;
	(pc) =	sbr.ind lr, $3  }
0x3a: {  	_ = 	snop  }
0x3b: {  	_ = 	snop  }
0x3c: {  	p2 =	seq.s32 s10, $0x1;
	s10 =	sld [smem:$0x3FB1]  }
0x3d: {  	_ =	shalt  }
0x3e: {  	_ =	shalt  }
0x3f: {  	_ =	shalt  }
0x40: {  	_ =	shalt  }
0x41: {  	_ =	shalt  }
0x42: {  	_ =	shalt  }
0x43: {  	_ =	shalt  }
0x44: {  	_ =	shalt  }
0x45: {  	_ =	shalt  }
0x46: {  	_ =	shalt  }
0x47: {  	_ =	shalt  }
0x48: {  	_ =	shalt  }
0x49: {  	_ =	shalt  }
0x4a: {  	_ =	shalt  }
0x4b: {  	_ =	shalt  }
0x4c: {  	_ =	shalt  }
0x4d: {  	_ =	shalt  }
0x4e: {  	_ =	shalt  }
0x4f: {  	_ =	shalt  }
0x50: {  	_ =	shalt  }
0x51: {  	_ =	shalt  }
0x52: {  	_ =	shalt  }
0x53: {  	_ =	shalt  }
0x54: {  	_ =	shalt  }
0x55: {  	_ =	shalt  }
0x56: {  	_ =	shalt  }
0x57: {  	_ =	shalt  }
0x58: {  	_ =	shalt  }
0x59: {  	_ =	shalt  }
0x5a: {  	_ =	shalt  }
0x5b: {  	_ =	shalt  }
0x5c: {  	_ =	shalt  }
0x5d: {  	_ =	shalt  }
0x5e: {  	_ =	shalt  }
0x5f: {  	_ =	shalt  }
0x60: {  	_ =	shalt  }
0x61: {  	_ =	shalt  }
0x62: {  	_ =	shalt  }
0x63: {  	_ =	shalt  }
0x64: {  	_ =	shalt  }
0x65: {  	_ =	shalt  }
0x66: {  	_ =	shalt  }
0x67: {  	_ =	shalt  }
0x68: {  	_ =	shalt  }
0x69: {  	_ =	shalt  }
0x6a: {  	_ =	shalt  }
0x6b: {  	_ =	shalt  }
0x6c: {  	_ =	shalt  }
0x6d: {  	_ =	shalt  }
0x6e: {  	_ =	shalt  }
0x6f: {  	_ =	shalt  }
0x70: {  	_ =	shalt  }
0x71: {  	_ =	shalt  }
0x72: {  	_ =	shalt  }
0x73: {  	_ =	shalt  }
0x74: {  	_ =	shalt  }
0x75: {  	_ =	shalt  }
0x76: {  	_ =	shalt  }
0x77: {  	_ =	shalt  }
0x78: {  	_ =	shalt  }
0x79: {  	_ =	shalt  }
0x7a: {  	_ =	shalt  }
0x7b: {  	_ =	shalt  }
0x7c: {  	_ =	shalt  }
0x7d: {  	_ =	shalt  }
0x7e: {  	_ =	shalt  }
0x7f: {  	_ =	shalt  }
0x80: {  	_ =	shalt  }
0x81: {  	_ =	shalt  }
0x82: {  	_ =	shalt  }
0x83: {  	_ =	shalt  }
0x84: {  	_ =	shalt  }
0x85: {  	_ =	shalt  }
0x86: {  	_ =	shalt  }
0x87: {  	_ =	shalt  }
.Lfunc_end0:
.L_simem_size_0:
called_computation_lowered:
.L_overlay_start_0:
0x88: {  	s2 =	sld [smem:$0x3FD9]  }
0x89: {  	s3 =	sld [smem:$0x3FFE];
	_ =	sdelay $0x1  }
0x8a: {  	s1 =	srdreg.scid  }
0x8b: {  	s0 =	sand.u32 $0x1, s1  }
0x8c: {  	s16 =	sshll.u32 s0, $0xA;
	s2 =	sadd.s32 s3, s2  }
0x8d: {  	s2 =	sadd.s32 s2, s16  }
0x8e: {  	[smem:$0x3FBD] =	sst s2  }
0x8f: {  	_ = 	snop  }
0x90: {  	(tm) =	ssettm $0x1  }
0x91: {  	s17 =	sld [smem:$0x3FFB];
	_ =	sdelay $0x3  }
0x92: {  	_ =	strace s17  }
0x93: {  	s2 =	sld [smem:$0x3FFC];
	_ =	sdelay $0x3  }
0x94: {  	_ =	strace s2  }
0x95: {  	s2 =	sld [smem:$0x3FFD];
	_ =	sdelay $0x3  }
0x96: {  	_ =	strace s2  }
0x97: {  	_ =	strace $0x8FFFFFFF  }
0x98: {  	s18 =	sld [smem:$0x3FDB];
	_ =	sdelay $0x1  }
0x99: {  	s19 =	simm.s32 $_scs_section_size  }
0x9a: {  	s4 =	simm.s32 $_size__tile_overlayer_lowered;
	s5 =	simm.s32 $_tile_overlayer_lowered  }
0x9b: {  	s22 =	simm.s32 $0x1BFF;
	s21 =	sshll.u32 s5, $0x1;
	s2 =	sadd.s32 s19, s18  }
0x9c: {  	s6 =	simm.s32 $0x0;
	s20 =	sshll.u32 s4, $0x1;
	s4 =	sadd.s32 s21, s2  }
0x9d: {  	[timem:s6], [sflag:s22] =	dma.local [hbm:s4], s20  }
0x9e: {  	_ =	swait.ge [sflag:s22], s20  }
0x9f: {  	s3 =	ssub.s32 $0x0, s20;
	[sflag:s22] =	ssyncset.done $0x0  }
0xa0: {  	[sflag:s22] =	ssyncadd.s32 s3;
	_ =	sdelay $0x1  }
0xa1: {  	s23 =	simm.s32 $0x1B8B  }
0xa2: {  	_ =	swait.ge [sflag:s23], $0x1  }
0xa3: {  	[sflag:s23] =	ssyncset.done $0x0  }
0xa4: {  	s25 =	simm.s32 $0x1B8E;
	s24 =	sld [smem:$0x3FFE];
	[sflag:s23] =	ssyncadd.s32 $0xFFFFFFFF  }
0xa5: {  	s26 =	simm.s32 $execute0_lowered;
	[smem:$0x3FD2] =	sst s25  }
0xa6: {  	s4 =	sshll.u32 s26, $0x1;
	_ =	strace $0x80000046;
	[dreg:$0x1] =	wrdreg $0xFFFFFFFF  }
0xa7: {  	s28 =	simm.s32 $_size_execute0_lowered;
	s2 =	sadd.s32 s2, s4;
	[dreg:$0x0] =	wrdreg $0x0  }
0xa8: {  	s4 =	sshll.u32 s28, $0x1;
	[dreg:$0x2] =	wrdreg s2  }
0xa9: {  	[dreg:$0x3] =	wrdreg s4  }
0xaa: {  	[dreg:$0x4] =	wrdreg $0xC0  }
0xab: {  	_ =	task [dreg:s6], $0x5FFFF  }
0xac: {  	[dreg:$0x1] =	wrdreg $0xFFFFFFFF  }
0xad: {  	[dreg:$0x0] =	wrdreg $0x60  }
0xae: {  	[dreg:$0x2] =	wrdreg s24  }
0xaf: {  	[dreg:$0x3] =	wrdreg $0x78E00  }
0xb0: {  	[dreg:$0x4] =	wrdreg $0x9  }
0xb1: {  	_ =	task.clear_ibuf [dreg:s6], $0x5FFFF;
	_ =	strace $0x90000046  }
0xb2: {  	s29 =	simm.s32 $0x9;
	_ =	strace $0x80000048  }
0xb3: {  	_ =	swait.ge [sflag:s29], $0x1  }
0xb4: {  	[sflag:s29] =	ssyncadd.s32 $0xFFFFFFFF  }
0xb5: {  	_ =	strace $0x90000048  }
0xb6: {  	_ =	sfence  }
0xb7: {  	s30 =	sld [smem:$0x0];
	_ =	sdelay $0x2  }
0xb8: {  	s31 =	sshll.u32 s1, $0xD;
	s1 =	sshrl.u32 s1, $0x2  }
0xb9: {  	s3 =	sand.u32 $0x4000, s31;
	s1 =	sadd.s32 s1, s30  }
0xba: {  	s0 =	sor.u32 s3, s0;
	s1 =	sshll.u32 s1, $0x11  }
0xbb: {  	s0 =	sor.u32 s1, s0  }
0xbc: {  	s0 =	sadd.s32 $0x8F2B, s0  }
0xbd: {  	[sflag:s0] =	ssyncadd.remote.s32 $0x1  }
0xbe: {  	_ =	sfence.sel $0xFFFF  }
0xbf: {  	[dreg:$0x0] =	wrdreg $0xFFFFFFFF;
	(pc) =	sbr.abs _section_cstart, $3  }
0xc0: {  	[dreg:$0x1] =	wrdreg $0xFFFFFFFF  }
0xc1: {  	_ =	task.clear_ibuf [dreg:s6], $0x2FFFF;
	_ =	strace $0x9FFFFFFF  }
0xc2: {  	(tm) =	ssettm $0x7FFFFFFF  }
0xc3: {  	_ =	shalt  }
tec
execute0_lowered:
.L_overlay_start_1:
0x0: {  	(tag) =	ssettag $0x1  }
0x1: {  	s0 =	rddreg [dreg:$0x0];
	s10 =	stileid.u32  }
0x2: {  	s2 =	rddreg [dreg:$0x1];
	s3 =	srdreg.scid  }
0x3: {  	s19 =	simm.s32 $0x100;
	s20 =	simm.s32 $0x180;
	s21 =	simm.s32 $0x280  }
0x4: {  	s28 =	simm.s32 $0x200;
	s29 =	simm.s32 $0x600;
	s30 =	simm.s32 $0x2  }
0x5: {  	s31 =	simm.s32 $0x2800;
	s1 =	smul.u32 $0x61, s10;
	s4 =	smin.u32 s10, $0xB  }
0x6: {  	s5 =	sand.u32 $0x1, s3;
	s22 =	smin.u32 s10, $0xA;
	s23 =	smul.u32 $0x30E0, s10  }
0x7: {  	s3 =	simm.s32 $0x0;
	s6 =	smul.u32 $0x61C00, s10;
	p1 =	slt.u32 s10, $0xA  }
0x8: {  	p0 =	seq.s32 s5, $0x0;
	[smem:$0x7FF] =	sst s3;
	s8 =	smul.u32 $0x30E00, s5  }
0x9: {  	s9 =	ssub.s32 $0x2, s5;
	s4 =	sadd.s32 s4, s1;
	s1 =	sadd.s32 s22, s1  }
0xa: {  	_ =	strace $0x80000047;
	s24 =	sshrl.u32 s6, $0x2;
	[dreg:$0x4] =	wrdreg s19  }
0xb: {  	s25 =	sshrl.u32 s9, $0x1;
	s6 =	simm.s32 $0xC4;
	[dreg:$0x5] =	wrdreg s20  }
0xc: {  	[dreg:$0x6] =	wrdreg s21;
	s22 =	simm.s32 $0x300;
	s19 =	simm.s32 $0x5  }
0xd: {  	s20 =	simm.s32 $0x400;
	s21 =	simm.s32 $0x1;
	s4 =	sadd.s32 $0x61A, s4  }
0xe: {  	s5 =	sadd.s32 s24, s2;
	s26 =	ssub.s32 s9, s25;
	s6 =	simm.s32 @!p1 $0xC2  }
0xf: {  	p1 =	slt.u32 s10, $0xB;
	[dreg:$0x7] =	wrdreg s22;
	s24 =	simm.s32 $0x480  }
0x10: {  	s25 =	simm.s32 $0x500;
	s22 =	simm.s32 $0x80;
	[dreg:$0x9] =	wrdreg s24  }
0x11: {  	s9 =	simm.s32 $0x4;
	s11 =	sadd.s32 $0x30E0, s5;
	[dreg:$0xa] =	wrdreg s25  }
0x12: {  	s10 =	simm.s32 $0x0;
	s12 =	sadd.s32 $0x61C0, s5;
	[dreg:$0xc] =	wrdreg s11  }
0x13: {  	s4 =	smov.u32 @p0 s1;
	s13 =	sadd.s32 $0x92A0, s5;
	[dreg:$0xd] =	wrdreg s12  }
0x14: {  	s1 =	sadd.s32 s23, s8;
	s14 =	sadd.s32 $0xC380, s5;
	[dreg:$0xe] =	wrdreg s13  }
0x15: {  	s8 =	simm.s32 $0xC4;
	s15 =	sadd.s32 $0xF460, s5;
	[dreg:$0xf] =	wrdreg s14  }
0x16: {  	s16 =	sadd.s32 $0x12540, s5;
	s17 =	sadd.s32 $0x15620, s5;
	[dreg:$0x10] =	wrdreg s15  }
0x17: {  	s23 =	simm.s32 $0x380;
	s24 =	simm.s32 $0x1000;
	[dreg:$0x11] =	wrdreg s16  }
0x18: {  	s25 =	simm.s32 $0x1800;
	s4 =	sshll.u32 s4, $0x7;
	[dreg:$0x12] =	wrdreg s17  }
0x19: {  	s8 =	simm.s32 @!p1 $0xC2;
	[dreg:$0x8] =	wrdreg s23;
	s7 =	sadd.s32 s4, s0  }
0x1a: {  	s4 =	sadd.s32 $0xC5600, s0;
	s0 =	sadd.s32 s1, s0;
	s1 =	smax.u32 s26, $0x1  }
0x1b: {  	s8 =	smov.u32 @p0 s6;
	s26 =	simm.s32 $0x580;
	[dreg:$0x15] =	wrdreg s1  }
0x1c: {  	s14 =	sadd.s32 $0x2000, s7;
	s7 =	sadd.s32 $0x63A80, s7;
	[dreg:$0xb] =	wrdreg s26  }
0x1d: {  	s23 =	simm.s32 $0x800;
	s18 =	sshll.u32 s8, $0x6;
	[dreg:$0x13] =	wrdreg s7  }
0x1e: {  	s6 =	simm.s32 $0x4000;
	s0 =	sadd.s32 $0xF6400, s0;
	[dreg:$0x3] =	wrdreg s18  }
0x1f: {  	s26 =	simm.s32 $0x2000;
	s1 =	simm.s32 $0x3000;
	[dreg:$0x14] =	wrdreg s0  }
0x20: {  	v0 =	vimm.f32 $0.0e+00;
	s18 =	simm.s32 $0x4800;
	s0 =	simm.s32 $0x3800;
	s7 =	simm.s32 $0x3  }
.LBB2_1:
0x21: {  	s11 =	simm.s32 $0x40;
	s12 =	simm.s32 $0x0  }
.LBB2_2:
0x22: {  	p0 =	sne.s32 s11, $0xC340;
	[tilespmem:s12+$0x4800] =	vst v0;
	s12 =	smov.u32 s11;
	s11 =	sadd.s32 $0x40, s11  }
.Ltmp0:
0x23: {  	(pc) =	sbr.rel @p0 .LBB2_2-.Ltmp0, $2  }
0x24: {  	_ =	sdelay $0x2  }
0x25: {  	s12 =	sshra.s32 s12, $0x2  }
0x26: {  	[tilespmem:s12+$0x4800] =	vst v0  }
0x27: {  	[spmem:s5] =	stream.linear.scatter [tilespmem:s18], [sflag:$0x5], $0x30E0, $0x38;
	v63 =	vld [tilespmem:$0x0]  }
0x28: {  	_ =	swait.ge [sflag:s19], $0x30E0  }
0x29: {  	[sflag:s19] =	ssyncset.done $0x0  }
0x2a: {  	s11 =	rddreg [dreg:$0xc];
	[sflag:s19] =	ssyncadd.s32 $0xFFFFCF20  }
0x2b: {  	[spmem:s11] =	stream.linear.scatter [tilespmem:s18], [sflag:$0x5], $0x30E0, $0x38;
	v63 =	vld [tilespmem:$0x0]  }
0x2c: {  	_ =	swait.ge [sflag:s19], $0x30E0  }
0x2d: {  	[sflag:s19] =	ssyncset.done $0x0  }
0x2e: {  	s16 =	rddreg [dreg:$0xd];
	[sflag:s19] =	ssyncadd.s32 $0xFFFFCF20  }
0x2f: {  	[spmem:s16] =	stream.linear.scatter [tilespmem:s18], [sflag:$0x5], $0x30E0, $0x38;
	v63 =	vld [tilespmem:$0x0]  }
0x30: {  	_ =	swait.ge [sflag:s19], $0x30E0  }
0x31: {  	[sflag:s19] =	ssyncset.done $0x0  }
0x32: {  	s17 =	rddreg [dreg:$0xe];
	[sflag:s19] =	ssyncadd.s32 $0xFFFFCF20  }
0x33: {  	[spmem:s17] =	stream.linear.scatter [tilespmem:s18], [sflag:$0x5], $0x30E0, $0x38;
	v63 =	vld [tilespmem:$0x0]  }
0x34: {  	_ =	swait.ge [sflag:s19], $0x30E0  }
0x35: {  	[sflag:s19] =	ssyncset.done $0x0  }
0x36: {  	s12 =	rddreg [dreg:$0xf];
	[sflag:s19] =	ssyncadd.s32 $0xFFFFCF20  }
0x37: {  	[spmem:s12] =	stream.linear.scatter [tilespmem:s18], [sflag:$0x5], $0x30E0, $0x38;
	v63 =	vld [tilespmem:$0x0]  }
0x38: {  	_ =	swait.ge [sflag:s19], $0x30E0  }
0x39: {  	[sflag:s19] =	ssyncset.done $0x0  }
0x3a: {  	s13 =	rddreg [dreg:$0x10];
	[sflag:s19] =	ssyncadd.s32 $0xFFFFCF20  }
0x3b: {  	[spmem:s13] =	stream.linear.scatter [tilespmem:s18], [sflag:$0x5], $0x30E0, $0x38;
	v63 =	vld [tilespmem:$0x0]  }
0x3c: {  	_ =	swait.ge [sflag:s19], $0x30E0  }
0x3d: {  	[sflag:s19] =	ssyncset.done $0x0  }
0x3e: {  	s15 =	rddreg [dreg:$0x11];
	[sflag:s19] =	ssyncadd.s32 $0xFFFFCF20  }
0x3f: {  	[spmem:s15] =	stream.linear.scatter [tilespmem:s18], [sflag:$0x5], $0x30E0, $0x38;
	v63 =	vld [tilespmem:$0x0]  }
0x40: {  	_ =	swait.ge [sflag:s19], $0x30E0  }
0x41: {  	[sflag:s19] =	ssyncset.done $0x0  }
0x42: {  	s16 =	rddreg [dreg:$0x12];
	[sflag:s19] =	ssyncadd.s32 $0xFFFFCF20  }
0x43: {  	[spmem:s16] =	stream.linear.scatter [tilespmem:s18], [sflag:$0x5], $0x30E0, $0x38;
	v63 =	vld [tilespmem:$0x0]  }
0x44: {  	_ =	swait.ge [sflag:s19], $0x30E0  }
0x45: {  	[sflag:s19] =	ssyncset.done $0x0  }
0x46: {  	[sflag:s19] =	ssyncadd.s32 $0xFFFFCF20  }
0x47: {  	s11 =	simm.s32 $0x0;
	[bflag:$0x0] =	sbarrier.arrive $0xFFFF  }
0x48: {  	[tilespmem:s11], [sflag:$0x1] =	stream.linear.gather [hbm4b:s14+s11], $0x200, $0x38;
	v63 =	vld [tilespmem:$0x0]  }
0x49: {  	s12 =	simm.s32 $0x2;
	s17 =	rddreg [dreg:$0x13]  }
0x4a: {  	[tilespmem:s20], [sflag:$0x1] =	stream.linear.gather [hbm4b:s17+s11], $0x200, $0x38;
	v63 =	vld [tilespmem:$0x0]  }
.LBB2_4:
0x4b: {  	_ =	swait.ge [sflag:s21], $0x200  }
0x4c: {  	[sflag:s21] =	ssyncset.done $0x0  }
0x4d: {  	[sflag:s21] =	ssyncadd.s32 $0xFFFFFE00  }
0x4e: {  	_ =	swait.ge [sflag:s21], $0x200  }
0x4f: {  	[sflag:s21] =	ssyncset.done $0x0  }
0x50: {  	[sflag:s21] =	ssyncadd.s32 $0xFFFFFE00  }
0x51: {  	[tilespmem:s23], [sflag:$0x3] =	stream.indirect.gather [hbm4b:s4+s22], $0x10, s3, s22, $0xb8;
	v63 =	vld [tilespmem:$0x0]  }
0x52: {  	_ = 	snop  }
0x53: {  	[tilespmem:s24], [sflag:$0x3] =	stream.indirect.gather [hbm4b:s4+s22], $0x10, s22, s22, $0xb8;
	v63 =	vld [tilespmem:$0x0]  }
0x54: {  	p0 =	seq.s32 s11, $0x0;
	s13 =	rddreg [dreg:$0x4]  }
0x55: {  	[tilespmem:s25], [sflag:$0x3] =	stream.indirect.gather [hbm4b:s4+s22], $0x10, s13, s22, $0xb8;
	v63 =	vld [tilespmem:$0x0]  }
0x56: {  	s15 =	rddreg [dreg:$0x5];
	s13 =	simm.s32 @!p0 $0x4  }
0x57: {  	[tilespmem:s26], [sflag:$0x3] =	stream.indirect.gather [hbm4b:s4+s22], $0x10, s15, s22, $0xb8;
	v63 =	vld [tilespmem:$0x0]  }
0x58: {  	_ =	swait.ge @!p0 [sflag:s13], $0x800  }
0x59: {  	[sflag:s13] =	ssyncset.done @!p0 $0x0  }
0x5a: {  	[sflag:s13] =	ssyncadd.s32 @!p0 $0xFFFFF800  }
0x5b: {  	_ =	swait.ge @!p0 [sflag:s13], $0x800  }
0x5c: {  	[sflag:s13] =	ssyncset.done @!p0 $0x0  }
0x5d: {  	[sflag:s13] =	ssyncadd.s32 @!p0 $0xFFFFF800  }
0x5e: {  	_ =	swait.ge @!p0 [sflag:s13], $0x800  }
0x5f: {  	[sflag:s13] =	ssyncset.done @!p0 $0x0  }
0x60: {  	[sflag:s13] =	ssyncadd.s32 @!p0 $0xFFFFF800  }
0x61: {  	_ =	swait.ge @!p0 [sflag:s13], $0x800  }
0x62: {  	s16 =	simm.s32 @!p0 $0x2800;
	[sflag:s13] =	ssyncset.done @!p0 $0x0  }
0x63: {  	s15 =	simm.s32 @!p0 $0x600;
	[sflag:s13] =	ssyncadd.s32 @!p0 $0xFFFFF800;
	s13 =	simm.s32 @!p0 $0x80  }
0x64: {  	[spmem:s2] =	stream.indirect.scatter.add.f32 @!p0 [tilespmem:s16], [sflag:$0x5], $0x10, s15, s13, $0xb8;
	v63 =	vld [tilespmem:$0x0]  }
0x65: {  	s15 =	simm.s32 @!p0 $0x5  }
0x66: {  	_ =	swait.ge @!p0 [sflag:s15], $0x800  }
0x67: {  	[sflag:s15] =	ssyncset.done @!p0 $0x0  }
0x68: {  	s17 =	simm.s32 @!p0 $0x3000;
	s16 =	simm.s32 @!p0 $0x680;
	[sflag:s15] =	ssyncadd.s32 @!p0 $0xFFFFF800  }
0x69: {  	[spmem:s2] =	stream.indirect.scatter.add.f32 @!p0 [tilespmem:s17], [sflag:$0x5], $0x10, s16, s13, $0xb8;
	v63 =	vld [tilespmem:$0x0]  }
0x6a: {  	_ =	swait.ge @!p0 [sflag:s15], $0x800  }
0x6b: {  	[sflag:s15] =	ssyncset.done @!p0 $0x0  }
0x6c: {  	s16 =	simm.s32 @!p0 $0x700;
	s17 =	simm.s32 @!p0 $0x3800;
	[sflag:s15] =	ssyncadd.s32 @!p0 $0xFFFFF800  }
0x6d: {  	[spmem:s2] =	stream.indirect.scatter.add.f32 @!p0 [tilespmem:s17], [sflag:$0x5], $0x10, s16, s13, $0xb8;
	v63 =	vld [tilespmem:$0x0]  }
0x6e: {  	_ =	swait.ge @!p0 [sflag:s15], $0x800  }
0x6f: {  	[sflag:s15] =	ssyncset.done @!p0 $0x0  }
0x70: {  	s16 =	simm.s32 @!p0 $0x780;
	s17 =	simm.s32 @!p0 $0x4000;
	[sflag:s15] =	ssyncadd.s32 @!p0 $0xFFFFF800  }
0x71: {  	[spmem:s2] =	stream.indirect.scatter.add.f32 @!p0 [tilespmem:s17], [sflag:$0x5], $0x10, s16, s13, $0xb8;
	v63 =	vld [tilespmem:$0x0]  }
0x72: {  	_ =	swait.ge @!p0 [sflag:s15], $0x800  }
0x73: {  	s16 =	sadd.s32 s11, s14;
	[sflag:s15] =	ssyncset.done @!p0 $0x0  }
0x74: {  	s17 =	sadd.s32 $0x40, s16;
	[sflag:s15] =	ssyncadd.s32 @!p0 $0xFFFFF800  }
0x75: {  	[tilespmem:s28], [sflag:$0x2] =	stream.linear.gather [hbm4b:s17+s3], $0x200, $0x38;
	v63 =	vld [tilespmem:$0x0]  }
0x76: {  	s13 =	sadd.s32 $0x61AC0, s16  }
0x77: {  	[tilespmem:s29], [sflag:$0x2] =	stream.linear.gather [hbm4b:s13+s3], $0x200, $0x38;
	v63 =	vld [tilespmem:$0x0]  }
0x78: {  	_ =	swait.ge [sflag:s30], $0x200  }
0x79: {  	[sflag:s30] =	ssyncset.done $0x0  }
0x7a: {  	[sflag:s30] =	ssyncadd.s32 $0xFFFFFE00  }
0x7b: {  	_ =	swait.ge [sflag:s30], $0x200  }
0x7c: {  	[sflag:s30] =	ssyncset.done $0x0  }
0x7d: {  	[sflag:s30] =	ssyncadd.s32 $0xFFFFFE00  }
0x7e: {  	[tilespmem:s31], [sflag:$0x4] =	stream.indirect.gather [hbm4b:s4+s22], $0x10, s28, s22, $0xb8;
	v63 =	vld [tilespmem:$0x0]  }
0x7f: {  	s15 =	rddreg [dreg:$0x6]  }
0x80: {  	[tilespmem:s1], [sflag:$0x4] =	stream.indirect.gather [hbm4b:s4+s22], $0x10, s15, s22, $0xb8;
	v63 =	vld [tilespmem:$0x0]  }
0x81: {  	s16 =	rddreg [dreg:$0x7]  }
0x82: {  	[tilespmem:s0], [sflag:$0x4] =	stream.indirect.gather [hbm4b:s4+s22], $0x10, s16, s22, $0xb8;
	v63 =	vld [tilespmem:$0x0]  }
0x83: {  	s17 =	rddreg [dreg:$0x8]  }
0x84: {  	[tilespmem:s6], [sflag:$0x4] =	stream.indirect.gather [hbm4b:s4+s22], $0x10, s17, s22, $0xb8;
	v63 =	vld [tilespmem:$0x0]  }
0x85: {  	_ =	swait.ge [sflag:s7], $0x800  }
0x86: {  	[sflag:s7] =	ssyncset.done $0x0  }
0x87: {  	[sflag:s7] =	ssyncadd.s32 $0xFFFFF800  }
0x88: {  	_ =	swait.ge [sflag:s7], $0x800  }
0x89: {  	[sflag:s7] =	ssyncset.done $0x0  }
0x8a: {  	[sflag:s7] =	ssyncadd.s32 $0xFFFFF800  }
0x8b: {  	_ =	swait.ge [sflag:s7], $0x800  }
0x8c: {  	[sflag:s7] =	ssyncset.done $0x0  }
0x8d: {  	[sflag:s7] =	ssyncadd.s32 $0xFFFFF800  }
0x8e: {  	_ =	swait.ge [sflag:s7], $0x800  }
0x8f: {  	[sflag:s7] =	ssyncset.done $0x0  }
0x90: {  	[sflag:s7] =	ssyncadd.s32 $0xFFFFF800  }
0x91: {  	[spmem:s2] =	stream.indirect.scatter.add.f32 [tilespmem:s23], [sflag:$0x5], $0x10, s20, s22, $0xb8;
	v63 =	vld [tilespmem:$0x0]  }
0x92: {  	_ =	swait.ge [sflag:s19], $0x800  }
0x93: {  	[sflag:s19] =	ssyncset.done $0x0  }
0x94: {  	s15 =	rddreg [dreg:$0x9];
	[sflag:s19] =	ssyncadd.s32 $0xFFFFF800  }
0x95: {  	[spmem:s2] =	stream.indirect.scatter.add.f32 [tilespmem:s24], [sflag:$0x5], $0x10, s15, s22, $0xb8;
	v63 =	vld [tilespmem:$0x0]  }
0x96: {  	_ =	swait.ge [sflag:s19], $0x800  }
0x97: {  	[sflag:s19] =	ssyncset.done $0x0  }
0x98: {  	s16 =	rddreg [dreg:$0xa];
	[sflag:s19] =	ssyncadd.s32 $0xFFFFF800  }
0x99: {  	[spmem:s2] =	stream.indirect.scatter.add.f32 [tilespmem:s25], [sflag:$0x5], $0x10, s16, s22, $0xb8;
	v63 =	vld [tilespmem:$0x0]  }
0x9a: {  	_ =	swait.ge [sflag:s19], $0x800  }
0x9b: {  	[sflag:s19] =	ssyncset.done $0x0  }
0x9c: {  	s17 =	rddreg [dreg:$0xb];
	[sflag:s19] =	ssyncadd.s32 $0xFFFFF800  }
0x9d: {  	[spmem:s2] =	stream.indirect.scatter.add.f32 [tilespmem:s26], [sflag:$0x5], $0x10, s17, s22, $0xb8;
	v63 =	vld [tilespmem:$0x0]  }
0x9e: {  	p0 =	sge.u32 s12, s8;
	_ =	swait.ge [sflag:s19], $0x800  }
0x9f: {  	s13 =	sadd.s32 @!p0 s11, s14;
	s11 =	sadd.s32 $0x80, s11;
	[sflag:s19] =	ssyncset.done $0x0  }
0xa0: {  	s15 =	sadd.s32 @!p0 $0x80, s13;
	s16 =	simm.s32 @!p0 $0x0;
	[sflag:s19] =	ssyncadd.s32 $0xFFFFF800  }
0xa1: {  	[tilespmem:s16], [sflag:$0x1] =	stream.linear.gather @!p0 [hbm4b:s15+s16], $0x200, $0x38;
	v63 =	vld [tilespmem:$0x0]  }
0xa2: {  	s13 =	sadd.s32 @!p0 $0x61B00, s13;
	s17 =	rddreg [dreg:$0x3];
	s15 =	simm.s32 @!p0 $0x400  }
0xa3: {  	[tilespmem:s15], [sflag:$0x1] =	stream.linear.gather @!p0 [hbm4b:s13+s16], $0x200, $0x38;
	v63 =	vld [tilespmem:$0x0]  }
0xa4: {  	p0 =	sne.s32 s17, s11  }
.Ltmp1:
0xa5: {  	_ = 	snop;
	(pc) =	sbr.rel @p0 .LBB2_4-.Ltmp1, $2  }
0xa6: {  	_ =	sdelay $0x2  }
0xa7: {  	s12 =	sadd.s32 $0x2, s12  }
0xa8: {  	_ =	swait.ge [sflag:s9], $0x800  }
0xa9: {  	[sflag:s9] =	ssyncset.done $0x0  }
0xaa: {  	[sflag:s9] =	ssyncadd.s32 $0xFFFFF800  }
0xab: {  	_ =	swait.ge [sflag:s9], $0x800  }
0xac: {  	[sflag:s9] =	ssyncset.done $0x0  }
0xad: {  	[sflag:s9] =	ssyncadd.s32 $0xFFFFF800  }
0xae: {  	_ =	swait.ge [sflag:s9], $0x800  }
0xaf: {  	[sflag:s9] =	ssyncset.done $0x0  }
0xb0: {  	[sflag:s9] =	ssyncadd.s32 $0xFFFFF800  }
0xb1: {  	_ =	swait.ge [sflag:s9], $0x800  }
0xb2: {  	[sflag:s9] =	ssyncset.done $0x0  }
0xb3: {  	[sflag:s9] =	ssyncadd.s32 $0xFFFFF800  }
0xb4: {  	[spmem:s2] =	stream.indirect.scatter.add.f32 [tilespmem:s31], [sflag:$0x5], $0x10, s29, s22, $0xb8;
	v63 =	vld [tilespmem:$0x0]  }
0xb5: {  	_ =	swait.ge [sflag:s19], $0x800  }
0xb6: {  	[sflag:s19] =	ssyncset.done $0x0  }
0xb7: {  	s11 =	simm.s32 $0x680;
	[sflag:s19] =	ssyncadd.s32 $0xFFFFF800  }
0xb8: {  	[spmem:s2] =	stream.indirect.scatter.add.f32 [tilespmem:s1], [sflag:$0x5], $0x10, s11, s22, $0xb8;
	v63 =	vld [tilespmem:$0x0]  }
0xb9: {  	_ =	swait.ge [sflag:s19], $0x800  }
0xba: {  	[sflag:s19] =	ssyncset.done $0x0  }
0xbb: {  	s13 =	simm.s32 $0x700;
	[sflag:s19] =	ssyncadd.s32 $0xFFFFF800  }
0xbc: {  	[spmem:s2] =	stream.indirect.scatter.add.f32 [tilespmem:s0], [sflag:$0x5], $0x10, s13, s22, $0xb8;
	v63 =	vld [tilespmem:$0x0]  }
0xbd: {  	_ =	swait.ge [sflag:s19], $0x800  }
0xbe: {  	[sflag:s19] =	ssyncset.done $0x0  }
0xbf: {  	s15 =	simm.s32 $0x780;
	[sflag:s19] =	ssyncadd.s32 $0xFFFFF800  }
0xc0: {  	[spmem:s2] =	stream.indirect.scatter.add.f32 [tilespmem:s6], [sflag:$0x5], $0x10, s15, s22, $0xb8;
	v63 =	vld [tilespmem:$0x0]  }
0xc1: {  	_ =	swait.ge [sflag:s19], $0x800  }
0xc2: {  	[sflag:s19] =	ssyncset.done $0x0  }
0xc3: {  	s16 =	stileid.u32;
	[sflag:s19] =	ssyncadd.s32 $0xFFFFF800  }
0xc4: {  	s11 =	sshll.u32 s16, $0x6;
	[bflag:$0x0] =	sbarrier.arrive $0xFFFF  }
0xc5: {  	s12 =	sshrl.u32 s5, $0x3;
	s11 =	sor.u32 $0x1C05, s11;
	s13 =	rddreg [dreg:$0x14]  }
0xc6: {  	[hbm:s13], [sflag:s11] =	dma.local [spmem:s12], $0x30E0  }
0xc7: {  	_ =	swait.ge [sflag:s19], $0x30E0  }
0xc8: {  	s10 =	sadd.s32 $0x1, s10;
	s17 =	rddreg [dreg:$0x15]  }
0xc9: {  	p0 =	sne.s32 s10, s17  }
.Ltmp2:
0xca: {  	_ = 	snop;
	(pc) =	sbr.rel @p0 .LBB2_1-.Ltmp2, $3  }
0xcb: {  	_ =	sdelay $0x1  }
0xcc: {  	[sflag:s19] =	ssyncset.done $0x0  }
0xcd: {  	[sflag:s19] =	ssyncadd.s32 $0xFFFFCF20  }
0xce: {  	_ =	sfence.sel $0x180000  }
0xcf: {  	[bflag:$0x0] =	sbarrier.arrive $0xFFFF  }
0xd0: {  	_ =	strace $0x90000047  }
0xd1: {  	s0 =	stileid.u32;
	[bflag:$0x2] =	sbarrier.arrive $0xFFFF  }
0xd2: {  	p0 =	sne.s32 s0, $0x0;
	s0 =	rddreg [dreg:$0x2]  }
0xd3: {  	s0 =	sadd.s32 @!p0 $0x100000, s0  }
0xd4: {  	[sflag:s0] =	ssyncadd.tile.s32 @!p0 $0x1;
	_ =	shalt  }
.Lfunc_end2:
_tile_overlayer_lowered:
.L_overlay_start_2:
0xd5: {  	(tag) =	ssettag $0x2  }
0xd6: {  	s0 =	rddreg [dreg:$0x0];
	s2 =	stileid.u32  }
0xd7: {  	s1 =	rddreg [dreg:$0x1];
	p0 =	sne.s32 s2, $0x0  }
0xd8: {  	s3 =	rddreg [dreg:$0x2];
	[bflag:$0x3] =	sbarrier.arrive $0xFFFF;
	s2 =	simm.s32 @!p0 $0x1C05  }
0xd9: {  	[timem:s3], [sflag:s2] =	dma.local @!p0 [hbm:s0], s1  }
0xda: {  	s0 =	simm.s32 @!p0 $0x5  }
0xdb: {  	_ =	swait.ge @!p0 [sflag:s0], s1  }
0xdc: {  	s1 =	ssub.s32 @!p0 $0x0, s1;
	[sflag:s0] =	ssyncset.done @!p0 $0x0  }
0xdd: {  	[sflag:s0] =	ssyncadd.s32 @!p0 s1  }
0xde: {  	[bflag:$0x3] =	sbarrier.arrive $0xFFFF  }
0xdf: {  	_ =	shalt  }

</sc_bundles>
